<compile_context>
chip_gen: v7x
topology: tpu7x:2x2x1
jax: 0.10.2.dev20260603
libtpu: 0.0.44.dev20260713+nightly
codegen_flags: <defaults>
</compile_context>

<pallas_src>
import functools

import jax
import jax.numpy as jnp
from jax import lax
from jax.experimental import pallas as pl
from jax.experimental.pallas import tpu as pltpu
from jax.experimental.pallas import tpu_sc as plsc

_ROWS = 128
_COLS = 32768
_K = 64
_L = 16
_NV = _COLS // _L
_NC = 2
_NS = 16
_NW = _NC * _NS
_RPW = _ROWS // _NW
_GRP = 128
_NGRP = _NV // _GRP
_NCM = _NGRP * _L
_NEG = -1e9
_UNROLL = 8


_IMIN = -2147483648


def _mono_keys(v):
    b = plsc.bitcast(v, jnp.int32)
    return b ^ (jnp.int32(_IMIN) | ((b >> 31) & jnp.int32(0x7FFFFFFF)))


def _keys_to_f32(kv):
    b = kv ^ (jnp.int32(_IMIN) | ~(kv >> 31))
    return plsc.bitcast(b, jnp.float32)


def _rsqrt_nr(v):
    b = plsc.bitcast(v, jnp.int32)
    y = plsc.bitcast(jnp.int32(0x5F3759DF) - (b >> 1), jnp.float32)
    for _ in range(3):
        y = y * (jnp.float32(1.5) - jnp.float32(0.5) * v * y * y)
    return y


def _kth_largest(read_key, nv, k, unroll):

    def bit_body(bi, carry):
        prefix, kk = carry
        b = jnp.int32(31) - bi
        maskhi = jnp.int32(-1) << b
        target = prefix | (jnp.int32(1) << b)

        def scan_body(i, cnt):
            v = read_key(i)
            m = (v & maskhi) == target
            return cnt + jnp.where(m, jnp.int32(1), jnp.int32(0))

        cnt = plsc.parallel_loop(
            0, nv, unroll=unroll,
            carry=jnp.zeros((_L,), jnp.int32))(scan_body)
        total = plsc.cumsum(cnt)[_L - 1]
        take = total >= kk
        prefix = jnp.where(take, target, prefix)
        kk = jnp.where(take, kk, kk - total)
        return prefix, kk

    prefix, _ = lax.fori_loop(
        0, 32, bit_body, (jnp.int32(0), jnp.int32(k)))
    return prefix


_mesh = plsc.VectorSubcoreMesh(
    core_axis_name="c", subcore_axis_name="s",
    num_cores=_NC, num_subcores=_NS)


@functools.partial(
    pl.kernel,
    out_type=jax.ShapeDtypeStruct((_ROWS, _COLS), jnp.float32),
    mesh=_mesh,
    compiler_params=pltpu.CompilerParams(needs_layout_passes=False),
    scratch_types=[
        pltpu.VMEM((_COLS,), jnp.float32),
        pltpu.VMEM((_COLS,), jnp.float32),
        pltpu.VMEM((_COLS,), jnp.float32),
        pltpu.VMEM((_NCM,), jnp.float32),
        pltpu.SemaphoreType.DMA,
        pltpu.SemaphoreType.DMA,
        pltpu.SemaphoreType.DMA,
    ],
)
def _sc_topk_mask(x_hbm, g_hbm, out_hbm, xref, nref, pref, cmref,
                  semx, semg, semo):
    cid = lax.axis_index("c")
    sid = lax.axis_index("s")
    wid = sid * _NC + cid
    base_row = wid * _RPW

    pltpu.sync_copy(x_hbm.at[base_row], xref)
    pltpu.sync_copy(g_hbm.at[base_row], nref)
    xcp = gcp = ocp = None

    for j in range(_RPW):
        r = base_row + j
        if xcp is not None:
            xcp.wait()
        if gcp is not None:
            gcp.wait()

        def p0_body(i, acc):
            xv = xref[pl.ds(i * _L, _L)]
            return acc + xv * xv

        p0_acc = plsc.parallel_loop(
            0, _NV, unroll=_UNROLL,
            carry=jnp.zeros((_L,), jnp.float32))(p0_body)
        ssum = plsc.cumsum(p0_acc)[_L - 1]
        sv = jnp.full((_L,), ssum, jnp.float32)
        sq = sv * _rsqrt_nr(sv)
        scalev = sq * _rsqrt_nr(sq)

        def grp_body(g, _):
            base = g * _GRP

            def v_body(i, a):
                xv = xref[pl.ds(i * _L, _L)]
                gv = nref[pl.ds(i * _L, _L)]
                nz = xv + gv * scalev
                nref[pl.ds(i * _L, _L)] = nz
                return jnp.maximum(a, nz)

            a = plsc.parallel_loop(
                base, base + _GRP, unroll=_UNROLL,
                carry=jnp.full((_L,), jnp.float32(-3e38)))(v_body)
            cmref[pl.ds(g * _L, _L)] = a
            return 0

        lax.fori_loop(0, _NGRP, grp_body, 0)

        if j + 1 < _RPW:
            xcp = pltpu.async_copy(x_hbm.at[r + 1], xref, semx)

        def cm_map_body(i, _):
            kv = _mono_keys(cmref[pl.ds(i * _L, _L)])
            cmref[pl.ds(i * _L, _L)] = plsc.bitcast(kv, jnp.float32)
            return 0

        lax.fori_loop(0, _NGRP, cm_map_body, 0)

        def read_cm(i):
            return plsc.bitcast(cmref[pl.ds(i * _L, _L)], jnp.int32)

        lbkey = _kth_largest(read_cm, _NGRP, _K, unroll=4)
        lbv = _keys_to_f32(jnp.full((_L,), lbkey, jnp.int32))

        if ocp is not None:
            ocp.wait()

        def p2_body(i, off_b):
            v = nref[pl.ds(i * _L, _L)]
            m = v >= lbv
            ones = jnp.where(m, jnp.int32(1), jnp.int32(0))
            idx = off_b + plsc.cumsum(ones)
            plsc.store_scatter(pref, [idx], v, mask=m)
            return off_b + plsc.all_reduce_population_count(m)

        off_b = plsc.parallel_loop(
            0, _NV, unroll=_UNROLL,
            carry=jnp.full((_L,), jnp.int32(-1)))(p2_body)
        c_total = off_b[0] + jnp.int32(1)
        nv_cand = (c_total + jnp.int32(_L - 1)) >> 4

        def cand_map_body(i, _):
            v = pref[pl.ds(i * _L, _L)]
            kv = _mono_keys(v)
            valid = (i * _L + lax.iota(jnp.int32, _L)) < c_total
            kv = jnp.where(valid, kv, jnp.zeros((_L,), jnp.int32))
            pref[pl.ds(i * _L, _L)] = plsc.bitcast(kv, jnp.float32)
            return 0

        lax.fori_loop(0, nv_cand, cand_map_body, 0)

        def read_cand(i):
            return plsc.bitcast(pref[pl.ds(i * _L, _L)], jnp.int32)

        tkey = _kth_largest(read_cand, nv_cand, _K, unroll=2)
        tvalv = _keys_to_f32(jnp.full((_L,), tkey, jnp.int32))

        def p3_body(i):
            v = nref[pl.ds(i * _L, _L)]
            pref[pl.ds(i * _L, _L)] = jnp.where(
                v >= tvalv, v, jnp.full((_L,), jnp.float32(_NEG)))

        plsc.parallel_loop(0, _NV, unroll=_UNROLL)(p3_body)

        ocp = pltpu.async_copy(pref, out_hbm.at[r], semo)
        if j + 1 < _RPW:
            gcp = pltpu.async_copy(g_hbm.at[r + 1], nref, semg)

    ocp.wait()


_gumbels_cache = None


def _gumbels():
    global _gumbels_cache
    if _gumbels_cache is None:
        u = jax.random.uniform(jax.random.key(42), (_ROWS, _COLS),
                               dtype=jnp.float32)
        _gumbels_cache = -jnp.log(-jnp.log(u + 1e-9) + 1e-9)
    return _gumbels_cache


def kernel(x):
    return _sc_topk_mask(x, _gumbels())

# --- scband reference (transcript-rebuilt; emitter-appended) ---
"""Pipeline reference for scband-stochastic-hot-mod-9998683865103 (READ-ONLY COPY).

The authoritative reference and input builder live on the scoring server;
editing this copy changes nothing except your own understanding.
"""

import jax, jax.numpy as jnp
import numpy as np

K = 64

def setup_inputs(seed: int = 0) -> dict:
    key = jax.random.key(seed)
    x = jax.random.normal(key, (128, 32768), dtype=jnp.float32)
    return {"x": x}

def reference(x):
    # training-mode stochastic path of StochasticHotMod
    nkey = jax.random.key(42)
    uniform_samples = jax.random.uniform(nkey, x.shape, dtype=x.dtype)
    gumbels = -jnp.log(-jnp.log(uniform_samples + 1e-09) + 1e-09)
    scale = jnp.sqrt(jnp.linalg.norm(x, axis=-1, keepdims=True))
    gumbels = gumbels * scale
    noisy_x = x + gumbels
    # hotfunc.apply(noisy_x, k): hard top-k masking -- keep top-k scores,
    # mask everything else to a large negative value
    topk_vals = jax.lax.top_k(noisy_x, K)[0]
    threshold = topk_vals[..., -1:]
    masked = jnp.where(noisy_x >= threshold, noisy_x, jnp.full_like(noisy_x, -1e9))
    return masked

if __name__ == "__main__":
    import jax
    _d = setup_inputs()
    print(jax.jit(kernel)(*tuple(_d.values())))

</pallas_src>

<mosaic_0001>
#map = affine_map<(d0, d1) -> (0, 0)>
module attributes {stable_mosaic.version = 14 : i64} {
  func.func @_sc_topk_mask(%arg0: i32, %arg1: i32, %arg2: memref<128x32768xf32, #tpu.memory_space<hbm>>, %arg3: memref<128x32768xf32, #tpu.memory_space<hbm>>, %arg4: memref<128x32768xf32, #tpu.memory_space<hbm>>, %arg5: memref<32768xf32, #tpu.memory_space<vmem>>, %arg6: memref<32768xf32, #tpu.memory_space<vmem>>, %arg7: memref<32768xf32, #tpu.memory_space<vmem>>, %arg8: memref<256xf32, #tpu.memory_space<vmem>>, %arg9: memref<!tpu.dma_semaphore, #tpu.memory_space<semaphore_mem>>, %arg10: memref<!tpu.dma_semaphore, #tpu.memory_space<semaphore_mem>>, %arg11: memref<!tpu.dma_semaphore, #tpu.memory_space<semaphore_mem>>) attributes {dimension_semantics = [#tpu.dimension_semantics<core_parallel>, #tpu.dimension_semantics<subcore_parallel>], iteration_bounds = array<i64: 2, 16>, scalar_prefetch = 0 : i64, scratch_operands = 7 : i64, tpu.core_type = #tpu.core_type<sc_vector_subcore>, window_params = [{transform_indices = #map}, {transform_indices = #map}, {transform_indices = #map}]} {
    %mul3A = arith.constant 2 : i32
    %mul3A_0 = arith.muli %arg1, %mul3A : i32
    %add3A = arith.addi %mul3A_0, %arg0 : i32
    %mul3A_1 = arith.constant 4 : i32
    %mul3A_2 = arith.muli %add3A, %mul3A_1 : i32
    "tpu.region"() ({
      %run_scoped3A = tpu.sem_alloc : memref<!tpu.dma_semaphore, #tpu.memory_space<semaphore_mem>>
      %dma_start3A_788 = arith.constant 0 : i32
      %dma_start3A_789 = tpu.memref_slice %arg2[%mul3A_2, %dma_start3A_788] : memref<128x32768xf32, #tpu.memory_space<hbm>> -> memref<1x32768xf32, #tpu.memory_space<hbm>>
      %dma_start3A_790 = tpu.memref_squeeze %dma_start3A_789 : memref<1x32768xf32, #tpu.memory_space<hbm>> -> memref<32768xf32, #tpu.memory_space<hbm>>
      %dma_start3A_791 = arith.constant 0 : i32
      %dma_start3A_792 = tpu.memref_slice %arg2[%mul3A_2, %dma_start3A_791] : memref<128x32768xf32, #tpu.memory_space<hbm>> -> memref<1x32768xf32, #tpu.memory_space<hbm>>
      %dma_start3A_793 = tpu.memref_squeeze %dma_start3A_792 : memref<1x32768xf32, #tpu.memory_space<hbm>> -> memref<32768xf32, #tpu.memory_space<hbm>>
      tpu.enqueue_dma source(%dma_start3A_793 : memref<32768xf32, #tpu.memory_space<hbm>>) target(%arg5 : memref<32768xf32, #tpu.memory_space<vmem>>) target_semaphore(%run_scoped3A : memref<!tpu.dma_semaphore, #tpu.memory_space<semaphore_mem>>)
      %dma_wait3A_794 = arith.constant 0 : i32
      %dma_wait3A_795 = tpu.memref_slice %arg2[%mul3A_2, %dma_wait3A_794] : memref<128x32768xf32, #tpu.memory_space<hbm>> -> memref<1x32768xf32, #tpu.memory_space<hbm>>
      %dma_wait3A_796 = tpu.memref_squeeze %dma_wait3A_795 : memref<1x32768xf32, #tpu.memory_space<hbm>> -> memref<32768xf32, #tpu.memory_space<hbm>>
      %dma_wait3A_797 = arith.constant 0 : i32
      %dma_wait3A_798 = tpu.memref_slice %arg2[%mul3A_2, %dma_wait3A_797] : memref<128x32768xf32, #tpu.memory_space<hbm>> -> memref<1x32768xf32, #tpu.memory_space<hbm>>
      %dma_wait3A_799 = tpu.memref_squeeze %dma_wait3A_798 : memref<1x32768xf32, #tpu.memory_space<hbm>> -> memref<32768xf32, #tpu.memory_space<hbm>>
      tpu.wait_dma2 semaphore(%run_scoped3A : memref<!tpu.dma_semaphore, #tpu.memory_space<semaphore_mem>>) src(%dma_wait3A_799 : memref<32768xf32, #tpu.memory_space<hbm>>) dst(%arg5 : memref<32768xf32, #tpu.memory_space<vmem>>)
      tpu.yield
    }) : () -> ()
    "tpu.region"() ({
      %run_scoped3A = tpu.sem_alloc : memref<!tpu.dma_semaphore, #tpu.memory_space<semaphore_mem>>
      %dma_start3A_788 = arith.constant 0 : i32
      %dma_start3A_789 = tpu.memref_slice %arg3[%mul3A_2, %dma_start3A_788] : memref<128x32768xf32, #tpu.memory_space<hbm>> -> memref<1x32768xf32, #tpu.memory_space<hbm>>
      %dma_start3A_790 = tpu.memref_squeeze %dma_start3A_789 : memref<1x32768xf32, #tpu.memory_space<hbm>> -> memref<32768xf32, #tpu.memory_space<hbm>>
      %dma_start3A_791 = arith.constant 0 : i32
      %dma_start3A_792 = tpu.memref_slice %arg3[%mul3A_2, %dma_start3A_791] : memref<128x32768xf32, #tpu.memory_space<hbm>> -> memref<1x32768xf32, #tpu.memory_space<hbm>>
      %dma_start3A_793 = tpu.memref_squeeze %dma_start3A_792 : memref<1x32768xf32, #tpu.memory_space<hbm>> -> memref<32768xf32, #tpu.memory_space<hbm>>
      tpu.enqueue_dma source(%dma_start3A_793 : memref<32768xf32, #tpu.memory_space<hbm>>) target(%arg6 : memref<32768xf32, #tpu.memory_space<vmem>>) target_semaphore(%run_scoped3A : memref<!tpu.dma_semaphore, #tpu.memory_space<semaphore_mem>>)
      %dma_wait3A_794 = arith.constant 0 : i32
      %dma_wait3A_795 = tpu.memref_slice %arg3[%mul3A_2, %dma_wait3A_794] : memref<128x32768xf32, #tpu.memory_space<hbm>> -> memref<1x32768xf32, #tpu.memory_space<hbm>>
      %dma_wait3A_796 = tpu.memref_squeeze %dma_wait3A_795 : memref<1x32768xf32, #tpu.memory_space<hbm>> -> memref<32768xf32, #tpu.memory_space<hbm>>
      %dma_wait3A_797 = arith.constant 0 : i32
      %dma_wait3A_798 = tpu.memref_slice %arg3[%mul3A_2, %dma_wait3A_797] : memref<128x32768xf32, #tpu.memory_space<hbm>> -> memref<1x32768xf32, #tpu.memory_space<hbm>>
      %dma_wait3A_799 = tpu.memref_squeeze %dma_wait3A_798 : memref<1x32768xf32, #tpu.memory_space<hbm>> -> memref<32768xf32, #tpu.memory_space<hbm>>
      tpu.wait_dma2 semaphore(%run_scoped3A : memref<!tpu.dma_semaphore, #tpu.memory_space<semaphore_mem>>) src(%dma_wait3A_799 : memref<32768xf32, #tpu.memory_space<hbm>>) dst(%arg6 : memref<32768xf32, #tpu.memory_space<vmem>>)
      tpu.yield
    }) : () -> ()
    %add3A_3 = arith.constant 0 : i32
    %add3A_4 = arith.addi %mul3A_2, %add3A_3 : i32
    %broadcast_in_dim3A = arith.constant 0.000000e+00 : f32
    %broadcast_in_dim3A_5 = vector.broadcast %broadcast_in_dim3A : f32 to vector<16xf32>
    %parallel_loop3A = arith.constant 0 : i32
    %parallel_loop3A_6 = arith.constant 2048 : i32
    %parallel_loop3A_7 = arith.constant 1 : i32
    %parallel_loop3A_8 = scf.for %parallel_loop3A_788 = %parallel_loop3A to %parallel_loop3A_6 step %parallel_loop3A_7 iter_args(%parallel_loop3A_789 = %broadcast_in_dim3A_5) -> (vector<16xf32>)  : i32 {
      %parallel_loop3A_790 = arith.constant 16 : i32
      %parallel_loop3A_791 = arith.muli %parallel_loop3A_788, %parallel_loop3A_790 : i32
      %parallel_loop3A_792 = arith.index_cast %parallel_loop3A_791 : i32 to index
      %parallel_loop3A_793 = tpu.vector_load %arg5[%parallel_loop3A_792] {strides = array<i32>} : memref<32768xf32, #tpu.memory_space<vmem>>, vector<16xf32>,
      %parallel_loop3A_794 = arith.mulf %parallel_loop3A_793, %parallel_loop3A_793 : vector<16xf32>
      %parallel_loop3A_795 = arith.addf %parallel_loop3A_789, %parallel_loop3A_794 : vector<16xf32>
      scf.yield %parallel_loop3A_795 : vector<16xf32>
    } {sc.loop_unroll_factor = 8 : i64, sc.parallel_access}
    %broadcast_in_dim3A_9 = arith.constant true
    %broadcast_in_dim3A_10 = vector.broadcast %broadcast_in_dim3A_9 : i1 to vector<16xi1>
    %masked_cumsum3A = tpu.scan <sum>, %parallel_loop3A_8 masked %broadcast_in_dim3A_10 : vector<16xf32>, vector<16xi1> -> vector<16xf32>
    %slice3A = vector.extract_strided_slice %masked_cumsum3A {offsets = [15], sizes = [1], strides = [1]} : vector<16xf32> to vector<1xf32>
    %squeeze3A = vector.extract %slice3A[0] : f32 from vector<1xf32>
    %broadcast_in_dim3A_11 = vector.broadcast %squeeze3A : f32 to vector<16xf32>
    %bitcast3A = vector.bitcast %broadcast_in_dim3A_11 : vector<16xf32> to vector<16xi32>
    %shift_right_arithmetic3A = arith.constant 1 : i32
    %shift_right_arithmetic3A_12 = vector.broadcast %shift_right_arithmetic3A : i32 to vector<16xi32>
    %shift_right_arithmetic3A_13 = arith.shrsi %bitcast3A, %shift_right_arithmetic3A_12 : vector<16xi32>
    %sub3A = arith.constant 1597463007 : i32
    %sub3A_14 = vector.broadcast %sub3A : i32 to vector<16xi32>
    %sub3A_15 = arith.subi %sub3A_14, %shift_right_arithmetic3A_13 : vector<16xi32>
    %bitcast3A_16 = vector.bitcast %sub3A_15 : vector<16xi32> to vector<16xf32>
    %mul3A_17 = arith.constant 5.000000e-01 : f32
    %mul3A_18 = vector.broadcast %mul3A_17 : f32 to vector<16xf32>
    %mul3A_19 = arith.mulf %mul3A_18, %broadcast_in_dim3A_11 : vector<16xf32>
    %mul3A_20 = arith.mulf %mul3A_19, %bitcast3A_16 : vector<16xf32>
    %mul3A_21 = arith.mulf %mul3A_20, %bitcast3A_16 : vector<16xf32>
    %sub3A_22 = arith.constant 1.500000e+00 : f32
    %sub3A_23 = vector.broadcast %sub3A_22 : f32 to vector<16xf32>
    %sub3A_24 = arith.subf %sub3A_23, %mul3A_21 : vector<16xf32>
    %mul3A_25 = arith.mulf %bitcast3A_16, %sub3A_24 : vector<16xf32>
    %mul3A_26 = arith.constant 5.000000e-01 : f32
    %mul3A_27 = vector.broadcast %mul3A_26 : f32 to vector<16xf32>
    %mul3A_28 = arith.mulf %mul3A_27, %broadcast_in_dim3A_11 : vector<16xf32>
    %mul3A_29 = arith.mulf %mul3A_28, %mul3A_25 : vector<16xf32>
    %mul3A_30 = arith.mulf %mul3A_29, %mul3A_25 : vector<16xf32>
    %sub3A_31 = arith.constant 1.500000e+00 : f32
    %sub3A_32 = vector.broadcast %sub3A_31 : f32 to vector<16xf32>
    %sub3A_33 = arith.subf %sub3A_32, %mul3A_30 : vector<16xf32>
    %mul3A_34 = arith.mulf %mul3A_25, %sub3A_33 : vector<16xf32>
    %mul3A_35 = arith.constant 5.000000e-01 : f32
    %mul3A_36 = vector.broadcast %mul3A_35 : f32 to vector<16xf32>
    %mul3A_37 = arith.mulf %mul3A_36, %broadcast_in_dim3A_11 : vector<16xf32>
    %mul3A_38 = arith.mulf %mul3A_37, %mul3A_34 : vector<16xf32>
    %mul3A_39 = arith.mulf %mul3A_38, %mul3A_34 : vector<16xf32>
    %sub3A_40 = arith.constant 1.500000e+00 : f32
    %sub3A_41 = vector.broadcast %sub3A_40 : f32 to vector<16xf32>
    %sub3A_42 = arith.subf %sub3A_41, %mul3A_39 : vector<16xf32>
    %mul3A_43 = arith.mulf %mul3A_34, %sub3A_42 : vector<16xf32>
    %mul3A_44 = arith.mulf %broadcast_in_dim3A_11, %mul3A_43 : vector<16xf32>
    %bitcast3A_45 = vector.bitcast %mul3A_44 : vector<16xf32> to vector<16xi32>
    %shift_right_arithmetic3A_46 = arith.constant 1 : i32
    %shift_right_arithmetic3A_47 = vector.broadcast %shift_right_arithmetic3A_46 : i32 to vector<16xi32>
    %shift_right_arithmetic3A_48 = arith.shrsi %bitcast3A_45, %shift_right_arithmetic3A_47 : vector<16xi32>
    %sub3A_49 = arith.constant 1597463007 : i32
    %sub3A_50 = vector.broadcast %sub3A_49 : i32 to vector<16xi32>
    %sub3A_51 = arith.subi %sub3A_50, %shift_right_arithmetic3A_48 : vector<16xi32>
    %bitcast3A_52 = vector.bitcast %sub3A_51 : vector<16xi32> to vector<16xf32>
    %mul3A_53 = arith.constant 5.000000e-01 : f32
    %mul3A_54 = vector.broadcast %mul3A_53 : f32 to vector<16xf32>
    %mul3A_55 = arith.mulf %mul3A_54, %mul3A_44 : vector<16xf32>
    %mul3A_56 = arith.mulf %mul3A_55, %bitcast3A_52 : vector<16xf32>
    %mul3A_57 = arith.mulf %mul3A_56, %bitcast3A_52 : vector<16xf32>
    %sub3A_58 = arith.constant 1.500000e+00 : f32
    %sub3A_59 = vector.broadcast %sub3A_58 : f32 to vector<16xf32>
    %sub3A_60 = arith.subf %sub3A_59, %mul3A_57 : vector<16xf32>
    %mul3A_61 = arith.mulf %bitcast3A_52, %sub3A_60 : vector<16xf32>
    %mul3A_62 = arith.constant 5.000000e-01 : f32
    %mul3A_63 = vector.broadcast %mul3A_62 : f32 to vector<16xf32>
    %mul3A_64 = arith.mulf %mul3A_63, %mul3A_44 : vector<16xf32>
    %mul3A_65 = arith.mulf %mul3A_64, %mul3A_61 : vector<16xf32>
    %mul3A_66 = arith.mulf %mul3A_65, %mul3A_61 : vector<16xf32>
    %sub3A_67 = arith.constant 1.500000e+00 : f32
    %sub3A_68 = vector.broadcast %sub3A_67 : f32 to vector<16xf32>
    %sub3A_69 = arith.subf %sub3A_68, %mul3A_66 : vector<16xf32>
    %mul3A_70 = arith.mulf %mul3A_61, %sub3A_69 : vector<16xf32>
    %mul3A_71 = arith.constant 5.000000e-01 : f32
    %mul3A_72 = vector.broadcast %mul3A_71 : f32 to vector<16xf32>
    %mul3A_73 = arith.mulf %mul3A_72, %mul3A_44 : vector<16xf32>
    %mul3A_74 = arith.mulf %mul3A_73, %mul3A_70 : vector<16xf32>
    %mul3A_75 = arith.mulf %mul3A_74, %mul3A_70 : vector<16xf32>
    %sub3A_76 = arith.constant 1.500000e+00 : f32
    %sub3A_77 = vector.broadcast %sub3A_76 : f32 to vector<16xf32>
    %sub3A_78 = arith.subf %sub3A_77, %mul3A_75 : vector<16xf32>
    %mul3A_79 = arith.mulf %mul3A_70, %sub3A_78 : vector<16xf32>
    %mul3A_80 = arith.mulf %mul3A_44, %mul3A_79 : vector<16xf32>
    %scan3A = arith.constant 0 : i32
    %scan3A_81 = arith.constant 0 : i32
    %scan3A_82 = arith.constant 16 : i32
    %scan3A_83 = arith.addi %scan3A_81, %scan3A_82 : i32
    %scan3A_84 = arith.constant 1 : i32
    %scan3A_85 = scf.for %scan3A_788 = %scan3A_81 to %scan3A_83 step %scan3A_84 iter_args(%scan3A_789 = %scan3A) -> (i32)  : i32 {
      %mul3A_790 = arith.constant 128 : i32
      %mul3A_791 = arith.muli %scan3A_788, %mul3A_790 : i32
      %add3A_792 = arith.constant 128 : i32
      %add3A_793 = arith.addi %mul3A_791, %add3A_792 : i32
      %broadcast_in_dim3A_794 = arith.constant -3.000000e+38 : f32
      %broadcast_in_dim3A_795 = vector.broadcast %broadcast_in_dim3A_794 : f32 to vector<16xf32>
      %parallel_loop3A_796 = arith.constant 1 : i32
      %parallel_loop3A_797 = scf.for %parallel_loop3A_802 = %mul3A_791 to %add3A_793 step %parallel_loop3A_796 iter_args(%parallel_loop3A_803 = %broadcast_in_dim3A_795) -> (vector<16xf32>)  : i32 {
        %parallel_loop3A_804 = arith.constant 16 : i32
        %parallel_loop3A_805 = arith.muli %parallel_loop3A_802, %parallel_loop3A_804 : i32
        %parallel_loop3A_806 = arith.index_cast %parallel_loop3A_805 : i32 to index
        %parallel_loop3A_807 = tpu.vector_load %arg5[%parallel_loop3A_806] {strides = array<i32>} : memref<32768xf32, #tpu.memory_space<vmem>>, vector<16xf32>,
        %parallel_loop3A_808 = arith.constant 16 : i32
        %parallel_loop3A_809 = arith.muli %parallel_loop3A_802, %parallel_loop3A_808 : i32
        %parallel_loop3A_810 = arith.index_cast %parallel_loop3A_809 : i32 to index
        %parallel_loop3A_811 = tpu.vector_load %arg6[%parallel_loop3A_810] {strides = array<i32>} : memref<32768xf32, #tpu.memory_space<vmem>>, vector<16xf32>,
        %parallel_loop3A_812 = arith.mulf %parallel_loop3A_811, %mul3A_80 : vector<16xf32>
        %parallel_loop3A_813 = arith.addf %parallel_loop3A_807, %parallel_loop3A_812 : vector<16xf32>
        %parallel_loop3A_814 = arith.constant 16 : i32
        %parallel_loop3A_815 = arith.muli %parallel_loop3A_802, %parallel_loop3A_814 : i32
        %parallel_loop3A_816 = arith.index_cast %parallel_loop3A_815 : i32 to index
        %parallel_loop3A_817 = tpu.vector_load %arg6[%parallel_loop3A_816] {strides = array<i32>} : memref<32768xf32, #tpu.memory_space<vmem>>, vector<16xf32>,
        tpu.vector_store %arg6[%parallel_loop3A_816], %parallel_loop3A_813 {strides = array<i32>} : memref<32768xf32, #tpu.memory_space<vmem>>, vector<16xf32>,
        %parallel_loop3A_818 = arith.maximumf %parallel_loop3A_803, %parallel_loop3A_813 : vector<16xf32>
        scf.yield %parallel_loop3A_818 : vector<16xf32>
      } {sc.loop_unroll_factor = 8 : i64, sc.parallel_access}
      %mul3A_798 = arith.constant 16 : i32
      %mul3A_799 = arith.muli %scan3A_788, %mul3A_798 : i32
      %swap3A = arith.index_cast %mul3A_799 : i32 to index
      %swap3A_800 = tpu.vector_load %arg8[%swap3A] {strides = array<i32>} : memref<256xf32, #tpu.memory_space<vmem>>, vector<16xf32>,
      tpu.vector_store %arg8[%swap3A], %parallel_loop3A_797 {strides = array<i32>} : memref<256xf32, #tpu.memory_space<vmem>>, vector<16xf32>,
      %scan3A_801 = arith.constant 0 : i32
      scf.yield %scan3A_801 : i32
    }
    %scan3A_86 = arith.constant 16 : i32
    %add3A_87 = arith.constant 1 : i32
    %add3A_88 = arith.addi %add3A_4, %add3A_87 : i32
    %dma_start3A = arith.constant 0 : i32
    %dma_start3A_89 = tpu.memref_slice %arg2[%add3A_88, %dma_start3A] : memref<128x32768xf32, #tpu.memory_space<hbm>> -> memref<1x32768xf32, #tpu.memory_space<hbm>>
    %dma_start3A_90 = tpu.memref_squeeze %dma_start3A_89 : memref<1x32768xf32, #tpu.memory_space<hbm>> -> memref<32768xf32, #tpu.memory_space<hbm>>
    %dma_start3A_91 = arith.constant 0 : i32
    %dma_start3A_92 = tpu.memref_slice %arg2[%add3A_88, %dma_start3A_91] : memref<128x32768xf32, #tpu.memory_space<hbm>> -> memref<1x32768xf32, #tpu.memory_space<hbm>>
    %dma_start3A_93 = tpu.memref_squeeze %dma_start3A_92 : memref<1x32768xf32, #tpu.memory_space<hbm>> -> memref<32768xf32, #tpu.memory_space<hbm>>
    tpu.enqueue_dma source(%dma_start3A_93 : memref<32768xf32, #tpu.memory_space<hbm>>) target(%arg5 : memref<32768xf32, #tpu.memory_space<vmem>>) target_semaphore(%arg9 : memref<!tpu.dma_semaphore, #tpu.memory_space<semaphore_mem>>)
    %scan3A_94 = arith.constant 0 : i32
    %scan3A_95 = arith.constant 0 : i32
    %scan3A_96 = arith.constant 16 : i32
    %scan3A_97 = arith.addi %scan3A_95, %scan3A_96 : i32
    %scan3A_98 = arith.constant 1 : i32
    %scan3A_99 = scf.for %scan3A_788 = %scan3A_95 to %scan3A_97 step %scan3A_98 iter_args(%scan3A_789 = %scan3A_94) -> (i32)  : i32 {
      %mul3A_790 = arith.constant 16 : i32
      %mul3A_791 = arith.muli %scan3A_788, %mul3A_790 : i32
      %get3A = arith.index_cast %mul3A_791 : i32 to index
      %get3A_792 = tpu.vector_load %arg8[%get3A] {strides = array<i32>} : memref<256xf32, #tpu.memory_space<vmem>>, vector<16xf32>,
      %bitcast3A_793 = vector.bitcast %get3A_792 : vector<16xf32> to vector<16xi32>
      %shift_right_arithmetic3A_794 = arith.constant 31 : i32
      %shift_right_arithmetic3A_795 = vector.broadcast %shift_right_arithmetic3A_794 : i32 to vector<16xi32>
      %shift_right_arithmetic3A_796 = arith.shrsi %bitcast3A_793, %shift_right_arithmetic3A_795 : vector<16xi32>
      %and3A = arith.constant 2147483647 : i32
      %and3A_797 = vector.broadcast %and3A : i32 to vector<16xi32>
      %and3A_798 = arith.andi %shift_right_arithmetic3A_796, %and3A_797 : vector<16xi32>
      %or3A_799 = arith.constant -2147483648 : i32
      %or3A_800 = vector.broadcast %or3A_799 : i32 to vector<16xi32>
      %or3A_801 = arith.ori %or3A_800, %and3A_798 : vector<16xi32>
      %xor3A_802 = arith.xori %bitcast3A_793, %or3A_801 : vector<16xi32>
      %bitcast3A_803 = vector.bitcast %xor3A_802 : vector<16xi32> to vector<16xf32>
      %mul3A_804 = arith.constant 16 : i32
      %mul3A_805 = arith.muli %scan3A_788, %mul3A_804 : i32
      %swap3A = arith.index_cast %mul3A_805 : i32 to index
      %swap3A_806 = tpu.vector_load %arg8[%swap3A] {strides = array<i32>} : memref<256xf32, #tpu.memory_space<vmem>>, vector<16xf32>,
      tpu.vector_store %arg8[%swap3A], %bitcast3A_803 {strides = array<i32>} : memref<256xf32, #tpu.memory_space<vmem>>, vector<16xf32>,
      %scan3A_807 = arith.constant 0 : i32
      scf.yield %scan3A_807 : i32
    }
    %scan3A_100 = arith.constant 16 : i32
    %scan3A_101 = arith.constant 0 : i32
    %scan3A_102 = arith.constant 64 : i32
    %scan3A_103 = arith.constant 0 : i32
    %scan3A_104 = arith.constant 32 : i32
    %scan3A_105 = arith.addi %scan3A_103, %scan3A_104 : i32
    %scan3A_106 = arith.constant 1 : i32
    %scan3A_107:2 = scf.for %scan3A_788 = %scan3A_103 to %scan3A_105 step %scan3A_106 iter_args(%scan3A_789 = %scan3A_101, %scan3A_790 = %scan3A_102) -> (i32, i32)  : i32 {
      %sub3A_791 = arith.constant 31 : i32
      %sub3A_792 = arith.subi %sub3A_791, %scan3A_788 : i32
      %shift_left3A = arith.constant -1 : i32
      %shift_left3A_793 = arith.shli %shift_left3A, %sub3A_792 : i32
      %shift_left3A_794 = arith.constant 1 : i32
      %shift_left3A_795 = arith.shli %shift_left3A_794, %sub3A_792 : i32
      %or3A_796 = arith.ori %scan3A_789, %shift_left3A_795 : i32
      %broadcast_in_dim3A_797 = arith.constant 0 : i32
      %broadcast_in_dim3A_798 = vector.broadcast %broadcast_in_dim3A_797 : i32 to vector<16xi32>
      %parallel_loop3A_799 = arith.constant 0 : i32
      %parallel_loop3A_800 = arith.constant 16 : i32
      %parallel_loop3A_801 = arith.constant 1 : i32
      %parallel_loop3A_802 = scf.for %parallel_loop3A_810 = %parallel_loop3A_799 to %parallel_loop3A_800 step %parallel_loop3A_801 iter_args(%parallel_loop3A_811 = %broadcast_in_dim3A_798) -> (vector<16xi32>)  : i32 {
        %parallel_loop3A_812 = arith.constant 16 : i32
        %parallel_loop3A_813 = arith.muli %parallel_loop3A_810, %parallel_loop3A_812 : i32
        %parallel_loop3A_814 = arith.index_cast %parallel_loop3A_813 : i32 to index
        %parallel_loop3A_815 = tpu.vector_load %arg8[%parallel_loop3A_814] {strides = array<i32>} : memref<256xf32, #tpu.memory_space<vmem>>, vector<16xf32>,
        %parallel_loop3A_816 = vector.bitcast %parallel_loop3A_815 : vector<16xf32> to vector<16xi32>
        %parallel_loop3A_817 = vector.broadcast %shift_left3A_793 : i32 to vector<16xi32>
        %parallel_loop3A_818 = arith.andi %parallel_loop3A_816, %parallel_loop3A_817 : vector<16xi32>
        %parallel_loop3A_819 = vector.broadcast %or3A_796 : i32 to vector<16xi32>
        %parallel_loop3A_820 = arith.cmpi eq, %parallel_loop3A_818, %parallel_loop3A_819 : vector<16xi32>
        %parallel_loop3A_821 = arith.constant 1 : i32
        %parallel_loop3A_822 = arith.constant 0 : i32
        %parallel_loop3A_823 = vector.broadcast %parallel_loop3A_821 : i32 to vector<16xi32>
        %parallel_loop3A_824 = vector.broadcast %parallel_loop3A_822 : i32 to vector<16xi32>
        %parallel_loop3A_825 = arith.select %parallel_loop3A_820, %parallel_loop3A_823, %parallel_loop3A_824 : vector<16xi1>, vector<16xi32>
        %parallel_loop3A_826 = arith.addi %parallel_loop3A_811, %parallel_loop3A_825 : vector<16xi32>
        scf.yield %parallel_loop3A_826 : vector<16xi32>
      } {sc.loop_unroll_factor = 4 : i64, sc.parallel_access}
      %broadcast_in_dim3A_803 = arith.constant true
      %broadcast_in_dim3A_804 = vector.broadcast %broadcast_in_dim3A_803 : i1 to vector<16xi1>
      %masked_cumsum3A_805 = tpu.scan <sum>, %parallel_loop3A_802 masked %broadcast_in_dim3A_804 : vector<16xi32>, vector<16xi1> -> vector<16xi32>
      %slice3A_806 = vector.extract_strided_slice %masked_cumsum3A_805 {offsets = [15], sizes = [1], strides = [1]} : vector<16xi32> to vector<1xi32>
      %squeeze3A_807 = vector.extract %slice3A_806[0] : i32 from vector<1xi32>
      %ge3A = arith.cmpi sge, %squeeze3A_807, %scan3A_790 : i32
      %select_n3A = arith.select %ge3A, %or3A_796, %scan3A_789 : i32
      %sub3A_808 = arith.subi %scan3A_790, %squeeze3A_807 : i32
      %select_n3A_809 = arith.select %ge3A, %scan3A_790, %sub3A_808 : i32
      scf.yield %select_n3A, %select_n3A_809 : i32, i32
    }
    %scan3A_108 = arith.constant 32 : i32
    %broadcast_in_dim3A_109 = vector.broadcast %scan3A_107#0 : i32 to vector<16xi32>
    %shift_right_arithmetic3A_110 = arith.constant 31 : i32
    %shift_right_arithmetic3A_111 = vector.broadcast %shift_right_arithmetic3A_110 : i32 to vector<16xi32>
    %shift_right_arithmetic3A_112 = arith.shrsi %broadcast_in_dim3A_109, %shift_right_arithmetic3A_111 : vector<16xi32>
    %not3A = arith.constant dense<-1> : vector<16xi32>
    %not3A_113 = arith.xori %shift_right_arithmetic3A_112, %not3A : vector<16xi32>
    %or3A = arith.constant -2147483648 : i32
    %or3A_114 = vector.broadcast %or3A : i32 to vector<16xi32>
    %or3A_115 = arith.ori %or3A_114, %not3A_113 : vector<16xi32>
    %xor3A = arith.xori %broadcast_in_dim3A_109, %or3A_115 : vector<16xi32>
    %bitcast3A_116 = vector.bitcast %xor3A : vector<16xi32> to vector<16xf32>
    %broadcast_in_dim3A_117 = arith.constant -1 : i32
    %broadcast_in_dim3A_118 = vector.broadcast %broadcast_in_dim3A_117 : i32 to vector<16xi32>
    %parallel_loop3A_119 = arith.constant 0 : i32
    %parallel_loop3A_120 = arith.constant 2048 : i32
    %parallel_loop3A_121 = arith.constant 1 : i32
    %parallel_loop3A_122 = scf.for %parallel_loop3A_788 = %parallel_loop3A_119 to %parallel_loop3A_120 step %parallel_loop3A_121 iter_args(%parallel_loop3A_789 = %broadcast_in_dim3A_118) -> (vector<16xi32>)  : i32 {
      %parallel_loop3A_790 = arith.constant 16 : i32
      %parallel_loop3A_791 = arith.muli %parallel_loop3A_788, %parallel_loop3A_790 : i32
      %parallel_loop3A_792 = arith.index_cast %parallel_loop3A_791 : i32 to index
      %parallel_loop3A_793 = tpu.vector_load %arg6[%parallel_loop3A_792] {strides = array<i32>} : memref<32768xf32, #tpu.memory_space<vmem>>, vector<16xf32>,
      %parallel_loop3A_794 = arith.cmpf oge, %parallel_loop3A_793, %bitcast3A_116 : vector<16xf32>
      %parallel_loop3A_795 = arith.constant 1 : i32
      %parallel_loop3A_796 = arith.constant 0 : i32
      %parallel_loop3A_797 = vector.broadcast %parallel_loop3A_795 : i32 to vector<16xi32>
      %parallel_loop3A_798 = vector.broadcast %parallel_loop3A_796 : i32 to vector<16xi32>
      %parallel_loop3A_799 = arith.select %parallel_loop3A_794, %parallel_loop3A_797, %parallel_loop3A_798 : vector<16xi1>, vector<16xi32>
      %parallel_loop3A_800 = arith.constant true
      %parallel_loop3A_801 = vector.broadcast %parallel_loop3A_800 : i1 to vector<16xi1>
      %parallel_loop3A_802 = tpu.scan <sum>, %parallel_loop3A_799 masked %parallel_loop3A_801 : vector<16xi32>, vector<16xi1> -> vector<16xi32>
      %parallel_loop3A_803 = arith.addi %parallel_loop3A_789, %parallel_loop3A_802 : vector<16xi32>
      tpu.vector_store_idx %arg7[%parallel_loop3A_803], %parallel_loop3A_793 masked %parallel_loop3A_794 : memref<32768xf32, #tpu.memory_space<vmem>>[vector<16xi32>], vector<16xf32>, vector<16xi1>
      %parallel_loop3A_804 = tpu.all_reduce %parallel_loop3A_794 {dim = 0 : i64, kind = #tpu.reduction_kind<sum>} : vector<16xi1> -> vector<16xi32>
      %parallel_loop3A_805 = arith.addi %parallel_loop3A_789, %parallel_loop3A_804 : vector<16xi32>
      scf.yield %parallel_loop3A_805 : vector<16xi32>
    } {sc.loop_unroll_factor = 8 : i64, sc.parallel_access}
    %slice3A_123 = vector.extract_strided_slice %parallel_loop3A_122 {offsets = [0], sizes = [1], strides = [1]} : vector<16xi32> to vector<1xi32>
    %squeeze3A_124 = vector.extract %slice3A_123[0] : i32 from vector<1xi32>
    %add3A_125 = arith.constant 1 : i32
    %add3A_126 = arith.addi %squeeze3A_124, %add3A_125 : i32
    %add3A_127 = arith.constant 15 : i32
    %add3A_128 = arith.addi %add3A_126, %add3A_127 : i32
    %shift_right_arithmetic3A_129 = arith.constant 4 : i32
    %shift_right_arithmetic3A_130 = arith.shrsi %add3A_128, %shift_right_arithmetic3A_129 : i32
    %while3A = arith.constant 0 : i32
    %while3A_131 = arith.constant 0 : i32
    %while3A_132 = arith.subi %shift_right_arithmetic3A_130, %while3A : i32
    %while3A_133 = arith.addi %while3A, %while3A_132 : i32
    %while3A_134 = arith.constant 1 : i32
    %while3A_135 = arith.divsi %while3A_132, %while3A_134 : i32
    %while3A_136 = arith.muli %while3A_135, %while3A_134 : i32
    %while3A_137 = arith.addi %while3A, %while3A_136 : i32
    %while3A_138 = arith.constant 1 : i32
    %while3A_139 = scf.for %while3A_788 = %while3A to %while3A_137 step %while3A_138 iter_args(%while3A_789 = %while3A_131) -> (i32)  : i32 {
      %mul3A_790 = arith.constant 16 : i32
      %mul3A_791 = arith.muli %while3A_788, %mul3A_790 : i32
      %get3A = arith.index_cast %mul3A_791 : i32 to index
      %get3A_792 = tpu.vector_load %arg7[%get3A] {strides = array<i32>} : memref<32768xf32, #tpu.memory_space<vmem>>, vector<16xf32>,
      %bitcast3A_793 = vector.bitcast %get3A_792 : vector<16xf32> to vector<16xi32>
      %shift_right_arithmetic3A_794 = arith.constant 31 : i32
      %shift_right_arithmetic3A_795 = vector.broadcast %shift_right_arithmetic3A_794 : i32 to vector<16xi32>
      %shift_right_arithmetic3A_796 = arith.shrsi %bitcast3A_793, %shift_right_arithmetic3A_795 : vector<16xi32>
      %and3A = arith.constant 2147483647 : i32
      %and3A_797 = vector.broadcast %and3A : i32 to vector<16xi32>
      %and3A_798 = arith.andi %shift_right_arithmetic3A_796, %and3A_797 : vector<16xi32>
      %or3A_799 = arith.constant -2147483648 : i32
      %or3A_800 = vector.broadcast %or3A_799 : i32 to vector<16xi32>
      %or3A_801 = arith.ori %or3A_800, %and3A_798 : vector<16xi32>
      %xor3A_802 = arith.xori %bitcast3A_793, %or3A_801 : vector<16xi32>
      %mul3A_803 = arith.constant 16 : i32
      %mul3A_804 = arith.muli %while3A_788, %mul3A_803 : i32
      %iota3A = tpu.iota {dimensions = array<i32: 0>} : vector<16xi32>
      %add3A_805 = vector.broadcast %mul3A_804 : i32 to vector<16xi32>
      %add3A_806 = arith.addi %add3A_805, %iota3A : vector<16xi32>
      %lt3A = vector.broadcast %add3A_126 : i32 to vector<16xi32>
      %lt3A_807 = arith.cmpi slt, %add3A_806, %lt3A : vector<16xi32>
      %broadcast_in_dim3A_808 = arith.constant 0 : i32
      %broadcast_in_dim3A_809 = vector.broadcast %broadcast_in_dim3A_808 : i32 to vector<16xi32>
      %select_n3A = arith.select %lt3A_807, %xor3A_802, %broadcast_in_dim3A_809 : vector<16xi1>, vector<16xi32>
      %bitcast3A_810 = vector.bitcast %select_n3A : vector<16xi32> to vector<16xf32>
      %mul3A_811 = arith.constant 16 : i32
      %mul3A_812 = arith.muli %while3A_788, %mul3A_811 : i32
      %swap3A = arith.index_cast %mul3A_812 : i32 to index
      %swap3A_813 = tpu.vector_load %arg7[%swap3A] {strides = array<i32>} : memref<32768xf32, #tpu.memory_space<vmem>>, vector<16xf32>,
      tpu.vector_store %arg7[%swap3A], %bitcast3A_810 {strides = array<i32>} : memref<32768xf32, #tpu.memory_space<vmem>>, vector<16xf32>,
      %while3A_814 = arith.constant 0 : i32
      scf.yield %while3A_814 : i32
    }
    %while3A_140 = arith.constant 1 : i32
    %while3A_141 = scf.for %while3A_788 = %while3A_137 to %while3A_133 step %while3A_140 iter_args(%while3A_789 = %while3A_139) -> (i32)  : i32 {
      %mul3A_790 = arith.constant 16 : i32
      %mul3A_791 = arith.muli %while3A_788, %mul3A_790 : i32
      %get3A = arith.index_cast %mul3A_791 : i32 to index
      %get3A_792 = tpu.vector_load %arg7[%get3A] {strides = array<i32>} : memref<32768xf32, #tpu.memory_space<vmem>>, vector<16xf32>,
      %bitcast3A_793 = vector.bitcast %get3A_792 : vector<16xf32> to vector<16xi32>
      %shift_right_arithmetic3A_794 = arith.constant 31 : i32
      %shift_right_arithmetic3A_795 = vector.broadcast %shift_right_arithmetic3A_794 : i32 to vector<16xi32>
      %shift_right_arithmetic3A_796 = arith.shrsi %bitcast3A_793, %shift_right_arithmetic3A_795 : vector<16xi32>
      %and3A = arith.constant 2147483647 : i32
      %and3A_797 = vector.broadcast %and3A : i32 to vector<16xi32>
      %and3A_798 = arith.andi %shift_right_arithmetic3A_796, %and3A_797 : vector<16xi32>
      %or3A_799 = arith.constant -2147483648 : i32
      %or3A_800 = vector.broadcast %or3A_799 : i32 to vector<16xi32>
      %or3A_801 = arith.ori %or3A_800, %and3A_798 : vector<16xi32>
      %xor3A_802 = arith.xori %bitcast3A_793, %or3A_801 : vector<16xi32>
      %mul3A_803 = arith.constant 16 : i32
      %mul3A_804 = arith.muli %while3A_788, %mul3A_803 : i32
      %iota3A = tpu.iota {dimensions = array<i32: 0>} : vector<16xi32>
      %add3A_805 = vector.broadcast %mul3A_804 : i32 to vector<16xi32>
      %add3A_806 = arith.addi %add3A_805, %iota3A : vector<16xi32>
      %lt3A = vector.broadcast %add3A_126 : i32 to vector<16xi32>
      %lt3A_807 = arith.cmpi slt, %add3A_806, %lt3A : vector<16xi32>
      %broadcast_in_dim3A_808 = arith.constant 0 : i32
      %broadcast_in_dim3A_809 = vector.broadcast %broadcast_in_dim3A_808 : i32 to vector<16xi32>
      %select_n3A = arith.select %lt3A_807, %xor3A_802, %broadcast_in_dim3A_809 : vector<16xi1>, vector<16xi32>
      %bitcast3A_810 = vector.bitcast %select_n3A : vector<16xi32> to vector<16xf32>
      %mul3A_811 = arith.constant 16 : i32
      %mul3A_812 = arith.muli %while3A_788, %mul3A_811 : i32
      %swap3A = arith.index_cast %mul3A_812 : i32 to index
      %swap3A_813 = tpu.vector_load %arg7[%swap3A] {strides = array<i32>} : memref<32768xf32, #tpu.memory_space<vmem>>, vector<16xf32>,
      tpu.vector_store %arg7[%swap3A], %bitcast3A_810 {strides = array<i32>} : memref<32768xf32, #tpu.memory_space<vmem>>, vector<16xf32>,
      %while3A_814 = arith.constant 0 : i32
      scf.yield %while3A_814 : i32
    }
    %scan3A_142 = arith.constant 0 : i32
    %scan3A_143 = arith.constant 64 : i32
    %scan3A_144 = arith.constant 0 : i32
    %scan3A_145 = arith.constant 32 : i32
    %scan3A_146 = arith.addi %scan3A_144, %scan3A_145 : i32
    %scan3A_147 = arith.constant 1 : i32
    %scan3A_148:2 = scf.for %scan3A_788 = %scan3A_144 to %scan3A_146 step %scan3A_147 iter_args(%scan3A_789 = %scan3A_142, %scan3A_790 = %scan3A_143) -> (i32, i32)  : i32 {
      %sub3A_791 = arith.constant 31 : i32
      %sub3A_792 = arith.subi %sub3A_791, %scan3A_788 : i32
      %shift_left3A = arith.constant -1 : i32
      %shift_left3A_793 = arith.shli %shift_left3A, %sub3A_792 : i32
      %shift_left3A_794 = arith.constant 1 : i32
      %shift_left3A_795 = arith.shli %shift_left3A_794, %sub3A_792 : i32
      %or3A_796 = arith.ori %scan3A_789, %shift_left3A_795 : i32
      %broadcast_in_dim3A_797 = arith.constant 0 : i32
      %broadcast_in_dim3A_798 = vector.broadcast %broadcast_in_dim3A_797 : i32 to vector<16xi32>
      %parallel_loop3A_799 = arith.constant 0 : i32
      %parallel_loop3A_800 = arith.constant 1 : i32
      %parallel_loop3A_801 = scf.for %parallel_loop3A_809 = %parallel_loop3A_799 to %shift_right_arithmetic3A_130 step %parallel_loop3A_800 iter_args(%parallel_loop3A_810 = %broadcast_in_dim3A_798) -> (vector<16xi32>)  : i32 {
        %parallel_loop3A_811 = arith.constant 16 : i32
        %parallel_loop3A_812 = arith.muli %parallel_loop3A_809, %parallel_loop3A_811 : i32
        %parallel_loop3A_813 = arith.index_cast %parallel_loop3A_812 : i32 to index
        %parallel_loop3A_814 = tpu.vector_load %arg7[%parallel_loop3A_813] {strides = array<i32>} : memref<32768xf32, #tpu.memory_space<vmem>>, vector<16xf32>,
        %parallel_loop3A_815 = vector.bitcast %parallel_loop3A_814 : vector<16xf32> to vector<16xi32>
        %parallel_loop3A_816 = vector.broadcast %shift_left3A_793 : i32 to vector<16xi32>
        %parallel_loop3A_817 = arith.andi %parallel_loop3A_815, %parallel_loop3A_816 : vector<16xi32>
        %parallel_loop3A_818 = vector.broadcast %or3A_796 : i32 to vector<16xi32>
        %parallel_loop3A_819 = arith.cmpi eq, %parallel_loop3A_817, %parallel_loop3A_818 : vector<16xi32>
        %parallel_loop3A_820 = arith.constant 1 : i32
        %parallel_loop3A_821 = arith.constant 0 : i32
        %parallel_loop3A_822 = vector.broadcast %parallel_loop3A_820 : i32 to vector<16xi32>
        %parallel_loop3A_823 = vector.broadcast %parallel_loop3A_821 : i32 to vector<16xi32>
        %parallel_loop3A_824 = arith.select %parallel_loop3A_819, %parallel_loop3A_822, %parallel_loop3A_823 : vector<16xi1>, vector<16xi32>
        %parallel_loop3A_825 = arith.addi %parallel_loop3A_810, %parallel_loop3A_824 : vector<16xi32>
        scf.yield %parallel_loop3A_825 : vector<16xi32>
      } {sc.loop_unroll_factor = 2 : i64, sc.parallel_access}
      %broadcast_in_dim3A_802 = arith.constant true
      %broadcast_in_dim3A_803 = vector.broadcast %broadcast_in_dim3A_802 : i1 to vector<16xi1>
      %masked_cumsum3A_804 = tpu.scan <sum>, %parallel_loop3A_801 masked %broadcast_in_dim3A_803 : vector<16xi32>, vector<16xi1> -> vector<16xi32>
      %slice3A_805 = vector.extract_strided_slice %masked_cumsum3A_804 {offsets = [15], sizes = [1], strides = [1]} : vector<16xi32> to vector<1xi32>
      %squeeze3A_806 = vector.extract %slice3A_805[0] : i32 from vector<1xi32>
      %ge3A = arith.cmpi sge, %squeeze3A_806, %scan3A_790 : i32
      %select_n3A = arith.select %ge3A, %or3A_796, %scan3A_789 : i32
      %sub3A_807 = arith.subi %scan3A_790, %squeeze3A_806 : i32
      %select_n3A_808 = arith.select %ge3A, %scan3A_790, %sub3A_807 : i32
      scf.yield %select_n3A, %select_n3A_808 : i32, i32
    }
    %scan3A_149 = arith.constant 32 : i32
    %broadcast_in_dim3A_150 = vector.broadcast %scan3A_148#0 : i32 to vector<16xi32>
    %shift_right_arithmetic3A_151 = arith.constant 31 : i32
    %shift_right_arithmetic3A_152 = vector.broadcast %shift_right_arithmetic3A_151 : i32 to vector<16xi32>
    %shift_right_arithmetic3A_153 = arith.shrsi %broadcast_in_dim3A_150, %shift_right_arithmetic3A_152 : vector<16xi32>
    %not3A_154 = arith.constant dense<-1> : vector<16xi32>
    %not3A_155 = arith.xori %shift_right_arithmetic3A_153, %not3A_154 : vector<16xi32>
    %or3A_156 = arith.constant -2147483648 : i32
    %or3A_157 = vector.broadcast %or3A_156 : i32 to vector<16xi32>
    %or3A_158 = arith.ori %or3A_157, %not3A_155 : vector<16xi32>
    %xor3A_159 = arith.xori %broadcast_in_dim3A_150, %or3A_158 : vector<16xi32>
    %bitcast3A_160 = vector.bitcast %xor3A_159 : vector<16xi32> to vector<16xf32>
    %parallel_loop3A_161 = arith.constant 0 : i32
    %parallel_loop3A_162 = arith.constant 2048 : i32
    %parallel_loop3A_163 = arith.constant 1 : i32
    scf.for %parallel_loop3A_788 = %parallel_loop3A_161 to %parallel_loop3A_162 step %parallel_loop3A_163  : i32 {
      %parallel_loop3A_789 = arith.constant 16 : i32
      %parallel_loop3A_790 = arith.muli %parallel_loop3A_788, %parallel_loop3A_789 : i32
      %parallel_loop3A_791 = arith.index_cast %parallel_loop3A_790 : i32 to index
      %parallel_loop3A_792 = tpu.vector_load %arg6[%parallel_loop3A_791] {strides = array<i32>} : memref<32768xf32, #tpu.memory_space<vmem>>, vector<16xf32>,
      %parallel_loop3A_793 = arith.cmpf oge, %parallel_loop3A_792, %bitcast3A_160 : vector<16xf32>
      %parallel_loop3A_794 = arith.constant -1.000000e+09 : f32
      %parallel_loop3A_795 = vector.broadcast %parallel_loop3A_794 : f32 to vector<16xf32>
      %parallel_loop3A_796 = arith.select %parallel_loop3A_793, %parallel_loop3A_792, %parallel_loop3A_795 : vector<16xi1>, vector<16xf32>
      %parallel_loop3A_797 = arith.constant 16 : i32
      %parallel_loop3A_798 = arith.muli %parallel_loop3A_788, %parallel_loop3A_797 : i32
      %parallel_loop3A_799 = arith.index_cast %parallel_loop3A_798 : i32 to index
      %parallel_loop3A_800 = tpu.vector_load %arg7[%parallel_loop3A_799] {strides = array<i32>} : memref<32768xf32, #tpu.memory_space<vmem>>, vector<16xf32>,
      tpu.vector_store %arg7[%parallel_loop3A_799], %parallel_loop3A_796 {strides = array<i32>} : memref<32768xf32, #tpu.memory_space<vmem>>, vector<16xf32>,
    } {sc.loop_unroll_factor = 8 : i64, sc.parallel_access}
    %dma_start3A_164 = arith.constant 0 : i32
    %dma_start3A_165 = tpu.memref_slice %arg4[%add3A_4, %dma_start3A_164] : memref<128x32768xf32, #tpu.memory_space<hbm>> -> memref<1x32768xf32, #tpu.memory_space<hbm>>
    %dma_start3A_166 = tpu.memref_squeeze %dma_start3A_165 : memref<1x32768xf32, #tpu.memory_space<hbm>> -> memref<32768xf32, #tpu.memory_space<hbm>>
    %dma_start3A_167 = arith.constant 0 : i32
    %dma_start3A_168 = tpu.memref_slice %arg4[%add3A_4, %dma_start3A_167] : memref<128x32768xf32, #tpu.memory_space<hbm>> -> memref<1x32768xf32, #tpu.memory_space<hbm>>
    %dma_start3A_169 = tpu.memref_squeeze %dma_start3A_168 : memref<1x32768xf32, #tpu.memory_space<hbm>> -> memref<32768xf32, #tpu.memory_space<hbm>>
    tpu.enqueue_dma source(%arg7 : memref<32768xf32, #tpu.memory_space<vmem>>) target(%dma_start3A_169 : memref<32768xf32, #tpu.memory_space<hbm>>) target_semaphore(%arg11 : memref<!tpu.dma_semaphore, #tpu.memory_space<semaphore_mem>>)
    %add3A_170 = arith.constant 1 : i32
    %add3A_171 = arith.addi %add3A_4, %add3A_170 : i32
    %dma_start3A_172 = arith.constant 0 : i32
    %dma_start3A_173 = tpu.memref_slice %arg3[%add3A_171, %dma_start3A_172] : memref<128x32768xf32, #tpu.memory_space<hbm>> -> memref<1x32768xf32, #tpu.memory_space<hbm>>
    %dma_start3A_174 = tpu.memref_squeeze %dma_start3A_173 : memref<1x32768xf32, #tpu.memory_space<hbm>> -> memref<32768xf32, #tpu.memory_space<hbm>>
    %dma_start3A_175 = arith.constant 0 : i32
    %dma_start3A_176 = tpu.memref_slice %arg3[%add3A_171, %dma_start3A_175] : memref<128x32768xf32, #tpu.memory_space<hbm>> -> memref<1x32768xf32, #tpu.memory_space<hbm>>
    %dma_start3A_177 = tpu.memref_squeeze %dma_start3A_176 : memref<1x32768xf32, #tpu.memory_space<hbm>> -> memref<32768xf32, #tpu.memory_space<hbm>>
    tpu.enqueue_dma source(%dma_start3A_177 : memref<32768xf32, #tpu.memory_space<hbm>>) target(%arg6 : memref<32768xf32, #tpu.memory_space<vmem>>) target_semaphore(%arg10 : memref<!tpu.dma_semaphore, #tpu.memory_space<semaphore_mem>>)
    %add3A_178 = arith.constant 1 : i32
    %add3A_179 = arith.addi %mul3A_2, %add3A_178 : i32
    %dma_wait3A = arith.constant 0 : i32
    %dma_wait3A_180 = tpu.memref_slice %arg2[%add3A_88, %dma_wait3A] : memref<128x32768xf32, #tpu.memory_space<hbm>> -> memref<1x32768xf32, #tpu.memory_space<hbm>>
    %dma_wait3A_181 = tpu.memref_squeeze %dma_wait3A_180 : memref<1x32768xf32, #tpu.memory_space<hbm>> -> memref<32768xf32, #tpu.memory_space<hbm>>
    %dma_wait3A_182 = arith.constant 0 : i32
    %dma_wait3A_183 = tpu.memref_slice %arg2[%add3A_88, %dma_wait3A_182] : memref<128x32768xf32, #tpu.memory_space<hbm>> -> memref<1x32768xf32, #tpu.memory_space<hbm>>
    %dma_wait3A_184 = tpu.memref_squeeze %dma_wait3A_183 : memref<1x32768xf32, #tpu.memory_space<hbm>> -> memref<32768xf32, #tpu.memory_space<hbm>>
    tpu.wait_dma2 semaphore(%arg9 : memref<!tpu.dma_semaphore, #tpu.memory_space<semaphore_mem>>) src(%dma_wait3A_184 : memref<32768xf32, #tpu.memory_space<hbm>>) dst(%arg5 : memref<32768xf32, #tpu.memory_space<vmem>>)
    %dma_wait3A_185 = arith.constant 0 : i32
    %dma_wait3A_186 = tpu.memref_slice %arg3[%add3A_171, %dma_wait3A_185] : memref<128x32768xf32, #tpu.memory_space<hbm>> -> memref<1x32768xf32, #tpu.memory_space<hbm>>
    %dma_wait3A_187 = tpu.memref_squeeze %dma_wait3A_186 : memref<1x32768xf32, #tpu.memory_space<hbm>> -> memref<32768xf32, #tpu.memory_space<hbm>>
    %dma_wait3A_188 = arith.constant 0 : i32
    %dma_wait3A_189 = tpu.memref_slice %arg3[%add3A_171, %dma_wait3A_188] : memref<128x32768xf32, #tpu.memory_space<hbm>> -> memref<1x32768xf32, #tpu.memory_space<hbm>>
    %dma_wait3A_190 = tpu.memref_squeeze %dma_wait3A_189 : memref<1x32768xf32, #tpu.memory_space<hbm>> -> memref<32768xf32, #tpu.memory_space<hbm>>
    tpu.wait_dma2 semaphore(%arg10 : memref<!tpu.dma_semaphore, #tpu.memory_space<semaphore_mem>>) src(%dma_wait3A_190 : memref<32768xf32, #tpu.memory_space<hbm>>) dst(%arg6 : memref<32768xf32, #tpu.memory_space<vmem>>)
    %broadcast_in_dim3A_191 = arith.constant 0.000000e+00 : f32
    %broadcast_in_dim3A_192 = vector.broadcast %broadcast_in_dim3A_191 : f32 to vector<16xf32>
    %parallel_loop3A_193 = arith.constant 0 : i32
    %parallel_loop3A_194 = arith.constant 2048 : i32
    %parallel_loop3A_195 = arith.constant 1 : i32
    %parallel_loop3A_196 = scf.for %parallel_loop3A_788 = %parallel_loop3A_193 to %parallel_loop3A_194 step %parallel_loop3A_195 iter_args(%parallel_loop3A_789 = %broadcast_in_dim3A_192) -> (vector<16xf32>)  : i32 {
      %parallel_loop3A_790 = arith.constant 16 : i32
      %parallel_loop3A_791 = arith.muli %parallel_loop3A_788, %parallel_loop3A_790 : i32
      %parallel_loop3A_792 = arith.index_cast %parallel_loop3A_791 : i32 to index
      %parallel_loop3A_793 = tpu.vector_load %arg5[%parallel_loop3A_792] {strides = array<i32>} : memref<32768xf32, #tpu.memory_space<vmem>>, vector<16xf32>,
      %parallel_loop3A_794 = arith.mulf %parallel_loop3A_793, %parallel_loop3A_793 : vector<16xf32>
      %parallel_loop3A_795 = arith.addf %parallel_loop3A_789, %parallel_loop3A_794 : vector<16xf32>
      scf.yield %parallel_loop3A_795 : vector<16xf32>
    } {sc.loop_unroll_factor = 8 : i64, sc.parallel_access}
    %broadcast_in_dim3A_197 = arith.constant true
    %broadcast_in_dim3A_198 = vector.broadcast %broadcast_in_dim3A_197 : i1 to vector<16xi1>
    %masked_cumsum3A_199 = tpu.scan <sum>, %parallel_loop3A_196 masked %broadcast_in_dim3A_198 : vector<16xf32>, vector<16xi1> -> vector<16xf32>
    %slice3A_200 = vector.extract_strided_slice %masked_cumsum3A_199 {offsets = [15], sizes = [1], strides = [1]} : vector<16xf32> to vector<1xf32>
    %squeeze3A_201 = vector.extract %slice3A_200[0] : f32 from vector<1xf32>
    %broadcast_in_dim3A_202 = vector.broadcast %squeeze3A_201 : f32 to vector<16xf32>
    %bitcast3A_203 = vector.bitcast %broadcast_in_dim3A_202 : vector<16xf32> to vector<16xi32>
    %shift_right_arithmetic3A_204 = arith.constant 1 : i32
    %shift_right_arithmetic3A_205 = vector.broadcast %shift_right_arithmetic3A_204 : i32 to vector<16xi32>
    %shift_right_arithmetic3A_206 = arith.shrsi %bitcast3A_203, %shift_right_arithmetic3A_205 : vector<16xi32>
    %sub3A_207 = arith.constant 1597463007 : i32
    %sub3A_208 = vector.broadcast %sub3A_207 : i32 to vector<16xi32>
    %sub3A_209 = arith.subi %sub3A_208, %shift_right_arithmetic3A_206 : vector<16xi32>
    %bitcast3A_210 = vector.bitcast %sub3A_209 : vector<16xi32> to vector<16xf32>
    %mul3A_211 = arith.constant 5.000000e-01 : f32
    %mul3A_212 = vector.broadcast %mul3A_211 : f32 to vector<16xf32>
    %mul3A_213 = arith.mulf %mul3A_212, %broadcast_in_dim3A_202 : vector<16xf32>
    %mul3A_214 = arith.mulf %mul3A_213, %bitcast3A_210 : vector<16xf32>
    %mul3A_215 = arith.mulf %mul3A_214, %bitcast3A_210 : vector<16xf32>
    %sub3A_216 = arith.constant 1.500000e+00 : f32
    %sub3A_217 = vector.broadcast %sub3A_216 : f32 to vector<16xf32>
    %sub3A_218 = arith.subf %sub3A_217, %mul3A_215 : vector<16xf32>
    %mul3A_219 = arith.mulf %bitcast3A_210, %sub3A_218 : vector<16xf32>
    %mul3A_220 = arith.constant 5.000000e-01 : f32
    %mul3A_221 = vector.broadcast %mul3A_220 : f32 to vector<16xf32>
    %mul3A_222 = arith.mulf %mul3A_221, %broadcast_in_dim3A_202 : vector<16xf32>
    %mul3A_223 = arith.mulf %mul3A_222, %mul3A_219 : vector<16xf32>
    %mul3A_224 = arith.mulf %mul3A_223, %mul3A_219 : vector<16xf32>
    %sub3A_225 = arith.constant 1.500000e+00 : f32
    %sub3A_226 = vector.broadcast %sub3A_225 : f32 to vector<16xf32>
    %sub3A_227 = arith.subf %sub3A_226, %mul3A_224 : vector<16xf32>
    %mul3A_228 = arith.mulf %mul3A_219, %sub3A_227 : vector<16xf32>
    %mul3A_229 = arith.constant 5.000000e-01 : f32
    %mul3A_230 = vector.broadcast %mul3A_229 : f32 to vector<16xf32>
    %mul3A_231 = arith.mulf %mul3A_230, %broadcast_in_dim3A_202 : vector<16xf32>
    %mul3A_232 = arith.mulf %mul3A_231, %mul3A_228 : vector<16xf32>
    %mul3A_233 = arith.mulf %mul3A_232, %mul3A_228 : vector<16xf32>
    %sub3A_234 = arith.constant 1.500000e+00 : f32
    %sub3A_235 = vector.broadcast %sub3A_234 : f32 to vector<16xf32>
    %sub3A_236 = arith.subf %sub3A_235, %mul3A_233 : vector<16xf32>
    %mul3A_237 = arith.mulf %mul3A_228, %sub3A_236 : vector<16xf32>
    %mul3A_238 = arith.mulf %broadcast_in_dim3A_202, %mul3A_237 : vector<16xf32>
    %bitcast3A_239 = vector.bitcast %mul3A_238 : vector<16xf32> to vector<16xi32>
    %shift_right_arithmetic3A_240 = arith.constant 1 : i32
    %shift_right_arithmetic3A_241 = vector.broadcast %shift_right_arithmetic3A_240 : i32 to vector<16xi32>
    %shift_right_arithmetic3A_242 = arith.shrsi %bitcast3A_239, %shift_right_arithmetic3A_241 : vector<16xi32>
    %sub3A_243 = arith.constant 1597463007 : i32
    %sub3A_244 = vector.broadcast %sub3A_243 : i32 to vector<16xi32>
    %sub3A_245 = arith.subi %sub3A_244, %shift_right_arithmetic3A_242 : vector<16xi32>
    %bitcast3A_246 = vector.bitcast %sub3A_245 : vector<16xi32> to vector<16xf32>
    %mul3A_247 = arith.constant 5.000000e-01 : f32
    %mul3A_248 = vector.broadcast %mul3A_247 : f32 to vector<16xf32>
    %mul3A_249 = arith.mulf %mul3A_248, %mul3A_238 : vector<16xf32>
    %mul3A_250 = arith.mulf %mul3A_249, %bitcast3A_246 : vector<16xf32>
    %mul3A_251 = arith.mulf %mul3A_250, %bitcast3A_246 : vector<16xf32>
    %sub3A_252 = arith.constant 1.500000e+00 : f32
    %sub3A_253 = vector.broadcast %sub3A_252 : f32 to vector<16xf32>
    %sub3A_254 = arith.subf %sub3A_253, %mul3A_251 : vector<16xf32>
    %mul3A_255 = arith.mulf %bitcast3A_246, %sub3A_254 : vector<16xf32>
    %mul3A_256 = arith.constant 5.000000e-01 : f32
    %mul3A_257 = vector.broadcast %mul3A_256 : f32 to vector<16xf32>
    %mul3A_258 = arith.mulf %mul3A_257, %mul3A_238 : vector<16xf32>
    %mul3A_259 = arith.mulf %mul3A_258, %mul3A_255 : vector<16xf32>
    %mul3A_260 = arith.mulf %mul3A_259, %mul3A_255 : vector<16xf32>
    %sub3A_261 = arith.constant 1.500000e+00 : f32
    %sub3A_262 = vector.broadcast %sub3A_261 : f32 to vector<16xf32>
    %sub3A_263 = arith.subf %sub3A_262, %mul3A_260 : vector<16xf32>
    %mul3A_264 = arith.mulf %mul3A_255, %sub3A_263 : vector<16xf32>
    %mul3A_265 = arith.constant 5.000000e-01 : f32
    %mul3A_266 = vector.broadcast %mul3A_265 : f32 to vector<16xf32>
    %mul3A_267 = arith.mulf %mul3A_266, %mul3A_238 : vector<16xf32>
    %mul3A_268 = arith.mulf %mul3A_267, %mul3A_264 : vector<16xf32>
    %mul3A_269 = arith.mulf %mul3A_268, %mul3A_264 : vector<16xf32>
    %sub3A_270 = arith.constant 1.500000e+00 : f32
    %sub3A_271 = vector.broadcast %sub3A_270 : f32 to vector<16xf32>
    %sub3A_272 = arith.subf %sub3A_271, %mul3A_269 : vector<16xf32>
    %mul3A_273 = arith.mulf %mul3A_264, %sub3A_272 : vector<16xf32>
    %mul3A_274 = arith.mulf %mul3A_238, %mul3A_273 : vector<16xf32>
    %scan3A_275 = arith.constant 0 : i32
    %scan3A_276 = arith.constant 0 : i32
    %scan3A_277 = arith.constant 16 : i32
    %scan3A_278 = arith.addi %scan3A_276, %scan3A_277 : i32
    %scan3A_279 = arith.constant 1 : i32
    %scan3A_280 = scf.for %scan3A_788 = %scan3A_276 to %scan3A_278 step %scan3A_279 iter_args(%scan3A_789 = %scan3A_275) -> (i32)  : i32 {
      %mul3A_790 = arith.constant 128 : i32
      %mul3A_791 = arith.muli %scan3A_788, %mul3A_790 : i32
      %add3A_792 = arith.constant 128 : i32
      %add3A_793 = arith.addi %mul3A_791, %add3A_792 : i32
      %broadcast_in_dim3A_794 = arith.constant -3.000000e+38 : f32
      %broadcast_in_dim3A_795 = vector.broadcast %broadcast_in_dim3A_794 : f32 to vector<16xf32>
      %parallel_loop3A_796 = arith.constant 1 : i32
      %parallel_loop3A_797 = scf.for %parallel_loop3A_802 = %mul3A_791 to %add3A_793 step %parallel_loop3A_796 iter_args(%parallel_loop3A_803 = %broadcast_in_dim3A_795) -> (vector<16xf32>)  : i32 {
        %parallel_loop3A_804 = arith.constant 16 : i32
        %parallel_loop3A_805 = arith.muli %parallel_loop3A_802, %parallel_loop3A_804 : i32
        %parallel_loop3A_806 = arith.index_cast %parallel_loop3A_805 : i32 to index
        %parallel_loop3A_807 = tpu.vector_load %arg5[%parallel_loop3A_806] {strides = array<i32>} : memref<32768xf32, #tpu.memory_space<vmem>>, vector<16xf32>,
        %parallel_loop3A_808 = arith.constant 16 : i32
        %parallel_loop3A_809 = arith.muli %parallel_loop3A_802, %parallel_loop3A_808 : i32
        %parallel_loop3A_810 = arith.index_cast %parallel_loop3A_809 : i32 to index
        %parallel_loop3A_811 = tpu.vector_load %arg6[%parallel_loop3A_810] {strides = array<i32>} : memref<32768xf32, #tpu.memory_space<vmem>>, vector<16xf32>,
        %parallel_loop3A_812 = arith.mulf %parallel_loop3A_811, %mul3A_274 : vector<16xf32>
        %parallel_loop3A_813 = arith.addf %parallel_loop3A_807, %parallel_loop3A_812 : vector<16xf32>
        %parallel_loop3A_814 = arith.constant 16 : i32
        %parallel_loop3A_815 = arith.muli %parallel_loop3A_802, %parallel_loop3A_814 : i32
        %parallel_loop3A_816 = arith.index_cast %parallel_loop3A_815 : i32 to index
        %parallel_loop3A_817 = tpu.vector_load %arg6[%parallel_loop3A_816] {strides = array<i32>} : memref<32768xf32, #tpu.memory_space<vmem>>, vector<16xf32>,
        tpu.vector_store %arg6[%parallel_loop3A_816], %parallel_loop3A_813 {strides = array<i32>} : memref<32768xf32, #tpu.memory_space<vmem>>, vector<16xf32>,
        %parallel_loop3A_818 = arith.maximumf %parallel_loop3A_803, %parallel_loop3A_813 : vector<16xf32>
        scf.yield %parallel_loop3A_818 : vector<16xf32>
      } {sc.loop_unroll_factor = 8 : i64, sc.parallel_access}
      %mul3A_798 = arith.constant 16 : i32
      %mul3A_799 = arith.muli %scan3A_788, %mul3A_798 : i32
      %swap3A = arith.index_cast %mul3A_799 : i32 to index
      %swap3A_800 = tpu.vector_load %arg8[%swap3A] {strides = array<i32>} : memref<256xf32, #tpu.memory_space<vmem>>, vector<16xf32>,
      tpu.vector_store %arg8[%swap3A], %parallel_loop3A_797 {strides = array<i32>} : memref<256xf32, #tpu.memory_space<vmem>>, vector<16xf32>,
      %scan3A_801 = arith.constant 0 : i32
      scf.yield %scan3A_801 : i32
    }
    %scan3A_281 = arith.constant 16 : i32
    %add3A_282 = arith.constant 1 : i32
    %add3A_283 = arith.addi %add3A_179, %add3A_282 : i32
    %dma_start3A_284 = arith.constant 0 : i32
    %dma_start3A_285 = tpu.memref_slice %arg2[%add3A_283, %dma_start3A_284] : memref<128x32768xf32, #tpu.memory_space<hbm>> -> memref<1x32768xf32, #tpu.memory_space<hbm>>
    %dma_start3A_286 = tpu.memref_squeeze %dma_start3A_285 : memref<1x32768xf32, #tpu.memory_space<hbm>> -> memref<32768xf32, #tpu.memory_space<hbm>>
    %dma_start3A_287 = arith.constant 0 : i32
    %dma_start3A_288 = tpu.memref_slice %arg2[%add3A_283, %dma_start3A_287] : memref<128x32768xf32, #tpu.memory_space<hbm>> -> memref<1x32768xf32, #tpu.memory_space<hbm>>
    %dma_start3A_289 = tpu.memref_squeeze %dma_start3A_288 : memref<1x32768xf32, #tpu.memory_space<hbm>> -> memref<32768xf32, #tpu.memory_space<hbm>>
    tpu.enqueue_dma source(%dma_start3A_289 : memref<32768xf32, #tpu.memory_space<hbm>>) target(%arg5 : memref<32768xf32, #tpu.memory_space<vmem>>) target_semaphore(%arg9 : memref<!tpu.dma_semaphore, #tpu.memory_space<semaphore_mem>>)
    %scan3A_290 = arith.constant 0 : i32
    %scan3A_291 = arith.constant 0 : i32
    %scan3A_292 = arith.constant 16 : i32
    %scan3A_293 = arith.addi %scan3A_291, %scan3A_292 : i32
    %scan3A_294 = arith.constant 1 : i32
    %scan3A_295 = scf.for %scan3A_788 = %scan3A_291 to %scan3A_293 step %scan3A_294 iter_args(%scan3A_789 = %scan3A_290) -> (i32)  : i32 {
      %mul3A_790 = arith.constant 16 : i32
      %mul3A_791 = arith.muli %scan3A_788, %mul3A_790 : i32
      %get3A = arith.index_cast %mul3A_791 : i32 to index
      %get3A_792 = tpu.vector_load %arg8[%get3A] {strides = array<i32>} : memref<256xf32, #tpu.memory_space<vmem>>, vector<16xf32>,
      %bitcast3A_793 = vector.bitcast %get3A_792 : vector<16xf32> to vector<16xi32>
      %shift_right_arithmetic3A_794 = arith.constant 31 : i32
      %shift_right_arithmetic3A_795 = vector.broadcast %shift_right_arithmetic3A_794 : i32 to vector<16xi32>
      %shift_right_arithmetic3A_796 = arith.shrsi %bitcast3A_793, %shift_right_arithmetic3A_795 : vector<16xi32>
      %and3A = arith.constant 2147483647 : i32
      %and3A_797 = vector.broadcast %and3A : i32 to vector<16xi32>
      %and3A_798 = arith.andi %shift_right_arithmetic3A_796, %and3A_797 : vector<16xi32>
      %or3A_799 = arith.constant -2147483648 : i32
      %or3A_800 = vector.broadcast %or3A_799 : i32 to vector<16xi32>
      %or3A_801 = arith.ori %or3A_800, %and3A_798 : vector<16xi32>
      %xor3A_802 = arith.xori %bitcast3A_793, %or3A_801 : vector<16xi32>
      %bitcast3A_803 = vector.bitcast %xor3A_802 : vector<16xi32> to vector<16xf32>
      %mul3A_804 = arith.constant 16 : i32
      %mul3A_805 = arith.muli %scan3A_788, %mul3A_804 : i32
      %swap3A = arith.index_cast %mul3A_805 : i32 to index
      %swap3A_806 = tpu.vector_load %arg8[%swap3A] {strides = array<i32>} : memref<256xf32, #tpu.memory_space<vmem>>, vector<16xf32>,
      tpu.vector_store %arg8[%swap3A], %bitcast3A_803 {strides = array<i32>} : memref<256xf32, #tpu.memory_space<vmem>>, vector<16xf32>,
      %scan3A_807 = arith.constant 0 : i32
      scf.yield %scan3A_807 : i32
    }
    %scan3A_296 = arith.constant 16 : i32
    %scan3A_297 = arith.constant 0 : i32
    %scan3A_298 = arith.constant 64 : i32
    %scan3A_299 = arith.constant 0 : i32
    %scan3A_300 = arith.constant 32 : i32
    %scan3A_301 = arith.addi %scan3A_299, %scan3A_300 : i32
    %scan3A_302 = arith.constant 1 : i32
    %scan3A_303:2 = scf.for %scan3A_788 = %scan3A_299 to %scan3A_301 step %scan3A_302 iter_args(%scan3A_789 = %scan3A_297, %scan3A_790 = %scan3A_298) -> (i32, i32)  : i32 {
      %sub3A_791 = arith.constant 31 : i32
      %sub3A_792 = arith.subi %sub3A_791, %scan3A_788 : i32
      %shift_left3A = arith.constant -1 : i32
      %shift_left3A_793 = arith.shli %shift_left3A, %sub3A_792 : i32
      %shift_left3A_794 = arith.constant 1 : i32
      %shift_left3A_795 = arith.shli %shift_left3A_794, %sub3A_792 : i32
      %or3A_796 = arith.ori %scan3A_789, %shift_left3A_795 : i32
      %broadcast_in_dim3A_797 = arith.constant 0 : i32
      %broadcast_in_dim3A_798 = vector.broadcast %broadcast_in_dim3A_797 : i32 to vector<16xi32>
      %parallel_loop3A_799 = arith.constant 0 : i32
      %parallel_loop3A_800 = arith.constant 16 : i32
      %parallel_loop3A_801 = arith.constant 1 : i32
      %parallel_loop3A_802 = scf.for %parallel_loop3A_810 = %parallel_loop3A_799 to %parallel_loop3A_800 step %parallel_loop3A_801 iter_args(%parallel_loop3A_811 = %broadcast_in_dim3A_798) -> (vector<16xi32>)  : i32 {
        %parallel_loop3A_812 = arith.constant 16 : i32
        %parallel_loop3A_813 = arith.muli %parallel_loop3A_810, %parallel_loop3A_812 : i32
        %parallel_loop3A_814 = arith.index_cast %parallel_loop3A_813 : i32 to index
        %parallel_loop3A_815 = tpu.vector_load %arg8[%parallel_loop3A_814] {strides = array<i32>} : memref<256xf32, #tpu.memory_space<vmem>>, vector<16xf32>,
        %parallel_loop3A_816 = vector.bitcast %parallel_loop3A_815 : vector<16xf32> to vector<16xi32>
        %parallel_loop3A_817 = vector.broadcast %shift_left3A_793 : i32 to vector<16xi32>
        %parallel_loop3A_818 = arith.andi %parallel_loop3A_816, %parallel_loop3A_817 : vector<16xi32>
        %parallel_loop3A_819 = vector.broadcast %or3A_796 : i32 to vector<16xi32>
        %parallel_loop3A_820 = arith.cmpi eq, %parallel_loop3A_818, %parallel_loop3A_819 : vector<16xi32>
        %parallel_loop3A_821 = arith.constant 1 : i32
        %parallel_loop3A_822 = arith.constant 0 : i32
        %parallel_loop3A_823 = vector.broadcast %parallel_loop3A_821 : i32 to vector<16xi32>
        %parallel_loop3A_824 = vector.broadcast %parallel_loop3A_822 : i32 to vector<16xi32>
        %parallel_loop3A_825 = arith.select %parallel_loop3A_820, %parallel_loop3A_823, %parallel_loop3A_824 : vector<16xi1>, vector<16xi32>
        %parallel_loop3A_826 = arith.addi %parallel_loop3A_811, %parallel_loop3A_825 : vector<16xi32>
        scf.yield %parallel_loop3A_826 : vector<16xi32>
      } {sc.loop_unroll_factor = 4 : i64, sc.parallel_access}
      %broadcast_in_dim3A_803 = arith.constant true
      %broadcast_in_dim3A_804 = vector.broadcast %broadcast_in_dim3A_803 : i1 to vector<16xi1>
      %masked_cumsum3A_805 = tpu.scan <sum>, %parallel_loop3A_802 masked %broadcast_in_dim3A_804 : vector<16xi32>, vector<16xi1> -> vector<16xi32>
      %slice3A_806 = vector.extract_strided_slice %masked_cumsum3A_805 {offsets = [15], sizes = [1], strides = [1]} : vector<16xi32> to vector<1xi32>
      %squeeze3A_807 = vector.extract %slice3A_806[0] : i32 from vector<1xi32>
      %ge3A = arith.cmpi sge, %squeeze3A_807, %scan3A_790 : i32
      %select_n3A = arith.select %ge3A, %or3A_796, %scan3A_789 : i32
      %sub3A_808 = arith.subi %scan3A_790, %squeeze3A_807 : i32
      %select_n3A_809 = arith.select %ge3A, %scan3A_790, %sub3A_808 : i32
      scf.yield %select_n3A, %select_n3A_809 : i32, i32
    }
    %scan3A_304 = arith.constant 32 : i32
    %broadcast_in_dim3A_305 = vector.broadcast %scan3A_303#0 : i32 to vector<16xi32>
    %shift_right_arithmetic3A_306 = arith.constant 31 : i32
    %shift_right_arithmetic3A_307 = vector.broadcast %shift_right_arithmetic3A_306 : i32 to vector<16xi32>
    %shift_right_arithmetic3A_308 = arith.shrsi %broadcast_in_dim3A_305, %shift_right_arithmetic3A_307 : vector<16xi32>
    %not3A_309 = arith.constant dense<-1> : vector<16xi32>
    %not3A_310 = arith.xori %shift_right_arithmetic3A_308, %not3A_309 : vector<16xi32>
    %or3A_311 = arith.constant -2147483648 : i32
    %or3A_312 = vector.broadcast %or3A_311 : i32 to vector<16xi32>
    %or3A_313 = arith.ori %or3A_312, %not3A_310 : vector<16xi32>
    %xor3A_314 = arith.xori %broadcast_in_dim3A_305, %or3A_313 : vector<16xi32>
    %bitcast3A_315 = vector.bitcast %xor3A_314 : vector<16xi32> to vector<16xf32>
    %dma_wait3A_316 = arith.constant 0 : i32
    %dma_wait3A_317 = tpu.memref_slice %arg4[%add3A_4, %dma_wait3A_316] : memref<128x32768xf32, #tpu.memory_space<hbm>> -> memref<1x32768xf32, #tpu.memory_space<hbm>>
    %dma_wait3A_318 = tpu.memref_squeeze %dma_wait3A_317 : memref<1x32768xf32, #tpu.memory_space<hbm>> -> memref<32768xf32, #tpu.memory_space<hbm>>
    %dma_wait3A_319 = arith.constant 0 : i32
    %dma_wait3A_320 = tpu.memref_slice %arg4[%add3A_4, %dma_wait3A_319] : memref<128x32768xf32, #tpu.memory_space<hbm>> -> memref<1x32768xf32, #tpu.memory_space<hbm>>
    %dma_wait3A_321 = tpu.memref_squeeze %dma_wait3A_320 : memref<1x32768xf32, #tpu.memory_space<hbm>> -> memref<32768xf32, #tpu.memory_space<hbm>>
    tpu.wait_dma2 semaphore(%arg11 : memref<!tpu.dma_semaphore, #tpu.memory_space<semaphore_mem>>) src(%arg7 : memref<32768xf32, #tpu.memory_space<vmem>>) dst(%dma_wait3A_321 : memref<32768xf32, #tpu.memory_space<hbm>>)
    %broadcast_in_dim3A_322 = arith.constant -1 : i32
    %broadcast_in_dim3A_323 = vector.broadcast %broadcast_in_dim3A_322 : i32 to vector<16xi32>
    %parallel_loop3A_324 = arith.constant 0 : i32
    %parallel_loop3A_325 = arith.constant 2048 : i32
    %parallel_loop3A_326 = arith.constant 1 : i32
    %parallel_loop3A_327 = scf.for %parallel_loop3A_788 = %parallel_loop3A_324 to %parallel_loop3A_325 step %parallel_loop3A_326 iter_args(%parallel_loop3A_789 = %broadcast_in_dim3A_323) -> (vector<16xi32>)  : i32 {
      %parallel_loop3A_790 = arith.constant 16 : i32
      %parallel_loop3A_791 = arith.muli %parallel_loop3A_788, %parallel_loop3A_790 : i32
      %parallel_loop3A_792 = arith.index_cast %parallel_loop3A_791 : i32 to index
      %parallel_loop3A_793 = tpu.vector_load %arg6[%parallel_loop3A_792] {strides = array<i32>} : memref<32768xf32, #tpu.memory_space<vmem>>, vector<16xf32>,
      %parallel_loop3A_794 = arith.cmpf oge, %parallel_loop3A_793, %bitcast3A_315 : vector<16xf32>
      %parallel_loop3A_795 = arith.constant 1 : i32
      %parallel_loop3A_796 = arith.constant 0 : i32
      %parallel_loop3A_797 = vector.broadcast %parallel_loop3A_795 : i32 to vector<16xi32>
      %parallel_loop3A_798 = vector.broadcast %parallel_loop3A_796 : i32 to vector<16xi32>
      %parallel_loop3A_799 = arith.select %parallel_loop3A_794, %parallel_loop3A_797, %parallel_loop3A_798 : vector<16xi1>, vector<16xi32>
      %parallel_loop3A_800 = arith.constant true
      %parallel_loop3A_801 = vector.broadcast %parallel_loop3A_800 : i1 to vector<16xi1>
      %parallel_loop3A_802 = tpu.scan <sum>, %parallel_loop3A_799 masked %parallel_loop3A_801 : vector<16xi32>, vector<16xi1> -> vector<16xi32>
      %parallel_loop3A_803 = arith.addi %parallel_loop3A_789, %parallel_loop3A_802 : vector<16xi32>
      tpu.vector_store_idx %arg7[%parallel_loop3A_803], %parallel_loop3A_793 masked %parallel_loop3A_794 : memref<32768xf32, #tpu.memory_space<vmem>>[vector<16xi32>], vector<16xf32>, vector<16xi1>
      %parallel_loop3A_804 = tpu.all_reduce %parallel_loop3A_794 {dim = 0 : i64, kind = #tpu.reduction_kind<sum>} : vector<16xi1> -> vector<16xi32>
      %parallel_loop3A_805 = arith.addi %parallel_loop3A_789, %parallel_loop3A_804 : vector<16xi32>
      scf.yield %parallel_loop3A_805 : vector<16xi32>
    } {sc.loop_unroll_factor = 8 : i64, sc.parallel_access}
    %slice3A_328 = vector.extract_strided_slice %parallel_loop3A_327 {offsets = [0], sizes = [1], strides = [1]} : vector<16xi32> to vector<1xi32>
    %squeeze3A_329 = vector.extract %slice3A_328[0] : i32 from vector<1xi32>
    %add3A_330 = arith.constant 1 : i32
    %add3A_331 = arith.addi %squeeze3A_329, %add3A_330 : i32
    %add3A_332 = arith.constant 15 : i32
    %add3A_333 = arith.addi %add3A_331, %add3A_332 : i32
    %shift_right_arithmetic3A_334 = arith.constant 4 : i32
    %shift_right_arithmetic3A_335 = arith.shrsi %add3A_333, %shift_right_arithmetic3A_334 : i32
    %while3A_336 = arith.constant 0 : i32
    %while3A_337 = arith.constant 0 : i32
    %while3A_338 = arith.subi %shift_right_arithmetic3A_335, %while3A_336 : i32
    %while3A_339 = arith.addi %while3A_336, %while3A_338 : i32
    %while3A_340 = arith.constant 1 : i32
    %while3A_341 = arith.divsi %while3A_338, %while3A_340 : i32
    %while3A_342 = arith.muli %while3A_341, %while3A_340 : i32
    %while3A_343 = arith.addi %while3A_336, %while3A_342 : i32
    %while3A_344 = arith.constant 1 : i32
    %while3A_345 = scf.for %while3A_788 = %while3A_336 to %while3A_343 step %while3A_344 iter_args(%while3A_789 = %while3A_337) -> (i32)  : i32 {
      %mul3A_790 = arith.constant 16 : i32
      %mul3A_791 = arith.muli %while3A_788, %mul3A_790 : i32
      %get3A = arith.index_cast %mul3A_791 : i32 to index
      %get3A_792 = tpu.vector_load %arg7[%get3A] {strides = array<i32>} : memref<32768xf32, #tpu.memory_space<vmem>>, vector<16xf32>,
      %bitcast3A_793 = vector.bitcast %get3A_792 : vector<16xf32> to vector<16xi32>
      %shift_right_arithmetic3A_794 = arith.constant 31 : i32
      %shift_right_arithmetic3A_795 = vector.broadcast %shift_right_arithmetic3A_794 : i32 to vector<16xi32>
      %shift_right_arithmetic3A_796 = arith.shrsi %bitcast3A_793, %shift_right_arithmetic3A_795 : vector<16xi32>
      %and3A = arith.constant 2147483647 : i32
      %and3A_797 = vector.broadcast %and3A : i32 to vector<16xi32>
      %and3A_798 = arith.andi %shift_right_arithmetic3A_796, %and3A_797 : vector<16xi32>
      %or3A_799 = arith.constant -2147483648 : i32
      %or3A_800 = vector.broadcast %or3A_799 : i32 to vector<16xi32>
      %or3A_801 = arith.ori %or3A_800, %and3A_798 : vector<16xi32>
      %xor3A_802 = arith.xori %bitcast3A_793, %or3A_801 : vector<16xi32>
      %mul3A_803 = arith.constant 16 : i32
      %mul3A_804 = arith.muli %while3A_788, %mul3A_803 : i32
      %iota3A = tpu.iota {dimensions = array<i32: 0>} : vector<16xi32>
      %add3A_805 = vector.broadcast %mul3A_804 : i32 to vector<16xi32>
      %add3A_806 = arith.addi %add3A_805, %iota3A : vector<16xi32>
      %lt3A = vector.broadcast %add3A_331 : i32 to vector<16xi32>
      %lt3A_807 = arith.cmpi slt, %add3A_806, %lt3A : vector<16xi32>
      %broadcast_in_dim3A_808 = arith.constant 0 : i32
      %broadcast_in_dim3A_809 = vector.broadcast %broadcast_in_dim3A_808 : i32 to vector<16xi32>
      %select_n3A = arith.select %lt3A_807, %xor3A_802, %broadcast_in_dim3A_809 : vector<16xi1>, vector<16xi32>
      %bitcast3A_810 = vector.bitcast %select_n3A : vector<16xi32> to vector<16xf32>
      %mul3A_811 = arith.constant 16 : i32
      %mul3A_812 = arith.muli %while3A_788, %mul3A_811 : i32
      %swap3A = arith.index_cast %mul3A_812 : i32 to index
      %swap3A_813 = tpu.vector_load %arg7[%swap3A] {strides = array<i32>} : memref<32768xf32, #tpu.memory_space<vmem>>, vector<16xf32>,
      tpu.vector_store %arg7[%swap3A], %bitcast3A_810 {strides = array<i32>} : memref<32768xf32, #tpu.memory_space<vmem>>, vector<16xf32>,
      %while3A_814 = arith.constant 0 : i32
      scf.yield %while3A_814 : i32
    }
    %while3A_346 = arith.constant 1 : i32
    %while3A_347 = scf.for %while3A_788 = %while3A_343 to %while3A_339 step %while3A_346 iter_args(%while3A_789 = %while3A_345) -> (i32)  : i32 {
      %mul3A_790 = arith.constant 16 : i32
      %mul3A_791 = arith.muli %while3A_788, %mul3A_790 : i32
      %get3A = arith.index_cast %mul3A_791 : i32 to index
      %get3A_792 = tpu.vector_load %arg7[%get3A] {strides = array<i32>} : memref<32768xf32, #tpu.memory_space<vmem>>, vector<16xf32>,
      %bitcast3A_793 = vector.bitcast %get3A_792 : vector<16xf32> to vector<16xi32>
      %shift_right_arithmetic3A_794 = arith.constant 31 : i32
      %shift_right_arithmetic3A_795 = vector.broadcast %shift_right_arithmetic3A_794 : i32 to vector<16xi32>
      %shift_right_arithmetic3A_796 = arith.shrsi %bitcast3A_793, %shift_right_arithmetic3A_795 : vector<16xi32>
      %and3A = arith.constant 2147483647 : i32
      %and3A_797 = vector.broadcast %and3A : i32 to vector<16xi32>
      %and3A_798 = arith.andi %shift_right_arithmetic3A_796, %and3A_797 : vector<16xi32>
      %or3A_799 = arith.constant -2147483648 : i32
      %or3A_800 = vector.broadcast %or3A_799 : i32 to vector<16xi32>
      %or3A_801 = arith.ori %or3A_800, %and3A_798 : vector<16xi32>
      %xor3A_802 = arith.xori %bitcast3A_793, %or3A_801 : vector<16xi32>
      %mul3A_803 = arith.constant 16 : i32
      %mul3A_804 = arith.muli %while3A_788, %mul3A_803 : i32
      %iota3A = tpu.iota {dimensions = array<i32: 0>} : vector<16xi32>
      %add3A_805 = vector.broadcast %mul3A_804 : i32 to vector<16xi32>
      %add3A_806 = arith.addi %add3A_805, %iota3A : vector<16xi32>
      %lt3A = vector.broadcast %add3A_331 : i32 to vector<16xi32>
      %lt3A_807 = arith.cmpi slt, %add3A_806, %lt3A : vector<16xi32>
      %broadcast_in_dim3A_808 = arith.constant 0 : i32
      %broadcast_in_dim3A_809 = vector.broadcast %broadcast_in_dim3A_808 : i32 to vector<16xi32>
      %select_n3A = arith.select %lt3A_807, %xor3A_802, %broadcast_in_dim3A_809 : vector<16xi1>, vector<16xi32>
      %bitcast3A_810 = vector.bitcast %select_n3A : vector<16xi32> to vector<16xf32>
      %mul3A_811 = arith.constant 16 : i32
      %mul3A_812 = arith.muli %while3A_788, %mul3A_811 : i32
      %swap3A = arith.index_cast %mul3A_812 : i32 to index
      %swap3A_813 = tpu.vector_load %arg7[%swap3A] {strides = array<i32>} : memref<32768xf32, #tpu.memory_space<vmem>>, vector<16xf32>,
      tpu.vector_store %arg7[%swap3A], %bitcast3A_810 {strides = array<i32>} : memref<32768xf32, #tpu.memory_space<vmem>>, vector<16xf32>,
      %while3A_814 = arith.constant 0 : i32
      scf.yield %while3A_814 : i32
    }
    %scan3A_348 = arith.constant 0 : i32
    %scan3A_349 = arith.constant 64 : i32
    %scan3A_350 = arith.constant 0 : i32
    %scan3A_351 = arith.constant 32 : i32
    %scan3A_352 = arith.addi %scan3A_350, %scan3A_351 : i32
    %scan3A_353 = arith.constant 1 : i32
    %scan3A_354:2 = scf.for %scan3A_788 = %scan3A_350 to %scan3A_352 step %scan3A_353 iter_args(%scan3A_789 = %scan3A_348, %scan3A_790 = %scan3A_349) -> (i32, i32)  : i32 {
      %sub3A_791 = arith.constant 31 : i32
      %sub3A_792 = arith.subi %sub3A_791, %scan3A_788 : i32
      %shift_left3A = arith.constant -1 : i32
      %shift_left3A_793 = arith.shli %shift_left3A, %sub3A_792 : i32
      %shift_left3A_794 = arith.constant 1 : i32
      %shift_left3A_795 = arith.shli %shift_left3A_794, %sub3A_792 : i32
      %or3A_796 = arith.ori %scan3A_789, %shift_left3A_795 : i32
      %broadcast_in_dim3A_797 = arith.constant 0 : i32
      %broadcast_in_dim3A_798 = vector.broadcast %broadcast_in_dim3A_797 : i32 to vector<16xi32>
      %parallel_loop3A_799 = arith.constant 0 : i32
      %parallel_loop3A_800 = arith.constant 1 : i32
      %parallel_loop3A_801 = scf.for %parallel_loop3A_809 = %parallel_loop3A_799 to %shift_right_arithmetic3A_335 step %parallel_loop3A_800 iter_args(%parallel_loop3A_810 = %broadcast_in_dim3A_798) -> (vector<16xi32>)  : i32 {
        %parallel_loop3A_811 = arith.constant 16 : i32
        %parallel_loop3A_812 = arith.muli %parallel_loop3A_809, %parallel_loop3A_811 : i32
        %parallel_loop3A_813 = arith.index_cast %parallel_loop3A_812 : i32 to index
        %parallel_loop3A_814 = tpu.vector_load %arg7[%parallel_loop3A_813] {strides = array<i32>} : memref<32768xf32, #tpu.memory_space<vmem>>, vector<16xf32>,
        %parallel_loop3A_815 = vector.bitcast %parallel_loop3A_814 : vector<16xf32> to vector<16xi32>
        %parallel_loop3A_816 = vector.broadcast %shift_left3A_793 : i32 to vector<16xi32>
        %parallel_loop3A_817 = arith.andi %parallel_loop3A_815, %parallel_loop3A_816 : vector<16xi32>
        %parallel_loop3A_818 = vector.broadcast %or3A_796 : i32 to vector<16xi32>
        %parallel_loop3A_819 = arith.cmpi eq, %parallel_loop3A_817, %parallel_loop3A_818 : vector<16xi32>
        %parallel_loop3A_820 = arith.constant 1 : i32
        %parallel_loop3A_821 = arith.constant 0 : i32
        %parallel_loop3A_822 = vector.broadcast %parallel_loop3A_820 : i32 to vector<16xi32>
        %parallel_loop3A_823 = vector.broadcast %parallel_loop3A_821 : i32 to vector<16xi32>
        %parallel_loop3A_824 = arith.select %parallel_loop3A_819, %parallel_loop3A_822, %parallel_loop3A_823 : vector<16xi1>, vector<16xi32>
        %parallel_loop3A_825 = arith.addi %parallel_loop3A_810, %parallel_loop3A_824 : vector<16xi32>
        scf.yield %parallel_loop3A_825 : vector<16xi32>
      } {sc.loop_unroll_factor = 2 : i64, sc.parallel_access}
      %broadcast_in_dim3A_802 = arith.constant true
      %broadcast_in_dim3A_803 = vector.broadcast %broadcast_in_dim3A_802 : i1 to vector<16xi1>
      %masked_cumsum3A_804 = tpu.scan <sum>, %parallel_loop3A_801 masked %broadcast_in_dim3A_803 : vector<16xi32>, vector<16xi1> -> vector<16xi32>
      %slice3A_805 = vector.extract_strided_slice %masked_cumsum3A_804 {offsets = [15], sizes = [1], strides = [1]} : vector<16xi32> to vector<1xi32>
      %squeeze3A_806 = vector.extract %slice3A_805[0] : i32 from vector<1xi32>
      %ge3A = arith.cmpi sge, %squeeze3A_806, %scan3A_790 : i32
      %select_n3A = arith.select %ge3A, %or3A_796, %scan3A_789 : i32
      %sub3A_807 = arith.subi %scan3A_790, %squeeze3A_806 : i32
      %select_n3A_808 = arith.select %ge3A, %scan3A_790, %sub3A_807 : i32
      scf.yield %select_n3A, %select_n3A_808 : i32, i32
    }
    %scan3A_355 = arith.constant 32 : i32
    %broadcast_in_dim3A_356 = vector.broadcast %scan3A_354#0 : i32 to vector<16xi32>
    %shift_right_arithmetic3A_357 = arith.constant 31 : i32
    %shift_right_arithmetic3A_358 = vector.broadcast %shift_right_arithmetic3A_357 : i32 to vector<16xi32>
    %shift_right_arithmetic3A_359 = arith.shrsi %broadcast_in_dim3A_356, %shift_right_arithmetic3A_358 : vector<16xi32>
    %not3A_360 = arith.constant dense<-1> : vector<16xi32>
    %not3A_361 = arith.xori %shift_right_arithmetic3A_359, %not3A_360 : vector<16xi32>
    %or3A_362 = arith.constant -2147483648 : i32
    %or3A_363 = vector.broadcast %or3A_362 : i32 to vector<16xi32>
    %or3A_364 = arith.ori %or3A_363, %not3A_361 : vector<16xi32>
    %xor3A_365 = arith.xori %broadcast_in_dim3A_356, %or3A_364 : vector<16xi32>
    %bitcast3A_366 = vector.bitcast %xor3A_365 : vector<16xi32> to vector<16xf32>
    %parallel_loop3A_367 = arith.constant 0 : i32
    %parallel_loop3A_368 = arith.constant 2048 : i32
    %parallel_loop3A_369 = arith.constant 1 : i32
    scf.for %parallel_loop3A_788 = %parallel_loop3A_367 to %parallel_loop3A_368 step %parallel_loop3A_369  : i32 {
      %parallel_loop3A_789 = arith.constant 16 : i32
      %parallel_loop3A_790 = arith.muli %parallel_loop3A_788, %parallel_loop3A_789 : i32
      %parallel_loop3A_791 = arith.index_cast %parallel_loop3A_790 : i32 to index
      %parallel_loop3A_792 = tpu.vector_load %arg6[%parallel_loop3A_791] {strides = array<i32>} : memref<32768xf32, #tpu.memory_space<vmem>>, vector<16xf32>,
      %parallel_loop3A_793 = arith.cmpf oge, %parallel_loop3A_792, %bitcast3A_366 : vector<16xf32>
      %parallel_loop3A_794 = arith.constant -1.000000e+09 : f32
      %parallel_loop3A_795 = vector.broadcast %parallel_loop3A_794 : f32 to vector<16xf32>
      %parallel_loop3A_796 = arith.select %parallel_loop3A_793, %parallel_loop3A_792, %parallel_loop3A_795 : vector<16xi1>, vector<16xf32>
      %parallel_loop3A_797 = arith.constant 16 : i32
      %parallel_loop3A_798 = arith.muli %parallel_loop3A_788, %parallel_loop3A_797 : i32
      %parallel_loop3A_799 = arith.index_cast %parallel_loop3A_798 : i32 to index
      %parallel_loop3A_800 = tpu.vector_load %arg7[%parallel_loop3A_799] {strides = array<i32>} : memref<32768xf32, #tpu.memory_space<vmem>>, vector<16xf32>,
      tpu.vector_store %arg7[%parallel_loop3A_799], %parallel_loop3A_796 {strides = array<i32>} : memref<32768xf32, #tpu.memory_space<vmem>>, vector<16xf32>,
    } {sc.loop_unroll_factor = 8 : i64, sc.parallel_access}
    %dma_start3A_370 = arith.constant 0 : i32
    %dma_start3A_371 = tpu.memref_slice %arg4[%add3A_179, %dma_start3A_370] : memref<128x32768xf32, #tpu.memory_space<hbm>> -> memref<1x32768xf32, #tpu.memory_space<hbm>>
    %dma_start3A_372 = tpu.memref_squeeze %dma_start3A_371 : memref<1x32768xf32, #tpu.memory_space<hbm>> -> memref<32768xf32, #tpu.memory_space<hbm>>
    %dma_start3A_373 = arith.constant 0 : i32
    %dma_start3A_374 = tpu.memref_slice %arg4[%add3A_179, %dma_start3A_373] : memref<128x32768xf32, #tpu.memory_space<hbm>> -> memref<1x32768xf32, #tpu.memory_space<hbm>>
    %dma_start3A_375 = tpu.memref_squeeze %dma_start3A_374 : memref<1x32768xf32, #tpu.memory_space<hbm>> -> memref<32768xf32, #tpu.memory_space<hbm>>
    tpu.enqueue_dma source(%arg7 : memref<32768xf32, #tpu.memory_space<vmem>>) target(%dma_start3A_375 : memref<32768xf32, #tpu.memory_space<hbm>>) target_semaphore(%arg11 : memref<!tpu.dma_semaphore, #tpu.memory_space<semaphore_mem>>)
    %add3A_376 = arith.constant 1 : i32
    %add3A_377 = arith.addi %add3A_179, %add3A_376 : i32
    %dma_start3A_378 = arith.constant 0 : i32
    %dma_start3A_379 = tpu.memref_slice %arg3[%add3A_377, %dma_start3A_378] : memref<128x32768xf32, #tpu.memory_space<hbm>> -> memref<1x32768xf32, #tpu.memory_space<hbm>>
    %dma_start3A_380 = tpu.memref_squeeze %dma_start3A_379 : memref<1x32768xf32, #tpu.memory_space<hbm>> -> memref<32768xf32, #tpu.memory_space<hbm>>
    %dma_start3A_381 = arith.constant 0 : i32
    %dma_start3A_382 = tpu.memref_slice %arg3[%add3A_377, %dma_start3A_381] : memref<128x32768xf32, #tpu.memory_space<hbm>> -> memref<1x32768xf32, #tpu.memory_space<hbm>>
    %dma_start3A_383 = tpu.memref_squeeze %dma_start3A_382 : memref<1x32768xf32, #tpu.memory_space<hbm>> -> memref<32768xf32, #tpu.memory_space<hbm>>
    tpu.enqueue_dma source(%dma_start3A_383 : memref<32768xf32, #tpu.memory_space<hbm>>) target(%arg6 : memref<32768xf32, #tpu.memory_space<vmem>>) target_semaphore(%arg10 : memref<!tpu.dma_semaphore, #tpu.memory_space<semaphore_mem>>)
    %add3A_384 = arith.constant 2 : i32
    %add3A_385 = arith.addi %mul3A_2, %add3A_384 : i32
    %dma_wait3A_386 = arith.constant 0 : i32
    %dma_wait3A_387 = tpu.memref_slice %arg2[%add3A_283, %dma_wait3A_386] : memref<128x32768xf32, #tpu.memory_space<hbm>> -> memref<1x32768xf32, #tpu.memory_space<hbm>>
    %dma_wait3A_388 = tpu.memref_squeeze %dma_wait3A_387 : memref<1x32768xf32, #tpu.memory_space<hbm>> -> memref<32768xf32, #tpu.memory_space<hbm>>
    %dma_wait3A_389 = arith.constant 0 : i32
    %dma_wait3A_390 = tpu.memref_slice %arg2[%add3A_283, %dma_wait3A_389] : memref<128x32768xf32, #tpu.memory_space<hbm>> -> memref<1x32768xf32, #tpu.memory_space<hbm>>
    %dma_wait3A_391 = tpu.memref_squeeze %dma_wait3A_390 : memref<1x32768xf32, #tpu.memory_space<hbm>> -> memref<32768xf32, #tpu.memory_space<hbm>>
    tpu.wait_dma2 semaphore(%arg9 : memref<!tpu.dma_semaphore, #tpu.memory_space<semaphore_mem>>) src(%dma_wait3A_391 : memref<32768xf32, #tpu.memory_space<hbm>>) dst(%arg5 : memref<32768xf32, #tpu.memory_space<vmem>>)
    %dma_wait3A_392 = arith.constant 0 : i32
    %dma_wait3A_393 = tpu.memref_slice %arg3[%add3A_377, %dma_wait3A_392] : memref<128x32768xf32, #tpu.memory_space<hbm>> -> memref<1x32768xf32, #tpu.memory_space<hbm>>
    %dma_wait3A_394 = tpu.memref_squeeze %dma_wait3A_393 : memref<1x32768xf32, #tpu.memory_space<hbm>> -> memref<32768xf32, #tpu.memory_space<hbm>>
    %dma_wait3A_395 = arith.constant 0 : i32
    %dma_wait3A_396 = tpu.memref_slice %arg3[%add3A_377, %dma_wait3A_395] : memref<128x32768xf32, #tpu.memory_space<hbm>> -> memref<1x32768xf32, #tpu.memory_space<hbm>>
    %dma_wait3A_397 = tpu.memref_squeeze %dma_wait3A_396 : memref<1x32768xf32, #tpu.memory_space<hbm>> -> memref<32768xf32, #tpu.memory_space<hbm>>
    tpu.wait_dma2 semaphore(%arg10 : memref<!tpu.dma_semaphore, #tpu.memory_space<semaphore_mem>>) src(%dma_wait3A_397 : memref<32768xf32, #tpu.memory_space<hbm>>) dst(%arg6 : memref<32768xf32, #tpu.memory_space<vmem>>)
    %broadcast_in_dim3A_398 = arith.constant 0.000000e+00 : f32
    %broadcast_in_dim3A_399 = vector.broadcast %broadcast_in_dim3A_398 : f32 to vector<16xf32>
    %parallel_loop3A_400 = arith.constant 0 : i32
    %parallel_loop3A_401 = arith.constant 2048 : i32
    %parallel_loop3A_402 = arith.constant 1 : i32
    %parallel_loop3A_403 = scf.for %parallel_loop3A_788 = %parallel_loop3A_400 to %parallel_loop3A_401 step %parallel_loop3A_402 iter_args(%parallel_loop3A_789 = %broadcast_in_dim3A_399) -> (vector<16xf32>)  : i32 {
      %parallel_loop3A_790 = arith.constant 16 : i32
      %parallel_loop3A_791 = arith.muli %parallel_loop3A_788, %parallel_loop3A_790 : i32
      %parallel_loop3A_792 = arith.index_cast %parallel_loop3A_791 : i32 to index
      %parallel_loop3A_793 = tpu.vector_load %arg5[%parallel_loop3A_792] {strides = array<i32>} : memref<32768xf32, #tpu.memory_space<vmem>>, vector<16xf32>,
      %parallel_loop3A_794 = arith.mulf %parallel_loop3A_793, %parallel_loop3A_793 : vector<16xf32>
      %parallel_loop3A_795 = arith.addf %parallel_loop3A_789, %parallel_loop3A_794 : vector<16xf32>
      scf.yield %parallel_loop3A_795 : vector<16xf32>
    } {sc.loop_unroll_factor = 8 : i64, sc.parallel_access}
    %broadcast_in_dim3A_404 = arith.constant true
    %broadcast_in_dim3A_405 = vector.broadcast %broadcast_in_dim3A_404 : i1 to vector<16xi1>
    %masked_cumsum3A_406 = tpu.scan <sum>, %parallel_loop3A_403 masked %broadcast_in_dim3A_405 : vector<16xf32>, vector<16xi1> -> vector<16xf32>
    %slice3A_407 = vector.extract_strided_slice %masked_cumsum3A_406 {offsets = [15], sizes = [1], strides = [1]} : vector<16xf32> to vector<1xf32>
    %squeeze3A_408 = vector.extract %slice3A_407[0] : f32 from vector<1xf32>
    %broadcast_in_dim3A_409 = vector.broadcast %squeeze3A_408 : f32 to vector<16xf32>
    %bitcast3A_410 = vector.bitcast %broadcast_in_dim3A_409 : vector<16xf32> to vector<16xi32>
    %shift_right_arithmetic3A_411 = arith.constant 1 : i32
    %shift_right_arithmetic3A_412 = vector.broadcast %shift_right_arithmetic3A_411 : i32 to vector<16xi32>
    %shift_right_arithmetic3A_413 = arith.shrsi %bitcast3A_410, %shift_right_arithmetic3A_412 : vector<16xi32>
    %sub3A_414 = arith.constant 1597463007 : i32
    %sub3A_415 = vector.broadcast %sub3A_414 : i32 to vector<16xi32>
    %sub3A_416 = arith.subi %sub3A_415, %shift_right_arithmetic3A_413 : vector<16xi32>
    %bitcast3A_417 = vector.bitcast %sub3A_416 : vector<16xi32> to vector<16xf32>
    %mul3A_418 = arith.constant 5.000000e-01 : f32
    %mul3A_419 = vector.broadcast %mul3A_418 : f32 to vector<16xf32>
    %mul3A_420 = arith.mulf %mul3A_419, %broadcast_in_dim3A_409 : vector<16xf32>
    %mul3A_421 = arith.mulf %mul3A_420, %bitcast3A_417 : vector<16xf32>
    %mul3A_422 = arith.mulf %mul3A_421, %bitcast3A_417 : vector<16xf32>
    %sub3A_423 = arith.constant 1.500000e+00 : f32
    %sub3A_424 = vector.broadcast %sub3A_423 : f32 to vector<16xf32>
    %sub3A_425 = arith.subf %sub3A_424, %mul3A_422 : vector<16xf32>
    %mul3A_426 = arith.mulf %bitcast3A_417, %sub3A_425 : vector<16xf32>
    %mul3A_427 = arith.constant 5.000000e-01 : f32
    %mul3A_428 = vector.broadcast %mul3A_427 : f32 to vector<16xf32>
    %mul3A_429 = arith.mulf %mul3A_428, %broadcast_in_dim3A_409 : vector<16xf32>
    %mul3A_430 = arith.mulf %mul3A_429, %mul3A_426 : vector<16xf32>
    %mul3A_431 = arith.mulf %mul3A_430, %mul3A_426 : vector<16xf32>
    %sub3A_432 = arith.constant 1.500000e+00 : f32
    %sub3A_433 = vector.broadcast %sub3A_432 : f32 to vector<16xf32>
    %sub3A_434 = arith.subf %sub3A_433, %mul3A_431 : vector<16xf32>
    %mul3A_435 = arith.mulf %mul3A_426, %sub3A_434 : vector<16xf32>
    %mul3A_436 = arith.constant 5.000000e-01 : f32
    %mul3A_437 = vector.broadcast %mul3A_436 : f32 to vector<16xf32>
    %mul3A_438 = arith.mulf %mul3A_437, %broadcast_in_dim3A_409 : vector<16xf32>
    %mul3A_439 = arith.mulf %mul3A_438, %mul3A_435 : vector<16xf32>
    %mul3A_440 = arith.mulf %mul3A_439, %mul3A_435 : vector<16xf32>
    %sub3A_441 = arith.constant 1.500000e+00 : f32
    %sub3A_442 = vector.broadcast %sub3A_441 : f32 to vector<16xf32>
    %sub3A_443 = arith.subf %sub3A_442, %mul3A_440 : vector<16xf32>
    %mul3A_444 = arith.mulf %mul3A_435, %sub3A_443 : vector<16xf32>
    %mul3A_445 = arith.mulf %broadcast_in_dim3A_409, %mul3A_444 : vector<16xf32>
    %bitcast3A_446 = vector.bitcast %mul3A_445 : vector<16xf32> to vector<16xi32>
    %shift_right_arithmetic3A_447 = arith.constant 1 : i32
    %shift_right_arithmetic3A_448 = vector.broadcast %shift_right_arithmetic3A_447 : i32 to vector<16xi32>
    %shift_right_arithmetic3A_449 = arith.shrsi %bitcast3A_446, %shift_right_arithmetic3A_448 : vector<16xi32>
    %sub3A_450 = arith.constant 1597463007 : i32
    %sub3A_451 = vector.broadcast %sub3A_450 : i32 to vector<16xi32>
    %sub3A_452 = arith.subi %sub3A_451, %shift_right_arithmetic3A_449 : vector<16xi32>
    %bitcast3A_453 = vector.bitcast %sub3A_452 : vector<16xi32> to vector<16xf32>
    %mul3A_454 = arith.constant 5.000000e-01 : f32
    %mul3A_455 = vector.broadcast %mul3A_454 : f32 to vector<16xf32>
    %mul3A_456 = arith.mulf %mul3A_455, %mul3A_445 : vector<16xf32>
    %mul3A_457 = arith.mulf %mul3A_456, %bitcast3A_453 : vector<16xf32>
    %mul3A_458 = arith.mulf %mul3A_457, %bitcast3A_453 : vector<16xf32>
    %sub3A_459 = arith.constant 1.500000e+00 : f32
    %sub3A_460 = vector.broadcast %sub3A_459 : f32 to vector<16xf32>
    %sub3A_461 = arith.subf %sub3A_460, %mul3A_458 : vector<16xf32>
    %mul3A_462 = arith.mulf %bitcast3A_453, %sub3A_461 : vector<16xf32>
    %mul3A_463 = arith.constant 5.000000e-01 : f32
    %mul3A_464 = vector.broadcast %mul3A_463 : f32 to vector<16xf32>
    %mul3A_465 = arith.mulf %mul3A_464, %mul3A_445 : vector<16xf32>
    %mul3A_466 = arith.mulf %mul3A_465, %mul3A_462 : vector<16xf32>
    %mul3A_467 = arith.mulf %mul3A_466, %mul3A_462 : vector<16xf32>
    %sub3A_468 = arith.constant 1.500000e+00 : f32
    %sub3A_469 = vector.broadcast %sub3A_468 : f32 to vector<16xf32>
    %sub3A_470 = arith.subf %sub3A_469, %mul3A_467 : vector<16xf32>
    %mul3A_471 = arith.mulf %mul3A_462, %sub3A_470 : vector<16xf32>
    %mul3A_472 = arith.constant 5.000000e-01 : f32
    %mul3A_473 = vector.broadcast %mul3A_472 : f32 to vector<16xf32>
    %mul3A_474 = arith.mulf %mul3A_473, %mul3A_445 : vector<16xf32>
    %mul3A_475 = arith.mulf %mul3A_474, %mul3A_471 : vector<16xf32>
    %mul3A_476 = arith.mulf %mul3A_475, %mul3A_471 : vector<16xf32>
    %sub3A_477 = arith.constant 1.500000e+00 : f32
    %sub3A_478 = vector.broadcast %sub3A_477 : f32 to vector<16xf32>
    %sub3A_479 = arith.subf %sub3A_478, %mul3A_476 : vector<16xf32>
    %mul3A_480 = arith.mulf %mul3A_471, %sub3A_479 : vector<16xf32>
    %mul3A_481 = arith.mulf %mul3A_445, %mul3A_480 : vector<16xf32>
    %scan3A_482 = arith.constant 0 : i32
    %scan3A_483 = arith.constant 0 : i32
    %scan3A_484 = arith.constant 16 : i32
    %scan3A_485 = arith.addi %scan3A_483, %scan3A_484 : i32
    %scan3A_486 = arith.constant 1 : i32
    %scan3A_487 = scf.for %scan3A_788 = %scan3A_483 to %scan3A_485 step %scan3A_486 iter_args(%scan3A_789 = %scan3A_482) -> (i32)  : i32 {
      %mul3A_790 = arith.constant 128 : i32
      %mul3A_791 = arith.muli %scan3A_788, %mul3A_790 : i32
      %add3A_792 = arith.constant 128 : i32
      %add3A_793 = arith.addi %mul3A_791, %add3A_792 : i32
      %broadcast_in_dim3A_794 = arith.constant -3.000000e+38 : f32
      %broadcast_in_dim3A_795 = vector.broadcast %broadcast_in_dim3A_794 : f32 to vector<16xf32>
      %parallel_loop3A_796 = arith.constant 1 : i32
      %parallel_loop3A_797 = scf.for %parallel_loop3A_802 = %mul3A_791 to %add3A_793 step %parallel_loop3A_796 iter_args(%parallel_loop3A_803 = %broadcast_in_dim3A_795) -> (vector<16xf32>)  : i32 {
        %parallel_loop3A_804 = arith.constant 16 : i32
        %parallel_loop3A_805 = arith.muli %parallel_loop3A_802, %parallel_loop3A_804 : i32
        %parallel_loop3A_806 = arith.index_cast %parallel_loop3A_805 : i32 to index
        %parallel_loop3A_807 = tpu.vector_load %arg5[%parallel_loop3A_806] {strides = array<i32>} : memref<32768xf32, #tpu.memory_space<vmem>>, vector<16xf32>,
        %parallel_loop3A_808 = arith.constant 16 : i32
        %parallel_loop3A_809 = arith.muli %parallel_loop3A_802, %parallel_loop3A_808 : i32
        %parallel_loop3A_810 = arith.index_cast %parallel_loop3A_809 : i32 to index
        %parallel_loop3A_811 = tpu.vector_load %arg6[%parallel_loop3A_810] {strides = array<i32>} : memref<32768xf32, #tpu.memory_space<vmem>>, vector<16xf32>,
        %parallel_loop3A_812 = arith.mulf %parallel_loop3A_811, %mul3A_481 : vector<16xf32>
        %parallel_loop3A_813 = arith.addf %parallel_loop3A_807, %parallel_loop3A_812 : vector<16xf32>
        %parallel_loop3A_814 = arith.constant 16 : i32
        %parallel_loop3A_815 = arith.muli %parallel_loop3A_802, %parallel_loop3A_814 : i32
        %parallel_loop3A_816 = arith.index_cast %parallel_loop3A_815 : i32 to index
        %parallel_loop3A_817 = tpu.vector_load %arg6[%parallel_loop3A_816] {strides = array<i32>} : memref<32768xf32, #tpu.memory_space<vmem>>, vector<16xf32>,
        tpu.vector_store %arg6[%parallel_loop3A_816], %parallel_loop3A_813 {strides = array<i32>} : memref<32768xf32, #tpu.memory_space<vmem>>, vector<16xf32>,
        %parallel_loop3A_818 = arith.maximumf %parallel_loop3A_803, %parallel_loop3A_813 : vector<16xf32>
        scf.yield %parallel_loop3A_818 : vector<16xf32>
      } {sc.loop_unroll_factor = 8 : i64, sc.parallel_access}
      %mul3A_798 = arith.constant 16 : i32
      %mul3A_799 = arith.muli %scan3A_788, %mul3A_798 : i32
      %swap3A = arith.index_cast %mul3A_799 : i32 to index
      %swap3A_800 = tpu.vector_load %arg8[%swap3A] {strides = array<i32>} : memref<256xf32, #tpu.memory_space<vmem>>, vector<16xf32>,
      tpu.vector_store %arg8[%swap3A], %parallel_loop3A_797 {strides = array<i32>} : memref<256xf32, #tpu.memory_space<vmem>>, vector<16xf32>,
      %scan3A_801 = arith.constant 0 : i32
      scf.yield %scan3A_801 : i32
    }
    %scan3A_488 = arith.constant 16 : i32
    %add3A_489 = arith.constant 1 : i32
    %add3A_490 = arith.addi %add3A_385, %add3A_489 : i32
    %dma_start3A_491 = arith.constant 0 : i32
    %dma_start3A_492 = tpu.memref_slice %arg2[%add3A_490, %dma_start3A_491] : memref<128x32768xf32, #tpu.memory_space<hbm>> -> memref<1x32768xf32, #tpu.memory_space<hbm>>
    %dma_start3A_493 = tpu.memref_squeeze %dma_start3A_492 : memref<1x32768xf32, #tpu.memory_space<hbm>> -> memref<32768xf32, #tpu.memory_space<hbm>>
    %dma_start3A_494 = arith.constant 0 : i32
    %dma_start3A_495 = tpu.memref_slice %arg2[%add3A_490, %dma_start3A_494] : memref<128x32768xf32, #tpu.memory_space<hbm>> -> memref<1x32768xf32, #tpu.memory_space<hbm>>
    %dma_start3A_496 = tpu.memref_squeeze %dma_start3A_495 : memref<1x32768xf32, #tpu.memory_space<hbm>> -> memref<32768xf32, #tpu.memory_space<hbm>>
    tpu.enqueue_dma source(%dma_start3A_496 : memref<32768xf32, #tpu.memory_space<hbm>>) target(%arg5 : memref<32768xf32, #tpu.memory_space<vmem>>) target_semaphore(%arg9 : memref<!tpu.dma_semaphore, #tpu.memory_space<semaphore_mem>>)
    %scan3A_497 = arith.constant 0 : i32
    %scan3A_498 = arith.constant 0 : i32
    %scan3A_499 = arith.constant 16 : i32
    %scan3A_500 = arith.addi %scan3A_498, %scan3A_499 : i32
    %scan3A_501 = arith.constant 1 : i32
    %scan3A_502 = scf.for %scan3A_788 = %scan3A_498 to %scan3A_500 step %scan3A_501 iter_args(%scan3A_789 = %scan3A_497) -> (i32)  : i32 {
      %mul3A_790 = arith.constant 16 : i32
      %mul3A_791 = arith.muli %scan3A_788, %mul3A_790 : i32
      %get3A = arith.index_cast %mul3A_791 : i32 to index
      %get3A_792 = tpu.vector_load %arg8[%get3A] {strides = array<i32>} : memref<256xf32, #tpu.memory_space<vmem>>, vector<16xf32>,
      %bitcast3A_793 = vector.bitcast %get3A_792 : vector<16xf32> to vector<16xi32>
      %shift_right_arithmetic3A_794 = arith.constant 31 : i32
      %shift_right_arithmetic3A_795 = vector.broadcast %shift_right_arithmetic3A_794 : i32 to vector<16xi32>
      %shift_right_arithmetic3A_796 = arith.shrsi %bitcast3A_793, %shift_right_arithmetic3A_795 : vector<16xi32>
      %and3A = arith.constant 2147483647 : i32
      %and3A_797 = vector.broadcast %and3A : i32 to vector<16xi32>
      %and3A_798 = arith.andi %shift_right_arithmetic3A_796, %and3A_797 : vector<16xi32>
      %or3A_799 = arith.constant -2147483648 : i32
      %or3A_800 = vector.broadcast %or3A_799 : i32 to vector<16xi32>
      %or3A_801 = arith.ori %or3A_800, %and3A_798 : vector<16xi32>
      %xor3A_802 = arith.xori %bitcast3A_793, %or3A_801 : vector<16xi32>
      %bitcast3A_803 = vector.bitcast %xor3A_802 : vector<16xi32> to vector<16xf32>
      %mul3A_804 = arith.constant 16 : i32
      %mul3A_805 = arith.muli %scan3A_788, %mul3A_804 : i32
      %swap3A = arith.index_cast %mul3A_805 : i32 to index
      %swap3A_806 = tpu.vector_load %arg8[%swap3A] {strides = array<i32>} : memref<256xf32, #tpu.memory_space<vmem>>, vector<16xf32>,
      tpu.vector_store %arg8[%swap3A], %bitcast3A_803 {strides = array<i32>} : memref<256xf32, #tpu.memory_space<vmem>>, vector<16xf32>,
      %scan3A_807 = arith.constant 0 : i32
      scf.yield %scan3A_807 : i32
    }
    %scan3A_503 = arith.constant 16 : i32
    %scan3A_504 = arith.constant 0 : i32
    %scan3A_505 = arith.constant 64 : i32
    %scan3A_506 = arith.constant 0 : i32
    %scan3A_507 = arith.constant 32 : i32
    %scan3A_508 = arith.addi %scan3A_506, %scan3A_507 : i32
    %scan3A_509 = arith.constant 1 : i32
    %scan3A_510:2 = scf.for %scan3A_788 = %scan3A_506 to %scan3A_508 step %scan3A_509 iter_args(%scan3A_789 = %scan3A_504, %scan3A_790 = %scan3A_505) -> (i32, i32)  : i32 {
      %sub3A_791 = arith.constant 31 : i32
      %sub3A_792 = arith.subi %sub3A_791, %scan3A_788 : i32
      %shift_left3A = arith.constant -1 : i32
      %shift_left3A_793 = arith.shli %shift_left3A, %sub3A_792 : i32
      %shift_left3A_794 = arith.constant 1 : i32
      %shift_left3A_795 = arith.shli %shift_left3A_794, %sub3A_792 : i32
      %or3A_796 = arith.ori %scan3A_789, %shift_left3A_795 : i32
      %broadcast_in_dim3A_797 = arith.constant 0 : i32
      %broadcast_in_dim3A_798 = vector.broadcast %broadcast_in_dim3A_797 : i32 to vector<16xi32>
      %parallel_loop3A_799 = arith.constant 0 : i32
      %parallel_loop3A_800 = arith.constant 16 : i32
      %parallel_loop3A_801 = arith.constant 1 : i32
      %parallel_loop3A_802 = scf.for %parallel_loop3A_810 = %parallel_loop3A_799 to %parallel_loop3A_800 step %parallel_loop3A_801 iter_args(%parallel_loop3A_811 = %broadcast_in_dim3A_798) -> (vector<16xi32>)  : i32 {
        %parallel_loop3A_812 = arith.constant 16 : i32
        %parallel_loop3A_813 = arith.muli %parallel_loop3A_810, %parallel_loop3A_812 : i32
        %parallel_loop3A_814 = arith.index_cast %parallel_loop3A_813 : i32 to index
        %parallel_loop3A_815 = tpu.vector_load %arg8[%parallel_loop3A_814] {strides = array<i32>} : memref<256xf32, #tpu.memory_space<vmem>>, vector<16xf32>,
        %parallel_loop3A_816 = vector.bitcast %parallel_loop3A_815 : vector<16xf32> to vector<16xi32>
        %parallel_loop3A_817 = vector.broadcast %shift_left3A_793 : i32 to vector<16xi32>
        %parallel_loop3A_818 = arith.andi %parallel_loop3A_816, %parallel_loop3A_817 : vector<16xi32>
        %parallel_loop3A_819 = vector.broadcast %or3A_796 : i32 to vector<16xi32>
        %parallel_loop3A_820 = arith.cmpi eq, %parallel_loop3A_818, %parallel_loop3A_819 : vector<16xi32>
        %parallel_loop3A_821 = arith.constant 1 : i32
        %parallel_loop3A_822 = arith.constant 0 : i32
        %parallel_loop3A_823 = vector.broadcast %parallel_loop3A_821 : i32 to vector<16xi32>
        %parallel_loop3A_824 = vector.broadcast %parallel_loop3A_822 : i32 to vector<16xi32>
        %parallel_loop3A_825 = arith.select %parallel_loop3A_820, %parallel_loop3A_823, %parallel_loop3A_824 : vector<16xi1>, vector<16xi32>
        %parallel_loop3A_826 = arith.addi %parallel_loop3A_811, %parallel_loop3A_825 : vector<16xi32>
        scf.yield %parallel_loop3A_826 : vector<16xi32>
      } {sc.loop_unroll_factor = 4 : i64, sc.parallel_access}
      %broadcast_in_dim3A_803 = arith.constant true
      %broadcast_in_dim3A_804 = vector.broadcast %broadcast_in_dim3A_803 : i1 to vector<16xi1>
      %masked_cumsum3A_805 = tpu.scan <sum>, %parallel_loop3A_802 masked %broadcast_in_dim3A_804 : vector<16xi32>, vector<16xi1> -> vector<16xi32>
      %slice3A_806 = vector.extract_strided_slice %masked_cumsum3A_805 {offsets = [15], sizes = [1], strides = [1]} : vector<16xi32> to vector<1xi32>
      %squeeze3A_807 = vector.extract %slice3A_806[0] : i32 from vector<1xi32>
      %ge3A = arith.cmpi sge, %squeeze3A_807, %scan3A_790 : i32
      %select_n3A = arith.select %ge3A, %or3A_796, %scan3A_789 : i32
      %sub3A_808 = arith.subi %scan3A_790, %squeeze3A_807 : i32
      %select_n3A_809 = arith.select %ge3A, %scan3A_790, %sub3A_808 : i32
      scf.yield %select_n3A, %select_n3A_809 : i32, i32
    }
    %scan3A_511 = arith.constant 32 : i32
    %broadcast_in_dim3A_512 = vector.broadcast %scan3A_510#0 : i32 to vector<16xi32>
    %shift_right_arithmetic3A_513 = arith.constant 31 : i32
    %shift_right_arithmetic3A_514 = vector.broadcast %shift_right_arithmetic3A_513 : i32 to vector<16xi32>
    %shift_right_arithmetic3A_515 = arith.shrsi %broadcast_in_dim3A_512, %shift_right_arithmetic3A_514 : vector<16xi32>
    %not3A_516 = arith.constant dense<-1> : vector<16xi32>
    %not3A_517 = arith.xori %shift_right_arithmetic3A_515, %not3A_516 : vector<16xi32>
    %or3A_518 = arith.constant -2147483648 : i32
    %or3A_519 = vector.broadcast %or3A_518 : i32 to vector<16xi32>
    %or3A_520 = arith.ori %or3A_519, %not3A_517 : vector<16xi32>
    %xor3A_521 = arith.xori %broadcast_in_dim3A_512, %or3A_520 : vector<16xi32>
    %bitcast3A_522 = vector.bitcast %xor3A_521 : vector<16xi32> to vector<16xf32>
    %dma_wait3A_523 = arith.constant 0 : i32
    %dma_wait3A_524 = tpu.memref_slice %arg4[%add3A_179, %dma_wait3A_523] : memref<128x32768xf32, #tpu.memory_space<hbm>> -> memref<1x32768xf32, #tpu.memory_space<hbm>>
    %dma_wait3A_525 = tpu.memref_squeeze %dma_wait3A_524 : memref<1x32768xf32, #tpu.memory_space<hbm>> -> memref<32768xf32, #tpu.memory_space<hbm>>
    %dma_wait3A_526 = arith.constant 0 : i32
    %dma_wait3A_527 = tpu.memref_slice %arg4[%add3A_179, %dma_wait3A_526] : memref<128x32768xf32, #tpu.memory_space<hbm>> -> memref<1x32768xf32, #tpu.memory_space<hbm>>
    %dma_wait3A_528 = tpu.memref_squeeze %dma_wait3A_527 : memref<1x32768xf32, #tpu.memory_space<hbm>> -> memref<32768xf32, #tpu.memory_space<hbm>>
    tpu.wait_dma2 semaphore(%arg11 : memref<!tpu.dma_semaphore, #tpu.memory_space<semaphore_mem>>) src(%arg7 : memref<32768xf32, #tpu.memory_space<vmem>>) dst(%dma_wait3A_528 : memref<32768xf32, #tpu.memory_space<hbm>>)
    %broadcast_in_dim3A_529 = arith.constant -1 : i32
    %broadcast_in_dim3A_530 = vector.broadcast %broadcast_in_dim3A_529 : i32 to vector<16xi32>
    %parallel_loop3A_531 = arith.constant 0 : i32
    %parallel_loop3A_532 = arith.constant 2048 : i32
    %parallel_loop3A_533 = arith.constant 1 : i32
    %parallel_loop3A_534 = scf.for %parallel_loop3A_788 = %parallel_loop3A_531 to %parallel_loop3A_532 step %parallel_loop3A_533 iter_args(%parallel_loop3A_789 = %broadcast_in_dim3A_530) -> (vector<16xi32>)  : i32 {
      %parallel_loop3A_790 = arith.constant 16 : i32
      %parallel_loop3A_791 = arith.muli %parallel_loop3A_788, %parallel_loop3A_790 : i32
      %parallel_loop3A_792 = arith.index_cast %parallel_loop3A_791 : i32 to index
      %parallel_loop3A_793 = tpu.vector_load %arg6[%parallel_loop3A_792] {strides = array<i32>} : memref<32768xf32, #tpu.memory_space<vmem>>, vector<16xf32>,
      %parallel_loop3A_794 = arith.cmpf oge, %parallel_loop3A_793, %bitcast3A_522 : vector<16xf32>
      %parallel_loop3A_795 = arith.constant 1 : i32
      %parallel_loop3A_796 = arith.constant 0 : i32
      %parallel_loop3A_797 = vector.broadcast %parallel_loop3A_795 : i32 to vector<16xi32>
      %parallel_loop3A_798 = vector.broadcast %parallel_loop3A_796 : i32 to vector<16xi32>
      %parallel_loop3A_799 = arith.select %parallel_loop3A_794, %parallel_loop3A_797, %parallel_loop3A_798 : vector<16xi1>, vector<16xi32>
      %parallel_loop3A_800 = arith.constant true
      %parallel_loop3A_801 = vector.broadcast %parallel_loop3A_800 : i1 to vector<16xi1>
      %parallel_loop3A_802 = tpu.scan <sum>, %parallel_loop3A_799 masked %parallel_loop3A_801 : vector<16xi32>, vector<16xi1> -> vector<16xi32>
      %parallel_loop3A_803 = arith.addi %parallel_loop3A_789, %parallel_loop3A_802 : vector<16xi32>
      tpu.vector_store_idx %arg7[%parallel_loop3A_803], %parallel_loop3A_793 masked %parallel_loop3A_794 : memref<32768xf32, #tpu.memory_space<vmem>>[vector<16xi32>], vector<16xf32>, vector<16xi1>
      %parallel_loop3A_804 = tpu.all_reduce %parallel_loop3A_794 {dim = 0 : i64, kind = #tpu.reduction_kind<sum>} : vector<16xi1> -> vector<16xi32>
      %parallel_loop3A_805 = arith.addi %parallel_loop3A_789, %parallel_loop3A_804 : vector<16xi32>
      scf.yield %parallel_loop3A_805 : vector<16xi32>
    } {sc.loop_unroll_factor = 8 : i64, sc.parallel_access}
    %slice3A_535 = vector.extract_strided_slice %parallel_loop3A_534 {offsets = [0], sizes = [1], strides = [1]} : vector<16xi32> to vector<1xi32>
    %squeeze3A_536 = vector.extract %slice3A_535[0] : i32 from vector<1xi32>
    %add3A_537 = arith.constant 1 : i32
    %add3A_538 = arith.addi %squeeze3A_536, %add3A_537 : i32
    %add3A_539 = arith.constant 15 : i32
    %add3A_540 = arith.addi %add3A_538, %add3A_539 : i32
    %shift_right_arithmetic3A_541 = arith.constant 4 : i32
    %shift_right_arithmetic3A_542 = arith.shrsi %add3A_540, %shift_right_arithmetic3A_541 : i32
    %while3A_543 = arith.constant 0 : i32
    %while3A_544 = arith.constant 0 : i32
    %while3A_545 = arith.subi %shift_right_arithmetic3A_542, %while3A_543 : i32
    %while3A_546 = arith.addi %while3A_543, %while3A_545 : i32
    %while3A_547 = arith.constant 1 : i32
    %while3A_548 = arith.divsi %while3A_545, %while3A_547 : i32
    %while3A_549 = arith.muli %while3A_548, %while3A_547 : i32
    %while3A_550 = arith.addi %while3A_543, %while3A_549 : i32
    %while3A_551 = arith.constant 1 : i32
    %while3A_552 = scf.for %while3A_788 = %while3A_543 to %while3A_550 step %while3A_551 iter_args(%while3A_789 = %while3A_544) -> (i32)  : i32 {
      %mul3A_790 = arith.constant 16 : i32
      %mul3A_791 = arith.muli %while3A_788, %mul3A_790 : i32
      %get3A = arith.index_cast %mul3A_791 : i32 to index
      %get3A_792 = tpu.vector_load %arg7[%get3A] {strides = array<i32>} : memref<32768xf32, #tpu.memory_space<vmem>>, vector<16xf32>,
      %bitcast3A_793 = vector.bitcast %get3A_792 : vector<16xf32> to vector<16xi32>
      %shift_right_arithmetic3A_794 = arith.constant 31 : i32
      %shift_right_arithmetic3A_795 = vector.broadcast %shift_right_arithmetic3A_794 : i32 to vector<16xi32>
      %shift_right_arithmetic3A_796 = arith.shrsi %bitcast3A_793, %shift_right_arithmetic3A_795 : vector<16xi32>
      %and3A = arith.constant 2147483647 : i32
      %and3A_797 = vector.broadcast %and3A : i32 to vector<16xi32>
      %and3A_798 = arith.andi %shift_right_arithmetic3A_796, %and3A_797 : vector<16xi32>
      %or3A_799 = arith.constant -2147483648 : i32
      %or3A_800 = vector.broadcast %or3A_799 : i32 to vector<16xi32>
      %or3A_801 = arith.ori %or3A_800, %and3A_798 : vector<16xi32>
      %xor3A_802 = arith.xori %bitcast3A_793, %or3A_801 : vector<16xi32>
      %mul3A_803 = arith.constant 16 : i32
      %mul3A_804 = arith.muli %while3A_788, %mul3A_803 : i32
      %iota3A = tpu.iota {dimensions = array<i32: 0>} : vector<16xi32>
      %add3A_805 = vector.broadcast %mul3A_804 : i32 to vector<16xi32>
      %add3A_806 = arith.addi %add3A_805, %iota3A : vector<16xi32>
      %lt3A = vector.broadcast %add3A_538 : i32 to vector<16xi32>
      %lt3A_807 = arith.cmpi slt, %add3A_806, %lt3A : vector<16xi32>
      %broadcast_in_dim3A_808 = arith.constant 0 : i32
      %broadcast_in_dim3A_809 = vector.broadcast %broadcast_in_dim3A_808 : i32 to vector<16xi32>
      %select_n3A = arith.select %lt3A_807, %xor3A_802, %broadcast_in_dim3A_809 : vector<16xi1>, vector<16xi32>
      %bitcast3A_810 = vector.bitcast %select_n3A : vector<16xi32> to vector<16xf32>
      %mul3A_811 = arith.constant 16 : i32
      %mul3A_812 = arith.muli %while3A_788, %mul3A_811 : i32
      %swap3A = arith.index_cast %mul3A_812 : i32 to index
      %swap3A_813 = tpu.vector_load %arg7[%swap3A] {strides = array<i32>} : memref<32768xf32, #tpu.memory_space<vmem>>, vector<16xf32>,
      tpu.vector_store %arg7[%swap3A], %bitcast3A_810 {strides = array<i32>} : memref<32768xf32, #tpu.memory_space<vmem>>, vector<16xf32>,
      %while3A_814 = arith.constant 0 : i32
      scf.yield %while3A_814 : i32
    }
    %while3A_553 = arith.constant 1 : i32
    %while3A_554 = scf.for %while3A_788 = %while3A_550 to %while3A_546 step %while3A_553 iter_args(%while3A_789 = %while3A_552) -> (i32)  : i32 {
      %mul3A_790 = arith.constant 16 : i32
      %mul3A_791 = arith.muli %while3A_788, %mul3A_790 : i32
      %get3A = arith.index_cast %mul3A_791 : i32 to index
      %get3A_792 = tpu.vector_load %arg7[%get3A] {strides = array<i32>} : memref<32768xf32, #tpu.memory_space<vmem>>, vector<16xf32>,
      %bitcast3A_793 = vector.bitcast %get3A_792 : vector<16xf32> to vector<16xi32>
      %shift_right_arithmetic3A_794 = arith.constant 31 : i32
      %shift_right_arithmetic3A_795 = vector.broadcast %shift_right_arithmetic3A_794 : i32 to vector<16xi32>
      %shift_right_arithmetic3A_796 = arith.shrsi %bitcast3A_793, %shift_right_arithmetic3A_795 : vector<16xi32>
      %and3A = arith.constant 2147483647 : i32
      %and3A_797 = vector.broadcast %and3A : i32 to vector<16xi32>
      %and3A_798 = arith.andi %shift_right_arithmetic3A_796, %and3A_797 : vector<16xi32>
      %or3A_799 = arith.constant -2147483648 : i32
      %or3A_800 = vector.broadcast %or3A_799 : i32 to vector<16xi32>
      %or3A_801 = arith.ori %or3A_800, %and3A_798 : vector<16xi32>
      %xor3A_802 = arith.xori %bitcast3A_793, %or3A_801 : vector<16xi32>
      %mul3A_803 = arith.constant 16 : i32
      %mul3A_804 = arith.muli %while3A_788, %mul3A_803 : i32
      %iota3A = tpu.iota {dimensions = array<i32: 0>} : vector<16xi32>
      %add3A_805 = vector.broadcast %mul3A_804 : i32 to vector<16xi32>
      %add3A_806 = arith.addi %add3A_805, %iota3A : vector<16xi32>
      %lt3A = vector.broadcast %add3A_538 : i32 to vector<16xi32>
      %lt3A_807 = arith.cmpi slt, %add3A_806, %lt3A : vector<16xi32>
      %broadcast_in_dim3A_808 = arith.constant 0 : i32
      %broadcast_in_dim3A_809 = vector.broadcast %broadcast_in_dim3A_808 : i32 to vector<16xi32>
      %select_n3A = arith.select %lt3A_807, %xor3A_802, %broadcast_in_dim3A_809 : vector<16xi1>, vector<16xi32>
      %bitcast3A_810 = vector.bitcast %select_n3A : vector<16xi32> to vector<16xf32>
      %mul3A_811 = arith.constant 16 : i32
      %mul3A_812 = arith.muli %while3A_788, %mul3A_811 : i32
      %swap3A = arith.index_cast %mul3A_812 : i32 to index
      %swap3A_813 = tpu.vector_load %arg7[%swap3A] {strides = array<i32>} : memref<32768xf32, #tpu.memory_space<vmem>>, vector<16xf32>,
      tpu.vector_store %arg7[%swap3A], %bitcast3A_810 {strides = array<i32>} : memref<32768xf32, #tpu.memory_space<vmem>>, vector<16xf32>,
      %while3A_814 = arith.constant 0 : i32
      scf.yield %while3A_814 : i32
    }
    %scan3A_555 = arith.constant 0 : i32
    %scan3A_556 = arith.constant 64 : i32
    %scan3A_557 = arith.constant 0 : i32
    %scan3A_558 = arith.constant 32 : i32
    %scan3A_559 = arith.addi %scan3A_557, %scan3A_558 : i32
    %scan3A_560 = arith.constant 1 : i32
    %scan3A_561:2 = scf.for %scan3A_788 = %scan3A_557 to %scan3A_559 step %scan3A_560 iter_args(%scan3A_789 = %scan3A_555, %scan3A_790 = %scan3A_556) -> (i32, i32)  : i32 {
      %sub3A_791 = arith.constant 31 : i32
      %sub3A_792 = arith.subi %sub3A_791, %scan3A_788 : i32
      %shift_left3A = arith.constant -1 : i32
      %shift_left3A_793 = arith.shli %shift_left3A, %sub3A_792 : i32
      %shift_left3A_794 = arith.constant 1 : i32
      %shift_left3A_795 = arith.shli %shift_left3A_794, %sub3A_792 : i32
      %or3A_796 = arith.ori %scan3A_789, %shift_left3A_795 : i32
      %broadcast_in_dim3A_797 = arith.constant 0 : i32
      %broadcast_in_dim3A_798 = vector.broadcast %broadcast_in_dim3A_797 : i32 to vector<16xi32>
      %parallel_loop3A_799 = arith.constant 0 : i32
      %parallel_loop3A_800 = arith.constant 1 : i32
      %parallel_loop3A_801 = scf.for %parallel_loop3A_809 = %parallel_loop3A_799 to %shift_right_arithmetic3A_542 step %parallel_loop3A_800 iter_args(%parallel_loop3A_810 = %broadcast_in_dim3A_798) -> (vector<16xi32>)  : i32 {
        %parallel_loop3A_811 = arith.constant 16 : i32
        %parallel_loop3A_812 = arith.muli %parallel_loop3A_809, %parallel_loop3A_811 : i32
        %parallel_loop3A_813 = arith.index_cast %parallel_loop3A_812 : i32 to index
        %parallel_loop3A_814 = tpu.vector_load %arg7[%parallel_loop3A_813] {strides = array<i32>} : memref<32768xf32, #tpu.memory_space<vmem>>, vector<16xf32>,
        %parallel_loop3A_815 = vector.bitcast %parallel_loop3A_814 : vector<16xf32> to vector<16xi32>
        %parallel_loop3A_816 = vector.broadcast %shift_left3A_793 : i32 to vector<16xi32>
        %parallel_loop3A_817 = arith.andi %parallel_loop3A_815, %parallel_loop3A_816 : vector<16xi32>
        %parallel_loop3A_818 = vector.broadcast %or3A_796 : i32 to vector<16xi32>
        %parallel_loop3A_819 = arith.cmpi eq, %parallel_loop3A_817, %parallel_loop3A_818 : vector<16xi32>
        %parallel_loop3A_820 = arith.constant 1 : i32
        %parallel_loop3A_821 = arith.constant 0 : i32
        %parallel_loop3A_822 = vector.broadcast %parallel_loop3A_820 : i32 to vector<16xi32>
        %parallel_loop3A_823 = vector.broadcast %parallel_loop3A_821 : i32 to vector<16xi32>
        %parallel_loop3A_824 = arith.select %parallel_loop3A_819, %parallel_loop3A_822, %parallel_loop3A_823 : vector<16xi1>, vector<16xi32>
        %parallel_loop3A_825 = arith.addi %parallel_loop3A_810, %parallel_loop3A_824 : vector<16xi32>
        scf.yield %parallel_loop3A_825 : vector<16xi32>
      } {sc.loop_unroll_factor = 2 : i64, sc.parallel_access}
      %broadcast_in_dim3A_802 = arith.constant true
      %broadcast_in_dim3A_803 = vector.broadcast %broadcast_in_dim3A_802 : i1 to vector<16xi1>
      %masked_cumsum3A_804 = tpu.scan <sum>, %parallel_loop3A_801 masked %broadcast_in_dim3A_803 : vector<16xi32>, vector<16xi1> -> vector<16xi32>
      %slice3A_805 = vector.extract_strided_slice %masked_cumsum3A_804 {offsets = [15], sizes = [1], strides = [1]} : vector<16xi32> to vector<1xi32>
      %squeeze3A_806 = vector.extract %slice3A_805[0] : i32 from vector<1xi32>
      %ge3A = arith.cmpi sge, %squeeze3A_806, %scan3A_790 : i32
      %select_n3A = arith.select %ge3A, %or3A_796, %scan3A_789 : i32
      %sub3A_807 = arith.subi %scan3A_790, %squeeze3A_806 : i32
      %select_n3A_808 = arith.select %ge3A, %scan3A_790, %sub3A_807 : i32
      scf.yield %select_n3A, %select_n3A_808 : i32, i32
    }
    %scan3A_562 = arith.constant 32 : i32
    %broadcast_in_dim3A_563 = vector.broadcast %scan3A_561#0 : i32 to vector<16xi32>
    %shift_right_arithmetic3A_564 = arith.constant 31 : i32
    %shift_right_arithmetic3A_565 = vector.broadcast %shift_right_arithmetic3A_564 : i32 to vector<16xi32>
    %shift_right_arithmetic3A_566 = arith.shrsi %broadcast_in_dim3A_563, %shift_right_arithmetic3A_565 : vector<16xi32>
    %not3A_567 = arith.constant dense<-1> : vector<16xi32>
    %not3A_568 = arith.xori %shift_right_arithmetic3A_566, %not3A_567 : vector<16xi32>
    %or3A_569 = arith.constant -2147483648 : i32
    %or3A_570 = vector.broadcast %or3A_569 : i32 to vector<16xi32>
    %or3A_571 = arith.ori %or3A_570, %not3A_568 : vector<16xi32>
    %xor3A_572 = arith.xori %broadcast_in_dim3A_563, %or3A_571 : vector<16xi32>
    %bitcast3A_573 = vector.bitcast %xor3A_572 : vector<16xi32> to vector<16xf32>
    %parallel_loop3A_574 = arith.constant 0 : i32
    %parallel_loop3A_575 = arith.constant 2048 : i32
    %parallel_loop3A_576 = arith.constant 1 : i32
    scf.for %parallel_loop3A_788 = %parallel_loop3A_574 to %parallel_loop3A_575 step %parallel_loop3A_576  : i32 {
      %parallel_loop3A_789 = arith.constant 16 : i32
      %parallel_loop3A_790 = arith.muli %parallel_loop3A_788, %parallel_loop3A_789 : i32
      %parallel_loop3A_791 = arith.index_cast %parallel_loop3A_790 : i32 to index
      %parallel_loop3A_792 = tpu.vector_load %arg6[%parallel_loop3A_791] {strides = array<i32>} : memref<32768xf32, #tpu.memory_space<vmem>>, vector<16xf32>,
      %parallel_loop3A_793 = arith.cmpf oge, %parallel_loop3A_792, %bitcast3A_573 : vector<16xf32>
      %parallel_loop3A_794 = arith.constant -1.000000e+09 : f32
      %parallel_loop3A_795 = vector.broadcast %parallel_loop3A_794 : f32 to vector<16xf32>
      %parallel_loop3A_796 = arith.select %parallel_loop3A_793, %parallel_loop3A_792, %parallel_loop3A_795 : vector<16xi1>, vector<16xf32>
      %parallel_loop3A_797 = arith.constant 16 : i32
      %parallel_loop3A_798 = arith.muli %parallel_loop3A_788, %parallel_loop3A_797 : i32
      %parallel_loop3A_799 = arith.index_cast %parallel_loop3A_798 : i32 to index
      %parallel_loop3A_800 = tpu.vector_load %arg7[%parallel_loop3A_799] {strides = array<i32>} : memref<32768xf32, #tpu.memory_space<vmem>>, vector<16xf32>,
      tpu.vector_store %arg7[%parallel_loop3A_799], %parallel_loop3A_796 {strides = array<i32>} : memref<32768xf32, #tpu.memory_space<vmem>>, vector<16xf32>,
    } {sc.loop_unroll_factor = 8 : i64, sc.parallel_access}
    %dma_start3A_577 = arith.constant 0 : i32
    %dma_start3A_578 = tpu.memref_slice %arg4[%add3A_385, %dma_start3A_577] : memref<128x32768xf32, #tpu.memory_space<hbm>> -> memref<1x32768xf32, #tpu.memory_space<hbm>>
    %dma_start3A_579 = tpu.memref_squeeze %dma_start3A_578 : memref<1x32768xf32, #tpu.memory_space<hbm>> -> memref<32768xf32, #tpu.memory_space<hbm>>
    %dma_start3A_580 = arith.constant 0 : i32
    %dma_start3A_581 = tpu.memref_slice %arg4[%add3A_385, %dma_start3A_580] : memref<128x32768xf32, #tpu.memory_space<hbm>> -> memref<1x32768xf32, #tpu.memory_space<hbm>>
    %dma_start3A_582 = tpu.memref_squeeze %dma_start3A_581 : memref<1x32768xf32, #tpu.memory_space<hbm>> -> memref<32768xf32, #tpu.memory_space<hbm>>
    tpu.enqueue_dma source(%arg7 : memref<32768xf32, #tpu.memory_space<vmem>>) target(%dma_start3A_582 : memref<32768xf32, #tpu.memory_space<hbm>>) target_semaphore(%arg11 : memref<!tpu.dma_semaphore, #tpu.memory_space<semaphore_mem>>)
    %add3A_583 = arith.constant 1 : i32
    %add3A_584 = arith.addi %add3A_385, %add3A_583 : i32
    %dma_start3A_585 = arith.constant 0 : i32
    %dma_start3A_586 = tpu.memref_slice %arg3[%add3A_584, %dma_start3A_585] : memref<128x32768xf32, #tpu.memory_space<hbm>> -> memref<1x32768xf32, #tpu.memory_space<hbm>>
    %dma_start3A_587 = tpu.memref_squeeze %dma_start3A_586 : memref<1x32768xf32, #tpu.memory_space<hbm>> -> memref<32768xf32, #tpu.memory_space<hbm>>
    %dma_start3A_588 = arith.constant 0 : i32
    %dma_start3A_589 = tpu.memref_slice %arg3[%add3A_584, %dma_start3A_588] : memref<128x32768xf32, #tpu.memory_space<hbm>> -> memref<1x32768xf32, #tpu.memory_space<hbm>>
    %dma_start3A_590 = tpu.memref_squeeze %dma_start3A_589 : memref<1x32768xf32, #tpu.memory_space<hbm>> -> memref<32768xf32, #tpu.memory_space<hbm>>
    tpu.enqueue_dma source(%dma_start3A_590 : memref<32768xf32, #tpu.memory_space<hbm>>) target(%arg6 : memref<32768xf32, #tpu.memory_space<vmem>>) target_semaphore(%arg10 : memref<!tpu.dma_semaphore, #tpu.memory_space<semaphore_mem>>)
    %add3A_591 = arith.constant 3 : i32
    %add3A_592 = arith.addi %mul3A_2, %add3A_591 : i32
    %dma_wait3A_593 = arith.constant 0 : i32
    %dma_wait3A_594 = tpu.memref_slice %arg2[%add3A_490, %dma_wait3A_593] : memref<128x32768xf32, #tpu.memory_space<hbm>> -> memref<1x32768xf32, #tpu.memory_space<hbm>>
    %dma_wait3A_595 = tpu.memref_squeeze %dma_wait3A_594 : memref<1x32768xf32, #tpu.memory_space<hbm>> -> memref<32768xf32, #tpu.memory_space<hbm>>
    %dma_wait3A_596 = arith.constant 0 : i32
    %dma_wait3A_597 = tpu.memref_slice %arg2[%add3A_490, %dma_wait3A_596] : memref<128x32768xf32, #tpu.memory_space<hbm>> -> memref<1x32768xf32, #tpu.memory_space<hbm>>
    %dma_wait3A_598 = tpu.memref_squeeze %dma_wait3A_597 : memref<1x32768xf32, #tpu.memory_space<hbm>> -> memref<32768xf32, #tpu.memory_space<hbm>>
    tpu.wait_dma2 semaphore(%arg9 : memref<!tpu.dma_semaphore, #tpu.memory_space<semaphore_mem>>) src(%dma_wait3A_598 : memref<32768xf32, #tpu.memory_space<hbm>>) dst(%arg5 : memref<32768xf32, #tpu.memory_space<vmem>>)
    %dma_wait3A_599 = arith.constant 0 : i32
    %dma_wait3A_600 = tpu.memref_slice %arg3[%add3A_584, %dma_wait3A_599] : memref<128x32768xf32, #tpu.memory_space<hbm>> -> memref<1x32768xf32, #tpu.memory_space<hbm>>
    %dma_wait3A_601 = tpu.memref_squeeze %dma_wait3A_600 : memref<1x32768xf32, #tpu.memory_space<hbm>> -> memref<32768xf32, #tpu.memory_space<hbm>>
    %dma_wait3A_602 = arith.constant 0 : i32
    %dma_wait3A_603 = tpu.memref_slice %arg3[%add3A_584, %dma_wait3A_602] : memref<128x32768xf32, #tpu.memory_space<hbm>> -> memref<1x32768xf32, #tpu.memory_space<hbm>>
    %dma_wait3A_604 = tpu.memref_squeeze %dma_wait3A_603 : memref<1x32768xf32, #tpu.memory_space<hbm>> -> memref<32768xf32, #tpu.memory_space<hbm>>
    tpu.wait_dma2 semaphore(%arg10 : memref<!tpu.dma_semaphore, #tpu.memory_space<semaphore_mem>>) src(%dma_wait3A_604 : memref<32768xf32, #tpu.memory_space<hbm>>) dst(%arg6 : memref<32768xf32, #tpu.memory_space<vmem>>)
    %broadcast_in_dim3A_605 = arith.constant 0.000000e+00 : f32
    %broadcast_in_dim3A_606 = vector.broadcast %broadcast_in_dim3A_605 : f32 to vector<16xf32>
    %parallel_loop3A_607 = arith.constant 0 : i32
    %parallel_loop3A_608 = arith.constant 2048 : i32
    %parallel_loop3A_609 = arith.constant 1 : i32
    %parallel_loop3A_610 = scf.for %parallel_loop3A_788 = %parallel_loop3A_607 to %parallel_loop3A_608 step %parallel_loop3A_609 iter_args(%parallel_loop3A_789 = %broadcast_in_dim3A_606) -> (vector<16xf32>)  : i32 {
      %parallel_loop3A_790 = arith.constant 16 : i32
      %parallel_loop3A_791 = arith.muli %parallel_loop3A_788, %parallel_loop3A_790 : i32
      %parallel_loop3A_792 = arith.index_cast %parallel_loop3A_791 : i32 to index
      %parallel_loop3A_793 = tpu.vector_load %arg5[%parallel_loop3A_792] {strides = array<i32>} : memref<32768xf32, #tpu.memory_space<vmem>>, vector<16xf32>,
      %parallel_loop3A_794 = arith.mulf %parallel_loop3A_793, %parallel_loop3A_793 : vector<16xf32>
      %parallel_loop3A_795 = arith.addf %parallel_loop3A_789, %parallel_loop3A_794 : vector<16xf32>
      scf.yield %parallel_loop3A_795 : vector<16xf32>
    } {sc.loop_unroll_factor = 8 : i64, sc.parallel_access}
    %broadcast_in_dim3A_611 = arith.constant true
    %broadcast_in_dim3A_612 = vector.broadcast %broadcast_in_dim3A_611 : i1 to vector<16xi1>
    %masked_cumsum3A_613 = tpu.scan <sum>, %parallel_loop3A_610 masked %broadcast_in_dim3A_612 : vector<16xf32>, vector<16xi1> -> vector<16xf32>
    %slice3A_614 = vector.extract_strided_slice %masked_cumsum3A_613 {offsets = [15], sizes = [1], strides = [1]} : vector<16xf32> to vector<1xf32>
    %squeeze3A_615 = vector.extract %slice3A_614[0] : f32 from vector<1xf32>
    %broadcast_in_dim3A_616 = vector.broadcast %squeeze3A_615 : f32 to vector<16xf32>
    %bitcast3A_617 = vector.bitcast %broadcast_in_dim3A_616 : vector<16xf32> to vector<16xi32>
    %shift_right_arithmetic3A_618 = arith.constant 1 : i32
    %shift_right_arithmetic3A_619 = vector.broadcast %shift_right_arithmetic3A_618 : i32 to vector<16xi32>
    %shift_right_arithmetic3A_620 = arith.shrsi %bitcast3A_617, %shift_right_arithmetic3A_619 : vector<16xi32>
    %sub3A_621 = arith.constant 1597463007 : i32
    %sub3A_622 = vector.broadcast %sub3A_621 : i32 to vector<16xi32>
    %sub3A_623 = arith.subi %sub3A_622, %shift_right_arithmetic3A_620 : vector<16xi32>
    %bitcast3A_624 = vector.bitcast %sub3A_623 : vector<16xi32> to vector<16xf32>
    %mul3A_625 = arith.constant 5.000000e-01 : f32
    %mul3A_626 = vector.broadcast %mul3A_625 : f32 to vector<16xf32>
    %mul3A_627 = arith.mulf %mul3A_626, %broadcast_in_dim3A_616 : vector<16xf32>
    %mul3A_628 = arith.mulf %mul3A_627, %bitcast3A_624 : vector<16xf32>
    %mul3A_629 = arith.mulf %mul3A_628, %bitcast3A_624 : vector<16xf32>
    %sub3A_630 = arith.constant 1.500000e+00 : f32
    %sub3A_631 = vector.broadcast %sub3A_630 : f32 to vector<16xf32>
    %sub3A_632 = arith.subf %sub3A_631, %mul3A_629 : vector<16xf32>
    %mul3A_633 = arith.mulf %bitcast3A_624, %sub3A_632 : vector<16xf32>
    %mul3A_634 = arith.constant 5.000000e-01 : f32
    %mul3A_635 = vector.broadcast %mul3A_634 : f32 to vector<16xf32>
    %mul3A_636 = arith.mulf %mul3A_635, %broadcast_in_dim3A_616 : vector<16xf32>
    %mul3A_637 = arith.mulf %mul3A_636, %mul3A_633 : vector<16xf32>
    %mul3A_638 = arith.mulf %mul3A_637, %mul3A_633 : vector<16xf32>
    %sub3A_639 = arith.constant 1.500000e+00 : f32
    %sub3A_640 = vector.broadcast %sub3A_639 : f32 to vector<16xf32>
    %sub3A_641 = arith.subf %sub3A_640, %mul3A_638 : vector<16xf32>
    %mul3A_642 = arith.mulf %mul3A_633, %sub3A_641 : vector<16xf32>
    %mul3A_643 = arith.constant 5.000000e-01 : f32
    %mul3A_644 = vector.broadcast %mul3A_643 : f32 to vector<16xf32>
    %mul3A_645 = arith.mulf %mul3A_644, %broadcast_in_dim3A_616 : vector<16xf32>
    %mul3A_646 = arith.mulf %mul3A_645, %mul3A_642 : vector<16xf32>
    %mul3A_647 = arith.mulf %mul3A_646, %mul3A_642 : vector<16xf32>
    %sub3A_648 = arith.constant 1.500000e+00 : f32
    %sub3A_649 = vector.broadcast %sub3A_648 : f32 to vector<16xf32>
    %sub3A_650 = arith.subf %sub3A_649, %mul3A_647 : vector<16xf32>
    %mul3A_651 = arith.mulf %mul3A_642, %sub3A_650 : vector<16xf32>
    %mul3A_652 = arith.mulf %broadcast_in_dim3A_616, %mul3A_651 : vector<16xf32>
    %bitcast3A_653 = vector.bitcast %mul3A_652 : vector<16xf32> to vector<16xi32>
    %shift_right_arithmetic3A_654 = arith.constant 1 : i32
    %shift_right_arithmetic3A_655 = vector.broadcast %shift_right_arithmetic3A_654 : i32 to vector<16xi32>
    %shift_right_arithmetic3A_656 = arith.shrsi %bitcast3A_653, %shift_right_arithmetic3A_655 : vector<16xi32>
    %sub3A_657 = arith.constant 1597463007 : i32
    %sub3A_658 = vector.broadcast %sub3A_657 : i32 to vector<16xi32>
    %sub3A_659 = arith.subi %sub3A_658, %shift_right_arithmetic3A_656 : vector<16xi32>
    %bitcast3A_660 = vector.bitcast %sub3A_659 : vector<16xi32> to vector<16xf32>
    %mul3A_661 = arith.constant 5.000000e-01 : f32
    %mul3A_662 = vector.broadcast %mul3A_661 : f32 to vector<16xf32>
    %mul3A_663 = arith.mulf %mul3A_662, %mul3A_652 : vector<16xf32>
    %mul3A_664 = arith.mulf %mul3A_663, %bitcast3A_660 : vector<16xf32>
    %mul3A_665 = arith.mulf %mul3A_664, %bitcast3A_660 : vector<16xf32>
    %sub3A_666 = arith.constant 1.500000e+00 : f32
    %sub3A_667 = vector.broadcast %sub3A_666 : f32 to vector<16xf32>
    %sub3A_668 = arith.subf %sub3A_667, %mul3A_665 : vector<16xf32>
    %mul3A_669 = arith.mulf %bitcast3A_660, %sub3A_668 : vector<16xf32>
    %mul3A_670 = arith.constant 5.000000e-01 : f32
    %mul3A_671 = vector.broadcast %mul3A_670 : f32 to vector<16xf32>
    %mul3A_672 = arith.mulf %mul3A_671, %mul3A_652 : vector<16xf32>
    %mul3A_673 = arith.mulf %mul3A_672, %mul3A_669 : vector<16xf32>
    %mul3A_674 = arith.mulf %mul3A_673, %mul3A_669 : vector<16xf32>
    %sub3A_675 = arith.constant 1.500000e+00 : f32
    %sub3A_676 = vector.broadcast %sub3A_675 : f32 to vector<16xf32>
    %sub3A_677 = arith.subf %sub3A_676, %mul3A_674 : vector<16xf32>
    %mul3A_678 = arith.mulf %mul3A_669, %sub3A_677 : vector<16xf32>
    %mul3A_679 = arith.constant 5.000000e-01 : f32
    %mul3A_680 = vector.broadcast %mul3A_679 : f32 to vector<16xf32>
    %mul3A_681 = arith.mulf %mul3A_680, %mul3A_652 : vector<16xf32>
    %mul3A_682 = arith.mulf %mul3A_681, %mul3A_678 : vector<16xf32>
    %mul3A_683 = arith.mulf %mul3A_682, %mul3A_678 : vector<16xf32>
    %sub3A_684 = arith.constant 1.500000e+00 : f32
    %sub3A_685 = vector.broadcast %sub3A_684 : f32 to vector<16xf32>
    %sub3A_686 = arith.subf %sub3A_685, %mul3A_683 : vector<16xf32>
    %mul3A_687 = arith.mulf %mul3A_678, %sub3A_686 : vector<16xf32>
    %mul3A_688 = arith.mulf %mul3A_652, %mul3A_687 : vector<16xf32>
    %scan3A_689 = arith.constant 0 : i32
    %scan3A_690 = arith.constant 0 : i32
    %scan3A_691 = arith.constant 16 : i32
    %scan3A_692 = arith.addi %scan3A_690, %scan3A_691 : i32
    %scan3A_693 = arith.constant 1 : i32
    %scan3A_694 = scf.for %scan3A_788 = %scan3A_690 to %scan3A_692 step %scan3A_693 iter_args(%scan3A_789 = %scan3A_689) -> (i32)  : i32 {
      %mul3A_790 = arith.constant 128 : i32
      %mul3A_791 = arith.muli %scan3A_788, %mul3A_790 : i32
      %add3A_792 = arith.constant 128 : i32
      %add3A_793 = arith.addi %mul3A_791, %add3A_792 : i32
      %broadcast_in_dim3A_794 = arith.constant -3.000000e+38 : f32
      %broadcast_in_dim3A_795 = vector.broadcast %broadcast_in_dim3A_794 : f32 to vector<16xf32>
      %parallel_loop3A_796 = arith.constant 1 : i32
      %parallel_loop3A_797 = scf.for %parallel_loop3A_802 = %mul3A_791 to %add3A_793 step %parallel_loop3A_796 iter_args(%parallel_loop3A_803 = %broadcast_in_dim3A_795) -> (vector<16xf32>)  : i32 {
        %parallel_loop3A_804 = arith.constant 16 : i32
        %parallel_loop3A_805 = arith.muli %parallel_loop3A_802, %parallel_loop3A_804 : i32
        %parallel_loop3A_806 = arith.index_cast %parallel_loop3A_805 : i32 to index
        %parallel_loop3A_807 = tpu.vector_load %arg5[%parallel_loop3A_806] {strides = array<i32>} : memref<32768xf32, #tpu.memory_space<vmem>>, vector<16xf32>,
        %parallel_loop3A_808 = arith.constant 16 : i32
        %parallel_loop3A_809 = arith.muli %parallel_loop3A_802, %parallel_loop3A_808 : i32
        %parallel_loop3A_810 = arith.index_cast %parallel_loop3A_809 : i32 to index
        %parallel_loop3A_811 = tpu.vector_load %arg6[%parallel_loop3A_810] {strides = array<i32>} : memref<32768xf32, #tpu.memory_space<vmem>>, vector<16xf32>,
        %parallel_loop3A_812 = arith.mulf %parallel_loop3A_811, %mul3A_688 : vector<16xf32>
        %parallel_loop3A_813 = arith.addf %parallel_loop3A_807, %parallel_loop3A_812 : vector<16xf32>
        %parallel_loop3A_814 = arith.constant 16 : i32
        %parallel_loop3A_815 = arith.muli %parallel_loop3A_802, %parallel_loop3A_814 : i32
        %parallel_loop3A_816 = arith.index_cast %parallel_loop3A_815 : i32 to index
        %parallel_loop3A_817 = tpu.vector_load %arg6[%parallel_loop3A_816] {strides = array<i32>} : memref<32768xf32, #tpu.memory_space<vmem>>, vector<16xf32>,
        tpu.vector_store %arg6[%parallel_loop3A_816], %parallel_loop3A_813 {strides = array<i32>} : memref<32768xf32, #tpu.memory_space<vmem>>, vector<16xf32>,
        %parallel_loop3A_818 = arith.maximumf %parallel_loop3A_803, %parallel_loop3A_813 : vector<16xf32>
        scf.yield %parallel_loop3A_818 : vector<16xf32>
      } {sc.loop_unroll_factor = 8 : i64, sc.parallel_access}
      %mul3A_798 = arith.constant 16 : i32
      %mul3A_799 = arith.muli %scan3A_788, %mul3A_798 : i32
      %swap3A = arith.index_cast %mul3A_799 : i32 to index
      %swap3A_800 = tpu.vector_load %arg8[%swap3A] {strides = array<i32>} : memref<256xf32, #tpu.memory_space<vmem>>, vector<16xf32>,
      tpu.vector_store %arg8[%swap3A], %parallel_loop3A_797 {strides = array<i32>} : memref<256xf32, #tpu.memory_space<vmem>>, vector<16xf32>,
      %scan3A_801 = arith.constant 0 : i32
      scf.yield %scan3A_801 : i32
    }
    %scan3A_695 = arith.constant 16 : i32
    %scan3A_696 = arith.constant 0 : i32
    %scan3A_697 = arith.constant 0 : i32
    %scan3A_698 = arith.constant 16 : i32
    %scan3A_699 = arith.addi %scan3A_697, %scan3A_698 : i32
    %scan3A_700 = arith.constant 1 : i32
    %scan3A_701 = scf.for %scan3A_788 = %scan3A_697 to %scan3A_699 step %scan3A_700 iter_args(%scan3A_789 = %scan3A_696) -> (i32)  : i32 {
      %mul3A_790 = arith.constant 16 : i32
      %mul3A_791 = arith.muli %scan3A_788, %mul3A_790 : i32
      %get3A = arith.index_cast %mul3A_791 : i32 to index
      %get3A_792 = tpu.vector_load %arg8[%get3A] {strides = array<i32>} : memref<256xf32, #tpu.memory_space<vmem>>, vector<16xf32>,
      %bitcast3A_793 = vector.bitcast %get3A_792 : vector<16xf32> to vector<16xi32>
      %shift_right_arithmetic3A_794 = arith.constant 31 : i32
      %shift_right_arithmetic3A_795 = vector.broadcast %shift_right_arithmetic3A_794 : i32 to vector<16xi32>
      %shift_right_arithmetic3A_796 = arith.shrsi %bitcast3A_793, %shift_right_arithmetic3A_795 : vector<16xi32>
      %and3A = arith.constant 2147483647 : i32
      %and3A_797 = vector.broadcast %and3A : i32 to vector<16xi32>
      %and3A_798 = arith.andi %shift_right_arithmetic3A_796, %and3A_797 : vector<16xi32>
      %or3A_799 = arith.constant -2147483648 : i32
      %or3A_800 = vector.broadcast %or3A_799 : i32 to vector<16xi32>
      %or3A_801 = arith.ori %or3A_800, %and3A_798 : vector<16xi32>
      %xor3A_802 = arith.xori %bitcast3A_793, %or3A_801 : vector<16xi32>
      %bitcast3A_803 = vector.bitcast %xor3A_802 : vector<16xi32> to vector<16xf32>
      %mul3A_804 = arith.constant 16 : i32
      %mul3A_805 = arith.muli %scan3A_788, %mul3A_804 : i32
      %swap3A = arith.index_cast %mul3A_805 : i32 to index
      %swap3A_806 = tpu.vector_load %arg8[%swap3A] {strides = array<i32>} : memref<256xf32, #tpu.memory_space<vmem>>, vector<16xf32>,
      tpu.vector_store %arg8[%swap3A], %bitcast3A_803 {strides = array<i32>} : memref<256xf32, #tpu.memory_space<vmem>>, vector<16xf32>,
      %scan3A_807 = arith.constant 0 : i32
      scf.yield %scan3A_807 : i32
    }
    %scan3A_702 = arith.constant 16 : i32
    %scan3A_703 = arith.constant 0 : i32
    %scan3A_704 = arith.constant 64 : i32
    %scan3A_705 = arith.constant 0 : i32
    %scan3A_706 = arith.constant 32 : i32
    %scan3A_707 = arith.addi %scan3A_705, %scan3A_706 : i32
    %scan3A_708 = arith.constant 1 : i32
    %scan3A_709:2 = scf.for %scan3A_788 = %scan3A_705 to %scan3A_707 step %scan3A_708 iter_args(%scan3A_789 = %scan3A_703, %scan3A_790 = %scan3A_704) -> (i32, i32)  : i32 {
      %sub3A_791 = arith.constant 31 : i32
      %sub3A_792 = arith.subi %sub3A_791, %scan3A_788 : i32
      %shift_left3A = arith.constant -1 : i32
      %shift_left3A_793 = arith.shli %shift_left3A, %sub3A_792 : i32
      %shift_left3A_794 = arith.constant 1 : i32
      %shift_left3A_795 = arith.shli %shift_left3A_794, %sub3A_792 : i32
      %or3A_796 = arith.ori %scan3A_789, %shift_left3A_795 : i32
      %broadcast_in_dim3A_797 = arith.constant 0 : i32
      %broadcast_in_dim3A_798 = vector.broadcast %broadcast_in_dim3A_797 : i32 to vector<16xi32>
      %parallel_loop3A_799 = arith.constant 0 : i32
      %parallel_loop3A_800 = arith.constant 16 : i32
      %parallel_loop3A_801 = arith.constant 1 : i32
      %parallel_loop3A_802 = scf.for %parallel_loop3A_810 = %parallel_loop3A_799 to %parallel_loop3A_800 step %parallel_loop3A_801 iter_args(%parallel_loop3A_811 = %broadcast_in_dim3A_798) -> (vector<16xi32>)  : i32 {
        %parallel_loop3A_812 = arith.constant 16 : i32
        %parallel_loop3A_813 = arith.muli %parallel_loop3A_810, %parallel_loop3A_812 : i32
        %parallel_loop3A_814 = arith.index_cast %parallel_loop3A_813 : i32 to index
        %parallel_loop3A_815 = tpu.vector_load %arg8[%parallel_loop3A_814] {strides = array<i32>} : memref<256xf32, #tpu.memory_space<vmem>>, vector<16xf32>,
        %parallel_loop3A_816 = vector.bitcast %parallel_loop3A_815 : vector<16xf32> to vector<16xi32>
        %parallel_loop3A_817 = vector.broadcast %shift_left3A_793 : i32 to vector<16xi32>
        %parallel_loop3A_818 = arith.andi %parallel_loop3A_816, %parallel_loop3A_817 : vector<16xi32>
        %parallel_loop3A_819 = vector.broadcast %or3A_796 : i32 to vector<16xi32>
        %parallel_loop3A_820 = arith.cmpi eq, %parallel_loop3A_818, %parallel_loop3A_819 : vector<16xi32>
        %parallel_loop3A_821 = arith.constant 1 : i32
        %parallel_loop3A_822 = arith.constant 0 : i32
        %parallel_loop3A_823 = vector.broadcast %parallel_loop3A_821 : i32 to vector<16xi32>
        %parallel_loop3A_824 = vector.broadcast %parallel_loop3A_822 : i32 to vector<16xi32>
        %parallel_loop3A_825 = arith.select %parallel_loop3A_820, %parallel_loop3A_823, %parallel_loop3A_824 : vector<16xi1>, vector<16xi32>
        %parallel_loop3A_826 = arith.addi %parallel_loop3A_811, %parallel_loop3A_825 : vector<16xi32>
        scf.yield %parallel_loop3A_826 : vector<16xi32>
      } {sc.loop_unroll_factor = 4 : i64, sc.parallel_access}
      %broadcast_in_dim3A_803 = arith.constant true
      %broadcast_in_dim3A_804 = vector.broadcast %broadcast_in_dim3A_803 : i1 to vector<16xi1>
      %masked_cumsum3A_805 = tpu.scan <sum>, %parallel_loop3A_802 masked %broadcast_in_dim3A_804 : vector<16xi32>, vector<16xi1> -> vector<16xi32>
      %slice3A_806 = vector.extract_strided_slice %masked_cumsum3A_805 {offsets = [15], sizes = [1], strides = [1]} : vector<16xi32> to vector<1xi32>
      %squeeze3A_807 = vector.extract %slice3A_806[0] : i32 from vector<1xi32>
      %ge3A = arith.cmpi sge, %squeeze3A_807, %scan3A_790 : i32
      %select_n3A = arith.select %ge3A, %or3A_796, %scan3A_789 : i32
      %sub3A_808 = arith.subi %scan3A_790, %squeeze3A_807 : i32
      %select_n3A_809 = arith.select %ge3A, %scan3A_790, %sub3A_808 : i32
      scf.yield %select_n3A, %select_n3A_809 : i32, i32
    }
    %scan3A_710 = arith.constant 32 : i32
    %broadcast_in_dim3A_711 = vector.broadcast %scan3A_709#0 : i32 to vector<16xi32>
    %shift_right_arithmetic3A_712 = arith.constant 31 : i32
    %shift_right_arithmetic3A_713 = vector.broadcast %shift_right_arithmetic3A_712 : i32 to vector<16xi32>
    %shift_right_arithmetic3A_714 = arith.shrsi %broadcast_in_dim3A_711, %shift_right_arithmetic3A_713 : vector<16xi32>
    %not3A_715 = arith.constant dense<-1> : vector<16xi32>
    %not3A_716 = arith.xori %shift_right_arithmetic3A_714, %not3A_715 : vector<16xi32>
    %or3A_717 = arith.constant -2147483648 : i32
    %or3A_718 = vector.broadcast %or3A_717 : i32 to vector<16xi32>
    %or3A_719 = arith.ori %or3A_718, %not3A_716 : vector<16xi32>
    %xor3A_720 = arith.xori %broadcast_in_dim3A_711, %or3A_719 : vector<16xi32>
    %bitcast3A_721 = vector.bitcast %xor3A_720 : vector<16xi32> to vector<16xf32>
    %dma_wait3A_722 = arith.constant 0 : i32
    %dma_wait3A_723 = tpu.memref_slice %arg4[%add3A_385, %dma_wait3A_722] : memref<128x32768xf32, #tpu.memory_space<hbm>> -> memref<1x32768xf32, #tpu.memory_space<hbm>>
    %dma_wait3A_724 = tpu.memref_squeeze %dma_wait3A_723 : memref<1x32768xf32, #tpu.memory_space<hbm>> -> memref<32768xf32, #tpu.memory_space<hbm>>
    %dma_wait3A_725 = arith.constant 0 : i32
    %dma_wait3A_726 = tpu.memref_slice %arg4[%add3A_385, %dma_wait3A_725] : memref<128x32768xf32, #tpu.memory_space<hbm>> -> memref<1x32768xf32, #tpu.memory_space<hbm>>
    %dma_wait3A_727 = tpu.memref_squeeze %dma_wait3A_726 : memref<1x32768xf32, #tpu.memory_space<hbm>> -> memref<32768xf32, #tpu.memory_space<hbm>>
    tpu.wait_dma2 semaphore(%arg11 : memref<!tpu.dma_semaphore, #tpu.memory_space<semaphore_mem>>) src(%arg7 : memref<32768xf32, #tpu.memory_space<vmem>>) dst(%dma_wait3A_727 : memref<32768xf32, #tpu.memory_space<hbm>>)
    %broadcast_in_dim3A_728 = arith.constant -1 : i32
    %broadcast_in_dim3A_729 = vector.broadcast %broadcast_in_dim3A_728 : i32 to vector<16xi32>
    %parallel_loop3A_730 = arith.constant 0 : i32
    %parallel_loop3A_731 = arith.constant 2048 : i32
    %parallel_loop3A_732 = arith.constant 1 : i32
    %parallel_loop3A_733 = scf.for %parallel_loop3A_788 = %parallel_loop3A_730 to %parallel_loop3A_731 step %parallel_loop3A_732 iter_args(%parallel_loop3A_789 = %broadcast_in_dim3A_729) -> (vector<16xi32>)  : i32 {
      %parallel_loop3A_790 = arith.constant 16 : i32
      %parallel_loop3A_791 = arith.muli %parallel_loop3A_788, %parallel_loop3A_790 : i32
      %parallel_loop3A_792 = arith.index_cast %parallel_loop3A_791 : i32 to index
      %parallel_loop3A_793 = tpu.vector_load %arg6[%parallel_loop3A_792] {strides = array<i32>} : memref<32768xf32, #tpu.memory_space<vmem>>, vector<16xf32>,
      %parallel_loop3A_794 = arith.cmpf oge, %parallel_loop3A_793, %bitcast3A_721 : vector<16xf32>
      %parallel_loop3A_795 = arith.constant 1 : i32
      %parallel_loop3A_796 = arith.constant 0 : i32
      %parallel_loop3A_797 = vector.broadcast %parallel_loop3A_795 : i32 to vector<16xi32>
      %parallel_loop3A_798 = vector.broadcast %parallel_loop3A_796 : i32 to vector<16xi32>
      %parallel_loop3A_799 = arith.select %parallel_loop3A_794, %parallel_loop3A_797, %parallel_loop3A_798 : vector<16xi1>, vector<16xi32>
      %parallel_loop3A_800 = arith.constant true
      %parallel_loop3A_801 = vector.broadcast %parallel_loop3A_800 : i1 to vector<16xi1>
      %parallel_loop3A_802 = tpu.scan <sum>, %parallel_loop3A_799 masked %parallel_loop3A_801 : vector<16xi32>, vector<16xi1> -> vector<16xi32>
      %parallel_loop3A_803 = arith.addi %parallel_loop3A_789, %parallel_loop3A_802 : vector<16xi32>
      tpu.vector_store_idx %arg7[%parallel_loop3A_803], %parallel_loop3A_793 masked %parallel_loop3A_794 : memref<32768xf32, #tpu.memory_space<vmem>>[vector<16xi32>], vector<16xf32>, vector<16xi1>
      %parallel_loop3A_804 = tpu.all_reduce %parallel_loop3A_794 {dim = 0 : i64, kind = #tpu.reduction_kind<sum>} : vector<16xi1> -> vector<16xi32>
      %parallel_loop3A_805 = arith.addi %parallel_loop3A_789, %parallel_loop3A_804 : vector<16xi32>
      scf.yield %parallel_loop3A_805 : vector<16xi32>
    } {sc.loop_unroll_factor = 8 : i64, sc.parallel_access}
    %slice3A_734 = vector.extract_strided_slice %parallel_loop3A_733 {offsets = [0], sizes = [1], strides = [1]} : vector<16xi32> to vector<1xi32>
    %squeeze3A_735 = vector.extract %slice3A_734[0] : i32 from vector<1xi32>
    %add3A_736 = arith.constant 1 : i32
    %add3A_737 = arith.addi %squeeze3A_735, %add3A_736 : i32
    %add3A_738 = arith.constant 15 : i32
    %add3A_739 = arith.addi %add3A_737, %add3A_738 : i32
    %shift_right_arithmetic3A_740 = arith.constant 4 : i32
    %shift_right_arithmetic3A_741 = arith.shrsi %add3A_739, %shift_right_arithmetic3A_740 : i32
    %while3A_742 = arith.constant 0 : i32
    %while3A_743 = arith.constant 0 : i32
    %while3A_744 = arith.subi %shift_right_arithmetic3A_741, %while3A_742 : i32
    %while3A_745 = arith.addi %while3A_742, %while3A_744 : i32
    %while3A_746 = arith.constant 1 : i32
    %while3A_747 = arith.divsi %while3A_744, %while3A_746 : i32
    %while3A_748 = arith.muli %while3A_747, %while3A_746 : i32
    %while3A_749 = arith.addi %while3A_742, %while3A_748 : i32
    %while3A_750 = arith.constant 1 : i32
    %while3A_751 = scf.for %while3A_788 = %while3A_742 to %while3A_749 step %while3A_750 iter_args(%while3A_789 = %while3A_743) -> (i32)  : i32 {
      %mul3A_790 = arith.constant 16 : i32
      %mul3A_791 = arith.muli %while3A_788, %mul3A_790 : i32
      %get3A = arith.index_cast %mul3A_791 : i32 to index
      %get3A_792 = tpu.vector_load %arg7[%get3A] {strides = array<i32>} : memref<32768xf32, #tpu.memory_space<vmem>>, vector<16xf32>,
      %bitcast3A_793 = vector.bitcast %get3A_792 : vector<16xf32> to vector<16xi32>
      %shift_right_arithmetic3A_794 = arith.constant 31 : i32
      %shift_right_arithmetic3A_795 = vector.broadcast %shift_right_arithmetic3A_794 : i32 to vector<16xi32>
      %shift_right_arithmetic3A_796 = arith.shrsi %bitcast3A_793, %shift_right_arithmetic3A_795 : vector<16xi32>
      %and3A = arith.constant 2147483647 : i32
      %and3A_797 = vector.broadcast %and3A : i32 to vector<16xi32>
      %and3A_798 = arith.andi %shift_right_arithmetic3A_796, %and3A_797 : vector<16xi32>
      %or3A_799 = arith.constant -2147483648 : i32
      %or3A_800 = vector.broadcast %or3A_799 : i32 to vector<16xi32>
      %or3A_801 = arith.ori %or3A_800, %and3A_798 : vector<16xi32>
      %xor3A_802 = arith.xori %bitcast3A_793, %or3A_801 : vector<16xi32>
      %mul3A_803 = arith.constant 16 : i32
      %mul3A_804 = arith.muli %while3A_788, %mul3A_803 : i32
      %iota3A = tpu.iota {dimensions = array<i32: 0>} : vector<16xi32>
      %add3A_805 = vector.broadcast %mul3A_804 : i32 to vector<16xi32>
      %add3A_806 = arith.addi %add3A_805, %iota3A : vector<16xi32>
      %lt3A = vector.broadcast %add3A_737 : i32 to vector<16xi32>
      %lt3A_807 = arith.cmpi slt, %add3A_806, %lt3A : vector<16xi32>
      %broadcast_in_dim3A_808 = arith.constant 0 : i32
      %broadcast_in_dim3A_809 = vector.broadcast %broadcast_in_dim3A_808 : i32 to vector<16xi32>
      %select_n3A = arith.select %lt3A_807, %xor3A_802, %broadcast_in_dim3A_809 : vector<16xi1>, vector<16xi32>
      %bitcast3A_810 = vector.bitcast %select_n3A : vector<16xi32> to vector<16xf32>
      %mul3A_811 = arith.constant 16 : i32
      %mul3A_812 = arith.muli %while3A_788, %mul3A_811 : i32
      %swap3A = arith.index_cast %mul3A_812 : i32 to index
      %swap3A_813 = tpu.vector_load %arg7[%swap3A] {strides = array<i32>} : memref<32768xf32, #tpu.memory_space<vmem>>, vector<16xf32>,
      tpu.vector_store %arg7[%swap3A], %bitcast3A_810 {strides = array<i32>} : memref<32768xf32, #tpu.memory_space<vmem>>, vector<16xf32>,
      %while3A_814 = arith.constant 0 : i32
      scf.yield %while3A_814 : i32
    }
    %while3A_752 = arith.constant 1 : i32
    %while3A_753 = scf.for %while3A_788 = %while3A_749 to %while3A_745 step %while3A_752 iter_args(%while3A_789 = %while3A_751) -> (i32)  : i32 {
      %mul3A_790 = arith.constant 16 : i32
      %mul3A_791 = arith.muli %while3A_788, %mul3A_790 : i32
      %get3A = arith.index_cast %mul3A_791 : i32 to index
      %get3A_792 = tpu.vector_load %arg7[%get3A] {strides = array<i32>} : memref<32768xf32, #tpu.memory_space<vmem>>, vector<16xf32>,
      %bitcast3A_793 = vector.bitcast %get3A_792 : vector<16xf32> to vector<16xi32>
      %shift_right_arithmetic3A_794 = arith.constant 31 : i32
      %shift_right_arithmetic3A_795 = vector.broadcast %shift_right_arithmetic3A_794 : i32 to vector<16xi32>
      %shift_right_arithmetic3A_796 = arith.shrsi %bitcast3A_793, %shift_right_arithmetic3A_795 : vector<16xi32>
      %and3A = arith.constant 2147483647 : i32
      %and3A_797 = vector.broadcast %and3A : i32 to vector<16xi32>
      %and3A_798 = arith.andi %shift_right_arithmetic3A_796, %and3A_797 : vector<16xi32>
      %or3A_799 = arith.constant -2147483648 : i32
      %or3A_800 = vector.broadcast %or3A_799 : i32 to vector<16xi32>
      %or3A_801 = arith.ori %or3A_800, %and3A_798 : vector<16xi32>
      %xor3A_802 = arith.xori %bitcast3A_793, %or3A_801 : vector<16xi32>
      %mul3A_803 = arith.constant 16 : i32
      %mul3A_804 = arith.muli %while3A_788, %mul3A_803 : i32
      %iota3A = tpu.iota {dimensions = array<i32: 0>} : vector<16xi32>
      %add3A_805 = vector.broadcast %mul3A_804 : i32 to vector<16xi32>
      %add3A_806 = arith.addi %add3A_805, %iota3A : vector<16xi32>
      %lt3A = vector.broadcast %add3A_737 : i32 to vector<16xi32>
      %lt3A_807 = arith.cmpi slt, %add3A_806, %lt3A : vector<16xi32>
      %broadcast_in_dim3A_808 = arith.constant 0 : i32
      %broadcast_in_dim3A_809 = vector.broadcast %broadcast_in_dim3A_808 : i32 to vector<16xi32>
      %select_n3A = arith.select %lt3A_807, %xor3A_802, %broadcast_in_dim3A_809 : vector<16xi1>, vector<16xi32>
      %bitcast3A_810 = vector.bitcast %select_n3A : vector<16xi32> to vector<16xf32>
      %mul3A_811 = arith.constant 16 : i32
      %mul3A_812 = arith.muli %while3A_788, %mul3A_811 : i32
      %swap3A = arith.index_cast %mul3A_812 : i32 to index
      %swap3A_813 = tpu.vector_load %arg7[%swap3A] {strides = array<i32>} : memref<32768xf32, #tpu.memory_space<vmem>>, vector<16xf32>,
      tpu.vector_store %arg7[%swap3A], %bitcast3A_810 {strides = array<i32>} : memref<32768xf32, #tpu.memory_space<vmem>>, vector<16xf32>,
      %while3A_814 = arith.constant 0 : i32
      scf.yield %while3A_814 : i32
    }
    %scan3A_754 = arith.constant 0 : i32
    %scan3A_755 = arith.constant 64 : i32
    %scan3A_756 = arith.constant 0 : i32
    %scan3A_757 = arith.constant 32 : i32
    %scan3A_758 = arith.addi %scan3A_756, %scan3A_757 : i32
    %scan3A_759 = arith.constant 1 : i32
    %scan3A_760:2 = scf.for %scan3A_788 = %scan3A_756 to %scan3A_758 step %scan3A_759 iter_args(%scan3A_789 = %scan3A_754, %scan3A_790 = %scan3A_755) -> (i32, i32)  : i32 {
      %sub3A_791 = arith.constant 31 : i32
      %sub3A_792 = arith.subi %sub3A_791, %scan3A_788 : i32
      %shift_left3A = arith.constant -1 : i32
      %shift_left3A_793 = arith.shli %shift_left3A, %sub3A_792 : i32
      %shift_left3A_794 = arith.constant 1 : i32
      %shift_left3A_795 = arith.shli %shift_left3A_794, %sub3A_792 : i32
      %or3A_796 = arith.ori %scan3A_789, %shift_left3A_795 : i32
      %broadcast_in_dim3A_797 = arith.constant 0 : i32
      %broadcast_in_dim3A_798 = vector.broadcast %broadcast_in_dim3A_797 : i32 to vector<16xi32>
      %parallel_loop3A_799 = arith.constant 0 : i32
      %parallel_loop3A_800 = arith.constant 1 : i32
      %parallel_loop3A_801 = scf.for %parallel_loop3A_809 = %parallel_loop3A_799 to %shift_right_arithmetic3A_741 step %parallel_loop3A_800 iter_args(%parallel_loop3A_810 = %broadcast_in_dim3A_798) -> (vector<16xi32>)  : i32 {
        %parallel_loop3A_811 = arith.constant 16 : i32
        %parallel_loop3A_812 = arith.muli %parallel_loop3A_809, %parallel_loop3A_811 : i32
        %parallel_loop3A_813 = arith.index_cast %parallel_loop3A_812 : i32 to index
        %parallel_loop3A_814 = tpu.vector_load %arg7[%parallel_loop3A_813] {strides = array<i32>} : memref<32768xf32, #tpu.memory_space<vmem>>, vector<16xf32>,
        %parallel_loop3A_815 = vector.bitcast %parallel_loop3A_814 : vector<16xf32> to vector<16xi32>
        %parallel_loop3A_816 = vector.broadcast %shift_left3A_793 : i32 to vector<16xi32>
        %parallel_loop3A_817 = arith.andi %parallel_loop3A_815, %parallel_loop3A_816 : vector<16xi32>
        %parallel_loop3A_818 = vector.broadcast %or3A_796 : i32 to vector<16xi32>
        %parallel_loop3A_819 = arith.cmpi eq, %parallel_loop3A_817, %parallel_loop3A_818 : vector<16xi32>
        %parallel_loop3A_820 = arith.constant 1 : i32
        %parallel_loop3A_821 = arith.constant 0 : i32
        %parallel_loop3A_822 = vector.broadcast %parallel_loop3A_820 : i32 to vector<16xi32>
        %parallel_loop3A_823 = vector.broadcast %parallel_loop3A_821 : i32 to vector<16xi32>
        %parallel_loop3A_824 = arith.select %parallel_loop3A_819, %parallel_loop3A_822, %parallel_loop3A_823 : vector<16xi1>, vector<16xi32>
        %parallel_loop3A_825 = arith.addi %parallel_loop3A_810, %parallel_loop3A_824 : vector<16xi32>
        scf.yield %parallel_loop3A_825 : vector<16xi32>
      } {sc.loop_unroll_factor = 2 : i64, sc.parallel_access}
      %broadcast_in_dim3A_802 = arith.constant true
      %broadcast_in_dim3A_803 = vector.broadcast %broadcast_in_dim3A_802 : i1 to vector<16xi1>
      %masked_cumsum3A_804 = tpu.scan <sum>, %parallel_loop3A_801 masked %broadcast_in_dim3A_803 : vector<16xi32>, vector<16xi1> -> vector<16xi32>
      %slice3A_805 = vector.extract_strided_slice %masked_cumsum3A_804 {offsets = [15], sizes = [1], strides = [1]} : vector<16xi32> to vector<1xi32>
      %squeeze3A_806 = vector.extract %slice3A_805[0] : i32 from vector<1xi32>
      %ge3A = arith.cmpi sge, %squeeze3A_806, %scan3A_790 : i32
      %select_n3A = arith.select %ge3A, %or3A_796, %scan3A_789 : i32
      %sub3A_807 = arith.subi %scan3A_790, %squeeze3A_806 : i32
      %select_n3A_808 = arith.select %ge3A, %scan3A_790, %sub3A_807 : i32
      scf.yield %select_n3A, %select_n3A_808 : i32, i32
    }
    %scan3A_761 = arith.constant 32 : i32
    %broadcast_in_dim3A_762 = vector.broadcast %scan3A_760#0 : i32 to vector<16xi32>
    %shift_right_arithmetic3A_763 = arith.constant 31 : i32
    %shift_right_arithmetic3A_764 = vector.broadcast %shift_right_arithmetic3A_763 : i32 to vector<16xi32>
    %shift_right_arithmetic3A_765 = arith.shrsi %broadcast_in_dim3A_762, %shift_right_arithmetic3A_764 : vector<16xi32>
    %not3A_766 = arith.constant dense<-1> : vector<16xi32>
    %not3A_767 = arith.xori %shift_right_arithmetic3A_765, %not3A_766 : vector<16xi32>
    %or3A_768 = arith.constant -2147483648 : i32
    %or3A_769 = vector.broadcast %or3A_768 : i32 to vector<16xi32>
    %or3A_770 = arith.ori %or3A_769, %not3A_767 : vector<16xi32>
    %xor3A_771 = arith.xori %broadcast_in_dim3A_762, %or3A_770 : vector<16xi32>
    %bitcast3A_772 = vector.bitcast %xor3A_771 : vector<16xi32> to vector<16xf32>
    %parallel_loop3A_773 = arith.constant 0 : i32
    %parallel_loop3A_774 = arith.constant 2048 : i32
    %parallel_loop3A_775 = arith.constant 1 : i32
    scf.for %parallel_loop3A_788 = %parallel_loop3A_773 to %parallel_loop3A_774 step %parallel_loop3A_775  : i32 {
      %parallel_loop3A_789 = arith.constant 16 : i32
      %parallel_loop3A_790 = arith.muli %parallel_loop3A_788, %parallel_loop3A_789 : i32
      %parallel_loop3A_791 = arith.index_cast %parallel_loop3A_790 : i32 to index
      %parallel_loop3A_792 = tpu.vector_load %arg6[%parallel_loop3A_791] {strides = array<i32>} : memref<32768xf32, #tpu.memory_space<vmem>>, vector<16xf32>,
      %parallel_loop3A_793 = arith.cmpf oge, %parallel_loop3A_792, %bitcast3A_772 : vector<16xf32>
      %parallel_loop3A_794 = arith.constant -1.000000e+09 : f32
      %parallel_loop3A_795 = vector.broadcast %parallel_loop3A_794 : f32 to vector<16xf32>
      %parallel_loop3A_796 = arith.select %parallel_loop3A_793, %parallel_loop3A_792, %parallel_loop3A_795 : vector<16xi1>, vector<16xf32>
      %parallel_loop3A_797 = arith.constant 16 : i32
      %parallel_loop3A_798 = arith.muli %parallel_loop3A_788, %parallel_loop3A_797 : i32
      %parallel_loop3A_799 = arith.index_cast %parallel_loop3A_798 : i32 to index
      %parallel_loop3A_800 = tpu.vector_load %arg7[%parallel_loop3A_799] {strides = array<i32>} : memref<32768xf32, #tpu.memory_space<vmem>>, vector<16xf32>,
      tpu.vector_store %arg7[%parallel_loop3A_799], %parallel_loop3A_796 {strides = array<i32>} : memref<32768xf32, #tpu.memory_space<vmem>>, vector<16xf32>,
    } {sc.loop_unroll_factor = 8 : i64, sc.parallel_access}
    %dma_start3A_776 = arith.constant 0 : i32
    %dma_start3A_777 = tpu.memref_slice %arg4[%add3A_592, %dma_start3A_776] : memref<128x32768xf32, #tpu.memory_space<hbm>> -> memref<1x32768xf32, #tpu.memory_space<hbm>>
    %dma_start3A_778 = tpu.memref_squeeze %dma_start3A_777 : memref<1x32768xf32, #tpu.memory_space<hbm>> -> memref<32768xf32, #tpu.memory_space<hbm>>
    %dma_start3A_779 = arith.constant 0 : i32
    %dma_start3A_780 = tpu.memref_slice %arg4[%add3A_592, %dma_start3A_779] : memref<128x32768xf32, #tpu.memory_space<hbm>> -> memref<1x32768xf32, #tpu.memory_space<hbm>>
    %dma_start3A_781 = tpu.memref_squeeze %dma_start3A_780 : memref<1x32768xf32, #tpu.memory_space<hbm>> -> memref<32768xf32, #tpu.memory_space<hbm>>
    tpu.enqueue_dma source(%arg7 : memref<32768xf32, #tpu.memory_space<vmem>>) target(%dma_start3A_781 : memref<32768xf32, #tpu.memory_space<hbm>>) target_semaphore(%arg11 : memref<!tpu.dma_semaphore, #tpu.memory_space<semaphore_mem>>)
    %dma_wait3A_782 = arith.constant 0 : i32
    %dma_wait3A_783 = tpu.memref_slice %arg4[%add3A_592, %dma_wait3A_782] : memref<128x32768xf32, #tpu.memory_space<hbm>> -> memref<1x32768xf32, #tpu.memory_space<hbm>>
    %dma_wait3A_784 = tpu.memref_squeeze %dma_wait3A_783 : memref<1x32768xf32, #tpu.memory_space<hbm>> -> memref<32768xf32, #tpu.memory_space<hbm>>
    %dma_wait3A_785 = arith.constant 0 : i32
    %dma_wait3A_786 = tpu.memref_slice %arg4[%add3A_592, %dma_wait3A_785] : memref<128x32768xf32, #tpu.memory_space<hbm>> -> memref<1x32768xf32, #tpu.memory_space<hbm>>
    %dma_wait3A_787 = tpu.memref_squeeze %dma_wait3A_786 : memref<1x32768xf32, #tpu.memory_space<hbm>> -> memref<32768xf32, #tpu.memory_space<hbm>>
    tpu.wait_dma2 semaphore(%arg11 : memref<!tpu.dma_semaphore, #tpu.memory_space<semaphore_mem>>) src(%arg7 : memref<32768xf32, #tpu.memory_space<vmem>>) dst(%dma_wait3A_787 : memref<32768xf32, #tpu.memory_space<hbm>>)
    return
  }
}

</mosaic_0001>

<sc_bundles>
// kernel: kernel.3.cloned.1.call-start
scs
__scs_entry_jumppad:
0x0: {  	(pc) =	sbr.rel $0x88, $3  }
0x1: {  	(tag) =	ssettag $0x0;
	lr =	simm.s32 $0x1  }
0x2: {  	[smem:$0x3FA0] =	sst lr;
	_ =	strace $0xD0000000  }
0x3: {  	_ = 	snop  }
0x4: {  	_ = 	snop  }
0x5: {  	_ = 	snop  }
0x6: {  	_ = 	snop  }
0x7: {  	_ = 	snop  }
__scs_overlays_trampoline_lowered:
0x8: {  	[smem:$0x3FAF] =	sst s0  }
0x9: {  	[smem:$0x3FB0] =	sst s1  }
0xa: {  	[smem:$0x3FB1] =	sst s2  }
0xb: {  	[smem:$0x3FB2] =	sst s3  }
0xc: {  	[smem:$0x3FB3] =	sst s4  }
0xd: {  	[smem:$0x3FB4] =	sst s5  }
0xe: {  	[smem:$0x3FB5] =	sst s6  }
0xf: {  	[smem:$0x3FB6] =	sst s7  }
0x10: {  	[smem:$0x3FB7] =	sst s8  }
0x11: {  	[smem:$0x3FB8] =	sst s9;
	s0 =	simm.s32 @!p0 $0x0  }
0x12: {  	s1 =	sld [smem:$0x3F9E];
	s0 =	simm.s32 @p0 $0x1  }
0x13: {  	[smem:$0x3FB9] =	sst s0;
	s0 =	simm.s32 @!p1 $0x0  }
0x14: {  	s2 =	sld [smem:$0x3F9D];
	s0 =	simm.s32 @p1 $0x1  }
0x15: {  	[smem:$0x3FBA] =	sst s0;
	s0 =	simm.s32 @!p2 $0x0  }
0x16: {  	s3 =	sld [smem:$0x3FDB];
	s0 =	simm.s32 @p2 $0x1  }
0x17: {  	s4 =	simm.s32 $0x1BF5;
	[smem:$0x3FBC] =	sst s0  }
0x18: {  	s0 =	sld [smem:$0x3F9F];
	_ =	swait.ge [sflag:s4], $0x0  }
0x19: {  	s7 =	sld [smem:$0x3FA0]  }
0x1a: {  	s8 =	sadd.s32 $0xFFFFE003, lr  }
0x1b: {  	s9 =	sadd.s32 $0xFFFFFEF7, lr;
	s5 =	simm.s32 $0xFFFFFFFF;
	p2 =	slt.u32 s8, $0xFFFFF086  }
0x1c: {  	p1 =	slt.u32 s9, $0xF7A;
	s5 =	simm.s32 @!p2 $0x0  }
0x1d: {  	s5 =	simm.s32 @p1 $0x1;
	p0 =	seq.s32 s7, s2  }
0x1e: {  	s7 =	smul.u32 @!p0 $0xF7A, s2;
	p2 =	seq.s32 @!p0 s5, $0x0  }
0x1f: {  	s9 =	smul.u32 $0xF7A, s1;
	s8 =	simm.s32 @!p0 $0x1BF5;
	p2 =	por !p2, p0  }
0x20: {  	[sflag:s8] =	ssyncset.s32 @!p0 $0xFFFFF086;
	s6 =	sadd.s32 @!p0 s3, s7;
	s7 =	simm.s32 @!p0 $0x108  }
0x21: {  	s3 =	sadd.s32 s3, s9;
	s6 =	sadd.s32 @!p0 $0x88, s6;
	s7 =	simm.s32 @p2 $0x1082  }
0x22: {  	[simem:s7], [sflag:s8] =	dma.local @!p0 [hbm:s6], $0xF7A  }
0x23: {  	s9 =	sor.u32 $0xD0000000, s2;
	s6 =	simm.s32 $0x108;
	_ =	swait.ge @!p0 [sflag:s8], $0x0  }
0x24: {  	s3 =	sadd.s32 $0x88, s3;
	s6 =	simm.s32 @!p1 $0x1082;
	[sflag:s4] =	ssyncset.s32 $0xFFFFF086  }
0x25: {  	[simem:s6], [sflag:s4] =	dma.local [hbm:s3], $0xF7A  }
0x26: {  	[smem:$0x3FA0] =	sst s1;
	(tag) =	ssettag s2;
	_ =	strace s9  }
0x27: {  	s1 =	sld [smem:$0x3FB0]  }
0x28: {  	s2 =	sld [smem:$0x3FB1]  }
0x29: {  	s4 =	sld [smem:$0x3FB3]  }
0x2a: {  	p0 =	seq.s32 s5, $0x0;
	s5 =	sld [smem:$0x3FB4]  }
0x2b: {  	s6 =	sld [smem:$0x3FB5]  }
0x2c: {  	s7 =	sld [smem:$0x3FB6]  }
0x2d: {  	s3 =	simm.s32 $0x108;
	s8 =	sld [smem:$0x3FB7]  }
0x2e: {  	s3 =	simm.s32 @!p0 $0x1082;
	s9 =	sld [smem:$0x3FB8]  }
0x2f: {  	lr =	sadd.s32 s0, s3;
	s0 =	sld [smem:$0x3FAF]  }
0x30: {  	s3 =	sld [smem:$0x3FB2]  }
0x31: {  	[smem:$0x3FBB] =	sst s10  }
0x32: {  	s10 =	sld [smem:$0x3FB9];
	_ =	sdelay $0x3  }
0x33: {  	p0 =	seq.s32 s10, $0x1;
	s10 =	sld [smem:$0x3FBB];
	_ =	sdelay $0x3  }
0x34: {  	[smem:$0x3FBB] =	sst s10  }
0x35: {  	s10 =	sld [smem:$0x3FBA];
	_ =	sdelay $0x3  }
0x36: {  	p1 =	seq.s32 s10, $0x1;
	s10 =	sld [smem:$0x3FBB];
	_ =	sdelay $0x3  }
0x37: {  	[smem:$0x3FBB] =	sst s10  }
0x38: {  	s10 =	sld [smem:$0x3FBC]  }
0x39: {  	_ = 	snop;
	(pc) =	sbr.ind lr, $3  }
0x3a: {  	_ = 	snop  }
0x3b: {  	_ = 	snop  }
0x3c: {  	p2 =	seq.s32 s10, $0x1;
	s10 =	sld [smem:$0x3FBB]  }
0x3d: {  	_ =	shalt  }
0x3e: {  	_ =	shalt  }
0x3f: {  	_ =	shalt  }
0x40: {  	_ =	shalt  }
0x41: {  	_ =	shalt  }
0x42: {  	_ =	shalt  }
0x43: {  	_ =	shalt  }
0x44: {  	_ =	shalt  }
0x45: {  	_ =	shalt  }
0x46: {  	_ =	shalt  }
0x47: {  	_ =	shalt  }
0x48: {  	_ =	shalt  }
0x49: {  	_ =	shalt  }
0x4a: {  	_ =	shalt  }
0x4b: {  	_ =	shalt  }
0x4c: {  	_ =	shalt  }
0x4d: {  	_ =	shalt  }
0x4e: {  	_ =	shalt  }
0x4f: {  	_ =	shalt  }
0x50: {  	_ =	shalt  }
0x51: {  	_ =	shalt  }
0x52: {  	_ =	shalt  }
0x53: {  	_ =	shalt  }
0x54: {  	_ =	shalt  }
0x55: {  	_ =	shalt  }
0x56: {  	_ =	shalt  }
0x57: {  	_ =	shalt  }
0x58: {  	_ =	shalt  }
0x59: {  	_ =	shalt  }
0x5a: {  	_ =	shalt  }
0x5b: {  	_ =	shalt  }
0x5c: {  	_ =	shalt  }
0x5d: {  	_ =	shalt  }
0x5e: {  	_ =	shalt  }
0x5f: {  	_ =	shalt  }
0x60: {  	_ =	shalt  }
0x61: {  	_ =	shalt  }
0x62: {  	_ =	shalt  }
0x63: {  	_ =	shalt  }
0x64: {  	_ =	shalt  }
0x65: {  	_ =	shalt  }
0x66: {  	_ =	shalt  }
0x67: {  	_ =	shalt  }
0x68: {  	_ =	shalt  }
0x69: {  	_ =	shalt  }
0x6a: {  	_ =	shalt  }
0x6b: {  	_ =	shalt  }
0x6c: {  	_ =	shalt  }
0x6d: {  	_ =	shalt  }
0x6e: {  	_ =	shalt  }
0x6f: {  	_ =	shalt  }
0x70: {  	_ =	shalt  }
0x71: {  	_ =	shalt  }
0x72: {  	_ =	shalt  }
0x73: {  	_ =	shalt  }
0x74: {  	_ =	shalt  }
0x75: {  	_ =	shalt  }
0x76: {  	_ =	shalt  }
0x77: {  	_ =	shalt  }
0x78: {  	_ =	shalt  }
0x79: {  	_ =	shalt  }
0x7a: {  	_ =	shalt  }
0x7b: {  	_ =	shalt  }
0x7c: {  	_ =	shalt  }
0x7d: {  	_ =	shalt  }
0x7e: {  	_ =	shalt  }
0x7f: {  	_ =	shalt  }
0x80: {  	_ =	shalt  }
0x81: {  	_ =	shalt  }
0x82: {  	_ =	shalt  }
0x83: {  	_ =	shalt  }
0x84: {  	_ =	shalt  }
0x85: {  	_ =	shalt  }
0x86: {  	_ =	shalt  }
0x87: {  	_ =	shalt  }
.Lfunc_end0:
.L_simem_size_0:
called_computation_lowered:
.L_overlay_start_0:
0x88: {  	s2 =	sld [smem:$0x3FD9]  }
0x89: {  	s3 =	sld [smem:$0x3FFE];
	_ =	sdelay $0x1  }
0x8a: {  	s1 =	srdreg.scid  }
0x8b: {  	s0 =	sand.u32 $0x1, s1  }
0x8c: {  	s17 =	sshll.u32 s0, $0xA;
	s2 =	sadd.s32 s3, s2  }
0x8d: {  	s2 =	sadd.s32 s2, s17  }
0x8e: {  	[smem:$0x3FC7] =	sst s2  }
0x8f: {  	_ = 	snop  }
0x90: {  	s2 =	sld [smem:$0x3FC9]  }
0x91: {  	s18 =	sld [smem:$0x3FD0];
	(tm) =	ssettm $0x1  }
0x92: {  	s4 =	sld [smem:$0x3FFB];
	_ =	sdelay $0x3  }
0x93: {  	_ =	strace s4  }
0x94: {  	s4 =	sld [smem:$0x3FFC];
	_ =	sdelay $0x3  }
0x95: {  	_ =	strace s4  }
0x96: {  	s4 =	sld [smem:$0x3FFD];
	_ =	sdelay $0x3  }
0x97: {  	_ =	strace s4  }
0x98: {  	_ =	strace $0x8FFFFFFF  }
0x99: {  	s19 =	sld [smem:$0x3FDB];
	_ =	sdelay $0x1  }
0x9a: {  	s5 =	simm.s32 $_scs_section_size  }
0x9b: {  	s6 =	simm.s32 $_size__tile_overlayer_lowered;
	s7 =	simm.s32 $_tile_overlayer_lowered  }
0x9c: {  	s22 =	simm.s32 $0x1BFF;
	s21 =	sshll.u32 s7, $0x1;
	s4 =	sadd.s32 s5, s19  }
0x9d: {  	s8 =	simm.s32 $0x0;
	s20 =	sshll.u32 s6, $0x1;
	s6 =	sadd.s32 s21, s4  }
0x9e: {  	[timem:s8], [sflag:s22] =	dma.local [hbm:s6], s20  }
0x9f: {  	_ =	swait.ge [sflag:s22], s20  }
0xa0: {  	s5 =	ssub.s32 $0x0, s20;
	[sflag:s22] =	ssyncset.done $0x0  }
0xa1: {  	[sflag:s22] =	ssyncadd.s32 s5;
	_ =	sdelay $0x1  }
0xa2: {  	s23 =	simm.s32 $0x1B8B  }
0xa3: {  	_ =	swait.ge [sflag:s23], $0x1  }
0xa4: {  	[sflag:s23] =	ssyncset.done $0x0  }
0xa5: {  	s25 =	simm.s32 $0x1B8E;
	s24 =	sld [smem:$0x3FFE];
	[sflag:s23] =	ssyncadd.s32 $0xFFFFFFFF  }
0xa6: {  	s26 =	simm.s32 $execute0_lowered;
	[smem:$0x3FD2] =	sst s25  }
0xa7: {  	s6 =	sshll.u32 s26, $0x1;
	_ =	strace $0x80000046;
	[dreg:$0x1] =	wrdreg $0xFFFFFFFF  }
0xa8: {  	s28 =	simm.s32 $_size_execute0_lowered;
	s4 =	sadd.s32 s4, s6;
	[dreg:$0x0] =	wrdreg $0x0  }
0xa9: {  	s6 =	sshll.u32 s28, $0x1;
	[dreg:$0x2] =	wrdreg s4  }
0xaa: {  	[dreg:$0x3] =	wrdreg s6  }
0xab: {  	[dreg:$0x4] =	wrdreg $0xC0  }
0xac: {  	_ =	task [dreg:s8], $0x5FFFF  }
0xad: {  	[dreg:$0x1] =	wrdreg $0xFFFFFFFF  }
0xae: {  	[dreg:$0x0] =	wrdreg $0x60  }
0xaf: {  	[dreg:$0x2] =	wrdreg s2  }
0xb0: {  	[dreg:$0x3] =	wrdreg s24  }
0xb1: {  	[dreg:$0x4] =	wrdreg s18  }
0xb2: {  	[dreg:$0x5] =	wrdreg $0x9  }
0xb3: {  	_ =	task.clear_ibuf [dreg:s8], $0x6FFFF;
	_ =	strace $0x90000046  }
0xb4: {  	s29 =	simm.s32 $0x9;
	_ =	strace $0x80000048  }
0xb5: {  	_ =	swait.ge [sflag:s29], $0x1  }
0xb6: {  	[sflag:s29] =	ssyncadd.s32 $0xFFFFFFFF  }
0xb7: {  	_ =	strace $0x90000048  }
0xb8: {  	_ =	sfence  }
0xb9: {  	s30 =	sld [smem:$0x0];
	_ =	sdelay $0x2  }
0xba: {  	s31 =	sshll.u32 s1, $0xD;
	s1 =	sshrl.u32 s1, $0x2  }
0xbb: {  	s3 =	sand.u32 $0x4000, s31;
	s1 =	sadd.s32 s1, s30  }
0xbc: {  	s0 =	sor.u32 s3, s0;
	s1 =	sshll.u32 s1, $0x11  }
0xbd: {  	s0 =	sor.u32 s1, s0  }
0xbe: {  	s0 =	sadd.s32 $0x8F2B, s0  }
0xbf: {  	[sflag:s0] =	ssyncadd.remote.s32 $0x1  }
0xc0: {  	_ =	sfence.sel $0xFFFF  }
0xc1: {  	[dreg:$0x0] =	wrdreg $0xFFFFFFFF;
	(pc) =	sbr.abs _section_cstart, $3  }
0xc2: {  	[dreg:$0x1] =	wrdreg $0xFFFFFFFF  }
0xc3: {  	_ =	task.clear_ibuf [dreg:s8], $0x2FFFF;
	_ =	strace $0x9FFFFFFF  }
0xc4: {  	(tm) =	ssettm $0x7FFFFFFF  }
0xc5: {  	_ =	shalt  }
tec
execute0_lowered:
.L_overlay_start_1:
0x0: {  	(tag) =	ssettag $0x1  }
0x1: {  	s0 =	rddreg [dreg:$0x0]  }
0x2: {  	s1 =	rddreg [dreg:$0x1]  }
0x3: {  	s2 =	rddreg [dreg:$0x2];
	s3 =	simm.s32 $0x0  }
0x4: {  	s30 =	srdreg.scid;
	s5 =	stileid.u32;
	s16 =	simm.s32 $0x80  }
0x5: {  	s17 =	simm.s32 $0x400;
	s18 =	simm.s32 $0x4;
	s19 =	simm.s32 $0x8000  }
0x6: {  	s20 =	simm.s32 $0x80000000;
	s21 =	simm.s32 $0x10000;
	s22 =	simm.s32 $0x1  }
0x7: {  	s23 =	simm.s32 $0x2;
	s24 =	simm.s32 $0x3;
	s25 =	simm.s32 $0x0  }
0x8: {  	[smem:$0x7FF] =	sst s3;
	s3 =	sand.u32 $0x1, s30;
	s5 =	sshll.u32 s5, $0xF  }
0x9: {  	s1 =	sadd.s32 $0x600, s1;
	s4 =	ssub.s32 $0x2, s3;
	s3 =	sshll.u32 s3, $0x6  }
0xa: {  	_ =	strace $0x80000047;
	s6 =	sshrl.u32 s4, $0x1;
	s3 =	sor.u32 s3, s5  }
0xb: {  	s15 =	ssub.s32 s4, s6;
	s31 =	sadd.s32 s0, s3;
	s9 =	sor.u32 $0x10, s3  }
0xc: {  	s4 =	sadd.s32 s1, s3;
	s12 =	sor.u32 $0x20, s3;
	s6 =	sadd.s32 s2, s3  }
0xd: {  	s3 =	sor.u32 $0x30, s3;
	[dreg:$0x4] =	wrdreg s31;
	s5 =	sadd.s32 s0, s9  }
0xe: {  	s7 =	sadd.s32 s1, s9;
	s8 =	sadd.s32 s0, s12;
	s9 =	sadd.s32 s2, s9  }
0xf: {  	s10 =	sadd.s32 s1, s12;
	s11 =	sadd.s32 s0, s3;
	s12 =	sadd.s32 s2, s12  }
0x10: {  	v0 =	vimm.s32 $0x0;
	v1 =	vimm.s32 $0x80000000;
	v2 =	vlaneseq.u32;
	s13 =	sadd.s32 s1, s3;
	s14 =	sadd.s32 s2, s3;
	s15 =	smax.u32 s15, $0x1  }
.LBB2_1:
0x11: {  	s0 =	simm.s32 $0x0;
	s1 =	rddreg [dreg:$0x4]  }
0x12: {  	[tilespmem:s0], [sflag:$0x4] =	stream.strided.gather [hbm4b:s1+s16], $0x8000, s17, s16, $0x38;
	[tilespmem:$0x18100] =	vst v63  }
0x13: {  	_ =	swait.ge [sflag:s18], $0x8000  }
0x14: {  	[sflag:s18] =	ssyncset.done $0x0  }
0x15: {  	[sflag:s18] =	ssyncadd.s32 $0xFFFF8000  }
0x16: {  	[tilespmem:s19], [sflag:$0x4] =	stream.strided.gather [hbm4b:s4+s16], $0x8000, s17, s16, $0x38;
	[tilespmem:$0x18100] =	vst v63  }
0x17: {  	_ =	swait.ge [sflag:s18], $0x8000  }
0x18: {  	[sflag:s18] =	ssyncset.done $0x0  }
0x19: {  	s31 =	simm.s32 $0x40;
	[sflag:s18] =	ssyncadd.s32 $0xFFFF8000  }
0x1a: {  	v3 =	vld [tilespmem:s31+$0xFFFFFFC0];
	_ =	sdelay $0x1  }
0x1b: {  	v4 =	vld [tilespmem:s31+$0xFFFFFFD0];
	_ =	sdelay $0x1  }
0x1c: {  	v5 =	vld [tilespmem:s31+$0xFFFFFFE0]  }
0x1d: {  	v3 =	vmul.f32 v3, v3  }
0x1e: {  	v6 =	vimm.f32 $0.0e+00;
	v7 =	vld [tilespmem:s31+$0xFFFFFFF0]  }
0x1f: {  	v4 =	vmul.f32 v4, v4;
	v3 =	vadd.f32 v3, v6;
	_ =	sdelay $0x1  }
0x20: {  	v6 =	vld [tilespmem:s31+$0x0];
	v3 =	vadd.f32 v4, v3;
	v4 =	vmul.f32 v5, v5;
	_ =	sdelay $0x1  }
0x21: {  	v8 =	vld [tilespmem:s31+$0x10];
	v3 =	vadd.f32 v4, v3;
	v4 =	vmul.f32 v7, v7;
	_ =	sdelay $0x1  }
0x22: {  	v5 =	vadd.f32 v4, v3;
	v3 =	vld [tilespmem:s31+$0x20]  }
0x23: {  	v6 =	vmul.f32 v6, v6  }
0x24: {  	v4 =	vld [tilespmem:s31+$0x30]  }
0x25: {  	s0 =	simm.s32 $0x0;
	s1 =	simm.s32 $0xC0;
	v5 =	vadd.f32 v6, v5;
	v6 =	vmul.f32 v8, v8  }
.LBB2_2:
0x26: {  	v7 =	vld [tilespmem:s1+$0xFFFFFFC0];
	s0 =	sadd.s32 $0x8, s0  }
0x27: {  	p0 =	slt.u32 s0, $0x7F8;
	v5 =	vadd.f32 v6, v5;
	v3 =	vmul.f32 v3, v3  }
0x28: {  	v6 =	vld [tilespmem:s1+$0xFFFFFFD0]  }
0x29: {  	v3 =	vadd.f32 v3, v5;
	v4 =	vmul.f32 v4, v4  }
0x2a: {  	v5 =	vld [tilespmem:s1+$0xFFFFFFE0]  }
0x2b: {  	v7 =	vmul.f32 v7, v7;
	v3 =	vadd.f32 v4, v3  }
0x2c: {  	v4 =	vld [tilespmem:s1+$0xFFFFFFF0]  }
0x2d: {  	v3 =	vadd.f32 v7, v3;
	v6 =	vmul.f32 v6, v6  }
0x2e: {  	v7 =	vld [tilespmem:s1+$0x0]  }
0x2f: {  	v3 =	vadd.f32 v6, v3;
	v5 =	vmul.f32 v5, v5  }
0x30: {  	v6 =	vld [tilespmem:s1+$0x10]  }
.Ltmp0:
0x31: {  	v5 =	vadd.f32 v5, v3;
	v4 =	vmul.f32 v4, v4;
	(pc) =	sbr.rel @p0 .LBB2_2-.Ltmp0, $4  }
0x32: {  	v3 =	vld [tilespmem:s1+$0x20]  }
0x33: {  	v5 =	vadd.f32 v4, v5;
	v7 =	vmul.f32 v7, v7  }
0x34: {  	v4 =	vld [tilespmem:s1+$0x30]  }
0x35: {  	s1 =	sadd.s32 $0x80, s1;
	v5 =	vadd.f32 v7, v5;
	v6 =	vmul.f32 v6, v6  }
0x36: {  	_ = 	snop  }
0x37: {  	v5 =	vadd.f32 v6, v5;
	v3 =	vmul.f32 v3, v3;
	_ =	sdelay $0x1  }
0x38: {  	v3 =	vadd.f32 v3, v5;
	v4 =	vmul.f32 v4, v4;
	_ =	sdelay $0x1  }
0x39: {  	v3 =	vadd.f32 v4, v3;
	_ =	sdelay $0x1  }
0x3a: {  	(xrf2) =	vadd.scan.msk.f32 $0xffff, v3;
	_ =	sdelay $0x9  }
0x3b: {  	v3, _, _ =	vpop (xrf2)  }
0x3c: {  	v3 =	vbroadcast v3, $0xF;
	_ =	sdelay $0x1  }
0x3d: {  	v4 =	vshra.s32 v3, $0x1;
	v5 =	vmul.f32 $5.000000000e-01, v3  }
0x3e: {  	v4 =	vsub.s32 $0x5F3759DF, v4  }
0x3f: {  	v62 =	vmul.f32 v4, v5;
	_ =	sdelay $0x1  }
0x40: {  	v6 =	vmul.f32 v4, v62;
	_ =	sdelay $0x1  }
0x41: {  	v6 =	vsub.f32 $1.500000000e+00, v6;
	_ =	sdelay $0x1  }
0x42: {  	v4 =	vmul.f32 v4, v6;
	_ =	sdelay $0x1  }
0x43: {  	v6 =	vmul.f32 v4, v5;
	_ =	sdelay $0x1  }
0x44: {  	v6 =	vmul.f32 v6, v4;
	_ =	sdelay $0x1  }
0x45: {  	v6 =	vsub.f32 $1.500000000e+00, v6;
	_ =	sdelay $0x1  }
0x46: {  	v4 =	vmul.f32 v6, v4;
	_ =	sdelay $0x1  }
0x47: {  	v5 =	vmul.f32 v4, v5;
	_ =	sdelay $0x1  }
0x48: {  	v5 =	vmul.f32 v5, v4;
	_ =	sdelay $0x1  }
0x49: {  	v5 =	vsub.f32 $1.500000000e+00, v5;
	_ =	sdelay $0x1  }
0x4a: {  	v4 =	vmul.f32 v5, v4;
	_ =	sdelay $0x1  }
0x4b: {  	v3 =	vmul.f32 v4, v3;
	_ =	sdelay $0x1  }
0x4c: {  	v4 =	vshra.s32 v3, $0x1;
	v5 =	vmul.f32 $5.000000000e-01, v3  }
0x4d: {  	v4 =	vsub.s32 $0x5F3759DF, v4  }
0x4e: {  	v63 =	vmul.f32 v4, v5;
	_ =	sdelay $0x1  }
0x4f: {  	v6 =	vmul.f32 v4, v63;
	_ =	sdelay $0x1  }
0x50: {  	v6 =	vsub.f32 $1.500000000e+00, v6;
	_ =	sdelay $0x1  }
0x51: {  	v4 =	vmul.f32 v4, v6;
	_ =	sdelay $0x1  }
0x52: {  	v6 =	vmul.f32 v4, v5;
	_ =	sdelay $0x1  }
0x53: {  	v6 =	vmul.f32 v6, v4;
	_ =	sdelay $0x1  }
0x54: {  	v6 =	vsub.f32 $1.500000000e+00, v6;
	_ =	sdelay $0x1  }
0x55: {  	v4 =	vmul.f32 v6, v4;
	_ =	sdelay $0x1  }
0x56: {  	v5 =	vmul.f32 v4, v5;
	_ =	sdelay $0x1  }
0x57: {  	v5 =	vmul.f32 v5, v4;
	_ =	sdelay $0x1  }
0x58: {  	v5 =	vsub.f32 $1.500000000e+00, v5;
	_ =	sdelay $0x1  }
0x59: {  	v4 =	vmul.f32 v5, v4;
	_ =	sdelay $0x1  }
0x5a: {  	v3 =	vmul.f32 v4, v3  }
0x5b: {  	s26 =	simm.s32 $0x0;
	s28 =	simm.s32 $0x40;
	s29 =	simm.s32 $0x8040  }
.LBB2_4:
0x5c: {  	v5 =	vld [tilespmem:s28+$0x10]  }
0x5d: {  	v4 =	vld [tilespmem:s28+$0x0]  }
0x5e: {  	v6 =	vld [tilespmem:s28+$0xFFFFFFF0]  }
0x5f: {  	v14 =	vld [tilespmem:s28+$0xFFFFFFE0]  }
0x60: {  	v8 =	vld [tilespmem:s28+$0xFFFFFFD0]  }
0x61: {  	v7 =	vld [tilespmem:s28+$0xFFFFFFC0]  }
0x62: {  	v9 =	vld [tilespmem:s29+$0xFFFFFFC0]  }
0x63: {  	v12 =	vld [tilespmem:s29+$0xFFFFFFD0]  }
0x64: {  	s0 =	sshll.u32 s26, $0x7;
	v13 =	vld [tilespmem:s29+$0xFFFFFFE0]  }
0x65: {  	v15 =	vld [tilespmem:s29+$0xFFFFFFF0];
	s30 =	sadd.s32 $0x80, s0;
	s1 =	sadd.s32 $0x8, s0  }
0x66: {  	v17 =	vld [tilespmem:s29+$0x0];
	p0 =	slt.u32 s1, s30  }
.Ltmp1:
0x67: {  	v11 =	vld [tilespmem:s29+$0x10];
	v16 =	vmul.f32 v9, v3;
	(pc) =	sbr.rel @!p0 .LBB2_6-.Ltmp1, $4  }
0x68: {  	v12 =	vmul.f32 v12, v3;
	v9 =	vld [tilespmem:s29+$0x20]  }
0x69: {  	v18 =	vmul.f32 v13, v3;
	v16 =	vadd.f32 v16, v7;
	v7 =	vld [tilespmem:s29+$0x30]  }
0x6a: {  	v10 =	vimm.f32 $-3.000000010e+38;
	v13 =	vmul.f32 v15, v3;
	v12 =	vadd.f32 v12, v8;
	v8 =	vld [tilespmem:s28+$0x20]  }
0x6b: {  	s2 =	sadd.s32 $0x80, s28;
	s31 =	smov.u32 s29;
	s0 =	smov.u32 s29;
	v15 =	vmul.f32 v17, v3;
	v14 =	vadd.f32 v18, v14;
	[tilespmem:s29+$0xFFFFFFC0] =	vst v16;
	v16 =	vmax.f32 v10, v16;
	v10 =	vld [tilespmem:s28+$0x30]  }
.LBB2_5:
0x6c: {  	v17 =	vld [tilespmem:s2+$0x10];
	[tilespmem:s31+$0xFFFFFFD0] =	vst v12;
	v12 =	vmax.f32 v16, v12;
	v13 =	vadd.f32 v13, v6;
	v11 =	vmul.f32 v11, v3  }
0x6d: {  	[tilespmem:s31+$0xFFFFFFE0] =	vst v14;
	v12 =	vmax.f32 v12, v14;
	v14 =	vadd.f32 v15, v4;
	v4 =	vld [tilespmem:s2+$0x0];
	v9 =	vmul.f32 v9, v3  }
0x6e: {  	v6 =	vld [tilespmem:s2+$0xFFFFFFF0];
	[tilespmem:s31+$0xFFFFFFF0] =	vst v13;
	v12 =	vmax.f32 v12, v13;
	v13 =	vadd.f32 v11, v5;
	v7 =	vmul.f32 v7, v3  }
0x6f: {  	v15 =	vld [tilespmem:s2+$0xFFFFFFE0];
	[tilespmem:s31+$0x0] =	vst v14;
	v11 =	vmax.f32 v12, v14;
	v8 =	vadd.f32 v9, v8  }
0x70: {  	v12 =	vld [tilespmem:s2+$0xFFFFFFD0];
	[tilespmem:s31+$0x10] =	vst v13;
	v9 =	vmax.f32 v11, v13;
	v7 =	vadd.f32 v7, v10  }
0x71: {  	s31 =	sadd.s32 $0x80, s31;
	v10 =	vld [tilespmem:s2+$0xFFFFFFC0];
	[tilespmem:s0+$0x20] =	vst v8;
	v8 =	vmax.f32 v9, v8;
	v5 =	vmov v17  }
0x72: {  	s1 =	sadd.s32 $0x8, s1;
	v9 =	vld [tilespmem:s31+$0xFFFFFFC0];
	[tilespmem:s0+$0x30] =	vst v7;
	v14 =	vmax.f32 v8, v7;
	s0 =	smov.u32 s31  }
0x73: {  	p0 =	slt.u32 s1, s30;
	v7 =	vld [tilespmem:s31+$0xFFFFFFD0]  }
0x74: {  	v8 =	vld [tilespmem:s31+$0xFFFFFFE0]  }
0x75: {  	v13 =	vld [tilespmem:s31+$0xFFFFFFF0]  }
0x76: {  	v17 =	vld [tilespmem:s31+$0x0]  }
.Ltmp2:
0x77: {  	v16 =	vmul.f32 v9, v3;
	v11 =	vld [tilespmem:s31+$0x10];
	(pc) =	sbr.rel @p0 .LBB2_5-.Ltmp2, $4  }
0x78: {  	v18 =	vmul.f32 v7, v3;
	v9 =	vld [tilespmem:s31+$0x20]  }
0x79: {  	v10 =	vadd.f32 v16, v10;
	v19 =	vmul.f32 v8, v3;
	v7 =	vld [tilespmem:s31+$0x30]  }
0x7a: {  	v12 =	vadd.f32 v18, v12;
	v13 =	vmul.f32 v13, v3;
	v8 =	vld [tilespmem:s2+$0x20]  }
0x7b: {  	[tilespmem:s31+$0xFFFFFFC0] =	vst v10;
	v16 =	vmax.f32 v14, v10;
	v14 =	vadd.f32 v19, v15;
	v15 =	vmul.f32 v17, v3;
	v10 =	vld [tilespmem:s2+$0x30];
	s2 =	sadd.s32 $0x80, s2  }
.LBB2_6:
0x7c: {  	[tilespmem:s31+$0xFFFFFFD0] =	vst v12;
	v6 =	vadd.f32 v13, v6;
	v11 =	vmul.f32 v11, v3  }
0x7d: {  	[tilespmem:s31+$0xFFFFFFE0] =	vst v14;
	v4 =	vadd.f32 v15, v4  }
0x7e: {  	[tilespmem:s31+$0xFFFFFFF0] =	vst v6;
	v5 =	vadd.f32 v11, v5  }
0x7f: {  	v62 =	vmax.f32 v16, v12;
	[tilespmem:s31+$0x0] =	vst v4  }
0x80: {  	v12 =	vmax.f32 v62, v14;
	v9 =	vmul.f32 v9, v3;
	[tilespmem:s31+$0x10] =	vst v5;
	s31 =	sshll.u32 s26, $0x4;
	s26 =	sadd.s32 $0x1, s26  }
0x81: {  	v6 =	vmax.f32 v12, v6;
	v7 =	vmul.f32 v7, v3;
	p0 =	seq.s32 s26, $0x10  }
.Ltmp3:
0x82: {  	v4 =	vmax.f32 v6, v4;
	v63 =	vadd.f32 v9, v8;
	(pc) =	sbr.rel @!p0 .LBB2_4-.Ltmp3, $4  }
0x83: {  	v4 =	vmax.f32 v4, v5;
	v5 =	vadd.f32 v7, v10  }
0x84: {  	[tilespmem:s0+$0x20] =	vst v63;
	v4 =	vmax.f32 v4, v63  }
0x85: {  	[tilespmem:s0+$0x30] =	vst v5;
	v4 =	vmax.f32 v4, v5;
	s0 =	sand.u32 $0x3FFFFFF0, s31  }
0x86: {  	s28 =	sadd.s32 $0x800, s28;
	s29 =	sadd.s32 $0x800, s29;
	[tilespmem:s0+$0x18000] =	vst v4  }
0x87: {  	s26 =	simm.s32 $0x0  }
0x88: {  	[tilespmem:s26], [sflag:$0x1] =	stream.strided.gather [hbm4b:s5+s16], $0x8000, s17, s16, $0x38;
	[tilespmem:$0x18100] =	vst v63  }
0x89: {  	v3 =	vld [tilespmem:$0x18000]  }
0x8a: {  	v4 =	vld [tilespmem:$0x18010]  }
0x8b: {  	v5 =	vld [tilespmem:$0x18020]  }
0x8c: {  	v6 =	vld [tilespmem:$0x18030]  }
0x8d: {  	v7 =	vld [tilespmem:$0x18040]  }
0x8e: {  	v9 =	vld [tilespmem:$0x18050];
	v8 =	vshra.s32 v3, $0x1F  }
0x8f: {  	v11 =	vld [tilespmem:$0x18060];
	v10 =	vshra.s32 v4, $0x1F;
	v8 =	vor.u32 $0x80000000, v8  }
0x90: {  	v12 =	vld [tilespmem:$0x18070];
	v28 =	vshra.s32 v5, $0x1F;
	v27 =	vor.u32 $0x80000000, v10;
	v3 =	vxor.u32 v3, v8  }
0x91: {  	v31 =	vld [tilespmem:$0x18080];
	v30 =	vshra.s32 v6, $0x1F;
	v29 =	vor.u32 $0x80000000, v28;
	[tilespmem:$0x18000] =	vst v3;
	v3 =	vxor.u32 v4, v27  }
0x92: {  	v34 =	vld [tilespmem:$0x18090];
	v33 =	vshra.s32 v7, $0x1F;
	v32 =	vor.u32 $0x80000000, v30;
	[tilespmem:$0x18010] =	vst v3;
	v3 =	vxor.u32 v5, v29  }
0x93: {  	v37 =	vld [tilespmem:$0x180A0];
	v36 =	vshra.s32 v9, $0x1F;
	v35 =	vor.u32 $0x80000000, v33;
	[tilespmem:$0x18020] =	vst v3;
	v3 =	vxor.u32 v6, v32  }
0x94: {  	v40 =	vld [tilespmem:$0x180B0];
	v39 =	vshra.s32 v11, $0x1F;
	v38 =	vor.u32 $0x80000000, v36;
	[tilespmem:$0x18030] =	vst v3;
	v3 =	vxor.u32 v7, v35  }
0x95: {  	v43 =	vld [tilespmem:$0x180C0];
	v42 =	vshra.s32 v12, $0x1F;
	v41 =	vor.u32 $0x80000000, v39;
	[tilespmem:$0x18040] =	vst v3;
	v3 =	vxor.u32 v9, v38  }
0x96: {  	v46 =	vld [tilespmem:$0x180D0];
	v45 =	vshra.s32 v31, $0x1F;
	v44 =	vor.u32 $0x80000000, v42;
	[tilespmem:$0x18050] =	vst v3;
	v3 =	vxor.u32 v11, v41  }
0x97: {  	v49 =	vld [tilespmem:$0x180E0];
	v48 =	vshra.s32 v34, $0x1F;
	v47 =	vor.u32 $0x80000000, v45;
	[tilespmem:$0x18060] =	vst v3;
	v3 =	vxor.u32 v12, v44  }
0x98: {  	v52 =	vld [tilespmem:$0x180F0];
	v51 =	vshra.s32 v37, $0x1F;
	v50 =	vor.u32 $0x80000000, v48;
	[tilespmem:$0x18070] =	vst v3;
	v3 =	vxor.u32 v31, v47  }
0x99: {  	v54 =	vshra.s32 v40, $0x1F;
	v53 =	vor.u32 $0x80000000, v51;
	[tilespmem:$0x18080] =	vst v3;
	v3 =	vxor.u32 v34, v50  }
0x9a: {  	v56 =	vshra.s32 v43, $0x1F;
	v55 =	vor.u32 $0x80000000, v54;
	[tilespmem:$0x18090] =	vst v3;
	v3 =	vxor.u32 v37, v53  }
0x9b: {  	v58 =	vshra.s32 v46, $0x1F;
	v57 =	vor.u32 $0x80000000, v56;
	[tilespmem:$0x180A0] =	vst v3;
	v3 =	vxor.u32 v40, v55  }
0x9c: {  	v60 =	vshra.s32 v49, $0x1F;
	v59 =	vor.u32 $0x80000000, v58;
	[tilespmem:$0x180B0] =	vst v3;
	v3 =	vxor.u32 v43, v57  }
0x9d: {  	v62 =	vshra.s32 v52, $0x1F;
	v61 =	vor.u32 $0x80000000, v60;
	[tilespmem:$0x180C0] =	vst v3;
	v3 =	vxor.u32 v46, v59  }
0x9e: {  	v63 =	vor.u32 $0x80000000, v62;
	[tilespmem:$0x180D0] =	vst v3;
	v3 =	vxor.u32 v49, v61  }
0x9f: {  	[tilespmem:$0x180E0] =	vst v3;
	v3 =	vxor.u32 v52, v63  }
0xa0: {  	s0 =	simm.s32 $0x40;
	s29 =	simm.s32 $0x0;
	[tilespmem:$0x180F0] =	vst v3  }
.LBB2_8:
0xa1: {  	s1 =	simm.s32 $0x18020  }
0xa2: {  	v5 =	vld [tilespmem:s1+$0xFFFFFFE0]  }
0xa3: {  	v6 =	vld [tilespmem:s1+$0x10]  }
0xa4: {  	v7 =	vld [tilespmem:s1+$0xFFFFFFF0]  }
0xa5: {  	v8 =	vld [tilespmem:s1+$0x0]  }
0xa6: {  	s30 =	sshra.s32 s20, s29;
	s2 =	sshrl.u32 s20, s29  }
0xa7: {  	s31 =	simm.s32 $0x18060;
	s28 =	sor.u32 s2, s26;
	v4 =	vmov s30  }
0xa8: {  	v9 =	vimm.s32 $0x0;
	v10 =	vld [tilespmem:s31+$0xFFFFFFE0];
	v3 =	vmov s28;
	v5 =	vand.u32 v4, v5  }
0xa9: {  	v11 =	vand.u32 v4, v6;
	vm0 =	veq.s32 v5, v3;
	v5 =	vand.u32 v4, v7  }
0xaa: {  	v7 =	vand.u32 v4, v8;
	v6 =	vsel vm0, $0x1, v0;
	vm13 =	veq.s32 v5, v3;
	v5 =	vld [tilespmem:s31+$0x10]  }
0xab: {  	vm14 =	veq.s32 v7, v3;
	v8 =	vadd.s32 v6, v9;
	v9 =	vsel vm13, $0x1, v0;
	v6 =	vld [tilespmem:s31+$0xFFFFFFF0]  }
0xac: {  	vm15 =	veq.s32 v11, v3;
	v7 =	vld [tilespmem:s31+$0x0];
	v12 =	vsel vm14, $0x1, v0;
	v9 =	vadd.s32 v9, v8  }
0xad: {  	s1 =	simm.s32 $0x4;
	s2 =	simm.s32 $0x180A0;
	v8 =	vand.u32 v4, v10;
	v10 =	vsel vm15, $0x1, v0;
	v9 =	vadd.s32 v12, v9  }
.LBB2_9:
0xae: {  	s1 =	sadd.s32 $0x4, s1  }
0xaf: {  	v11 =	vld [tilespmem:s2+$0xFFFFFFE0];
	v12 =	vand.u32 v4, v5;
	v9 =	vadd.s32 v10, v9;
	p0 =	slt.u32 s1, $0xC  }
.Ltmp4:
0xb0: {  	vm0 =	veq.s32 v8, v3;
	v5 =	vld [tilespmem:s2+$0x10];
	v8 =	vand.u32 v4, v6;
	(pc) =	sbr.rel @p0 .LBB2_9-.Ltmp4, $4  }
0xb1: {  	v10 =	vsel vm0, $0x1, v0;
	v6 =	vld [tilespmem:s2+$0xFFFFFFF0];
	vm0 =	veq.s32 v8, v3;
	v8 =	vand.u32 v4, v7  }
0xb2: {  	v9 =	vadd.s32 v10, v9;
	v7 =	vld [tilespmem:s2+$0x0];
	v10 =	vsel vm0, $0x1, v0;
	vm0 =	veq.s32 v8, v3  }
0xb3: {  	v9 =	vadd.s32 v10, v9;
	v10 =	vsel vm0, $0x1, v0;
	vm0 =	veq.s32 v12, v3  }
0xb4: {  	s2 =	sadd.s32 $0x40, s2;
	v8 =	vand.u32 v4, v11;
	v9 =	vadd.s32 v10, v9;
	v10 =	vsel vm0, $0x1, v0  }
0xb5: {  	v5 =	vand.u32 v4, v5  }
0xb6: {  	v9 =	vadd.s32 v10, v9;
	vm0 =	veq.s32 v8, v3;
	v6 =	vand.u32 v4, v6  }
0xb7: {  	v8 =	vsel vm0, $0x1, v0;
	vm13 =	veq.s32 v6, v3;
	v58 =	vand.u32 v4, v7  }
0xb8: {  	v59 =	vadd.s32 v8, v9;
	v60 =	vsel vm13, $0x1, v0;
	vm14 =	veq.s32 v58, v3  }
0xb9: {  	vm15 =	veq.s32 v5, v3;
	v61 =	vadd.s32 v60, v59;
	v62 =	vsel vm14, $0x1, v0  }
0xba: {  	v63 =	vsel vm15, $0x1, v0;
	v3 =	vadd.s32 v62, v61  }
0xbb: {  	v3 =	vadd.s32 v63, v3  }
0xbc: {  	(xrf0) =	vadd.scan.msk.s32 $0xffff, v3;
	_ =	sdelay $0x5  }
0xbd: {  	v3, _, _ =	vpop (xrf0)  }
0xbe: {  	(v2sf) =	vpush v3, $0xF;
	_ =	sdelay $0xe  }
0xbf: {  	s1 =	spop (v2sf)  }
0xc0: {  	s29 =	sadd.s32 $0x1, s29;
	p0 =	slt.s32 s1, s0  }
0xc1: {  	s28 =	smov.u32 @p0 s26;
	s1 =	simm.s32 @!p0 $0x0;
	p0 =	sne.s32 s29, $0x20  }
.Ltmp5:
0xc2: {  	_ = 	snop;
	(pc) =	sbr.rel @p0 .LBB2_8-.Ltmp5, $2  }
0xc3: {  	_ =	sdelay $0x2  }
0xc4: {  	s0 =	ssub.s32 s0, s1;
	s26 =	smov.u32 s28  }
0xc5: {  	s0 =	simm.s32 $0x8040  }
0xc6: {  	v11 =	vld [tilespmem:s0+$0xFFFFFFD0]  }
0xc7: {  	v3 =	vmov s28;
	v13 =	vld [tilespmem:s0+$0xFFFFFFE0]  }
0xc8: {  	vm0 =	vgt.s32 v3, $0xFFFFFFFF;
	v14 =	vld [tilespmem:s0+$0xFFFFFFF0]  }
0xc9: {  	v15 =	vld [tilespmem:s0+$0x0];
	v3 =	vsel vm0, $0xFFFFFFFF, v1  }
0xca: {  	v21 =	vld [tilespmem:s0+$0x10];
	v6 =	vxor.u32 s28, v3  }
0xcb: {  	v4 =	vld [tilespmem:s0+$0xFFFFFFC0];
	vm5 =	vge.f32 v11, v6  }
0xcc: {  	v5 =	vld [tilespmem:s0+$0x30];
	vm2 =	vge.f32 v13, v6;
	v7 =	vsel vm5, $0x1, v0  }
0xcd: {  	v3 =	vld [tilespmem:s0+$0x20];
	vm3 =	vge.f32 v14, v6;
	v8 =	vsel vm2, $0x1, v0;
	(xrf0) =	vadd.scan.msk.s32 $0xffff, v7  }
0xce: {  	vm4 =	vge.f32 v15, v6;
	v7 =	vsel vm3, $0x1, v0;
	(xrf0) =	vadd.scan.msk.s32 $0xffff, v8  }
0xcf: {  	vm8 =	vge.f32 v21, v6;
	v8 =	vsel vm4, $0x1, v0;
	(xrf0) =	vadd.scan.msk.s32 $0xffff, v7  }
0xd0: {  	v16 =	vimm.s32 $0xFFFFFFFF;
	vm0 =	vge.f32 v4, v6;
	v7 =	vsel vm8, $0x1, v0;
	(xrf0) =	vadd.scan.msk.s32 $0xffff, v8  }
0xd1: {  	vm1 =	vge.f32 v5, v6;
	v9 =	vmpcnt.ones.xlane vm0;
	v8 =	vsel vm0, $0x1, v0;
	(xrf0) =	vadd.scan.msk.s32 $0xffff, v7  }
0xd2: {  	v10 =	vsel vm1, $0x1, v0;
	vm6 =	vge.f32 v3, v6;
	v7 =	vmpcnt.ones.xlane vm5;
	(xrf0) =	vadd.scan.msk.s32 $0xffff, v8  }
0xd3: {  	v9 =	vadd.s32 v16, v9;
	v8 =	vsel vm6, $0x1, v0;
	v17, _, _ =	vpop (xrf0);
	(xrf0) =	vadd.scan.msk.s32 $0xffff, v10  }
0xd4: {  	v12 =	vmpcnt.ones.xlane vm2;
	v17 =	vadd.s32 v9, v17;
	v9 =	vadd.s32 v9, v7;
	v18, _, _ =	vpop (xrf0);
	(xrf0) =	vadd.scan.msk.s32 $0xffff, v8  }
0xd5: {  	s26 =	simm.s32 $0x80C0;
	v10 =	vmpcnt.ones.xlane vm3;
	v18 =	vadd.s32 v9, v18;
	v19, _, _ =	vpop (xrf0)  }
0xd6: {  	v7 =	vld [tilespmem:s26+$0x20];
	v9 =	vadd.s32 v9, v12;
	v12 =	vmpcnt.ones.xlane vm4;
	v22, _, _ =	vpop (xrf0)  }
0xd7: {  	v20 =	vmpcnt.ones.xlane vm8;
	v8 =	vld [tilespmem:s26+$0xFFFFFFD0];
	v19 =	vadd.s32 v9, v19;
	v10 =	vadd.s32 v9, v10;
	v24, _, _ =	vpop (xrf0)  }
0xd8: {  	v23 =	vmpcnt.ones.xlane vm6;
	v9 =	vld [tilespmem:s26+$0xFFFFFFE0];
	v22 =	vadd.s32 v10, v22;
	v12 =	vadd.s32 v10, v12;
	v26, _, _ =	vpop (xrf0)  }
0xd9: {  	v10 =	vld [tilespmem:s26+$0xFFFFFFF0];
	v20 =	vadd.s32 v12, v20;
	[tilespmem:v17+s21+$0x0] =	vst.idx.msk vm5, v11;
	v17, _, _ =	vpop (xrf0)  }
0xda: {  	v25 =	vmpcnt.ones.xlane vm1;
	v24 =	vadd.s32 v12, v24;
	v12 =	vld [tilespmem:s26+$0x0];
	v11 =	vadd.s32 v20, v23;
	[tilespmem:v18+s21+$0x0] =	vst.idx.msk vm2, v13;
	v13, _, _ =	vpop (xrf0)  }
0xdb: {  	v16 =	vadd.s32 v16, v26;
	v18 =	vadd.s32 v11, v17;
	v17 =	vadd.s32 v20, v13;
	v13 =	vld [tilespmem:s26+$0x10]  }
0xdc: {  	vm7 =	vmmov vm6;
	vm6 =	vge.f32 v7, v6;
	vm2 =	vge.f32 v8, v6;
	[tilespmem:v19+s21+$0x0] =	vst.idx.msk vm3, v14;
	v14 =	vld [tilespmem:s26+$0xFFFFFFC0]  }
0xdd: {  	v11 =	vadd.s32 v11, v25;
	v20 =	vsel vm2, $0x1, v0;
	vm3 =	vge.f32 v9, v6;
	[tilespmem:v22+s21+$0x0] =	vst.idx.msk vm4, v15;
	v15 =	vld [tilespmem:s26+$0x30]  }
0xde: {  	v19 =	vsel vm6, $0x1, v0;
	v22 =	vsel vm3, $0x1, v0;
	vm4 =	vge.f32 v10, v6;
	(xrf0) =	vadd.scan.msk.s32 $0xffff, v20  }
0xdf: {  	s28 =	simm.s32 $0x8;
	v20 =	vsel vm4, $0x1, v0;
	vm5 =	vge.f32 v12, v6;
	(xrf0) =	vadd.scan.msk.s32 $0xffff, v22;
	[tilespmem:v24+s21+$0x0] =	vst.idx.msk vm8, v21  }
.LBB2_12:
0xe0: {  	s28 =	sadd.s32 $0x8, s28;
	v22 =	vsel vm5, $0x1, v0;
	vm8 =	vge.f32 v13, v6;
	(xrf0) =	vadd.scan.msk.s32 $0xffff, v20;
	[tilespmem:v16+s21+$0x0] =	vst.idx.msk vm0, v4;
	v20 =	vmovc v12  }
0xe1: {  	v21 =	vmovc v13;
	p0 =	slt.u32 s28, $0x7F8;
	vm0 =	vge.f32 v14, v6;
	v16 =	vsel vm8, $0x1, v0;
	(xrf0) =	vadd.scan.msk.s32 $0xffff, v22;
	[tilespmem:v18+s21+$0x0] =	vst.idx.msk vm1, v5  }
0xe2: {  	v4 =	vmovc v14;
	v18 =	vsel vm0, $0x1, v0;
	v12 =	vmpcnt.ones.xlane vm0;
	vm1 =	vge.f32 v15, v6;
	(xrf0) =	vadd.scan.msk.s32 $0xffff, v16  }
0xe3: {  	v13 =	vmpcnt.ones.xlane vm2;
	v14 =	vsel vm1, $0x1, v0;
	(xrf0) =	vadd.scan.msk.s32 $0xffff, v18;
	[tilespmem:v17+s21+$0x0] =	vst.idx.msk vm7, v3;
	v3 =	vmovc v7  }
0xe4: {  	v5 =	vmov v15;
	v7 =	vadd.s32 v11, v12;
	v12 =	vmpcnt.ones.xlane vm3;
	v16, _, _ =	vpop (xrf0);
	(xrf0) =	vadd.scan.msk.s32 $0xffff, v14  }
0xe5: {  	s26 =	sadd.s32 $0x80, s26;
	v15 =	vmpcnt.ones.xlane vm4;
	v14 =	vadd.s32 v7, v16;
	v13 =	vadd.s32 v7, v13;
	v16, _, _ =	vpop (xrf0);
	(xrf0) =	vadd.scan.msk.s32 $0xffff, v19  }
0xe6: {  	v7 =	vld [tilespmem:s26+$0x20];
	v17 =	vadd.s32 v13, v16;
	v12 =	vadd.s32 v13, v12;
	v13 =	vmpcnt.ones.xlane vm5;
	v16, _, _ =	vpop (xrf0)  }
0xe7: {  	v19 =	vld [tilespmem:s26+$0xFFFFFFD0];
	v22 =	vadd.s32 v12, v16;
	v12 =	vadd.s32 v12, v15;
	v15 =	vmpcnt.ones.xlane vm8;
	v16, _, _ =	vpop (xrf0)  }
0xe8: {  	v23 =	vld [tilespmem:s26+$0xFFFFFFE0];
	v24 =	vadd.s32 v12, v16;
	v12 =	vadd.s32 v12, v13;
	v13 =	vmpcnt.ones.xlane vm6;
	v16, _, _ =	vpop (xrf0)  }
0xe9: {  	v27 =	vmpcnt.ones.xlane vm1;
	v25 =	vld [tilespmem:s26+$0xFFFFFFF0];
	v26 =	vadd.s32 v12, v16;
	v15 =	vadd.s32 v12, v15;
	v16, _, _ =	vpop (xrf0)  }
0xea: {  	vm7 =	vmmov vm6;
	v12 =	vld [tilespmem:s26+$0x0];
	v16 =	vadd.s32 v11, v16;
	[tilespmem:v14+s21+$0x0] =	vst.idx.msk vm2, v8;
	v14 =	vadd.s32 v15, v13;
	v11, _, _ =	vpop (xrf0)  }
.Ltmp6:
0xeb: {  	v13 =	vld [tilespmem:s26+$0x10];
	[tilespmem:v17+s21+$0x0] =	vst.idx.msk vm3, v9;
	v18 =	vadd.s32 v14, v11;
	v11 =	vadd.s32 v14, v27;
	v8, _, _ =	vpop (xrf0);
	(pc) =	sbr.rel @p0 .LBB2_12-.Ltmp6, $4  }
0xec: {  	v14 =	vld [tilespmem:s26+$0xFFFFFFC0];
	vm2 =	vge.f32 v19, v6;
	[tilespmem:v22+s21+$0x0] =	vst.idx.msk vm4, v10;
	v17 =	vadd.s32 v15, v8;
	v8 =	vmov v19  }
0xed: {  	vm6 =	vge.f32 v7, v6;
	v22 =	vsel vm2, $0x1, v0;
	vm3 =	vge.f32 v23, v6;
	v15 =	vld [tilespmem:s26+$0x30];
	[tilespmem:v24+s21+$0x0] =	vst.idx.msk vm5, v20  }
0xee: {  	v19 =	vsel vm6, $0x1, v0;
	v9 =	vmovc v23;
	v24 =	vsel vm3, $0x1, v0;
	vm4 =	vge.f32 v25, v6;
	(xrf0) =	vadd.scan.msk.s32 $0xffff, v22  }
0xef: {  	v10 =	vmovc v25;
	v20 =	vsel vm4, $0x1, v0;
	vm5 =	vge.f32 v12, v6;
	(xrf0) =	vadd.scan.msk.s32 $0xffff, v24;
	[tilespmem:v26+s21+$0x0] =	vst.idx.msk vm8, v21  }
0xf0: {  	_ = 	snop  }
0xf1: {  	vm8 =	vge.f32 v14, v6  }
0xf2: {  	v21 =	vmpcnt.ones.xlane vm8  }
0xf3: {  	v22 =	vmpcnt.ones.xlane vm2  }
0xf4: {  	v23 =	vmpcnt.ones.xlane vm3;
	v21 =	vadd.s32 v11, v21  }
0xf5: {  	v24 =	vmpcnt.ones.xlane vm4;
	v22 =	vadd.s32 v21, v22  }
0xf6: {  	vm9 =	vge.f32 v13, v6;
	v25 =	vmpcnt.ones.xlane vm5;
	v23 =	vadd.s32 v22, v23  }
0xf7: {  	v26 =	vmpcnt.ones.xlane vm9;
	v24 =	vadd.s32 v23, v24  }
0xf8: {  	v46 =	vmpcnt.ones.xlane vm6;
	vm10 =	vge.f32 v15, v6;
	v45 =	vadd.s32 v24, v25  }
0xf9: {  	v27 =	vmpcnt.ones.xlane vm10;
	v26 =	vadd.s32 v45, v26  }
0xfa: {  	v25 =	vadd.s32 v26, v46  }
0xfb: {  	v27 =	vadd.s32 v25, v27  }
0xfc: {  	(v2sf) =	vpush v27, $0x0;
	_ =	sdelay $0x5  }
0xfd: {  	v47 =	vsel vm5, $0x1, v0;
	(xrf0) =	vadd.scan.msk.s32 $0xffff, v20  }
0xfe: {  	v48 =	vsel vm9, $0x1, v0;
	(xrf0) =	vadd.scan.msk.s32 $0xffff, v47  }
0xff: {  	v49 =	vsel vm8, $0x1, v0;
	(xrf0) =	vadd.scan.msk.s32 $0xffff, v48  }
0x100: {  	v50 =	vsel vm10, $0x1, v0;
	(xrf0) =	vadd.scan.msk.s32 $0xffff, v49  }
0x101: {  	v51, _, _ =	vpop (xrf0);
	(xrf0) =	vadd.scan.msk.s32 $0xffff, v50  }
0x102: {  	v52 =	vadd.s32 v21, v51;
	v53, _, _ =	vpop (xrf0);
	(xrf0) =	vadd.scan.msk.s32 $0xffff, v19  }
0x103: {  	v54 =	vadd.s32 v22, v53;
	v55, _, _ =	vpop (xrf0)  }
0x104: {  	[tilespmem:v16+s21+$0x0] =	vst.idx.msk vm0, v4;
	v56 =	vadd.s32 v23, v55;
	v57, _, _ =	vpop (xrf0)  }
0x105: {  	[tilespmem:v18+s21+$0x0] =	vst.idx.msk vm1, v5;
	v58 =	vadd.s32 v24, v57;
	v59, _, _ =	vpop (xrf0)  }
0x106: {  	[tilespmem:v17+s21+$0x0] =	vst.idx.msk vm7, v3;
	v3 =	vadd.s32 v45, v59;
	v60, _, _ =	vpop (xrf0);
	s1 =	spop (v2sf)  }
0x107: {  	v6 =	vadd.s32 v11, v60;
	[tilespmem:v52+s21+$0x0] =	vst.idx.msk vm2, v8;
	v61, _, _ =	vpop (xrf0);
	s0 =	sadd.s32 $0x10, s1  }
0x108: {  	[tilespmem:v54+s21+$0x0] =	vst.idx.msk vm3, v9;
	v8 =	vadd.s32 v25, v61;
	v62, _, _ =	vpop (xrf0);
	s0 =	sshra.s32 s0, $0x4  }
0x109: {  	[tilespmem:v56+s21+$0x0] =	vst.idx.msk vm4, v10;
	v63 =	vadd.s32 v26, v62;
	p0 =	slt.s32 s0, $0x1  }
.Ltmp7:
0x10a: {  	[tilespmem:v58+s21+$0x0] =	vst.idx.msk vm5, v12;
	(pc) =	sbr.rel @p0 .LBB2_20-.Ltmp7, $4  }
0x10b: {  	[tilespmem:v3+s21+$0x0] =	vst.idx.msk vm9, v13  }
0x10c: {  	[tilespmem:v6+s21+$0x0] =	vst.idx.msk vm8, v14  }
0x10d: {  	[tilespmem:v8+s21+$0x0] =	vst.idx.msk vm10, v15  }
0x10e: {  	vm15 =	vmmov vm6;
	[tilespmem:v63+s21+$0x0] =	vst.idx.msk vm6, v7  }
0x10f: {  	p1 =	seq.s32 s0, $0x1  }
.Ltmp8:
0x110: {  	_ = 	snop;
	(pc) =	sbr.rel @p1 .LBB2_15-.Ltmp8, $4  }
0x111: {  	_ = 	snop  }
0x112: {  	s1 =	sadd.s32 $0x1, s1  }
0x113: {  	v3 =	vmov s1;
	s1 =	simm.s32 $0x10000  }
0x114: {  	s2 =	simm.s32 $0x0;
	s3 =	sadd.s32 $0xFFFFFFFF, s0;
	p0 =	por $0x0, $0x0;
	v4 =	vld [tilespmem:s1+$0x0]  }
0x115: {  	_ =	sdelay $0x3  }
0x116: {  	p1 =	seq.s32 s3, $0x1;
	v5 =	vshra.s32 v4, $0x1F  }
.Ltmp9:
0x117: {  	v6 =	vor.u32 s2, v2;
	v5 =	vor.u32 $0x80000000, v5;
	(pc) =	sbr.rel @p1 .LBB2_17-.Ltmp9, $4  }
0x118: {  	vm0 =	vlt.s32 v6, v3;
	v4 =	vxor.u32 v4, v5  }
0x119: {  	v4 =	vnsel vm0, $0x0, v4  }
0x11a: {  	[tilespmem:s1+$0x0] =	vst v4;
	s1 =	simm.s32 $0x10010  }
0x11b: {  	s28 =	sadd.s32 $0xFFFFFFFF, s3;
	p0 =	por $0x1, $0x1;
	s26 =	simm.s32 $0x0;
	v4 =	vld [tilespmem:s1+$0x0]  }
.LBB2_18:
0x11c: {  	p1 =	seq.s32 s28, $0x1;
	_ =	sdelay $0x3  }
0x11d: {  	s26 =	sadd.s32 $0x10, s26;
	v5 =	vshra.s32 v4, $0x1F  }
.Ltmp10:
0x11e: {  	v6 =	vor.u32 s26, v2;
	v5 =	vor.u32 $0x80000000, v5;
	(pc) =	sbr.rel @!p1 .LBB2_18-.Ltmp10, $4  }
0x11f: {  	vm0 =	vlt.s32 v6, v3;
	v4 =	vxor.u32 v4, v5  }
0x120: {  	v4 =	vnsel vm0, $0x0, v4  }
0x121: {  	[tilespmem:s1+$0x0] =	vst v4;
	s1 =	sadd.s32 $0x10, s1  }
0x122: {  	s28 =	sadd.s32 $0xFFFFFFFF, s28;
	v4 =	vld [tilespmem:s1+$0x0]  }
.LBB2_19:
0x123: {  	_ =	sdelay $0x2  }
0x124: {  	s3 =	sadd.s32 @p0 $0x10, s26  }
0x125: {  	s2 =	smov.u32 @p0 s3;
	v5 =	vshra.s32 v4, $0x1F  }
0x126: {  	v6 =	vor.u32 s2, v2;
	v5 =	vor.u32 $0x80000000, v5  }
0x127: {  	vm0 =	vlt.s32 v6, v3;
	v63 =	vxor.u32 v4, v5  }
0x128: {  	v3 =	vnsel vm0, $0x0, v63  }
0x129: {  	[tilespmem:s1+$0x0] =	vst v3  }
.LBB2_20:
0x12a: {  	s1 =	sshrl.u32 s0, $0x1F  }
.Ltmp11:
0x12b: {  	s1 =	sadd.s32 s1, s0;
	(pc) =	sbr.rel .LBB2_21-.Ltmp11, $4  }
0x12c: {  	s26 =	sand.u32 $0xFFFFFFFE, s1  }
0x12d: {  	s31 =	simm.s32 $0x0;
	s1 =	sshll.u32 s1, $0x6;
	s28 =	ssub.s32 s0, s26  }
0x12e: {  	s29 =	simm.s32 $0x40;
	s1 =	sand.u32 $0xFFFFFF80, s1;
	p0 =	slt.s32 s28, $0x1  }
0x12f: {  	p1 =	slt.s32 s26, $0x1;
	s0 =	simm.s32 $0x0;
	s30 =	sshra.s32 @!p0 s1, $0x2  }
.LBB2_22:
0x130: {  	v3 =	vimm.s32 $0x0  }
.LBB2_23:
0x131: {  	v4 =	vld @!p0 [tilespmem:s30+$0x10000];
	_ =	sdelay $0x4  }
0x132: {  	v4 =	vand.u32 @!p0 s1, v4  }
0x133: {  	vm0 =	veq.s32 @!p0 v4, s28;
	v4 =	vimm.s32 @!p0 $0x0  }
0x134: {  	v4 =	vsel @!p0 vm0, $0x1, v4  }
0x135: {  	v4 =	vadd.s32 @!p0 v4, v3  }
0x136: {  	v3 =	vpsel p0, v3, v4  }
0x137: {  	(xrf0) =	vadd.scan.msk.s32 $0xffff, v3;
	_ =	sdelay $0x5  }
0x138: {  	v3, _, _ =	vpop (xrf0)  }
0x139: {  	(v2sf) =	vpush v3, $0xF;
	_ =	sdelay $0xe  }
0x13a: {  	s1 =	spop (v2sf)  }
0x13b: {  	s0 =	sadd.s32 $0x1, s0;
	p2 =	slt.s32 s1, s29  }
0x13c: {  	s28 =	smov.u32 @p2 s31;
	s1 =	simm.s32 @!p2 $0x0;
	p2 =	sne.s32 s0, $0x20  }
.Ltmp12:
0x13d: {  	_ = 	snop;
	(pc) =	sbr.rel @!p2 .LBB2_24-.Ltmp12, $2  }
0x13e: {  	_ =	sdelay $0x2  }
0x13f: {  	s29 =	ssub.s32 s29, s1;
	s31 =	smov.u32 s28  }
.LBB2_21:
.Ltmp13:
0x140: {  	(pc) =	sbr.rel @p1 .LBB2_22-.Ltmp13, $3  }
0x141: {  	_ =	sdelay $0x1  }
0x142: {  	s2 =	sshrl.u32 s20, s0  }
0x143: {  	s1 =	sshra.s32 s20, s0;
	s28 =	sor.u32 s2, s31  }
0x144: {  	p3 =	sgt.s32 s26, $0x2  }
.Ltmp14:
0x145: {  	_ = 	snop;
	(pc) =	sbr.rel @!p3 .LBB2_30-.Ltmp14, $4  }
0x146: {  	_ = 	snop  }
0x147: {  	s2 =	simm.s32 $0x10010  }
0x148: {  	v7 =	vld [tilespmem:s2+$0xFFFFFFF0]  }
0x149: {  	v5 =	vmov s1;
	v3 =	vmov s28;
	v4 =	vimm.s32 $0x0;
	p2 =	por $0x0, $0x0;
	v6 =	vld [tilespmem:s2+$0x0]  }
0x14a: {  	_ = 	snop  }
0x14b: {  	p3 =	sgt.s32 s26, $0x4  }
.Ltmp15:
0x14c: {  	_ = 	snop;
	(pc) =	sbr.rel @!p3 .LBB2_33-.Ltmp15, $4  }
0x14d: {  	v7 =	vand.u32 v5, v7  }
0x14e: {  	s2 =	simm.s32 $0x10030;
	vm0 =	veq.s32 v7, v3;
	v6 =	vand.u32 v5, v6  }
0x14f: {  	v7 =	vld [tilespmem:s2+$0xFFFFFFF0];
	v8 =	vsel vm0, $0x1, v0;
	vm15 =	veq.s32 v6, v3  }
0x150: {  	s3 =	simm.s32 $0x4;
	p2 =	por $0x1, $0x1;
	v6 =	vld [tilespmem:s2+$0x0];
	v8 =	vadd.s32 v8, v4;
	v9 =	vsel vm15, $0x1, v0  }
.LBB2_32:
0x151: {  	s3 =	sadd.s32 $0x2, s3  }
0x152: {  	v8 =	vadd.s32 v9, v8;
	p3 =	slt.s32 s3, s26  }
.Ltmp16:
0x153: {  	(pc) =	sbr.rel @p3 .LBB2_32-.Ltmp16, $4  }
0x154: {  	s2 =	sadd.s32 $0x20, s2;
	v9 =	vand.u32 v5, v7  }
0x155: {  	v7 =	vld [tilespmem:s2+$0xFFFFFFF0];
	vm0 =	veq.s32 v9, v3;
	v9 =	vand.u32 v5, v6  }
0x156: {  	v6 =	vld [tilespmem:s2+$0x0];
	v10 =	vsel vm0, $0x1, v0;
	vm0 =	veq.s32 v9, v3  }
0x157: {  	v8 =	vadd.s32 v10, v8;
	v9 =	vsel vm0, $0x1, v0  }
.LBB2_33:
0x158: {  	_ =	sdelay $0x2  }
.Ltmp17:
0x159: {  	v7 =	vand.u32 v5, v7;
	(pc) =	sbr.rel .LBB2_23-.Ltmp17, $4  }
0x15a: {  	v8 =	vadd.s32 @p2 v9, v8;
	vm0 =	veq.s32 v7, v3;
	v5 =	vand.u32 v5, v6  }
0x15b: {  	v63 =	vsel vm0, $0x1, v0;
	vm15 =	veq.s32 v5, v3;
	v3 =	vpsel p2, v8, v4  }
0x15c: {  	v3 =	vadd.s32 v63, v3;
	v4 =	vsel vm15, $0x1, v0  }
0x15d: {  	v3 =	vadd.s32 v4, v3  }
.LBB2_30:
.Ltmp18:
0x15e: {  	(pc) =	sbr.rel .LBB2_33-.Ltmp18, $2  }
0x15f: {  	_ =	sdelay $0x2  }
0x160: {  	_ = 	snop  }
.LBB2_24:
0x161: {  	s2 =	simm.s32 $0x8040  }
0x162: {  	v8 =	vld [tilespmem:s2+$0x30]  }
0x163: {  	v3 =	vmov s28;
	v10 =	vld [tilespmem:s2+$0xFFFFFFD0]  }
0x164: {  	vm0 =	vgt.s32 v3, $0xFFFFFFFF;
	v9 =	vld [tilespmem:s2+$0xFFFFFFE0]  }
0x165: {  	v7 =	vld [tilespmem:s2+$0xFFFFFFF0];
	v3 =	vsel vm0, $0xFFFFFFFF, v1  }
0x166: {  	v6 =	vld [tilespmem:s2+$0x0];
	v3 =	vxor.u32 s28, v3  }
0x167: {  	v4 =	vld [tilespmem:s2+$0x10];
	vm0 =	vge.f32 v8, v3  }
0x168: {  	s0 =	simm.s32 $0x10040;
	v5 =	vld [tilespmem:s2+$0x20];
	vm1 =	vge.f32 v10, v3;
	v11 =	vnsel vm0, $0xCE6E6B28, v8  }
0x169: {  	s1 =	simm.s32 $0x0;
	v8 =	vld [tilespmem:s2+$0xFFFFFFC0];
	v10 =	vnsel vm1, $0xCE6E6B28, v10;
	vm0 =	vge.f32 v9, v3;
	s2 =	simm.s32 $0x80C0;
	[tilespmem:s0+$0x30] =	vst v11  }
.LBB2_25:
0x16a: {  	v11 =	vld [tilespmem:s2+$0x30];
	s1 =	sadd.s32 $0x8, s1;
	[tilespmem:s0+$0xFFFFFFD0] =	vst v10;
	v9 =	vnsel vm0, $0xCE6E6B28, v9;
	vm0 =	vge.f32 v7, v3  }
0x16b: {  	v10 =	vld [tilespmem:s2+$0xFFFFFFD0];
	p0 =	slt.u32 s1, $0x7F8;
	[tilespmem:s0+$0xFFFFFFE0] =	vst v9;
	v7 =	vnsel vm0, $0xCE6E6B28, v7;
	vm0 =	vge.f32 v6, v3  }
0x16c: {  	v9 =	vld [tilespmem:s2+$0xFFFFFFE0];
	[tilespmem:s0+$0xFFFFFFF0] =	vst v7;
	v6 =	vnsel vm0, $0xCE6E6B28, v6;
	vm0 =	vge.f32 v4, v3  }
.Ltmp19:
0x16d: {  	v7 =	vld [tilespmem:s2+$0xFFFFFFF0];
	[tilespmem:s0+$0x0] =	vst v6;
	v4 =	vnsel vm0, $0xCE6E6B28, v4;
	vm0 =	vge.f32 v5, v3;
	(pc) =	sbr.rel @p0 .LBB2_25-.Ltmp19, $4  }
0x16e: {  	v6 =	vld [tilespmem:s2+$0x0];
	vm1 =	vge.f32 v8, v3;
	[tilespmem:s0+$0x10] =	vst v4;
	v5 =	vnsel vm0, $0xCE6E6B28, v5  }
0x16f: {  	v4 =	vld [tilespmem:s2+$0x10];
	vm0 =	vge.f32 v11, v3;
	v8 =	vnsel vm1, $0xCE6E6B28, v8;
	[tilespmem:s0+$0x20] =	vst v5  }
0x170: {  	vm1 =	vge.f32 v10, v3;
	v5 =	vld [tilespmem:s2+$0x20];
	v11 =	vnsel vm0, $0xCE6E6B28, v11;
	[tilespmem:s0+$0xFFFFFFC0] =	vst v8;
	s0 =	sadd.s32 $0x80, s0  }
0x171: {  	v8 =	vld [tilespmem:s2+$0xFFFFFFC0];
	v10 =	vnsel vm1, $0xCE6E6B28, v10;
	vm0 =	vge.f32 v9, v3;
	[tilespmem:s0+$0x30] =	vst v11;
	s2 =	sadd.s32 $0x80, s2  }
0x172: {  	[tilespmem:s0+$0xFFFFFFD0] =	vst v10;
	v9 =	vnsel vm0, $0xCE6E6B28, v9;
	vm12 =	vge.f32 v7, v3  }
0x173: {  	[tilespmem:s0+$0xFFFFFFE0] =	vst v9;
	v7 =	vnsel vm12, $0xCE6E6B28, v7;
	vm13 =	vge.f32 v6, v3  }
0x174: {  	[tilespmem:s0+$0xFFFFFFF0] =	vst v7;
	v6 =	vnsel vm13, $0xCE6E6B28, v6;
	vm14 =	vge.f32 v4, v3  }
0x175: {  	[tilespmem:s0+$0x0] =	vst v6;
	v4 =	vnsel vm14, $0xCE6E6B28, v4;
	vm15 =	vge.f32 v5, v3  }
0x176: {  	vm1 =	vge.f32 v8, v3;
	[tilespmem:s0+$0x10] =	vst v4;
	v3 =	vnsel vm15, $0xCE6E6B28, v5  }
0x177: {  	v4 =	vnsel vm1, $0xCE6E6B28, v8;
	[tilespmem:s0+$0x20] =	vst v3  }
0x178: {  	[tilespmem:s0+$0xFFFFFFC0] =	vst v4  }
0x179: {  	[hbm4b:s6+s16] =	stream.strided.scatter [tilespmem:s21], [sflag:$0x3], $0x8000, s17, s16, $0x38;
	[tilespmem:$0x18100] =	vst v63  }
0x17a: {  	_ = 	snop  }
0x17b: {  	[tilespmem:s19], [sflag:$0x2] =	stream.strided.gather [hbm4b:s7+s16], $0x8000, s17, s16, $0x38;
	[tilespmem:$0x18100] =	vst v63  }
0x17c: {  	_ =	swait.ge [sflag:s22], $0x8000  }
0x17d: {  	[sflag:s22] =	ssyncset.done $0x0  }
0x17e: {  	[sflag:s22] =	ssyncadd.s32 $0xFFFF8000  }
0x17f: {  	_ =	swait.ge [sflag:s23], $0x8000  }
0x180: {  	[sflag:s23] =	ssyncset.done $0x0  }
0x181: {  	s1 =	simm.s32 $0x40;
	[sflag:s23] =	ssyncadd.s32 $0xFFFF8000  }
0x182: {  	v3 =	vld [tilespmem:s1+$0xFFFFFFC0];
	_ =	sdelay $0x1  }
0x183: {  	v4 =	vld [tilespmem:s1+$0xFFFFFFD0];
	_ =	sdelay $0x1  }
0x184: {  	v5 =	vld [tilespmem:s1+$0xFFFFFFE0]  }
0x185: {  	v3 =	vmul.f32 v3, v3  }
0x186: {  	v6 =	vimm.f32 $0.0e+00;
	v7 =	vld [tilespmem:s1+$0xFFFFFFF0]  }
0x187: {  	v4 =	vmul.f32 v4, v4;
	v3 =	vadd.f32 v3, v6;
	_ =	sdelay $0x1  }
0x188: {  	v6 =	vld [tilespmem:s1+$0x0];
	v3 =	vadd.f32 v4, v3;
	v4 =	vmul.f32 v5, v5;
	_ =	sdelay $0x1  }
0x189: {  	v8 =	vld [tilespmem:s1+$0x10];
	v3 =	vadd.f32 v4, v3;
	v4 =	vmul.f32 v7, v7;
	_ =	sdelay $0x1  }
0x18a: {  	v5 =	vadd.f32 v4, v3;
	v3 =	vld [tilespmem:s1+$0x20]  }
0x18b: {  	v6 =	vmul.f32 v6, v6  }
0x18c: {  	v4 =	vld [tilespmem:s1+$0x30]  }
0x18d: {  	s0 =	simm.s32 $0x0;
	s1 =	simm.s32 $0xC0;
	v5 =	vadd.f32 v6, v5;
	v6 =	vmul.f32 v8, v8  }
.LBB2_27:
0x18e: {  	v7 =	vld [tilespmem:s1+$0xFFFFFFC0];
	s0 =	sadd.s32 $0x8, s0  }
0x18f: {  	p0 =	slt.u32 s0, $0x7F8;
	v5 =	vadd.f32 v6, v5;
	v3 =	vmul.f32 v3, v3  }
0x190: {  	v6 =	vld [tilespmem:s1+$0xFFFFFFD0]  }
0x191: {  	v3 =	vadd.f32 v3, v5;
	v4 =	vmul.f32 v4, v4  }
0x192: {  	v5 =	vld [tilespmem:s1+$0xFFFFFFE0]  }
0x193: {  	v7 =	vmul.f32 v7, v7;
	v3 =	vadd.f32 v4, v3  }
0x194: {  	v4 =	vld [tilespmem:s1+$0xFFFFFFF0]  }
0x195: {  	v3 =	vadd.f32 v7, v3;
	v6 =	vmul.f32 v6, v6  }
0x196: {  	v7 =	vld [tilespmem:s1+$0x0]  }
0x197: {  	v3 =	vadd.f32 v6, v3;
	v5 =	vmul.f32 v5, v5  }
0x198: {  	v6 =	vld [tilespmem:s1+$0x10]  }
.Ltmp20:
0x199: {  	v5 =	vadd.f32 v5, v3;
	v4 =	vmul.f32 v4, v4;
	(pc) =	sbr.rel @p0 .LBB2_27-.Ltmp20, $4  }
0x19a: {  	v3 =	vld [tilespmem:s1+$0x20]  }
0x19b: {  	v5 =	vadd.f32 v4, v5;
	v7 =	vmul.f32 v7, v7  }
0x19c: {  	v4 =	vld [tilespmem:s1+$0x30]  }
0x19d: {  	s1 =	sadd.s32 $0x80, s1;
	v5 =	vadd.f32 v7, v5;
	v6 =	vmul.f32 v6, v6  }
0x19e: {  	_ = 	snop  }
0x19f: {  	v5 =	vadd.f32 v6, v5;
	v3 =	vmul.f32 v3, v3;
	_ =	sdelay $0x1  }
0x1a0: {  	v3 =	vadd.f32 v3, v5;
	v4 =	vmul.f32 v4, v4;
	_ =	sdelay $0x1  }
0x1a1: {  	v3 =	vadd.f32 v4, v3;
	_ =	sdelay $0x1  }
0x1a2: {  	(xrf2) =	vadd.scan.msk.f32 $0xffff, v3;
	_ =	sdelay $0x9  }
0x1a3: {  	v3, _, _ =	vpop (xrf2)  }
0x1a4: {  	v3 =	vbroadcast v3, $0xF;
	_ =	sdelay $0x1  }
0x1a5: {  	v4 =	vshra.s32 v3, $0x1;
	v5 =	vmul.f32 $5.000000000e-01, v3  }
0x1a6: {  	v4 =	vsub.s32 $0x5F3759DF, v4  }
0x1a7: {  	v62 =	vmul.f32 v4, v5;
	_ =	sdelay $0x1  }
0x1a8: {  	v6 =	vmul.f32 v4, v62;
	_ =	sdelay $0x1  }
0x1a9: {  	v6 =	vsub.f32 $1.500000000e+00, v6;
	_ =	sdelay $0x1  }
0x1aa: {  	v4 =	vmul.f32 v4, v6;
	_ =	sdelay $0x1  }
0x1ab: {  	v6 =	vmul.f32 v4, v5;
	_ =	sdelay $0x1  }
0x1ac: {  	v6 =	vmul.f32 v6, v4;
	_ =	sdelay $0x1  }
0x1ad: {  	v6 =	vsub.f32 $1.500000000e+00, v6;
	_ =	sdelay $0x1  }
0x1ae: {  	v4 =	vmul.f32 v6, v4;
	_ =	sdelay $0x1  }
0x1af: {  	v5 =	vmul.f32 v4, v5;
	_ =	sdelay $0x1  }
0x1b0: {  	v5 =	vmul.f32 v5, v4;
	_ =	sdelay $0x1  }
0x1b1: {  	v5 =	vsub.f32 $1.500000000e+00, v5;
	_ =	sdelay $0x1  }
0x1b2: {  	v4 =	vmul.f32 v5, v4;
	_ =	sdelay $0x1  }
0x1b3: {  	v3 =	vmul.f32 v4, v3;
	_ =	sdelay $0x1  }
0x1b4: {  	v4 =	vshra.s32 v3, $0x1;
	v5 =	vmul.f32 $5.000000000e-01, v3  }
0x1b5: {  	v4 =	vsub.s32 $0x5F3759DF, v4  }
0x1b6: {  	v63 =	vmul.f32 v4, v5;
	_ =	sdelay $0x1  }
0x1b7: {  	v6 =	vmul.f32 v4, v63;
	_ =	sdelay $0x1  }
0x1b8: {  	v6 =	vsub.f32 $1.500000000e+00, v6;
	_ =	sdelay $0x1  }
0x1b9: {  	v4 =	vmul.f32 v4, v6;
	_ =	sdelay $0x1  }
0x1ba: {  	v6 =	vmul.f32 v4, v5;
	_ =	sdelay $0x1  }
0x1bb: {  	v6 =	vmul.f32 v6, v4;
	_ =	sdelay $0x1  }
0x1bc: {  	v6 =	vsub.f32 $1.500000000e+00, v6;
	_ =	sdelay $0x1  }
0x1bd: {  	v4 =	vmul.f32 v6, v4;
	_ =	sdelay $0x1  }
0x1be: {  	v5 =	vmul.f32 v4, v5;
	_ =	sdelay $0x1  }
0x1bf: {  	v5 =	vmul.f32 v5, v4;
	_ =	sdelay $0x1  }
0x1c0: {  	v5 =	vsub.f32 $1.500000000e+00, v5;
	_ =	sdelay $0x1  }
0x1c1: {  	v4 =	vmul.f32 v5, v4;
	_ =	sdelay $0x1  }
0x1c2: {  	v3 =	vmul.f32 v4, v3  }
0x1c3: {  	s26 =	simm.s32 $0x0;
	s28 =	simm.s32 $0x40;
	s29 =	simm.s32 $0x8040  }
.LBB2_35:
0x1c4: {  	v5 =	vld [tilespmem:s28+$0x10]  }
0x1c5: {  	v4 =	vld [tilespmem:s28+$0x0]  }
0x1c6: {  	v6 =	vld [tilespmem:s28+$0xFFFFFFF0]  }
0x1c7: {  	v14 =	vld [tilespmem:s28+$0xFFFFFFE0]  }
0x1c8: {  	v8 =	vld [tilespmem:s28+$0xFFFFFFD0]  }
0x1c9: {  	v7 =	vld [tilespmem:s28+$0xFFFFFFC0]  }
0x1ca: {  	v9 =	vld [tilespmem:s29+$0xFFFFFFC0]  }
0x1cb: {  	v12 =	vld [tilespmem:s29+$0xFFFFFFD0]  }
0x1cc: {  	s0 =	sshll.u32 s26, $0x7;
	v13 =	vld [tilespmem:s29+$0xFFFFFFE0]  }
0x1cd: {  	v15 =	vld [tilespmem:s29+$0xFFFFFFF0];
	s30 =	sadd.s32 $0x80, s0;
	s1 =	sadd.s32 $0x8, s0  }
0x1ce: {  	v17 =	vld [tilespmem:s29+$0x0];
	p0 =	slt.u32 s1, s30  }
.Ltmp21:
0x1cf: {  	v11 =	vld [tilespmem:s29+$0x10];
	v16 =	vmul.f32 v9, v3;
	(pc) =	sbr.rel @!p0 .LBB2_37-.Ltmp21, $4  }
0x1d0: {  	v12 =	vmul.f32 v12, v3;
	v9 =	vld [tilespmem:s29+$0x20]  }
0x1d1: {  	v18 =	vmul.f32 v13, v3;
	v16 =	vadd.f32 v16, v7;
	v7 =	vld [tilespmem:s29+$0x30]  }
0x1d2: {  	v10 =	vimm.f32 $-3.000000010e+38;
	v13 =	vmul.f32 v15, v3;
	v12 =	vadd.f32 v12, v8;
	v8 =	vld [tilespmem:s28+$0x20]  }
0x1d3: {  	s2 =	sadd.s32 $0x80, s28;
	s31 =	smov.u32 s29;
	s0 =	smov.u32 s29;
	v15 =	vmul.f32 v17, v3;
	v14 =	vadd.f32 v18, v14;
	[tilespmem:s29+$0xFFFFFFC0] =	vst v16;
	v16 =	vmax.f32 v10, v16;
	v10 =	vld [tilespmem:s28+$0x30]  }
.LBB2_36:
0x1d4: {  	v17 =	vld [tilespmem:s2+$0x10];
	[tilespmem:s31+$0xFFFFFFD0] =	vst v12;
	v12 =	vmax.f32 v16, v12;
	v13 =	vadd.f32 v13, v6;
	v11 =	vmul.f32 v11, v3  }
0x1d5: {  	[tilespmem:s31+$0xFFFFFFE0] =	vst v14;
	v12 =	vmax.f32 v12, v14;
	v14 =	vadd.f32 v15, v4;
	v4 =	vld [tilespmem:s2+$0x0];
	v9 =	vmul.f32 v9, v3  }
0x1d6: {  	v6 =	vld [tilespmem:s2+$0xFFFFFFF0];
	[tilespmem:s31+$0xFFFFFFF0] =	vst v13;
	v12 =	vmax.f32 v12, v13;
	v13 =	vadd.f32 v11, v5;
	v7 =	vmul.f32 v7, v3  }
0x1d7: {  	v15 =	vld [tilespmem:s2+$0xFFFFFFE0];
	[tilespmem:s31+$0x0] =	vst v14;
	v11 =	vmax.f32 v12, v14;
	v8 =	vadd.f32 v9, v8  }
0x1d8: {  	v12 =	vld [tilespmem:s2+$0xFFFFFFD0];
	[tilespmem:s31+$0x10] =	vst v13;
	v9 =	vmax.f32 v11, v13;
	v7 =	vadd.f32 v7, v10  }
0x1d9: {  	s31 =	sadd.s32 $0x80, s31;
	v10 =	vld [tilespmem:s2+$0xFFFFFFC0];
	[tilespmem:s0+$0x20] =	vst v8;
	v8 =	vmax.f32 v9, v8;
	v5 =	vmov v17  }
0x1da: {  	s1 =	sadd.s32 $0x8, s1;
	v9 =	vld [tilespmem:s31+$0xFFFFFFC0];
	[tilespmem:s0+$0x30] =	vst v7;
	v14 =	vmax.f32 v8, v7;
	s0 =	smov.u32 s31  }
0x1db: {  	p0 =	slt.u32 s1, s30;
	v7 =	vld [tilespmem:s31+$0xFFFFFFD0]  }
0x1dc: {  	v8 =	vld [tilespmem:s31+$0xFFFFFFE0]  }
0x1dd: {  	v13 =	vld [tilespmem:s31+$0xFFFFFFF0]  }
0x1de: {  	v17 =	vld [tilespmem:s31+$0x0]  }
.Ltmp22:
0x1df: {  	v16 =	vmul.f32 v9, v3;
	v11 =	vld [tilespmem:s31+$0x10];
	(pc) =	sbr.rel @p0 .LBB2_36-.Ltmp22, $4  }
0x1e0: {  	v18 =	vmul.f32 v7, v3;
	v9 =	vld [tilespmem:s31+$0x20]  }
0x1e1: {  	v10 =	vadd.f32 v16, v10;
	v19 =	vmul.f32 v8, v3;
	v7 =	vld [tilespmem:s31+$0x30]  }
0x1e2: {  	v12 =	vadd.f32 v18, v12;
	v13 =	vmul.f32 v13, v3;
	v8 =	vld [tilespmem:s2+$0x20]  }
0x1e3: {  	[tilespmem:s31+$0xFFFFFFC0] =	vst v10;
	v16 =	vmax.f32 v14, v10;
	v14 =	vadd.f32 v19, v15;
	v15 =	vmul.f32 v17, v3;
	v10 =	vld [tilespmem:s2+$0x30];
	s2 =	sadd.s32 $0x80, s2  }
.LBB2_37:
0x1e4: {  	[tilespmem:s31+$0xFFFFFFD0] =	vst v12;
	v63 =	vmax.f32 v16, v12;
	v6 =	vadd.f32 v13, v6;
	v11 =	vmul.f32 v11, v3  }
0x1e5: {  	[tilespmem:s31+$0xFFFFFFE0] =	vst v14;
	v12 =	vmax.f32 v63, v14;
	v4 =	vadd.f32 v15, v4;
	v9 =	vmul.f32 v9, v3  }
0x1e6: {  	[tilespmem:s31+$0xFFFFFFF0] =	vst v6;
	v6 =	vmax.f32 v12, v6;
	v5 =	vadd.f32 v11, v5;
	v7 =	vmul.f32 v7, v3  }
0x1e7: {  	[tilespmem:s31+$0x0] =	vst v4;
	v4 =	vmax.f32 v6, v4;
	v6 =	vadd.f32 v9, v8  }
0x1e8: {  	[tilespmem:s31+$0x10] =	vst v5;
	v4 =	vmax.f32 v4, v5;
	v5 =	vadd.f32 v7, v10  }
0x1e9: {  	[tilespmem:s0+$0x20] =	vst v6;
	v4 =	vmax.f32 v4, v6  }
0x1ea: {  	[tilespmem:s0+$0x30] =	vst v5;
	v4 =	vmax.f32 v4, v5  }
0x1eb: {  	s0 =	sshll.u32 s26, $0x4;
	s26 =	sadd.s32 $0x1, s26  }
0x1ec: {  	p0 =	seq.s32 s26, $0x10  }
.Ltmp23:
0x1ed: {  	_ = 	snop;
	(pc) =	sbr.rel @!p0 .LBB2_35-.Ltmp23, $3  }
0x1ee: {  	_ =	sdelay $0x1  }
0x1ef: {  	s0 =	sand.u32 $0x3FFFFFF0, s0  }
0x1f0: {  	s28 =	sadd.s32 $0x800, s28;
	s29 =	sadd.s32 $0x800, s29;
	[tilespmem:s0+$0x18000] =	vst v4  }
0x1f1: {  	s26 =	simm.s32 $0x0  }
0x1f2: {  	[tilespmem:s26], [sflag:$0x1] =	stream.strided.gather [hbm4b:s8+s16], $0x8000, s17, s16, $0x38;
	[tilespmem:$0x18100] =	vst v63  }
0x1f3: {  	v3 =	vld [tilespmem:$0x18000]  }
0x1f4: {  	v4 =	vld [tilespmem:$0x18010]  }
0x1f5: {  	v5 =	vld [tilespmem:$0x18020]  }
0x1f6: {  	v6 =	vld [tilespmem:$0x18030]  }
0x1f7: {  	v7 =	vld [tilespmem:$0x18040]  }
0x1f8: {  	v9 =	vld [tilespmem:$0x18050];
	v8 =	vshra.s32 v3, $0x1F  }
0x1f9: {  	v11 =	vld [tilespmem:$0x18060];
	v10 =	vshra.s32 v4, $0x1F;
	v8 =	vor.u32 $0x80000000, v8  }
0x1fa: {  	v12 =	vld [tilespmem:$0x18070];
	v28 =	vshra.s32 v5, $0x1F;
	v27 =	vor.u32 $0x80000000, v10;
	v3 =	vxor.u32 v3, v8  }
0x1fb: {  	v31 =	vld [tilespmem:$0x18080];
	v30 =	vshra.s32 v6, $0x1F;
	v29 =	vor.u32 $0x80000000, v28;
	[tilespmem:$0x18000] =	vst v3;
	v3 =	vxor.u32 v4, v27  }
0x1fc: {  	v34 =	vld [tilespmem:$0x18090];
	v33 =	vshra.s32 v7, $0x1F;
	v32 =	vor.u32 $0x80000000, v30;
	[tilespmem:$0x18010] =	vst v3;
	v3 =	vxor.u32 v5, v29  }
0x1fd: {  	v37 =	vld [tilespmem:$0x180A0];
	v36 =	vshra.s32 v9, $0x1F;
	v35 =	vor.u32 $0x80000000, v33;
	[tilespmem:$0x18020] =	vst v3;
	v3 =	vxor.u32 v6, v32  }
0x1fe: {  	v40 =	vld [tilespmem:$0x180B0];
	v39 =	vshra.s32 v11, $0x1F;
	v38 =	vor.u32 $0x80000000, v36;
	[tilespmem:$0x18030] =	vst v3;
	v3 =	vxor.u32 v7, v35  }
0x1ff: {  	v43 =	vld [tilespmem:$0x180C0];
	v42 =	vshra.s32 v12, $0x1F;
	v41 =	vor.u32 $0x80000000, v39;
	[tilespmem:$0x18040] =	vst v3;
	v3 =	vxor.u32 v9, v38  }
0x200: {  	v46 =	vld [tilespmem:$0x180D0];
	v45 =	vshra.s32 v31, $0x1F;
	v44 =	vor.u32 $0x80000000, v42;
	[tilespmem:$0x18050] =	vst v3;
	v3 =	vxor.u32 v11, v41  }
0x201: {  	v49 =	vld [tilespmem:$0x180E0];
	v48 =	vshra.s32 v34, $0x1F;
	v47 =	vor.u32 $0x80000000, v45;
	[tilespmem:$0x18060] =	vst v3;
	v3 =	vxor.u32 v12, v44  }
0x202: {  	v52 =	vld [tilespmem:$0x180F0];
	v51 =	vshra.s32 v37, $0x1F;
	v50 =	vor.u32 $0x80000000, v48;
	[tilespmem:$0x18070] =	vst v3;
	v3 =	vxor.u32 v31, v47  }
0x203: {  	v54 =	vshra.s32 v40, $0x1F;
	v53 =	vor.u32 $0x80000000, v51;
	[tilespmem:$0x18080] =	vst v3;
	v3 =	vxor.u32 v34, v50  }
0x204: {  	v56 =	vshra.s32 v43, $0x1F;
	v55 =	vor.u32 $0x80000000, v54;
	[tilespmem:$0x18090] =	vst v3;
	v3 =	vxor.u32 v37, v53  }
0x205: {  	v58 =	vshra.s32 v46, $0x1F;
	v57 =	vor.u32 $0x80000000, v56;
	[tilespmem:$0x180A0] =	vst v3;
	v3 =	vxor.u32 v40, v55  }
0x206: {  	v60 =	vshra.s32 v49, $0x1F;
	v59 =	vor.u32 $0x80000000, v58;
	[tilespmem:$0x180B0] =	vst v3;
	v3 =	vxor.u32 v43, v57  }
0x207: {  	v62 =	vshra.s32 v52, $0x1F;
	v61 =	vor.u32 $0x80000000, v60;
	[tilespmem:$0x180C0] =	vst v3;
	v3 =	vxor.u32 v46, v59  }
0x208: {  	v63 =	vor.u32 $0x80000000, v62;
	[tilespmem:$0x180D0] =	vst v3;
	v3 =	vxor.u32 v49, v61  }
0x209: {  	[tilespmem:$0x180E0] =	vst v3;
	v3 =	vxor.u32 v52, v63  }
0x20a: {  	s0 =	simm.s32 $0x40;
	s29 =	simm.s32 $0x0;
	[tilespmem:$0x180F0] =	vst v3  }
.LBB2_39:
0x20b: {  	s1 =	simm.s32 $0x18020  }
0x20c: {  	v5 =	vld [tilespmem:s1+$0xFFFFFFE0]  }
0x20d: {  	v6 =	vld [tilespmem:s1+$0x10]  }
0x20e: {  	v7 =	vld [tilespmem:s1+$0xFFFFFFF0]  }
0x20f: {  	v8 =	vld [tilespmem:s1+$0x0]  }
0x210: {  	s30 =	sshra.s32 s20, s29;
	s2 =	sshrl.u32 s20, s29  }
0x211: {  	s31 =	simm.s32 $0x18060;
	s28 =	sor.u32 s2, s26;
	v4 =	vmov s30  }
0x212: {  	v9 =	vimm.s32 $0x0;
	v10 =	vld [tilespmem:s31+$0xFFFFFFE0];
	v3 =	vmov s28;
	v5 =	vand.u32 v4, v5  }
0x213: {  	v11 =	vand.u32 v4, v6;
	vm0 =	veq.s32 v5, v3;
	v5 =	vand.u32 v4, v7  }
0x214: {  	v7 =	vand.u32 v4, v8;
	v6 =	vsel vm0, $0x1, v0;
	vm13 =	veq.s32 v5, v3;
	v5 =	vld [tilespmem:s31+$0x10]  }
0x215: {  	vm14 =	veq.s32 v7, v3;
	v8 =	vadd.s32 v6, v9;
	v9 =	vsel vm13, $0x1, v0;
	v6 =	vld [tilespmem:s31+$0xFFFFFFF0]  }
0x216: {  	vm15 =	veq.s32 v11, v3;
	v7 =	vld [tilespmem:s31+$0x0];
	v12 =	vsel vm14, $0x1, v0;
	v9 =	vadd.s32 v9, v8  }
0x217: {  	s1 =	simm.s32 $0x4;
	s2 =	simm.s32 $0x180A0;
	v8 =	vand.u32 v4, v10;
	v10 =	vsel vm15, $0x1, v0;
	v9 =	vadd.s32 v12, v9  }
.LBB2_40:
0x218: {  	s1 =	sadd.s32 $0x4, s1  }
0x219: {  	v11 =	vld [tilespmem:s2+$0xFFFFFFE0];
	v12 =	vand.u32 v4, v5;
	v9 =	vadd.s32 v10, v9;
	p0 =	slt.u32 s1, $0xC  }
.Ltmp24:
0x21a: {  	vm0 =	veq.s32 v8, v3;
	v5 =	vld [tilespmem:s2+$0x10];
	v8 =	vand.u32 v4, v6;
	(pc) =	sbr.rel @p0 .LBB2_40-.Ltmp24, $4  }
0x21b: {  	v10 =	vsel vm0, $0x1, v0;
	v6 =	vld [tilespmem:s2+$0xFFFFFFF0];
	vm0 =	veq.s32 v8, v3;
	v8 =	vand.u32 v4, v7  }
0x21c: {  	v9 =	vadd.s32 v10, v9;
	v7 =	vld [tilespmem:s2+$0x0];
	v10 =	vsel vm0, $0x1, v0;
	vm0 =	veq.s32 v8, v3  }
0x21d: {  	v9 =	vadd.s32 v10, v9;
	v10 =	vsel vm0, $0x1, v0;
	vm0 =	veq.s32 v12, v3  }
0x21e: {  	s2 =	sadd.s32 $0x40, s2;
	v8 =	vand.u32 v4, v11;
	v9 =	vadd.s32 v10, v9;
	v10 =	vsel vm0, $0x1, v0  }
0x21f: {  	v5 =	vand.u32 v4, v5  }
0x220: {  	v9 =	vadd.s32 v10, v9;
	vm0 =	veq.s32 v8, v3;
	v6 =	vand.u32 v4, v6  }
0x221: {  	v8 =	vsel vm0, $0x1, v0;
	vm13 =	veq.s32 v6, v3;
	v58 =	vand.u32 v4, v7  }
0x222: {  	v59 =	vadd.s32 v8, v9;
	v60 =	vsel vm13, $0x1, v0;
	vm14 =	veq.s32 v58, v3  }
0x223: {  	vm15 =	veq.s32 v5, v3;
	v61 =	vadd.s32 v60, v59;
	v62 =	vsel vm14, $0x1, v0  }
0x224: {  	v63 =	vsel vm15, $0x1, v0;
	v3 =	vadd.s32 v62, v61  }
0x225: {  	v3 =	vadd.s32 v63, v3  }
0x226: {  	(xrf0) =	vadd.scan.msk.s32 $0xffff, v3;
	_ =	sdelay $0x5  }
0x227: {  	v3, _, _ =	vpop (xrf0)  }
0x228: {  	(v2sf) =	vpush v3, $0xF;
	_ =	sdelay $0xe  }
0x229: {  	s1 =	spop (v2sf)  }
0x22a: {  	s29 =	sadd.s32 $0x1, s29;
	p0 =	slt.s32 s1, s0  }
0x22b: {  	s28 =	smov.u32 @p0 s26;
	s1 =	simm.s32 @!p0 $0x0;
	p0 =	sne.s32 s29, $0x20  }
.Ltmp25:
0x22c: {  	_ = 	snop;
	(pc) =	sbr.rel @p0 .LBB2_39-.Ltmp25, $2  }
0x22d: {  	_ =	sdelay $0x2  }
0x22e: {  	s0 =	ssub.s32 s0, s1;
	s26 =	smov.u32 s28  }
0x22f: {  	_ =	swait.ge [sflag:s24], $0x8000  }
0x230: {  	[sflag:s24] =	ssyncset.done $0x0  }
0x231: {  	s0 =	simm.s32 $0x8040;
	[sflag:s24] =	ssyncadd.s32 $0xFFFF8000  }
0x232: {  	v11 =	vld [tilespmem:s0+$0xFFFFFFD0]  }
0x233: {  	v3 =	vmov s28;
	v13 =	vld [tilespmem:s0+$0xFFFFFFE0]  }
0x234: {  	vm0 =	vgt.s32 v3, $0xFFFFFFFF;
	v14 =	vld [tilespmem:s0+$0xFFFFFFF0]  }
0x235: {  	v3 =	vsel vm0, $0xFFFFFFFF, v1;
	v15 =	vld [tilespmem:s0+$0x0]  }
0x236: {  	v6 =	vxor.u32 s28, v3;
	v21 =	vld [tilespmem:s0+$0x10]  }
0x237: {  	v4 =	vld [tilespmem:s0+$0xFFFFFFC0];
	vm5 =	vge.f32 v11, v6  }
0x238: {  	v5 =	vld [tilespmem:s0+$0x30];
	vm2 =	vge.f32 v13, v6;
	v7 =	vsel vm5, $0x1, v0  }
0x239: {  	v3 =	vld [tilespmem:s0+$0x20];
	vm3 =	vge.f32 v14, v6;
	v8 =	vsel vm2, $0x1, v0;
	(xrf0) =	vadd.scan.msk.s32 $0xffff, v7  }
0x23a: {  	vm4 =	vge.f32 v15, v6;
	v7 =	vsel vm3, $0x1, v0;
	(xrf0) =	vadd.scan.msk.s32 $0xffff, v8  }
0x23b: {  	vm8 =	vge.f32 v21, v6;
	v8 =	vsel vm4, $0x1, v0;
	(xrf0) =	vadd.scan.msk.s32 $0xffff, v7  }
0x23c: {  	v16 =	vimm.s32 $0xFFFFFFFF;
	vm0 =	vge.f32 v4, v6;
	v7 =	vsel vm8, $0x1, v0;
	(xrf0) =	vadd.scan.msk.s32 $0xffff, v8  }
0x23d: {  	vm1 =	vge.f32 v5, v6;
	v9 =	vmpcnt.ones.xlane vm0;
	v8 =	vsel vm0, $0x1, v0;
	(xrf0) =	vadd.scan.msk.s32 $0xffff, v7  }
0x23e: {  	vm6 =	vge.f32 v3, v6;
	v10 =	vsel vm1, $0x1, v0;
	v7 =	vmpcnt.ones.xlane vm5;
	(xrf0) =	vadd.scan.msk.s32 $0xffff, v8  }
0x23f: {  	v9 =	vadd.s32 v16, v9;
	v8 =	vsel vm6, $0x1, v0;
	v17, _, _ =	vpop (xrf0);
	(xrf0) =	vadd.scan.msk.s32 $0xffff, v10  }
0x240: {  	v12 =	vmpcnt.ones.xlane vm2;
	v17 =	vadd.s32 v9, v17;
	v9 =	vadd.s32 v9, v7;
	v18, _, _ =	vpop (xrf0);
	(xrf0) =	vadd.scan.msk.s32 $0xffff, v8  }
0x241: {  	s26 =	simm.s32 $0x80C0;
	v10 =	vmpcnt.ones.xlane vm3;
	v18 =	vadd.s32 v9, v18;
	v19, _, _ =	vpop (xrf0)  }
0x242: {  	v7 =	vld [tilespmem:s26+$0x20];
	v9 =	vadd.s32 v9, v12;
	v12 =	vmpcnt.ones.xlane vm4;
	v22, _, _ =	vpop (xrf0)  }
0x243: {  	v20 =	vmpcnt.ones.xlane vm8;
	v8 =	vld [tilespmem:s26+$0xFFFFFFD0];
	v19 =	vadd.s32 v9, v19;
	v10 =	vadd.s32 v9, v10;
	v24, _, _ =	vpop (xrf0)  }
0x244: {  	v23 =	vmpcnt.ones.xlane vm6;
	v9 =	vld [tilespmem:s26+$0xFFFFFFE0];
	v22 =	vadd.s32 v10, v22;
	v12 =	vadd.s32 v10, v12;
	v26, _, _ =	vpop (xrf0)  }
0x245: {  	v10 =	vld [tilespmem:s26+$0xFFFFFFF0];
	v20 =	vadd.s32 v12, v20;
	[tilespmem:v17+s21+$0x0] =	vst.idx.msk vm5, v11;
	v17, _, _ =	vpop (xrf0)  }
0x246: {  	v25 =	vmpcnt.ones.xlane vm1;
	v24 =	vadd.s32 v12, v24;
	v12 =	vld [tilespmem:s26+$0x0];
	v11 =	vadd.s32 v20, v23;
	[tilespmem:v18+s21+$0x0] =	vst.idx.msk vm2, v13;
	v13, _, _ =	vpop (xrf0)  }
0x247: {  	v16 =	vadd.s32 v16, v26;
	v18 =	vadd.s32 v11, v17;
	v17 =	vadd.s32 v20, v13;
	v13 =	vld [tilespmem:s26+$0x10]  }
0x248: {  	vm7 =	vmmov vm6;
	vm6 =	vge.f32 v7, v6;
	vm2 =	vge.f32 v8, v6;
	[tilespmem:v19+s21+$0x0] =	vst.idx.msk vm3, v14;
	v14 =	vld [tilespmem:s26+$0xFFFFFFC0]  }
0x249: {  	v11 =	vadd.s32 v11, v25;
	v20 =	vsel vm2, $0x1, v0;
	vm3 =	vge.f32 v9, v6;
	[tilespmem:v22+s21+$0x0] =	vst.idx.msk vm4, v15;
	v15 =	vld [tilespmem:s26+$0x30]  }
0x24a: {  	v19 =	vsel vm6, $0x1, v0;
	v22 =	vsel vm3, $0x1, v0;
	vm4 =	vge.f32 v10, v6;
	(xrf0) =	vadd.scan.msk.s32 $0xffff, v20  }
0x24b: {  	s28 =	simm.s32 $0x8;
	v20 =	vsel vm4, $0x1, v0;
	vm5 =	vge.f32 v12, v6;
	(xrf0) =	vadd.scan.msk.s32 $0xffff, v22;
	[tilespmem:v24+s21+$0x0] =	vst.idx.msk vm8, v21  }
.LBB2_43:
0x24c: {  	s28 =	sadd.s32 $0x8, s28;
	v22 =	vsel vm5, $0x1, v0;
	vm8 =	vge.f32 v13, v6;
	(xrf0) =	vadd.scan.msk.s32 $0xffff, v20;
	[tilespmem:v16+s21+$0x0] =	vst.idx.msk vm0, v4;
	v20 =	vmovc v12  }
0x24d: {  	v21 =	vmovc v13;
	p0 =	slt.u32 s28, $0x7F8;
	vm0 =	vge.f32 v14, v6;
	v16 =	vsel vm8, $0x1, v0;
	(xrf0) =	vadd.scan.msk.s32 $0xffff, v22;
	[tilespmem:v18+s21+$0x0] =	vst.idx.msk vm1, v5  }
0x24e: {  	v4 =	vmovc v14;
	v18 =	vsel vm0, $0x1, v0;
	v12 =	vmpcnt.ones.xlane vm0;
	vm1 =	vge.f32 v15, v6;
	(xrf0) =	vadd.scan.msk.s32 $0xffff, v16  }
0x24f: {  	v13 =	vmpcnt.ones.xlane vm2;
	v14 =	vsel vm1, $0x1, v0;
	(xrf0) =	vadd.scan.msk.s32 $0xffff, v18;
	[tilespmem:v17+s21+$0x0] =	vst.idx.msk vm7, v3;
	v3 =	vmovc v7  }
0x250: {  	v5 =	vmov v15;
	v7 =	vadd.s32 v11, v12;
	v12 =	vmpcnt.ones.xlane vm3;
	v16, _, _ =	vpop (xrf0);
	(xrf0) =	vadd.scan.msk.s32 $0xffff, v14  }
0x251: {  	s26 =	sadd.s32 $0x80, s26;
	v15 =	vmpcnt.ones.xlane vm4;
	v14 =	vadd.s32 v7, v16;
	v13 =	vadd.s32 v7, v13;
	v16, _, _ =	vpop (xrf0);
	(xrf0) =	vadd.scan.msk.s32 $0xffff, v19  }
0x252: {  	v7 =	vld [tilespmem:s26+$0x20];
	v17 =	vadd.s32 v13, v16;
	v12 =	vadd.s32 v13, v12;
	v13 =	vmpcnt.ones.xlane vm5;
	v16, _, _ =	vpop (xrf0)  }
0x253: {  	v19 =	vld [tilespmem:s26+$0xFFFFFFD0];
	v22 =	vadd.s32 v12, v16;
	v12 =	vadd.s32 v12, v15;
	v15 =	vmpcnt.ones.xlane vm8;
	v16, _, _ =	vpop (xrf0)  }
0x254: {  	v23 =	vld [tilespmem:s26+$0xFFFFFFE0];
	v24 =	vadd.s32 v12, v16;
	v12 =	vadd.s32 v12, v13;
	v13 =	vmpcnt.ones.xlane vm6;
	v16, _, _ =	vpop (xrf0)  }
0x255: {  	v27 =	vmpcnt.ones.xlane vm1;
	v25 =	vld [tilespmem:s26+$0xFFFFFFF0];
	v26 =	vadd.s32 v12, v16;
	v15 =	vadd.s32 v12, v15;
	v16, _, _ =	vpop (xrf0)  }
0x256: {  	vm7 =	vmmov vm6;
	v12 =	vld [tilespmem:s26+$0x0];
	v16 =	vadd.s32 v11, v16;
	[tilespmem:v14+s21+$0x0] =	vst.idx.msk vm2, v8;
	v14 =	vadd.s32 v15, v13;
	v11, _, _ =	vpop (xrf0)  }
.Ltmp26:
0x257: {  	v13 =	vld [tilespmem:s26+$0x10];
	[tilespmem:v17+s21+$0x0] =	vst.idx.msk vm3, v9;
	v18 =	vadd.s32 v14, v11;
	v11 =	vadd.s32 v14, v27;
	v8, _, _ =	vpop (xrf0);
	(pc) =	sbr.rel @p0 .LBB2_43-.Ltmp26, $4  }
0x258: {  	v14 =	vld [tilespmem:s26+$0xFFFFFFC0];
	vm2 =	vge.f32 v19, v6;
	[tilespmem:v22+s21+$0x0] =	vst.idx.msk vm4, v10;
	v17 =	vadd.s32 v15, v8;
	v8 =	vmov v19  }
0x259: {  	vm6 =	vge.f32 v7, v6;
	v22 =	vsel vm2, $0x1, v0;
	vm3 =	vge.f32 v23, v6;
	v15 =	vld [tilespmem:s26+$0x30];
	[tilespmem:v24+s21+$0x0] =	vst.idx.msk vm5, v20  }
0x25a: {  	v19 =	vsel vm6, $0x1, v0;
	v9 =	vmovc v23;
	v24 =	vsel vm3, $0x1, v0;
	vm4 =	vge.f32 v25, v6;
	(xrf0) =	vadd.scan.msk.s32 $0xffff, v22  }
0x25b: {  	v10 =	vmovc v25;
	v20 =	vsel vm4, $0x1, v0;
	vm5 =	vge.f32 v12, v6;
	(xrf0) =	vadd.scan.msk.s32 $0xffff, v24;
	[tilespmem:v26+s21+$0x0] =	vst.idx.msk vm8, v21  }
0x25c: {  	_ = 	snop  }
0x25d: {  	vm8 =	vge.f32 v14, v6  }
0x25e: {  	v21 =	vmpcnt.ones.xlane vm8  }
0x25f: {  	v22 =	vmpcnt.ones.xlane vm2  }
0x260: {  	v23 =	vmpcnt.ones.xlane vm3;
	v21 =	vadd.s32 v11, v21  }
0x261: {  	v24 =	vmpcnt.ones.xlane vm4;
	v22 =	vadd.s32 v21, v22  }
0x262: {  	vm9 =	vge.f32 v13, v6;
	v25 =	vmpcnt.ones.xlane vm5;
	v23 =	vadd.s32 v22, v23  }
0x263: {  	v26 =	vmpcnt.ones.xlane vm9;
	v24 =	vadd.s32 v23, v24  }
0x264: {  	v46 =	vmpcnt.ones.xlane vm6;
	vm10 =	vge.f32 v15, v6;
	v45 =	vadd.s32 v24, v25  }
0x265: {  	v27 =	vmpcnt.ones.xlane vm10;
	v26 =	vadd.s32 v45, v26  }
0x266: {  	v25 =	vadd.s32 v26, v46  }
0x267: {  	v27 =	vadd.s32 v25, v27  }
0x268: {  	(v2sf) =	vpush v27, $0x0;
	_ =	sdelay $0x5  }
0x269: {  	v47 =	vsel vm5, $0x1, v0;
	(xrf0) =	vadd.scan.msk.s32 $0xffff, v20  }
0x26a: {  	v48 =	vsel vm9, $0x1, v0;
	(xrf0) =	vadd.scan.msk.s32 $0xffff, v47  }
0x26b: {  	v49 =	vsel vm8, $0x1, v0;
	(xrf0) =	vadd.scan.msk.s32 $0xffff, v48  }
0x26c: {  	v50 =	vsel vm10, $0x1, v0;
	(xrf0) =	vadd.scan.msk.s32 $0xffff, v49  }
0x26d: {  	v51, _, _ =	vpop (xrf0);
	(xrf0) =	vadd.scan.msk.s32 $0xffff, v50  }
0x26e: {  	v52 =	vadd.s32 v21, v51;
	v53, _, _ =	vpop (xrf0);
	(xrf0) =	vadd.scan.msk.s32 $0xffff, v19  }
0x26f: {  	v54 =	vadd.s32 v22, v53;
	v55, _, _ =	vpop (xrf0)  }
0x270: {  	[tilespmem:v16+s21+$0x0] =	vst.idx.msk vm0, v4;
	v56 =	vadd.s32 v23, v55;
	v57, _, _ =	vpop (xrf0)  }
0x271: {  	[tilespmem:v18+s21+$0x0] =	vst.idx.msk vm1, v5;
	v58 =	vadd.s32 v24, v57;
	v59, _, _ =	vpop (xrf0)  }
0x272: {  	[tilespmem:v17+s21+$0x0] =	vst.idx.msk vm7, v3;
	v3 =	vadd.s32 v45, v59;
	v60, _, _ =	vpop (xrf0);
	s1 =	spop (v2sf)  }
0x273: {  	v6 =	vadd.s32 v11, v60;
	[tilespmem:v52+s21+$0x0] =	vst.idx.msk vm2, v8;
	v61, _, _ =	vpop (xrf0);
	s0 =	sadd.s32 $0x10, s1  }
0x274: {  	[tilespmem:v54+s21+$0x0] =	vst.idx.msk vm3, v9;
	v8 =	vadd.s32 v25, v61;
	v62, _, _ =	vpop (xrf0);
	s0 =	sshra.s32 s0, $0x4  }
0x275: {  	[tilespmem:v56+s21+$0x0] =	vst.idx.msk vm4, v10;
	v63 =	vadd.s32 v26, v62;
	p0 =	slt.s32 s0, $0x1  }
.Ltmp27:
0x276: {  	[tilespmem:v58+s21+$0x0] =	vst.idx.msk vm5, v12;
	(pc) =	sbr.rel @p0 .LBB2_51-.Ltmp27, $4  }
0x277: {  	[tilespmem:v3+s21+$0x0] =	vst.idx.msk vm9, v13  }
0x278: {  	[tilespmem:v6+s21+$0x0] =	vst.idx.msk vm8, v14  }
0x279: {  	[tilespmem:v8+s21+$0x0] =	vst.idx.msk vm10, v15  }
0x27a: {  	vm15 =	vmmov vm6;
	[tilespmem:v63+s21+$0x0] =	vst.idx.msk vm6, v7  }
0x27b: {  	p1 =	seq.s32 s0, $0x1  }
.Ltmp28:
0x27c: {  	_ = 	snop;
	(pc) =	sbr.rel @p1 .LBB2_46-.Ltmp28, $4  }
0x27d: {  	_ = 	snop  }
0x27e: {  	s1 =	sadd.s32 $0x1, s1  }
0x27f: {  	v3 =	vmov s1;
	s1 =	simm.s32 $0x10000  }
0x280: {  	s2 =	simm.s32 $0x0;
	s3 =	sadd.s32 $0xFFFFFFFF, s0;
	p0 =	por $0x0, $0x0;
	v4 =	vld [tilespmem:s1+$0x0]  }
0x281: {  	_ =	sdelay $0x3  }
0x282: {  	p1 =	seq.s32 s3, $0x1;
	v5 =	vshra.s32 v4, $0x1F  }
.Ltmp29:
0x283: {  	v6 =	vor.u32 s2, v2;
	v5 =	vor.u32 $0x80000000, v5;
	(pc) =	sbr.rel @p1 .LBB2_48-.Ltmp29, $4  }
0x284: {  	vm0 =	vlt.s32 v6, v3;
	v4 =	vxor.u32 v4, v5  }
0x285: {  	v4 =	vnsel vm0, $0x0, v4  }
0x286: {  	[tilespmem:s1+$0x0] =	vst v4;
	s1 =	simm.s32 $0x10010  }
0x287: {  	s28 =	sadd.s32 $0xFFFFFFFF, s3;
	p0 =	por $0x1, $0x1;
	s26 =	simm.s32 $0x0;
	v4 =	vld [tilespmem:s1+$0x0]  }
.LBB2_49:
0x288: {  	p1 =	seq.s32 s28, $0x1;
	_ =	sdelay $0x3  }
0x289: {  	s26 =	sadd.s32 $0x10, s26;
	v5 =	vshra.s32 v4, $0x1F  }
.Ltmp30:
0x28a: {  	v6 =	vor.u32 s26, v2;
	v5 =	vor.u32 $0x80000000, v5;
	(pc) =	sbr.rel @!p1 .LBB2_49-.Ltmp30, $4  }
0x28b: {  	vm0 =	vlt.s32 v6, v3;
	v4 =	vxor.u32 v4, v5  }
0x28c: {  	v4 =	vnsel vm0, $0x0, v4  }
0x28d: {  	[tilespmem:s1+$0x0] =	vst v4;
	s1 =	sadd.s32 $0x10, s1  }
0x28e: {  	s28 =	sadd.s32 $0xFFFFFFFF, s28;
	v4 =	vld [tilespmem:s1+$0x0]  }
.LBB2_50:
0x28f: {  	_ =	sdelay $0x2  }
0x290: {  	s3 =	sadd.s32 @p0 $0x10, s26  }
0x291: {  	s2 =	smov.u32 @p0 s3;
	v5 =	vshra.s32 v4, $0x1F  }
0x292: {  	v6 =	vor.u32 s2, v2;
	v5 =	vor.u32 $0x80000000, v5  }
0x293: {  	vm0 =	vlt.s32 v6, v3;
	v63 =	vxor.u32 v4, v5  }
0x294: {  	v3 =	vnsel vm0, $0x0, v63  }
0x295: {  	[tilespmem:s1+$0x0] =	vst v3  }
.LBB2_51:
0x296: {  	s1 =	sshrl.u32 s0, $0x1F  }
.Ltmp31:
0x297: {  	s1 =	sadd.s32 s1, s0;
	(pc) =	sbr.rel .LBB2_52-.Ltmp31, $4  }
0x298: {  	s26 =	sand.u32 $0xFFFFFFFE, s1  }
0x299: {  	s31 =	simm.s32 $0x0;
	s1 =	sshll.u32 s1, $0x6;
	s28 =	ssub.s32 s0, s26  }
0x29a: {  	s29 =	simm.s32 $0x40;
	s1 =	sand.u32 $0xFFFFFF80, s1;
	p0 =	slt.s32 s28, $0x1  }
0x29b: {  	p1 =	slt.s32 s26, $0x1;
	s0 =	simm.s32 $0x0;
	s30 =	sshra.s32 @!p0 s1, $0x2  }
.LBB2_53:
0x29c: {  	v3 =	vimm.s32 $0x0  }
.LBB2_54:
0x29d: {  	v4 =	vld @!p0 [tilespmem:s30+$0x10000];
	_ =	sdelay $0x4  }
0x29e: {  	v4 =	vand.u32 @!p0 s1, v4  }
0x29f: {  	vm0 =	veq.s32 @!p0 v4, s28;
	v4 =	vimm.s32 @!p0 $0x0  }
0x2a0: {  	v4 =	vsel @!p0 vm0, $0x1, v4  }
0x2a1: {  	v4 =	vadd.s32 @!p0 v4, v3  }
0x2a2: {  	v3 =	vpsel p0, v3, v4  }
0x2a3: {  	(xrf0) =	vadd.scan.msk.s32 $0xffff, v3;
	_ =	sdelay $0x5  }
0x2a4: {  	v3, _, _ =	vpop (xrf0)  }
0x2a5: {  	(v2sf) =	vpush v3, $0xF;
	_ =	sdelay $0xe  }
0x2a6: {  	s1 =	spop (v2sf)  }
0x2a7: {  	s0 =	sadd.s32 $0x1, s0;
	p2 =	slt.s32 s1, s29  }
0x2a8: {  	s28 =	smov.u32 @p2 s31;
	s1 =	simm.s32 @!p2 $0x0;
	p2 =	sne.s32 s0, $0x20  }
.Ltmp32:
0x2a9: {  	_ = 	snop;
	(pc) =	sbr.rel @!p2 .LBB2_55-.Ltmp32, $2  }
0x2aa: {  	_ =	sdelay $0x2  }
0x2ab: {  	s29 =	ssub.s32 s29, s1;
	s31 =	smov.u32 s28  }
.LBB2_52:
.Ltmp33:
0x2ac: {  	(pc) =	sbr.rel @p1 .LBB2_53-.Ltmp33, $3  }
0x2ad: {  	_ =	sdelay $0x1  }
0x2ae: {  	s2 =	sshrl.u32 s20, s0  }
0x2af: {  	s1 =	sshra.s32 s20, s0;
	s28 =	sor.u32 s2, s31  }
0x2b0: {  	p3 =	sgt.s32 s26, $0x2  }
.Ltmp34:
0x2b1: {  	_ = 	snop;
	(pc) =	sbr.rel @!p3 .LBB2_61-.Ltmp34, $4  }
0x2b2: {  	_ = 	snop  }
0x2b3: {  	s2 =	simm.s32 $0x10010  }
0x2b4: {  	v7 =	vld [tilespmem:s2+$0xFFFFFFF0]  }
0x2b5: {  	v5 =	vmov s1;
	v3 =	vmov s28;
	v4 =	vimm.s32 $0x0;
	p2 =	por $0x0, $0x0;
	v6 =	vld [tilespmem:s2+$0x0]  }
0x2b6: {  	_ = 	snop  }
0x2b7: {  	p3 =	sgt.s32 s26, $0x4  }
.Ltmp35:
0x2b8: {  	_ = 	snop;
	(pc) =	sbr.rel @!p3 .LBB2_64-.Ltmp35, $4  }
0x2b9: {  	v7 =	vand.u32 v5, v7  }
0x2ba: {  	s2 =	simm.s32 $0x10030;
	vm0 =	veq.s32 v7, v3;
	v6 =	vand.u32 v5, v6  }
0x2bb: {  	v7 =	vld [tilespmem:s2+$0xFFFFFFF0];
	v8 =	vsel vm0, $0x1, v0;
	vm15 =	veq.s32 v6, v3  }
0x2bc: {  	s3 =	simm.s32 $0x4;
	p2 =	por $0x1, $0x1;
	v6 =	vld [tilespmem:s2+$0x0];
	v8 =	vadd.s32 v8, v4;
	v9 =	vsel vm15, $0x1, v0  }
.LBB2_63:
0x2bd: {  	s3 =	sadd.s32 $0x2, s3  }
0x2be: {  	v8 =	vadd.s32 v9, v8;
	p3 =	slt.s32 s3, s26  }
.Ltmp36:
0x2bf: {  	(pc) =	sbr.rel @p3 .LBB2_63-.Ltmp36, $4  }
0x2c0: {  	s2 =	sadd.s32 $0x20, s2;
	v9 =	vand.u32 v5, v7  }
0x2c1: {  	v7 =	vld [tilespmem:s2+$0xFFFFFFF0];
	vm0 =	veq.s32 v9, v3;
	v9 =	vand.u32 v5, v6  }
0x2c2: {  	v6 =	vld [tilespmem:s2+$0x0];
	v10 =	vsel vm0, $0x1, v0;
	vm0 =	veq.s32 v9, v3  }
0x2c3: {  	v8 =	vadd.s32 v10, v8;
	v9 =	vsel vm0, $0x1, v0  }
.LBB2_64:
0x2c4: {  	_ =	sdelay $0x2  }
.Ltmp37:
0x2c5: {  	v7 =	vand.u32 v5, v7;
	(pc) =	sbr.rel .LBB2_54-.Ltmp37, $4  }
0x2c6: {  	v8 =	vadd.s32 @p2 v9, v8;
	vm0 =	veq.s32 v7, v3;
	v5 =	vand.u32 v5, v6  }
0x2c7: {  	v63 =	vsel vm0, $0x1, v0;
	vm15 =	veq.s32 v5, v3;
	v3 =	vpsel p2, v8, v4  }
0x2c8: {  	v3 =	vadd.s32 v63, v3;
	v4 =	vsel vm15, $0x1, v0  }
0x2c9: {  	v3 =	vadd.s32 v4, v3  }
.LBB2_61:
.Ltmp38:
0x2ca: {  	(pc) =	sbr.rel .LBB2_64-.Ltmp38, $2  }
0x2cb: {  	_ =	sdelay $0x2  }
0x2cc: {  	_ = 	snop  }
.LBB2_55:
0x2cd: {  	s2 =	simm.s32 $0x8040  }
0x2ce: {  	v8 =	vld [tilespmem:s2+$0x30]  }
0x2cf: {  	v3 =	vmov s28;
	v10 =	vld [tilespmem:s2+$0xFFFFFFD0]  }
0x2d0: {  	vm0 =	vgt.s32 v3, $0xFFFFFFFF;
	v9 =	vld [tilespmem:s2+$0xFFFFFFE0]  }
0x2d1: {  	v7 =	vld [tilespmem:s2+$0xFFFFFFF0];
	v3 =	vsel vm0, $0xFFFFFFFF, v1  }
0x2d2: {  	v6 =	vld [tilespmem:s2+$0x0];
	v3 =	vxor.u32 s28, v3  }
0x2d3: {  	v4 =	vld [tilespmem:s2+$0x10];
	vm0 =	vge.f32 v8, v3  }
0x2d4: {  	s0 =	simm.s32 $0x10040;
	v5 =	vld [tilespmem:s2+$0x20];
	vm1 =	vge.f32 v10, v3;
	v11 =	vnsel vm0, $0xCE6E6B28, v8  }
0x2d5: {  	s1 =	simm.s32 $0x0;
	v8 =	vld [tilespmem:s2+$0xFFFFFFC0];
	v10 =	vnsel vm1, $0xCE6E6B28, v10;
	vm0 =	vge.f32 v9, v3;
	s2 =	simm.s32 $0x80C0;
	[tilespmem:s0+$0x30] =	vst v11  }
.LBB2_56:
0x2d6: {  	v11 =	vld [tilespmem:s2+$0x30];
	s1 =	sadd.s32 $0x8, s1;
	[tilespmem:s0+$0xFFFFFFD0] =	vst v10;
	v9 =	vnsel vm0, $0xCE6E6B28, v9;
	vm0 =	vge.f32 v7, v3  }
0x2d7: {  	v10 =	vld [tilespmem:s2+$0xFFFFFFD0];
	p0 =	slt.u32 s1, $0x7F8;
	[tilespmem:s0+$0xFFFFFFE0] =	vst v9;
	v7 =	vnsel vm0, $0xCE6E6B28, v7;
	vm0 =	vge.f32 v6, v3  }
0x2d8: {  	v9 =	vld [tilespmem:s2+$0xFFFFFFE0];
	[tilespmem:s0+$0xFFFFFFF0] =	vst v7;
	v6 =	vnsel vm0, $0xCE6E6B28, v6;
	vm0 =	vge.f32 v4, v3  }
.Ltmp39:
0x2d9: {  	v7 =	vld [tilespmem:s2+$0xFFFFFFF0];
	[tilespmem:s0+$0x0] =	vst v6;
	v4 =	vnsel vm0, $0xCE6E6B28, v4;
	vm0 =	vge.f32 v5, v3;
	(pc) =	sbr.rel @p0 .LBB2_56-.Ltmp39, $4  }
0x2da: {  	v6 =	vld [tilespmem:s2+$0x0];
	vm1 =	vge.f32 v8, v3;
	[tilespmem:s0+$0x10] =	vst v4;
	v5 =	vnsel vm0, $0xCE6E6B28, v5  }
0x2db: {  	v4 =	vld [tilespmem:s2+$0x10];
	vm0 =	vge.f32 v11, v3;
	v8 =	vnsel vm1, $0xCE6E6B28, v8;
	[tilespmem:s0+$0x20] =	vst v5  }
0x2dc: {  	vm1 =	vge.f32 v10, v3;
	v5 =	vld [tilespmem:s2+$0x20];
	v11 =	vnsel vm0, $0xCE6E6B28, v11;
	[tilespmem:s0+$0xFFFFFFC0] =	vst v8;
	s0 =	sadd.s32 $0x80, s0  }
0x2dd: {  	v8 =	vld [tilespmem:s2+$0xFFFFFFC0];
	v10 =	vnsel vm1, $0xCE6E6B28, v10;
	vm0 =	vge.f32 v9, v3;
	[tilespmem:s0+$0x30] =	vst v11;
	s2 =	sadd.s32 $0x80, s2  }
0x2de: {  	[tilespmem:s0+$0xFFFFFFD0] =	vst v10;
	v9 =	vnsel vm0, $0xCE6E6B28, v9;
	vm12 =	vge.f32 v7, v3  }
0x2df: {  	[tilespmem:s0+$0xFFFFFFE0] =	vst v9;
	v7 =	vnsel vm12, $0xCE6E6B28, v7;
	vm13 =	vge.f32 v6, v3  }
0x2e0: {  	[tilespmem:s0+$0xFFFFFFF0] =	vst v7;
	v6 =	vnsel vm13, $0xCE6E6B28, v6;
	vm14 =	vge.f32 v4, v3  }
0x2e1: {  	[tilespmem:s0+$0x0] =	vst v6;
	v4 =	vnsel vm14, $0xCE6E6B28, v4;
	vm15 =	vge.f32 v5, v3  }
0x2e2: {  	vm1 =	vge.f32 v8, v3;
	[tilespmem:s0+$0x10] =	vst v4;
	v3 =	vnsel vm15, $0xCE6E6B28, v5  }
0x2e3: {  	v4 =	vnsel vm1, $0xCE6E6B28, v8;
	[tilespmem:s0+$0x20] =	vst v3  }
0x2e4: {  	[tilespmem:s0+$0xFFFFFFC0] =	vst v4  }
0x2e5: {  	[hbm4b:s9+s16] =	stream.strided.scatter [tilespmem:s21], [sflag:$0x3], $0x8000, s17, s16, $0x38;
	[tilespmem:$0x18100] =	vst v63  }
0x2e6: {  	_ = 	snop  }
0x2e7: {  	[tilespmem:s19], [sflag:$0x2] =	stream.strided.gather [hbm4b:s10+s16], $0x8000, s17, s16, $0x38;
	[tilespmem:$0x18100] =	vst v63  }
0x2e8: {  	_ =	swait.ge [sflag:s22], $0x8000  }
0x2e9: {  	[sflag:s22] =	ssyncset.done $0x0  }
0x2ea: {  	[sflag:s22] =	ssyncadd.s32 $0xFFFF8000  }
0x2eb: {  	_ =	swait.ge [sflag:s23], $0x8000  }
0x2ec: {  	[sflag:s23] =	ssyncset.done $0x0  }
0x2ed: {  	s1 =	simm.s32 $0x40;
	[sflag:s23] =	ssyncadd.s32 $0xFFFF8000  }
0x2ee: {  	v3 =	vld [tilespmem:s1+$0xFFFFFFC0];
	_ =	sdelay $0x1  }
0x2ef: {  	v4 =	vld [tilespmem:s1+$0xFFFFFFD0];
	_ =	sdelay $0x1  }
0x2f0: {  	v5 =	vld [tilespmem:s1+$0xFFFFFFE0]  }
0x2f1: {  	v3 =	vmul.f32 v3, v3  }
0x2f2: {  	v6 =	vimm.f32 $0.0e+00;
	v7 =	vld [tilespmem:s1+$0xFFFFFFF0]  }
0x2f3: {  	v4 =	vmul.f32 v4, v4;
	v3 =	vadd.f32 v3, v6;
	_ =	sdelay $0x1  }
0x2f4: {  	v6 =	vld [tilespmem:s1+$0x0];
	v3 =	vadd.f32 v4, v3;
	v4 =	vmul.f32 v5, v5;
	_ =	sdelay $0x1  }
0x2f5: {  	v8 =	vld [tilespmem:s1+$0x10];
	v3 =	vadd.f32 v4, v3;
	v4 =	vmul.f32 v7, v7;
	_ =	sdelay $0x1  }
0x2f6: {  	v5 =	vadd.f32 v4, v3;
	v3 =	vld [tilespmem:s1+$0x20]  }
0x2f7: {  	v6 =	vmul.f32 v6, v6  }
0x2f8: {  	v4 =	vld [tilespmem:s1+$0x30]  }
0x2f9: {  	s0 =	simm.s32 $0x0;
	s1 =	simm.s32 $0xC0;
	v5 =	vadd.f32 v6, v5;
	v6 =	vmul.f32 v8, v8  }
.LBB2_58:
0x2fa: {  	v7 =	vld [tilespmem:s1+$0xFFFFFFC0];
	s0 =	sadd.s32 $0x8, s0  }
0x2fb: {  	p0 =	slt.u32 s0, $0x7F8;
	v5 =	vadd.f32 v6, v5;
	v3 =	vmul.f32 v3, v3  }
0x2fc: {  	v6 =	vld [tilespmem:s1+$0xFFFFFFD0]  }
0x2fd: {  	v3 =	vadd.f32 v3, v5;
	v4 =	vmul.f32 v4, v4  }
0x2fe: {  	v5 =	vld [tilespmem:s1+$0xFFFFFFE0]  }
0x2ff: {  	v7 =	vmul.f32 v7, v7;
	v3 =	vadd.f32 v4, v3  }
0x300: {  	v4 =	vld [tilespmem:s1+$0xFFFFFFF0]  }
0x301: {  	v3 =	vadd.f32 v7, v3;
	v6 =	vmul.f32 v6, v6  }
0x302: {  	v7 =	vld [tilespmem:s1+$0x0]  }
0x303: {  	v3 =	vadd.f32 v6, v3;
	v5 =	vmul.f32 v5, v5  }
0x304: {  	v6 =	vld [tilespmem:s1+$0x10]  }
.Ltmp40:
0x305: {  	v5 =	vadd.f32 v5, v3;
	v4 =	vmul.f32 v4, v4;
	(pc) =	sbr.rel @p0 .LBB2_58-.Ltmp40, $4  }
0x306: {  	v3 =	vld [tilespmem:s1+$0x20]  }
0x307: {  	v5 =	vadd.f32 v4, v5;
	v7 =	vmul.f32 v7, v7  }
0x308: {  	v4 =	vld [tilespmem:s1+$0x30]  }
0x309: {  	s1 =	sadd.s32 $0x80, s1;
	v5 =	vadd.f32 v7, v5;
	v6 =	vmul.f32 v6, v6  }
0x30a: {  	_ = 	snop  }
0x30b: {  	v5 =	vadd.f32 v6, v5;
	v3 =	vmul.f32 v3, v3;
	_ =	sdelay $0x1  }
0x30c: {  	v3 =	vadd.f32 v3, v5;
	v4 =	vmul.f32 v4, v4;
	_ =	sdelay $0x1  }
0x30d: {  	v3 =	vadd.f32 v4, v3;
	_ =	sdelay $0x1  }
0x30e: {  	(xrf2) =	vadd.scan.msk.f32 $0xffff, v3;
	_ =	sdelay $0x9  }
0x30f: {  	v3, _, _ =	vpop (xrf2)  }
0x310: {  	v3 =	vbroadcast v3, $0xF;
	_ =	sdelay $0x1  }
0x311: {  	v4 =	vshra.s32 v3, $0x1;
	v5 =	vmul.f32 $5.000000000e-01, v3  }
0x312: {  	v4 =	vsub.s32 $0x5F3759DF, v4  }
0x313: {  	v62 =	vmul.f32 v4, v5;
	_ =	sdelay $0x1  }
0x314: {  	v6 =	vmul.f32 v4, v62;
	_ =	sdelay $0x1  }
0x315: {  	v6 =	vsub.f32 $1.500000000e+00, v6;
	_ =	sdelay $0x1  }
0x316: {  	v4 =	vmul.f32 v4, v6;
	_ =	sdelay $0x1  }
0x317: {  	v6 =	vmul.f32 v4, v5;
	_ =	sdelay $0x1  }
0x318: {  	v6 =	vmul.f32 v6, v4;
	_ =	sdelay $0x1  }
0x319: {  	v6 =	vsub.f32 $1.500000000e+00, v6;
	_ =	sdelay $0x1  }
0x31a: {  	v4 =	vmul.f32 v6, v4;
	_ =	sdelay $0x1  }
0x31b: {  	v5 =	vmul.f32 v4, v5;
	_ =	sdelay $0x1  }
0x31c: {  	v5 =	vmul.f32 v5, v4;
	_ =	sdelay $0x1  }
0x31d: {  	v5 =	vsub.f32 $1.500000000e+00, v5;
	_ =	sdelay $0x1  }
0x31e: {  	v4 =	vmul.f32 v5, v4;
	_ =	sdelay $0x1  }
0x31f: {  	v3 =	vmul.f32 v4, v3;
	_ =	sdelay $0x1  }
0x320: {  	v4 =	vshra.s32 v3, $0x1;
	v5 =	vmul.f32 $5.000000000e-01, v3  }
0x321: {  	v4 =	vsub.s32 $0x5F3759DF, v4  }
0x322: {  	v63 =	vmul.f32 v4, v5;
	_ =	sdelay $0x1  }
0x323: {  	v6 =	vmul.f32 v4, v63;
	_ =	sdelay $0x1  }
0x324: {  	v6 =	vsub.f32 $1.500000000e+00, v6;
	_ =	sdelay $0x1  }
0x325: {  	v4 =	vmul.f32 v4, v6;
	_ =	sdelay $0x1  }
0x326: {  	v6 =	vmul.f32 v4, v5;
	_ =	sdelay $0x1  }
0x327: {  	v6 =	vmul.f32 v6, v4;
	_ =	sdelay $0x1  }
0x328: {  	v6 =	vsub.f32 $1.500000000e+00, v6;
	_ =	sdelay $0x1  }
0x329: {  	v4 =	vmul.f32 v6, v4;
	_ =	sdelay $0x1  }
0x32a: {  	v5 =	vmul.f32 v4, v5;
	_ =	sdelay $0x1  }
0x32b: {  	v5 =	vmul.f32 v5, v4;
	_ =	sdelay $0x1  }
0x32c: {  	v5 =	vsub.f32 $1.500000000e+00, v5;
	_ =	sdelay $0x1  }
0x32d: {  	v4 =	vmul.f32 v5, v4;
	_ =	sdelay $0x1  }
0x32e: {  	v3 =	vmul.f32 v4, v3  }
0x32f: {  	s26 =	simm.s32 $0x0;
	s28 =	simm.s32 $0x40;
	s29 =	simm.s32 $0x8040  }
.LBB2_66:
0x330: {  	v5 =	vld [tilespmem:s28+$0x10]  }
0x331: {  	v4 =	vld [tilespmem:s28+$0x0]  }
0x332: {  	v6 =	vld [tilespmem:s28+$0xFFFFFFF0]  }
0x333: {  	v14 =	vld [tilespmem:s28+$0xFFFFFFE0]  }
0x334: {  	v8 =	vld [tilespmem:s28+$0xFFFFFFD0]  }
0x335: {  	v7 =	vld [tilespmem:s28+$0xFFFFFFC0]  }
0x336: {  	v9 =	vld [tilespmem:s29+$0xFFFFFFC0]  }
0x337: {  	v12 =	vld [tilespmem:s29+$0xFFFFFFD0]  }
0x338: {  	s0 =	sshll.u32 s26, $0x7;
	v13 =	vld [tilespmem:s29+$0xFFFFFFE0]  }
0x339: {  	v15 =	vld [tilespmem:s29+$0xFFFFFFF0];
	s30 =	sadd.s32 $0x80, s0;
	s1 =	sadd.s32 $0x8, s0  }
0x33a: {  	v17 =	vld [tilespmem:s29+$0x0];
	p0 =	slt.u32 s1, s30  }
.Ltmp41:
0x33b: {  	v11 =	vld [tilespmem:s29+$0x10];
	v16 =	vmul.f32 v9, v3;
	(pc) =	sbr.rel @!p0 .LBB2_68-.Ltmp41, $4  }
0x33c: {  	v12 =	vmul.f32 v12, v3;
	v9 =	vld [tilespmem:s29+$0x20]  }
0x33d: {  	v18 =	vmul.f32 v13, v3;
	v16 =	vadd.f32 v16, v7;
	v7 =	vld [tilespmem:s29+$0x30]  }
0x33e: {  	v10 =	vimm.f32 $-3.000000010e+38;
	v13 =	vmul.f32 v15, v3;
	v12 =	vadd.f32 v12, v8;
	v8 =	vld [tilespmem:s28+$0x20]  }
0x33f: {  	s2 =	sadd.s32 $0x80, s28;
	s31 =	smov.u32 s29;
	s0 =	smov.u32 s29;
	v15 =	vmul.f32 v17, v3;
	v14 =	vadd.f32 v18, v14;
	[tilespmem:s29+$0xFFFFFFC0] =	vst v16;
	v16 =	vmax.f32 v10, v16;
	v10 =	vld [tilespmem:s28+$0x30]  }
.LBB2_67:
0x340: {  	v17 =	vld [tilespmem:s2+$0x10];
	[tilespmem:s31+$0xFFFFFFD0] =	vst v12;
	v12 =	vmax.f32 v16, v12;
	v13 =	vadd.f32 v13, v6;
	v11 =	vmul.f32 v11, v3  }
0x341: {  	[tilespmem:s31+$0xFFFFFFE0] =	vst v14;
	v12 =	vmax.f32 v12, v14;
	v14 =	vadd.f32 v15, v4;
	v4 =	vld [tilespmem:s2+$0x0];
	v9 =	vmul.f32 v9, v3  }
0x342: {  	v6 =	vld [tilespmem:s2+$0xFFFFFFF0];
	[tilespmem:s31+$0xFFFFFFF0] =	vst v13;
	v12 =	vmax.f32 v12, v13;
	v13 =	vadd.f32 v11, v5;
	v7 =	vmul.f32 v7, v3  }
0x343: {  	v15 =	vld [tilespmem:s2+$0xFFFFFFE0];
	[tilespmem:s31+$0x0] =	vst v14;
	v11 =	vmax.f32 v12, v14;
	v8 =	vadd.f32 v9, v8  }
0x344: {  	v12 =	vld [tilespmem:s2+$0xFFFFFFD0];
	[tilespmem:s31+$0x10] =	vst v13;
	v9 =	vmax.f32 v11, v13;
	v7 =	vadd.f32 v7, v10  }
0x345: {  	s31 =	sadd.s32 $0x80, s31;
	v10 =	vld [tilespmem:s2+$0xFFFFFFC0];
	[tilespmem:s0+$0x20] =	vst v8;
	v8 =	vmax.f32 v9, v8;
	v5 =	vmov v17  }
0x346: {  	s1 =	sadd.s32 $0x8, s1;
	v9 =	vld [tilespmem:s31+$0xFFFFFFC0];
	[tilespmem:s0+$0x30] =	vst v7;
	v14 =	vmax.f32 v8, v7;
	s0 =	smov.u32 s31  }
0x347: {  	p0 =	slt.u32 s1, s30;
	v7 =	vld [tilespmem:s31+$0xFFFFFFD0]  }
0x348: {  	v8 =	vld [tilespmem:s31+$0xFFFFFFE0]  }
0x349: {  	v13 =	vld [tilespmem:s31+$0xFFFFFFF0]  }
0x34a: {  	v17 =	vld [tilespmem:s31+$0x0]  }
.Ltmp42:
0x34b: {  	v16 =	vmul.f32 v9, v3;
	v11 =	vld [tilespmem:s31+$0x10];
	(pc) =	sbr.rel @p0 .LBB2_67-.Ltmp42, $4  }
0x34c: {  	v18 =	vmul.f32 v7, v3;
	v9 =	vld [tilespmem:s31+$0x20]  }
0x34d: {  	v10 =	vadd.f32 v16, v10;
	v19 =	vmul.f32 v8, v3;
	v7 =	vld [tilespmem:s31+$0x30]  }
0x34e: {  	v12 =	vadd.f32 v18, v12;
	v13 =	vmul.f32 v13, v3;
	v8 =	vld [tilespmem:s2+$0x20]  }
0x34f: {  	[tilespmem:s31+$0xFFFFFFC0] =	vst v10;
	v16 =	vmax.f32 v14, v10;
	v14 =	vadd.f32 v19, v15;
	v15 =	vmul.f32 v17, v3;
	v10 =	vld [tilespmem:s2+$0x30];
	s2 =	sadd.s32 $0x80, s2  }
.LBB2_68:
0x350: {  	[tilespmem:s31+$0xFFFFFFD0] =	vst v12;
	v63 =	vmax.f32 v16, v12;
	v6 =	vadd.f32 v13, v6;
	v11 =	vmul.f32 v11, v3  }
0x351: {  	[tilespmem:s31+$0xFFFFFFE0] =	vst v14;
	v12 =	vmax.f32 v63, v14;
	v4 =	vadd.f32 v15, v4;
	v9 =	vmul.f32 v9, v3  }
0x352: {  	[tilespmem:s31+$0xFFFFFFF0] =	vst v6;
	v6 =	vmax.f32 v12, v6;
	v5 =	vadd.f32 v11, v5;
	v7 =	vmul.f32 v7, v3  }
0x353: {  	[tilespmem:s31+$0x0] =	vst v4;
	v4 =	vmax.f32 v6, v4;
	v6 =	vadd.f32 v9, v8  }
0x354: {  	[tilespmem:s31+$0x10] =	vst v5;
	v4 =	vmax.f32 v4, v5;
	v5 =	vadd.f32 v7, v10  }
0x355: {  	[tilespmem:s0+$0x20] =	vst v6;
	v4 =	vmax.f32 v4, v6  }
0x356: {  	[tilespmem:s0+$0x30] =	vst v5;
	v4 =	vmax.f32 v4, v5  }
0x357: {  	s0 =	sshll.u32 s26, $0x4;
	s26 =	sadd.s32 $0x1, s26  }
0x358: {  	p0 =	seq.s32 s26, $0x10  }
.Ltmp43:
0x359: {  	_ = 	snop;
	(pc) =	sbr.rel @!p0 .LBB2_66-.Ltmp43, $3  }
0x35a: {  	_ =	sdelay $0x1  }
0x35b: {  	s0 =	sand.u32 $0x3FFFFFF0, s0  }
0x35c: {  	s28 =	sadd.s32 $0x800, s28;
	s29 =	sadd.s32 $0x800, s29;
	[tilespmem:s0+$0x18000] =	vst v4  }
0x35d: {  	s26 =	simm.s32 $0x0  }
0x35e: {  	[tilespmem:s26], [sflag:$0x1] =	stream.strided.gather [hbm4b:s11+s16], $0x8000, s17, s16, $0x38;
	[tilespmem:$0x18100] =	vst v63  }
0x35f: {  	v3 =	vld [tilespmem:$0x18000]  }
0x360: {  	v4 =	vld [tilespmem:$0x18010]  }
0x361: {  	v5 =	vld [tilespmem:$0x18020]  }
0x362: {  	v6 =	vld [tilespmem:$0x18030]  }
0x363: {  	v7 =	vld [tilespmem:$0x18040]  }
0x364: {  	v9 =	vld [tilespmem:$0x18050];
	v8 =	vshra.s32 v3, $0x1F  }
0x365: {  	v11 =	vld [tilespmem:$0x18060];
	v10 =	vshra.s32 v4, $0x1F;
	v8 =	vor.u32 $0x80000000, v8  }
0x366: {  	v12 =	vld [tilespmem:$0x18070];
	v28 =	vshra.s32 v5, $0x1F;
	v27 =	vor.u32 $0x80000000, v10;
	v3 =	vxor.u32 v3, v8  }
0x367: {  	v31 =	vld [tilespmem:$0x18080];
	v30 =	vshra.s32 v6, $0x1F;
	v29 =	vor.u32 $0x80000000, v28;
	[tilespmem:$0x18000] =	vst v3;
	v3 =	vxor.u32 v4, v27  }
0x368: {  	v34 =	vld [tilespmem:$0x18090];
	v33 =	vshra.s32 v7, $0x1F;
	v32 =	vor.u32 $0x80000000, v30;
	[tilespmem:$0x18010] =	vst v3;
	v3 =	vxor.u32 v5, v29  }
0x369: {  	v37 =	vld [tilespmem:$0x180A0];
	v36 =	vshra.s32 v9, $0x1F;
	v35 =	vor.u32 $0x80000000, v33;
	[tilespmem:$0x18020] =	vst v3;
	v3 =	vxor.u32 v6, v32  }
0x36a: {  	v40 =	vld [tilespmem:$0x180B0];
	v39 =	vshra.s32 v11, $0x1F;
	v38 =	vor.u32 $0x80000000, v36;
	[tilespmem:$0x18030] =	vst v3;
	v3 =	vxor.u32 v7, v35  }
0x36b: {  	v43 =	vld [tilespmem:$0x180C0];
	v42 =	vshra.s32 v12, $0x1F;
	v41 =	vor.u32 $0x80000000, v39;
	[tilespmem:$0x18040] =	vst v3;
	v3 =	vxor.u32 v9, v38  }
0x36c: {  	v46 =	vld [tilespmem:$0x180D0];
	v45 =	vshra.s32 v31, $0x1F;
	v44 =	vor.u32 $0x80000000, v42;
	[tilespmem:$0x18050] =	vst v3;
	v3 =	vxor.u32 v11, v41  }
0x36d: {  	v49 =	vld [tilespmem:$0x180E0];
	v48 =	vshra.s32 v34, $0x1F;
	v47 =	vor.u32 $0x80000000, v45;
	[tilespmem:$0x18060] =	vst v3;
	v3 =	vxor.u32 v12, v44  }
0x36e: {  	v52 =	vld [tilespmem:$0x180F0];
	v51 =	vshra.s32 v37, $0x1F;
	v50 =	vor.u32 $0x80000000, v48;
	[tilespmem:$0x18070] =	vst v3;
	v3 =	vxor.u32 v31, v47  }
0x36f: {  	v54 =	vshra.s32 v40, $0x1F;
	v53 =	vor.u32 $0x80000000, v51;
	[tilespmem:$0x18080] =	vst v3;
	v3 =	vxor.u32 v34, v50  }
0x370: {  	v56 =	vshra.s32 v43, $0x1F;
	v55 =	vor.u32 $0x80000000, v54;
	[tilespmem:$0x18090] =	vst v3;
	v3 =	vxor.u32 v37, v53  }
0x371: {  	v58 =	vshra.s32 v46, $0x1F;
	v57 =	vor.u32 $0x80000000, v56;
	[tilespmem:$0x180A0] =	vst v3;
	v3 =	vxor.u32 v40, v55  }
0x372: {  	v60 =	vshra.s32 v49, $0x1F;
	v59 =	vor.u32 $0x80000000, v58;
	[tilespmem:$0x180B0] =	vst v3;
	v3 =	vxor.u32 v43, v57  }
0x373: {  	v62 =	vshra.s32 v52, $0x1F;
	v61 =	vor.u32 $0x80000000, v60;
	[tilespmem:$0x180C0] =	vst v3;
	v3 =	vxor.u32 v46, v59  }
0x374: {  	v63 =	vor.u32 $0x80000000, v62;
	[tilespmem:$0x180D0] =	vst v3;
	v3 =	vxor.u32 v49, v61  }
0x375: {  	[tilespmem:$0x180E0] =	vst v3;
	v3 =	vxor.u32 v52, v63  }
0x376: {  	s0 =	simm.s32 $0x40;
	s29 =	simm.s32 $0x0;
	[tilespmem:$0x180F0] =	vst v3  }
.LBB2_70:
0x377: {  	s1 =	simm.s32 $0x18020  }
0x378: {  	v5 =	vld [tilespmem:s1+$0xFFFFFFE0]  }
0x379: {  	v6 =	vld [tilespmem:s1+$0x10]  }
0x37a: {  	v7 =	vld [tilespmem:s1+$0xFFFFFFF0]  }
0x37b: {  	v8 =	vld [tilespmem:s1+$0x0]  }
0x37c: {  	s30 =	sshra.s32 s20, s29;
	s2 =	sshrl.u32 s20, s29  }
0x37d: {  	s31 =	simm.s32 $0x18060;
	s28 =	sor.u32 s2, s26;
	v4 =	vmov s30  }
0x37e: {  	v9 =	vimm.s32 $0x0;
	v10 =	vld [tilespmem:s31+$0xFFFFFFE0];
	v3 =	vmov s28;
	v5 =	vand.u32 v4, v5  }
0x37f: {  	v11 =	vand.u32 v4, v6;
	vm0 =	veq.s32 v5, v3;
	v5 =	vand.u32 v4, v7  }
0x380: {  	v7 =	vand.u32 v4, v8;
	v6 =	vsel vm0, $0x1, v0;
	vm13 =	veq.s32 v5, v3;
	v5 =	vld [tilespmem:s31+$0x10]  }
0x381: {  	vm14 =	veq.s32 v7, v3;
	v8 =	vadd.s32 v6, v9;
	v9 =	vsel vm13, $0x1, v0;
	v6 =	vld [tilespmem:s31+$0xFFFFFFF0]  }
0x382: {  	vm15 =	veq.s32 v11, v3;
	v7 =	vld [tilespmem:s31+$0x0];
	v12 =	vsel vm14, $0x1, v0;
	v9 =	vadd.s32 v9, v8  }
0x383: {  	s1 =	simm.s32 $0x4;
	s2 =	simm.s32 $0x180A0;
	v8 =	vand.u32 v4, v10;
	v10 =	vsel vm15, $0x1, v0;
	v9 =	vadd.s32 v12, v9  }
.LBB2_71:
0x384: {  	s1 =	sadd.s32 $0x4, s1  }
0x385: {  	v11 =	vld [tilespmem:s2+$0xFFFFFFE0];
	v12 =	vand.u32 v4, v5;
	v9 =	vadd.s32 v10, v9;
	p0 =	slt.u32 s1, $0xC  }
.Ltmp44:
0x386: {  	vm0 =	veq.s32 v8, v3;
	v5 =	vld [tilespmem:s2+$0x10];
	v8 =	vand.u32 v4, v6;
	(pc) =	sbr.rel @p0 .LBB2_71-.Ltmp44, $4  }
0x387: {  	v10 =	vsel vm0, $0x1, v0;
	v6 =	vld [tilespmem:s2+$0xFFFFFFF0];
	vm0 =	veq.s32 v8, v3;
	v8 =	vand.u32 v4, v7  }
0x388: {  	v9 =	vadd.s32 v10, v9;
	v7 =	vld [tilespmem:s2+$0x0];
	v10 =	vsel vm0, $0x1, v0;
	vm0 =	veq.s32 v8, v3  }
0x389: {  	v9 =	vadd.s32 v10, v9;
	v10 =	vsel vm0, $0x1, v0;
	vm0 =	veq.s32 v12, v3  }
0x38a: {  	s2 =	sadd.s32 $0x40, s2;
	v8 =	vand.u32 v4, v11;
	v9 =	vadd.s32 v10, v9;
	v10 =	vsel vm0, $0x1, v0  }
0x38b: {  	v5 =	vand.u32 v4, v5  }
0x38c: {  	v9 =	vadd.s32 v10, v9;
	vm0 =	veq.s32 v8, v3;
	v6 =	vand.u32 v4, v6  }
0x38d: {  	v8 =	vsel vm0, $0x1, v0;
	vm13 =	veq.s32 v6, v3;
	v58 =	vand.u32 v4, v7  }
0x38e: {  	v59 =	vadd.s32 v8, v9;
	v60 =	vsel vm13, $0x1, v0;
	vm14 =	veq.s32 v58, v3  }
0x38f: {  	vm15 =	veq.s32 v5, v3;
	v61 =	vadd.s32 v60, v59;
	v62 =	vsel vm14, $0x1, v0  }
0x390: {  	v63 =	vsel vm15, $0x1, v0;
	v3 =	vadd.s32 v62, v61  }
0x391: {  	v3 =	vadd.s32 v63, v3  }
0x392: {  	(xrf0) =	vadd.scan.msk.s32 $0xffff, v3;
	_ =	sdelay $0x5  }
0x393: {  	v3, _, _ =	vpop (xrf0)  }
0x394: {  	(v2sf) =	vpush v3, $0xF;
	_ =	sdelay $0xe  }
0x395: {  	s1 =	spop (v2sf)  }
0x396: {  	s29 =	sadd.s32 $0x1, s29;
	p0 =	slt.s32 s1, s0  }
0x397: {  	s28 =	smov.u32 @p0 s26;
	s1 =	simm.s32 @!p0 $0x0;
	p0 =	sne.s32 s29, $0x20  }
.Ltmp45:
0x398: {  	_ = 	snop;
	(pc) =	sbr.rel @p0 .LBB2_70-.Ltmp45, $2  }
0x399: {  	_ =	sdelay $0x2  }
0x39a: {  	s0 =	ssub.s32 s0, s1;
	s26 =	smov.u32 s28  }
0x39b: {  	_ =	swait.ge [sflag:s24], $0x8000  }
0x39c: {  	[sflag:s24] =	ssyncset.done $0x0  }
0x39d: {  	s0 =	simm.s32 $0x8040;
	[sflag:s24] =	ssyncadd.s32 $0xFFFF8000  }
0x39e: {  	v11 =	vld [tilespmem:s0+$0xFFFFFFD0]  }
0x39f: {  	v3 =	vmov s28;
	v13 =	vld [tilespmem:s0+$0xFFFFFFE0]  }
0x3a0: {  	vm0 =	vgt.s32 v3, $0xFFFFFFFF;
	v14 =	vld [tilespmem:s0+$0xFFFFFFF0]  }
0x3a1: {  	v3 =	vsel vm0, $0xFFFFFFFF, v1;
	v15 =	vld [tilespmem:s0+$0x0]  }
0x3a2: {  	v6 =	vxor.u32 s28, v3;
	v21 =	vld [tilespmem:s0+$0x10]  }
0x3a3: {  	v4 =	vld [tilespmem:s0+$0xFFFFFFC0];
	vm5 =	vge.f32 v11, v6  }
0x3a4: {  	v5 =	vld [tilespmem:s0+$0x30];
	vm2 =	vge.f32 v13, v6;
	v7 =	vsel vm5, $0x1, v0  }
0x3a5: {  	v3 =	vld [tilespmem:s0+$0x20];
	vm3 =	vge.f32 v14, v6;
	v8 =	vsel vm2, $0x1, v0;
	(xrf0) =	vadd.scan.msk.s32 $0xffff, v7  }
0x3a6: {  	vm4 =	vge.f32 v15, v6;
	v7 =	vsel vm3, $0x1, v0;
	(xrf0) =	vadd.scan.msk.s32 $0xffff, v8  }
0x3a7: {  	vm8 =	vge.f32 v21, v6;
	v8 =	vsel vm4, $0x1, v0;
	(xrf0) =	vadd.scan.msk.s32 $0xffff, v7  }
0x3a8: {  	v16 =	vimm.s32 $0xFFFFFFFF;
	vm0 =	vge.f32 v4, v6;
	v7 =	vsel vm8, $0x1, v0;
	(xrf0) =	vadd.scan.msk.s32 $0xffff, v8  }
0x3a9: {  	vm1 =	vge.f32 v5, v6;
	v9 =	vmpcnt.ones.xlane vm0;
	v8 =	vsel vm0, $0x1, v0;
	(xrf0) =	vadd.scan.msk.s32 $0xffff, v7  }
0x3aa: {  	vm6 =	vge.f32 v3, v6;
	v10 =	vsel vm1, $0x1, v0;
	v7 =	vmpcnt.ones.xlane vm5;
	(xrf0) =	vadd.scan.msk.s32 $0xffff, v8  }
0x3ab: {  	v9 =	vadd.s32 v16, v9;
	v8 =	vsel vm6, $0x1, v0;
	v17, _, _ =	vpop (xrf0);
	(xrf0) =	vadd.scan.msk.s32 $0xffff, v10  }
0x3ac: {  	v12 =	vmpcnt.ones.xlane vm2;
	v17 =	vadd.s32 v9, v17;
	v9 =	vadd.s32 v9, v7;
	v18, _, _ =	vpop (xrf0);
	(xrf0) =	vadd.scan.msk.s32 $0xffff, v8  }
0x3ad: {  	s26 =	simm.s32 $0x80C0;
	v10 =	vmpcnt.ones.xlane vm3;
	v18 =	vadd.s32 v9, v18;
	v19, _, _ =	vpop (xrf0)  }
0x3ae: {  	v7 =	vld [tilespmem:s26+$0x20];
	v9 =	vadd.s32 v9, v12;
	v12 =	vmpcnt.ones.xlane vm4;
	v22, _, _ =	vpop (xrf0)  }
0x3af: {  	v20 =	vmpcnt.ones.xlane vm8;
	v8 =	vld [tilespmem:s26+$0xFFFFFFD0];
	v19 =	vadd.s32 v9, v19;
	v10 =	vadd.s32 v9, v10;
	v24, _, _ =	vpop (xrf0)  }
0x3b0: {  	v23 =	vmpcnt.ones.xlane vm6;
	v9 =	vld [tilespmem:s26+$0xFFFFFFE0];
	v22 =	vadd.s32 v10, v22;
	v12 =	vadd.s32 v10, v12;
	v26, _, _ =	vpop (xrf0)  }
0x3b1: {  	v10 =	vld [tilespmem:s26+$0xFFFFFFF0];
	v20 =	vadd.s32 v12, v20;
	[tilespmem:v17+s21+$0x0] =	vst.idx.msk vm5, v11;
	v17, _, _ =	vpop (xrf0)  }
0x3b2: {  	v25 =	vmpcnt.ones.xlane vm1;
	v24 =	vadd.s32 v12, v24;
	v12 =	vld [tilespmem:s26+$0x0];
	v11 =	vadd.s32 v20, v23;
	[tilespmem:v18+s21+$0x0] =	vst.idx.msk vm2, v13;
	v13, _, _ =	vpop (xrf0)  }
0x3b3: {  	v16 =	vadd.s32 v16, v26;
	v18 =	vadd.s32 v11, v17;
	v17 =	vadd.s32 v20, v13;
	v13 =	vld [tilespmem:s26+$0x10]  }
0x3b4: {  	vm7 =	vmmov vm6;
	vm6 =	vge.f32 v7, v6;
	vm2 =	vge.f32 v8, v6;
	[tilespmem:v19+s21+$0x0] =	vst.idx.msk vm3, v14;
	v14 =	vld [tilespmem:s26+$0xFFFFFFC0]  }
0x3b5: {  	v11 =	vadd.s32 v11, v25;
	v20 =	vsel vm2, $0x1, v0;
	vm3 =	vge.f32 v9, v6;
	[tilespmem:v22+s21+$0x0] =	vst.idx.msk vm4, v15;
	v15 =	vld [tilespmem:s26+$0x30]  }
0x3b6: {  	v19 =	vsel vm6, $0x1, v0;
	v22 =	vsel vm3, $0x1, v0;
	vm4 =	vge.f32 v10, v6;
	(xrf0) =	vadd.scan.msk.s32 $0xffff, v20  }
0x3b7: {  	s28 =	simm.s32 $0x8;
	v20 =	vsel vm4, $0x1, v0;
	vm5 =	vge.f32 v12, v6;
	(xrf0) =	vadd.scan.msk.s32 $0xffff, v22;
	[tilespmem:v24+s21+$0x0] =	vst.idx.msk vm8, v21  }
.LBB2_74:
0x3b8: {  	s28 =	sadd.s32 $0x8, s28;
	v22 =	vsel vm5, $0x1, v0;
	vm8 =	vge.f32 v13, v6;
	(xrf0) =	vadd.scan.msk.s32 $0xffff, v20;
	[tilespmem:v16+s21+$0x0] =	vst.idx.msk vm0, v4;
	v20 =	vmovc v12  }
0x3b9: {  	v21 =	vmovc v13;
	p0 =	slt.u32 s28, $0x7F8;
	vm0 =	vge.f32 v14, v6;
	v16 =	vsel vm8, $0x1, v0;
	(xrf0) =	vadd.scan.msk.s32 $0xffff, v22;
	[tilespmem:v18+s21+$0x0] =	vst.idx.msk vm1, v5  }
0x3ba: {  	v4 =	vmovc v14;
	v18 =	vsel vm0, $0x1, v0;
	v12 =	vmpcnt.ones.xlane vm0;
	vm1 =	vge.f32 v15, v6;
	(xrf0) =	vadd.scan.msk.s32 $0xffff, v16  }
0x3bb: {  	v13 =	vmpcnt.ones.xlane vm2;
	v14 =	vsel vm1, $0x1, v0;
	(xrf0) =	vadd.scan.msk.s32 $0xffff, v18;
	[tilespmem:v17+s21+$0x0] =	vst.idx.msk vm7, v3;
	v3 =	vmovc v7  }
0x3bc: {  	v5 =	vmov v15;
	v7 =	vadd.s32 v11, v12;
	v12 =	vmpcnt.ones.xlane vm3;
	v16, _, _ =	vpop (xrf0);
	(xrf0) =	vadd.scan.msk.s32 $0xffff, v14  }
0x3bd: {  	s26 =	sadd.s32 $0x80, s26;
	v15 =	vmpcnt.ones.xlane vm4;
	v14 =	vadd.s32 v7, v16;
	v13 =	vadd.s32 v7, v13;
	v16, _, _ =	vpop (xrf0);
	(xrf0) =	vadd.scan.msk.s32 $0xffff, v19  }
0x3be: {  	v7 =	vld [tilespmem:s26+$0x20];
	v17 =	vadd.s32 v13, v16;
	v12 =	vadd.s32 v13, v12;
	v13 =	vmpcnt.ones.xlane vm5;
	v16, _, _ =	vpop (xrf0)  }
0x3bf: {  	v19 =	vld [tilespmem:s26+$0xFFFFFFD0];
	v22 =	vadd.s32 v12, v16;
	v12 =	vadd.s32 v12, v15;
	v15 =	vmpcnt.ones.xlane vm8;
	v16, _, _ =	vpop (xrf0)  }
0x3c0: {  	v23 =	vld [tilespmem:s26+$0xFFFFFFE0];
	v24 =	vadd.s32 v12, v16;
	v12 =	vadd.s32 v12, v13;
	v13 =	vmpcnt.ones.xlane vm6;
	v16, _, _ =	vpop (xrf0)  }
0x3c1: {  	v27 =	vmpcnt.ones.xlane vm1;
	v25 =	vld [tilespmem:s26+$0xFFFFFFF0];
	v26 =	vadd.s32 v12, v16;
	v15 =	vadd.s32 v12, v15;
	v16, _, _ =	vpop (xrf0)  }
0x3c2: {  	vm7 =	vmmov vm6;
	v12 =	vld [tilespmem:s26+$0x0];
	v16 =	vadd.s32 v11, v16;
	[tilespmem:v14+s21+$0x0] =	vst.idx.msk vm2, v8;
	v14 =	vadd.s32 v15, v13;
	v11, _, _ =	vpop (xrf0)  }
.Ltmp46:
0x3c3: {  	v13 =	vld [tilespmem:s26+$0x10];
	[tilespmem:v17+s21+$0x0] =	vst.idx.msk vm3, v9;
	v18 =	vadd.s32 v14, v11;
	v11 =	vadd.s32 v14, v27;
	v8, _, _ =	vpop (xrf0);
	(pc) =	sbr.rel @p0 .LBB2_74-.Ltmp46, $4  }
0x3c4: {  	v14 =	vld [tilespmem:s26+$0xFFFFFFC0];
	vm2 =	vge.f32 v19, v6;
	[tilespmem:v22+s21+$0x0] =	vst.idx.msk vm4, v10;
	v17 =	vadd.s32 v15, v8;
	v8 =	vmov v19  }
0x3c5: {  	vm6 =	vge.f32 v7, v6;
	v22 =	vsel vm2, $0x1, v0;
	vm3 =	vge.f32 v23, v6;
	v15 =	vld [tilespmem:s26+$0x30];
	[tilespmem:v24+s21+$0x0] =	vst.idx.msk vm5, v20  }
0x3c6: {  	v19 =	vsel vm6, $0x1, v0;
	v9 =	vmovc v23;
	v24 =	vsel vm3, $0x1, v0;
	vm4 =	vge.f32 v25, v6;
	(xrf0) =	vadd.scan.msk.s32 $0xffff, v22  }
0x3c7: {  	v10 =	vmovc v25;
	v20 =	vsel vm4, $0x1, v0;
	vm5 =	vge.f32 v12, v6;
	(xrf0) =	vadd.scan.msk.s32 $0xffff, v24;
	[tilespmem:v26+s21+$0x0] =	vst.idx.msk vm8, v21  }
0x3c8: {  	_ = 	snop  }
0x3c9: {  	vm8 =	vge.f32 v14, v6  }
0x3ca: {  	v21 =	vmpcnt.ones.xlane vm8  }
0x3cb: {  	v22 =	vmpcnt.ones.xlane vm2  }
0x3cc: {  	v23 =	vmpcnt.ones.xlane vm3;
	v21 =	vadd.s32 v11, v21  }
0x3cd: {  	v24 =	vmpcnt.ones.xlane vm4;
	v22 =	vadd.s32 v21, v22  }
0x3ce: {  	vm9 =	vge.f32 v13, v6;
	v25 =	vmpcnt.ones.xlane vm5;
	v23 =	vadd.s32 v22, v23  }
0x3cf: {  	v26 =	vmpcnt.ones.xlane vm9;
	v24 =	vadd.s32 v23, v24  }
0x3d0: {  	v46 =	vmpcnt.ones.xlane vm6;
	vm10 =	vge.f32 v15, v6;
	v45 =	vadd.s32 v24, v25  }
0x3d1: {  	v27 =	vmpcnt.ones.xlane vm10;
	v26 =	vadd.s32 v45, v26  }
0x3d2: {  	v25 =	vadd.s32 v26, v46  }
0x3d3: {  	v27 =	vadd.s32 v25, v27  }
0x3d4: {  	(v2sf) =	vpush v27, $0x0;
	_ =	sdelay $0x5  }
0x3d5: {  	v47 =	vsel vm5, $0x1, v0;
	(xrf0) =	vadd.scan.msk.s32 $0xffff, v20  }
0x3d6: {  	v48 =	vsel vm9, $0x1, v0;
	(xrf0) =	vadd.scan.msk.s32 $0xffff, v47  }
0x3d7: {  	v49 =	vsel vm8, $0x1, v0;
	(xrf0) =	vadd.scan.msk.s32 $0xffff, v48  }
0x3d8: {  	v50 =	vsel vm10, $0x1, v0;
	(xrf0) =	vadd.scan.msk.s32 $0xffff, v49  }
0x3d9: {  	v51, _, _ =	vpop (xrf0);
	(xrf0) =	vadd.scan.msk.s32 $0xffff, v50  }
0x3da: {  	v52 =	vadd.s32 v21, v51;
	v53, _, _ =	vpop (xrf0);
	(xrf0) =	vadd.scan.msk.s32 $0xffff, v19  }
0x3db: {  	v54 =	vadd.s32 v22, v53;
	v55, _, _ =	vpop (xrf0)  }
0x3dc: {  	[tilespmem:v16+s21+$0x0] =	vst.idx.msk vm0, v4;
	v56 =	vadd.s32 v23, v55;
	v57, _, _ =	vpop (xrf0)  }
0x3dd: {  	[tilespmem:v18+s21+$0x0] =	vst.idx.msk vm1, v5;
	v58 =	vadd.s32 v24, v57;
	v59, _, _ =	vpop (xrf0)  }
0x3de: {  	[tilespmem:v17+s21+$0x0] =	vst.idx.msk vm7, v3;
	v3 =	vadd.s32 v45, v59;
	v60, _, _ =	vpop (xrf0);
	s1 =	spop (v2sf)  }
0x3df: {  	v6 =	vadd.s32 v11, v60;
	[tilespmem:v52+s21+$0x0] =	vst.idx.msk vm2, v8;
	v61, _, _ =	vpop (xrf0);
	s0 =	sadd.s32 $0x10, s1  }
0x3e0: {  	[tilespmem:v54+s21+$0x0] =	vst.idx.msk vm3, v9;
	v8 =	vadd.s32 v25, v61;
	v62, _, _ =	vpop (xrf0);
	s0 =	sshra.s32 s0, $0x4  }
0x3e1: {  	[tilespmem:v56+s21+$0x0] =	vst.idx.msk vm4, v10;
	v63 =	vadd.s32 v26, v62;
	p0 =	slt.s32 s0, $0x1  }
.Ltmp47:
0x3e2: {  	[tilespmem:v58+s21+$0x0] =	vst.idx.msk vm5, v12;
	(pc) =	sbr.rel @p0 .LBB2_82-.Ltmp47, $4  }
0x3e3: {  	[tilespmem:v3+s21+$0x0] =	vst.idx.msk vm9, v13  }
0x3e4: {  	[tilespmem:v6+s21+$0x0] =	vst.idx.msk vm8, v14  }
0x3e5: {  	[tilespmem:v8+s21+$0x0] =	vst.idx.msk vm10, v15  }
0x3e6: {  	vm15 =	vmmov vm6;
	[tilespmem:v63+s21+$0x0] =	vst.idx.msk vm6, v7  }
0x3e7: {  	p1 =	seq.s32 s0, $0x1  }
.Ltmp48:
0x3e8: {  	_ = 	snop;
	(pc) =	sbr.rel @p1 .LBB2_77-.Ltmp48, $4  }
0x3e9: {  	_ = 	snop  }
0x3ea: {  	s1 =	sadd.s32 $0x1, s1  }
0x3eb: {  	v3 =	vmov s1;
	s1 =	simm.s32 $0x10000  }
0x3ec: {  	s2 =	simm.s32 $0x0;
	s3 =	sadd.s32 $0xFFFFFFFF, s0;
	p0 =	por $0x0, $0x0;
	v4 =	vld [tilespmem:s1+$0x0]  }
0x3ed: {  	_ =	sdelay $0x3  }
0x3ee: {  	p1 =	seq.s32 s3, $0x1;
	v5 =	vshra.s32 v4, $0x1F  }
.Ltmp49:
0x3ef: {  	v6 =	vor.u32 s2, v2;
	v5 =	vor.u32 $0x80000000, v5;
	(pc) =	sbr.rel @p1 .LBB2_79-.Ltmp49, $4  }
0x3f0: {  	vm0 =	vlt.s32 v6, v3;
	v4 =	vxor.u32 v4, v5  }
0x3f1: {  	v4 =	vnsel vm0, $0x0, v4  }
0x3f2: {  	[tilespmem:s1+$0x0] =	vst v4;
	s1 =	simm.s32 $0x10010  }
0x3f3: {  	s28 =	sadd.s32 $0xFFFFFFFF, s3;
	p0 =	por $0x1, $0x1;
	s26 =	simm.s32 $0x0;
	v4 =	vld [tilespmem:s1+$0x0]  }
.LBB2_80:
0x3f4: {  	p1 =	seq.s32 s28, $0x1;
	_ =	sdelay $0x3  }
0x3f5: {  	s26 =	sadd.s32 $0x10, s26;
	v5 =	vshra.s32 v4, $0x1F  }
.Ltmp50:
0x3f6: {  	v6 =	vor.u32 s26, v2;
	v5 =	vor.u32 $0x80000000, v5;
	(pc) =	sbr.rel @!p1 .LBB2_80-.Ltmp50, $4  }
0x3f7: {  	vm0 =	vlt.s32 v6, v3;
	v4 =	vxor.u32 v4, v5  }
0x3f8: {  	v4 =	vnsel vm0, $0x0, v4  }
0x3f9: {  	[tilespmem:s1+$0x0] =	vst v4;
	s1 =	sadd.s32 $0x10, s1  }
0x3fa: {  	s28 =	sadd.s32 $0xFFFFFFFF, s28;
	v4 =	vld [tilespmem:s1+$0x0]  }
.LBB2_81:
0x3fb: {  	_ =	sdelay $0x2  }
0x3fc: {  	s3 =	sadd.s32 @p0 $0x10, s26  }
0x3fd: {  	s2 =	smov.u32 @p0 s3;
	v5 =	vshra.s32 v4, $0x1F  }
0x3fe: {  	v6 =	vor.u32 s2, v2;
	v5 =	vor.u32 $0x80000000, v5  }
0x3ff: {  	vm0 =	vlt.s32 v6, v3;
	v63 =	vxor.u32 v4, v5  }
0x400: {  	v3 =	vnsel vm0, $0x0, v63  }
0x401: {  	[tilespmem:s1+$0x0] =	vst v3  }
.LBB2_82:
0x402: {  	s1 =	sshrl.u32 s0, $0x1F  }
.Ltmp51:
0x403: {  	s1 =	sadd.s32 s1, s0;
	(pc) =	sbr.rel .LBB2_83-.Ltmp51, $4  }
0x404: {  	s26 =	sand.u32 $0xFFFFFFFE, s1  }
0x405: {  	s31 =	simm.s32 $0x0;
	s1 =	sshll.u32 s1, $0x6;
	s28 =	ssub.s32 s0, s26  }
0x406: {  	s29 =	simm.s32 $0x40;
	s1 =	sand.u32 $0xFFFFFF80, s1;
	p0 =	slt.s32 s28, $0x1  }
0x407: {  	p1 =	slt.s32 s26, $0x1;
	s0 =	simm.s32 $0x0;
	s30 =	sshra.s32 @!p0 s1, $0x2  }
.LBB2_84:
0x408: {  	v3 =	vimm.s32 $0x0  }
.LBB2_85:
0x409: {  	v4 =	vld @!p0 [tilespmem:s30+$0x10000];
	_ =	sdelay $0x4  }
0x40a: {  	v4 =	vand.u32 @!p0 s1, v4  }
0x40b: {  	vm0 =	veq.s32 @!p0 v4, s28;
	v4 =	vimm.s32 @!p0 $0x0  }
0x40c: {  	v4 =	vsel @!p0 vm0, $0x1, v4  }
0x40d: {  	v4 =	vadd.s32 @!p0 v4, v3  }
0x40e: {  	v3 =	vpsel p0, v3, v4  }
0x40f: {  	(xrf0) =	vadd.scan.msk.s32 $0xffff, v3;
	_ =	sdelay $0x5  }
0x410: {  	v3, _, _ =	vpop (xrf0)  }
0x411: {  	(v2sf) =	vpush v3, $0xF;
	_ =	sdelay $0xe  }
0x412: {  	s1 =	spop (v2sf)  }
0x413: {  	s0 =	sadd.s32 $0x1, s0;
	p2 =	slt.s32 s1, s29  }
0x414: {  	s28 =	smov.u32 @p2 s31;
	s1 =	simm.s32 @!p2 $0x0;
	p2 =	sne.s32 s0, $0x20  }
.Ltmp52:
0x415: {  	_ = 	snop;
	(pc) =	sbr.rel @!p2 .LBB2_86-.Ltmp52, $2  }
0x416: {  	_ =	sdelay $0x2  }
0x417: {  	s29 =	ssub.s32 s29, s1;
	s31 =	smov.u32 s28  }
.LBB2_83:
.Ltmp53:
0x418: {  	(pc) =	sbr.rel @p1 .LBB2_84-.Ltmp53, $3  }
0x419: {  	_ =	sdelay $0x1  }
0x41a: {  	s2 =	sshrl.u32 s20, s0  }
0x41b: {  	s1 =	sshra.s32 s20, s0;
	s28 =	sor.u32 s2, s31  }
0x41c: {  	p3 =	sgt.s32 s26, $0x2  }
.Ltmp54:
0x41d: {  	_ = 	snop;
	(pc) =	sbr.rel @!p3 .LBB2_104-.Ltmp54, $4  }
0x41e: {  	_ = 	snop  }
0x41f: {  	s2 =	simm.s32 $0x10010  }
0x420: {  	v7 =	vld [tilespmem:s2+$0xFFFFFFF0]  }
0x421: {  	v5 =	vmov s1;
	v3 =	vmov s28;
	v4 =	vimm.s32 $0x0;
	p2 =	por $0x0, $0x0;
	v6 =	vld [tilespmem:s2+$0x0]  }
0x422: {  	_ = 	snop  }
0x423: {  	p3 =	sgt.s32 s26, $0x4  }
.Ltmp55:
0x424: {  	_ = 	snop;
	(pc) =	sbr.rel @!p3 .LBB2_107-.Ltmp55, $4  }
0x425: {  	v7 =	vand.u32 v5, v7  }
0x426: {  	s2 =	simm.s32 $0x10030;
	vm0 =	veq.s32 v7, v3;
	v6 =	vand.u32 v5, v6  }
0x427: {  	v7 =	vld [tilespmem:s2+$0xFFFFFFF0];
	v8 =	vsel vm0, $0x1, v0;
	vm15 =	veq.s32 v6, v3  }
0x428: {  	s3 =	simm.s32 $0x4;
	p2 =	por $0x1, $0x1;
	v6 =	vld [tilespmem:s2+$0x0];
	v8 =	vadd.s32 v8, v4;
	v9 =	vsel vm15, $0x1, v0  }
.LBB2_106:
0x429: {  	s3 =	sadd.s32 $0x2, s3  }
0x42a: {  	v8 =	vadd.s32 v9, v8;
	p3 =	slt.s32 s3, s26  }
.Ltmp56:
0x42b: {  	(pc) =	sbr.rel @p3 .LBB2_106-.Ltmp56, $4  }
0x42c: {  	s2 =	sadd.s32 $0x20, s2;
	v9 =	vand.u32 v5, v7  }
0x42d: {  	v7 =	vld [tilespmem:s2+$0xFFFFFFF0];
	vm0 =	veq.s32 v9, v3;
	v9 =	vand.u32 v5, v6  }
0x42e: {  	v6 =	vld [tilespmem:s2+$0x0];
	v10 =	vsel vm0, $0x1, v0;
	vm0 =	veq.s32 v9, v3  }
0x42f: {  	v8 =	vadd.s32 v10, v8;
	v9 =	vsel vm0, $0x1, v0  }
.LBB2_107:
0x430: {  	_ =	sdelay $0x2  }
.Ltmp57:
0x431: {  	v7 =	vand.u32 v5, v7;
	(pc) =	sbr.rel .LBB2_85-.Ltmp57, $4  }
0x432: {  	v8 =	vadd.s32 @p2 v9, v8;
	vm0 =	veq.s32 v7, v3;
	v5 =	vand.u32 v5, v6  }
0x433: {  	v63 =	vsel vm0, $0x1, v0;
	vm15 =	veq.s32 v5, v3;
	v3 =	vpsel p2, v8, v4  }
0x434: {  	v3 =	vadd.s32 v63, v3;
	v4 =	vsel vm15, $0x1, v0  }
0x435: {  	v3 =	vadd.s32 v4, v3  }
.LBB2_104:
.Ltmp58:
0x436: {  	(pc) =	sbr.rel .LBB2_107-.Ltmp58, $2  }
0x437: {  	_ =	sdelay $0x2  }
0x438: {  	_ = 	snop  }
.LBB2_86:
0x439: {  	s2 =	simm.s32 $0x8040  }
0x43a: {  	v8 =	vld [tilespmem:s2+$0x30]  }
0x43b: {  	v3 =	vmov s28;
	v10 =	vld [tilespmem:s2+$0xFFFFFFD0]  }
0x43c: {  	vm0 =	vgt.s32 v3, $0xFFFFFFFF;
	v9 =	vld [tilespmem:s2+$0xFFFFFFE0]  }
0x43d: {  	v7 =	vld [tilespmem:s2+$0xFFFFFFF0];
	v3 =	vsel vm0, $0xFFFFFFFF, v1  }
0x43e: {  	v6 =	vld [tilespmem:s2+$0x0];
	v3 =	vxor.u32 s28, v3  }
0x43f: {  	v4 =	vld [tilespmem:s2+$0x10];
	vm0 =	vge.f32 v8, v3  }
0x440: {  	s0 =	simm.s32 $0x10040;
	v5 =	vld [tilespmem:s2+$0x20];
	vm1 =	vge.f32 v10, v3;
	v11 =	vnsel vm0, $0xCE6E6B28, v8  }
0x441: {  	s1 =	simm.s32 $0x0;
	v8 =	vld [tilespmem:s2+$0xFFFFFFC0];
	v10 =	vnsel vm1, $0xCE6E6B28, v10;
	vm0 =	vge.f32 v9, v3;
	s2 =	simm.s32 $0x80C0;
	[tilespmem:s0+$0x30] =	vst v11  }
.LBB2_87:
0x442: {  	v11 =	vld [tilespmem:s2+$0x30];
	s1 =	sadd.s32 $0x8, s1;
	[tilespmem:s0+$0xFFFFFFD0] =	vst v10;
	v9 =	vnsel vm0, $0xCE6E6B28, v9;
	vm0 =	vge.f32 v7, v3  }
0x443: {  	v10 =	vld [tilespmem:s2+$0xFFFFFFD0];
	p0 =	slt.u32 s1, $0x7F8;
	[tilespmem:s0+$0xFFFFFFE0] =	vst v9;
	v7 =	vnsel vm0, $0xCE6E6B28, v7;
	vm0 =	vge.f32 v6, v3  }
0x444: {  	v9 =	vld [tilespmem:s2+$0xFFFFFFE0];
	[tilespmem:s0+$0xFFFFFFF0] =	vst v7;
	v6 =	vnsel vm0, $0xCE6E6B28, v6;
	vm0 =	vge.f32 v4, v3  }
.Ltmp59:
0x445: {  	v7 =	vld [tilespmem:s2+$0xFFFFFFF0];
	[tilespmem:s0+$0x0] =	vst v6;
	v4 =	vnsel vm0, $0xCE6E6B28, v4;
	vm0 =	vge.f32 v5, v3;
	(pc) =	sbr.rel @p0 .LBB2_87-.Ltmp59, $4  }
0x446: {  	v6 =	vld [tilespmem:s2+$0x0];
	vm1 =	vge.f32 v8, v3;
	[tilespmem:s0+$0x10] =	vst v4;
	v5 =	vnsel vm0, $0xCE6E6B28, v5  }
0x447: {  	v4 =	vld [tilespmem:s2+$0x10];
	vm0 =	vge.f32 v11, v3;
	v8 =	vnsel vm1, $0xCE6E6B28, v8;
	[tilespmem:s0+$0x20] =	vst v5  }
0x448: {  	vm1 =	vge.f32 v10, v3;
	v5 =	vld [tilespmem:s2+$0x20];
	v11 =	vnsel vm0, $0xCE6E6B28, v11;
	[tilespmem:s0+$0xFFFFFFC0] =	vst v8;
	s0 =	sadd.s32 $0x80, s0  }
0x449: {  	v8 =	vld [tilespmem:s2+$0xFFFFFFC0];
	v10 =	vnsel vm1, $0xCE6E6B28, v10;
	vm0 =	vge.f32 v9, v3;
	[tilespmem:s0+$0x30] =	vst v11;
	s2 =	sadd.s32 $0x80, s2  }
0x44a: {  	[tilespmem:s0+$0xFFFFFFD0] =	vst v10;
	v9 =	vnsel vm0, $0xCE6E6B28, v9;
	vm12 =	vge.f32 v7, v3  }
0x44b: {  	[tilespmem:s0+$0xFFFFFFE0] =	vst v9;
	v7 =	vnsel vm12, $0xCE6E6B28, v7;
	vm13 =	vge.f32 v6, v3  }
0x44c: {  	[tilespmem:s0+$0xFFFFFFF0] =	vst v7;
	v6 =	vnsel vm13, $0xCE6E6B28, v6;
	vm14 =	vge.f32 v4, v3  }
0x44d: {  	[tilespmem:s0+$0x0] =	vst v6;
	v4 =	vnsel vm14, $0xCE6E6B28, v4;
	vm15 =	vge.f32 v5, v3  }
0x44e: {  	vm1 =	vge.f32 v8, v3;
	[tilespmem:s0+$0x10] =	vst v4;
	v3 =	vnsel vm15, $0xCE6E6B28, v5  }
0x44f: {  	v4 =	vnsel vm1, $0xCE6E6B28, v8;
	[tilespmem:s0+$0x20] =	vst v3  }
0x450: {  	[tilespmem:s0+$0xFFFFFFC0] =	vst v4  }
0x451: {  	[hbm4b:s12+s16] =	stream.strided.scatter [tilespmem:s21], [sflag:$0x3], $0x8000, s17, s16, $0x38;
	[tilespmem:$0x18100] =	vst v63  }
0x452: {  	_ = 	snop  }
0x453: {  	[tilespmem:s19], [sflag:$0x2] =	stream.strided.gather [hbm4b:s13+s16], $0x8000, s17, s16, $0x38;
	[tilespmem:$0x18100] =	vst v63  }
0x454: {  	_ =	swait.ge [sflag:s22], $0x8000  }
0x455: {  	[sflag:s22] =	ssyncset.done $0x0  }
0x456: {  	[sflag:s22] =	ssyncadd.s32 $0xFFFF8000  }
0x457: {  	_ =	swait.ge [sflag:s23], $0x8000  }
0x458: {  	[sflag:s23] =	ssyncset.done $0x0  }
0x459: {  	s1 =	simm.s32 $0x40;
	[sflag:s23] =	ssyncadd.s32 $0xFFFF8000  }
0x45a: {  	v3 =	vld [tilespmem:s1+$0xFFFFFFC0];
	_ =	sdelay $0x1  }
0x45b: {  	v4 =	vld [tilespmem:s1+$0xFFFFFFD0];
	_ =	sdelay $0x1  }
0x45c: {  	v5 =	vld [tilespmem:s1+$0xFFFFFFE0]  }
0x45d: {  	v3 =	vmul.f32 v3, v3  }
0x45e: {  	v6 =	vimm.f32 $0.0e+00;
	v7 =	vld [tilespmem:s1+$0xFFFFFFF0]  }
0x45f: {  	v4 =	vmul.f32 v4, v4;
	v3 =	vadd.f32 v3, v6;
	_ =	sdelay $0x1  }
0x460: {  	v6 =	vld [tilespmem:s1+$0x0];
	v3 =	vadd.f32 v4, v3;
	v4 =	vmul.f32 v5, v5;
	_ =	sdelay $0x1  }
0x461: {  	v8 =	vld [tilespmem:s1+$0x10];
	v3 =	vadd.f32 v4, v3;
	v4 =	vmul.f32 v7, v7;
	_ =	sdelay $0x1  }
0x462: {  	v5 =	vadd.f32 v4, v3;
	v3 =	vld [tilespmem:s1+$0x20]  }
0x463: {  	v6 =	vmul.f32 v6, v6  }
0x464: {  	v4 =	vld [tilespmem:s1+$0x30]  }
0x465: {  	s0 =	simm.s32 $0x0;
	s1 =	simm.s32 $0xC0;
	v5 =	vadd.f32 v6, v5;
	v6 =	vmul.f32 v8, v8  }
.LBB2_89:
0x466: {  	v7 =	vld [tilespmem:s1+$0xFFFFFFC0];
	s0 =	sadd.s32 $0x8, s0  }
0x467: {  	p0 =	slt.u32 s0, $0x7F8;
	v5 =	vadd.f32 v6, v5;
	v3 =	vmul.f32 v3, v3  }
0x468: {  	v6 =	vld [tilespmem:s1+$0xFFFFFFD0]  }
0x469: {  	v3 =	vadd.f32 v3, v5;
	v4 =	vmul.f32 v4, v4  }
0x46a: {  	v5 =	vld [tilespmem:s1+$0xFFFFFFE0]  }
0x46b: {  	v7 =	vmul.f32 v7, v7;
	v3 =	vadd.f32 v4, v3  }
0x46c: {  	v4 =	vld [tilespmem:s1+$0xFFFFFFF0]  }
0x46d: {  	v3 =	vadd.f32 v7, v3;
	v6 =	vmul.f32 v6, v6  }
0x46e: {  	v7 =	vld [tilespmem:s1+$0x0]  }
0x46f: {  	v3 =	vadd.f32 v6, v3;
	v5 =	vmul.f32 v5, v5  }
0x470: {  	v6 =	vld [tilespmem:s1+$0x10]  }
.Ltmp60:
0x471: {  	v5 =	vadd.f32 v5, v3;
	v4 =	vmul.f32 v4, v4;
	(pc) =	sbr.rel @p0 .LBB2_89-.Ltmp60, $4  }
0x472: {  	v3 =	vld [tilespmem:s1+$0x20]  }
0x473: {  	v5 =	vadd.f32 v4, v5;
	v7 =	vmul.f32 v7, v7  }
0x474: {  	v4 =	vld [tilespmem:s1+$0x30]  }
0x475: {  	s1 =	sadd.s32 $0x80, s1;
	v5 =	vadd.f32 v7, v5;
	v6 =	vmul.f32 v6, v6  }
0x476: {  	_ = 	snop  }
0x477: {  	v5 =	vadd.f32 v6, v5;
	v3 =	vmul.f32 v3, v3;
	_ =	sdelay $0x1  }
0x478: {  	v3 =	vadd.f32 v3, v5;
	v4 =	vmul.f32 v4, v4;
	_ =	sdelay $0x1  }
0x479: {  	v3 =	vadd.f32 v4, v3;
	_ =	sdelay $0x1  }
0x47a: {  	(xrf2) =	vadd.scan.msk.f32 $0xffff, v3;
	_ =	sdelay $0x9  }
0x47b: {  	v3, _, _ =	vpop (xrf2)  }
0x47c: {  	v3 =	vbroadcast v3, $0xF;
	_ =	sdelay $0x1  }
0x47d: {  	v4 =	vshra.s32 v3, $0x1;
	v5 =	vmul.f32 $5.000000000e-01, v3  }
0x47e: {  	v4 =	vsub.s32 $0x5F3759DF, v4  }
0x47f: {  	v62 =	vmul.f32 v4, v5;
	_ =	sdelay $0x1  }
0x480: {  	v6 =	vmul.f32 v4, v62;
	_ =	sdelay $0x1  }
0x481: {  	v6 =	vsub.f32 $1.500000000e+00, v6;
	_ =	sdelay $0x1  }
0x482: {  	v4 =	vmul.f32 v4, v6;
	_ =	sdelay $0x1  }
0x483: {  	v6 =	vmul.f32 v4, v5;
	_ =	sdelay $0x1  }
0x484: {  	v6 =	vmul.f32 v6, v4;
	_ =	sdelay $0x1  }
0x485: {  	v6 =	vsub.f32 $1.500000000e+00, v6;
	_ =	sdelay $0x1  }
0x486: {  	v4 =	vmul.f32 v6, v4;
	_ =	sdelay $0x1  }
0x487: {  	v5 =	vmul.f32 v4, v5;
	_ =	sdelay $0x1  }
0x488: {  	v5 =	vmul.f32 v5, v4;
	_ =	sdelay $0x1  }
0x489: {  	v5 =	vsub.f32 $1.500000000e+00, v5;
	_ =	sdelay $0x1  }
0x48a: {  	v4 =	vmul.f32 v5, v4;
	_ =	sdelay $0x1  }
0x48b: {  	v3 =	vmul.f32 v4, v3;
	_ =	sdelay $0x1  }
0x48c: {  	v4 =	vshra.s32 v3, $0x1;
	v5 =	vmul.f32 $5.000000000e-01, v3  }
0x48d: {  	v4 =	vsub.s32 $0x5F3759DF, v4  }
0x48e: {  	v63 =	vmul.f32 v4, v5;
	_ =	sdelay $0x1  }
0x48f: {  	v6 =	vmul.f32 v4, v63;
	_ =	sdelay $0x1  }
0x490: {  	v6 =	vsub.f32 $1.500000000e+00, v6;
	_ =	sdelay $0x1  }
0x491: {  	v4 =	vmul.f32 v4, v6;
	_ =	sdelay $0x1  }
0x492: {  	v6 =	vmul.f32 v4, v5;
	_ =	sdelay $0x1  }
0x493: {  	v6 =	vmul.f32 v6, v4;
	_ =	sdelay $0x1  }
0x494: {  	v6 =	vsub.f32 $1.500000000e+00, v6;
	_ =	sdelay $0x1  }
0x495: {  	v4 =	vmul.f32 v6, v4;
	_ =	sdelay $0x1  }
0x496: {  	v5 =	vmul.f32 v4, v5;
	_ =	sdelay $0x1  }
0x497: {  	v5 =	vmul.f32 v5, v4;
	_ =	sdelay $0x1  }
0x498: {  	v5 =	vsub.f32 $1.500000000e+00, v5;
	_ =	sdelay $0x1  }
0x499: {  	v4 =	vmul.f32 v5, v4;
	_ =	sdelay $0x1  }
0x49a: {  	v3 =	vmul.f32 v4, v3  }
0x49b: {  	s26 =	simm.s32 $0x0;
	s28 =	simm.s32 $0x40;
	s29 =	simm.s32 $0x8040  }
.LBB2_91:
0x49c: {  	v5 =	vld [tilespmem:s28+$0x10]  }
0x49d: {  	v4 =	vld [tilespmem:s28+$0x0]  }
0x49e: {  	v6 =	vld [tilespmem:s28+$0xFFFFFFF0]  }
0x49f: {  	v14 =	vld [tilespmem:s28+$0xFFFFFFE0]  }
0x4a0: {  	v8 =	vld [tilespmem:s28+$0xFFFFFFD0]  }
0x4a1: {  	v7 =	vld [tilespmem:s28+$0xFFFFFFC0]  }
0x4a2: {  	v9 =	vld [tilespmem:s29+$0xFFFFFFC0]  }
0x4a3: {  	v12 =	vld [tilespmem:s29+$0xFFFFFFD0]  }
0x4a4: {  	s0 =	sshll.u32 s26, $0x7;
	v13 =	vld [tilespmem:s29+$0xFFFFFFE0]  }
0x4a5: {  	v15 =	vld [tilespmem:s29+$0xFFFFFFF0];
	s30 =	sadd.s32 $0x80, s0;
	s1 =	sadd.s32 $0x8, s0  }
0x4a6: {  	v17 =	vld [tilespmem:s29+$0x0];
	p0 =	slt.u32 s1, s30  }
.Ltmp61:
0x4a7: {  	v11 =	vld [tilespmem:s29+$0x10];
	v16 =	vmul.f32 v9, v3;
	(pc) =	sbr.rel @!p0 .LBB2_93-.Ltmp61, $4  }
0x4a8: {  	v12 =	vmul.f32 v12, v3;
	v9 =	vld [tilespmem:s29+$0x20]  }
0x4a9: {  	v18 =	vmul.f32 v13, v3;
	v16 =	vadd.f32 v16, v7;
	v7 =	vld [tilespmem:s29+$0x30]  }
0x4aa: {  	v10 =	vimm.f32 $-3.000000010e+38;
	v13 =	vmul.f32 v15, v3;
	v12 =	vadd.f32 v12, v8;
	v8 =	vld [tilespmem:s28+$0x20]  }
0x4ab: {  	s2 =	sadd.s32 $0x80, s28;
	s31 =	smov.u32 s29;
	s0 =	smov.u32 s29;
	v15 =	vmul.f32 v17, v3;
	v14 =	vadd.f32 v18, v14;
	[tilespmem:s29+$0xFFFFFFC0] =	vst v16;
	v16 =	vmax.f32 v10, v16;
	v10 =	vld [tilespmem:s28+$0x30]  }
.LBB2_92:
0x4ac: {  	v17 =	vld [tilespmem:s2+$0x10];
	[tilespmem:s31+$0xFFFFFFD0] =	vst v12;
	v12 =	vmax.f32 v16, v12;
	v13 =	vadd.f32 v13, v6;
	v11 =	vmul.f32 v11, v3  }
0x4ad: {  	[tilespmem:s31+$0xFFFFFFE0] =	vst v14;
	v12 =	vmax.f32 v12, v14;
	v14 =	vadd.f32 v15, v4;
	v4 =	vld [tilespmem:s2+$0x0];
	v9 =	vmul.f32 v9, v3  }
0x4ae: {  	v6 =	vld [tilespmem:s2+$0xFFFFFFF0];
	[tilespmem:s31+$0xFFFFFFF0] =	vst v13;
	v12 =	vmax.f32 v12, v13;
	v13 =	vadd.f32 v11, v5;
	v7 =	vmul.f32 v7, v3  }
0x4af: {  	v15 =	vld [tilespmem:s2+$0xFFFFFFE0];
	[tilespmem:s31+$0x0] =	vst v14;
	v11 =	vmax.f32 v12, v14;
	v8 =	vadd.f32 v9, v8  }
0x4b0: {  	v12 =	vld [tilespmem:s2+$0xFFFFFFD0];
	[tilespmem:s31+$0x10] =	vst v13;
	v9 =	vmax.f32 v11, v13;
	v7 =	vadd.f32 v7, v10  }
0x4b1: {  	s31 =	sadd.s32 $0x80, s31;
	v10 =	vld [tilespmem:s2+$0xFFFFFFC0];
	[tilespmem:s0+$0x20] =	vst v8;
	v8 =	vmax.f32 v9, v8;
	v5 =	vmov v17  }
0x4b2: {  	s1 =	sadd.s32 $0x8, s1;
	v9 =	vld [tilespmem:s31+$0xFFFFFFC0];
	[tilespmem:s0+$0x30] =	vst v7;
	v14 =	vmax.f32 v8, v7;
	s0 =	smov.u32 s31  }
0x4b3: {  	p0 =	slt.u32 s1, s30;
	v7 =	vld [tilespmem:s31+$0xFFFFFFD0]  }
0x4b4: {  	v8 =	vld [tilespmem:s31+$0xFFFFFFE0]  }
0x4b5: {  	v13 =	vld [tilespmem:s31+$0xFFFFFFF0]  }
0x4b6: {  	v17 =	vld [tilespmem:s31+$0x0]  }
.Ltmp62:
0x4b7: {  	v16 =	vmul.f32 v9, v3;
	v11 =	vld [tilespmem:s31+$0x10];
	(pc) =	sbr.rel @p0 .LBB2_92-.Ltmp62, $4  }
0x4b8: {  	v18 =	vmul.f32 v7, v3;
	v9 =	vld [tilespmem:s31+$0x20]  }
0x4b9: {  	v10 =	vadd.f32 v16, v10;
	v19 =	vmul.f32 v8, v3;
	v7 =	vld [tilespmem:s31+$0x30]  }
0x4ba: {  	v12 =	vadd.f32 v18, v12;
	v13 =	vmul.f32 v13, v3;
	v8 =	vld [tilespmem:s2+$0x20]  }
0x4bb: {  	[tilespmem:s31+$0xFFFFFFC0] =	vst v10;
	v16 =	vmax.f32 v14, v10;
	v14 =	vadd.f32 v19, v15;
	v15 =	vmul.f32 v17, v3;
	v10 =	vld [tilespmem:s2+$0x30];
	s2 =	sadd.s32 $0x80, s2  }
.LBB2_93:
0x4bc: {  	[tilespmem:s31+$0xFFFFFFD0] =	vst v12;
	v6 =	vadd.f32 v13, v6;
	v11 =	vmul.f32 v11, v3  }
0x4bd: {  	[tilespmem:s31+$0xFFFFFFE0] =	vst v14;
	v4 =	vadd.f32 v15, v4  }
0x4be: {  	[tilespmem:s31+$0xFFFFFFF0] =	vst v6;
	v5 =	vadd.f32 v11, v5  }
0x4bf: {  	v62 =	vmax.f32 v16, v12;
	[tilespmem:s31+$0x0] =	vst v4  }
0x4c0: {  	v12 =	vmax.f32 v62, v14;
	v9 =	vmul.f32 v9, v3;
	[tilespmem:s31+$0x10] =	vst v5;
	s31 =	sshll.u32 s26, $0x4;
	s26 =	sadd.s32 $0x1, s26  }
0x4c1: {  	v6 =	vmax.f32 v12, v6;
	v7 =	vmul.f32 v7, v3;
	p0 =	sne.s32 s26, $0x10  }
.Ltmp63:
0x4c2: {  	v4 =	vmax.f32 v6, v4;
	v63 =	vadd.f32 v9, v8;
	(pc) =	sbr.rel @p0 .LBB2_91-.Ltmp63, $4  }
0x4c3: {  	v4 =	vmax.f32 v4, v5;
	v5 =	vadd.f32 v7, v10  }
0x4c4: {  	[tilespmem:s0+$0x20] =	vst v63;
	v4 =	vmax.f32 v4, v63  }
0x4c5: {  	[tilespmem:s0+$0x30] =	vst v5;
	v4 =	vmax.f32 v4, v5;
	s0 =	sand.u32 $0x3FFFFFF0, s31  }
0x4c6: {  	s28 =	sadd.s32 $0x800, s28;
	s29 =	sadd.s32 $0x800, s29;
	[tilespmem:s0+$0x18000] =	vst v4  }
0x4c7: {  	v3 =	vld [tilespmem:$0x18000]  }
0x4c8: {  	v4 =	vld [tilespmem:$0x18010]  }
0x4c9: {  	v5 =	vld [tilespmem:$0x18020]  }
0x4ca: {  	v6 =	vld [tilespmem:$0x18030]  }
0x4cb: {  	v7 =	vld [tilespmem:$0x18040]  }
0x4cc: {  	v9 =	vld [tilespmem:$0x18050];
	v8 =	vshra.s32 v3, $0x1F  }
0x4cd: {  	v11 =	vld [tilespmem:$0x18060];
	v10 =	vshra.s32 v4, $0x1F;
	v8 =	vor.u32 $0x80000000, v8  }
0x4ce: {  	v12 =	vld [tilespmem:$0x18070];
	v28 =	vshra.s32 v5, $0x1F;
	v27 =	vor.u32 $0x80000000, v10;
	v3 =	vxor.u32 v3, v8  }
0x4cf: {  	v31 =	vld [tilespmem:$0x18080];
	v30 =	vshra.s32 v6, $0x1F;
	v29 =	vor.u32 $0x80000000, v28;
	[tilespmem:$0x18000] =	vst v3;
	v3 =	vxor.u32 v4, v27  }
0x4d0: {  	v34 =	vld [tilespmem:$0x18090];
	v33 =	vshra.s32 v7, $0x1F;
	v32 =	vor.u32 $0x80000000, v30;
	[tilespmem:$0x18010] =	vst v3;
	v3 =	vxor.u32 v5, v29  }
0x4d1: {  	v37 =	vld [tilespmem:$0x180A0];
	v36 =	vshra.s32 v9, $0x1F;
	v35 =	vor.u32 $0x80000000, v33;
	[tilespmem:$0x18020] =	vst v3;
	v3 =	vxor.u32 v6, v32  }
0x4d2: {  	v40 =	vld [tilespmem:$0x180B0];
	v39 =	vshra.s32 v11, $0x1F;
	v38 =	vor.u32 $0x80000000, v36;
	[tilespmem:$0x18030] =	vst v3;
	v3 =	vxor.u32 v7, v35  }
0x4d3: {  	v43 =	vld [tilespmem:$0x180C0];
	v42 =	vshra.s32 v12, $0x1F;
	v41 =	vor.u32 $0x80000000, v39;
	[tilespmem:$0x18040] =	vst v3;
	v3 =	vxor.u32 v9, v38  }
0x4d4: {  	v46 =	vld [tilespmem:$0x180D0];
	v45 =	vshra.s32 v31, $0x1F;
	v44 =	vor.u32 $0x80000000, v42;
	[tilespmem:$0x18050] =	vst v3;
	v3 =	vxor.u32 v11, v41  }
0x4d5: {  	v49 =	vld [tilespmem:$0x180E0];
	v48 =	vshra.s32 v34, $0x1F;
	v47 =	vor.u32 $0x80000000, v45;
	[tilespmem:$0x18060] =	vst v3;
	v3 =	vxor.u32 v12, v44  }
0x4d6: {  	v52 =	vld [tilespmem:$0x180F0];
	v51 =	vshra.s32 v37, $0x1F;
	v50 =	vor.u32 $0x80000000, v48;
	[tilespmem:$0x18070] =	vst v3;
	v3 =	vxor.u32 v31, v47  }
0x4d7: {  	v54 =	vshra.s32 v40, $0x1F;
	v53 =	vor.u32 $0x80000000, v51;
	[tilespmem:$0x18080] =	vst v3;
	v3 =	vxor.u32 v34, v50  }
0x4d8: {  	v56 =	vshra.s32 v43, $0x1F;
	v55 =	vor.u32 $0x80000000, v54;
	[tilespmem:$0x18090] =	vst v3;
	v3 =	vxor.u32 v37, v53  }
0x4d9: {  	v58 =	vshra.s32 v46, $0x1F;
	v57 =	vor.u32 $0x80000000, v56;
	[tilespmem:$0x180A0] =	vst v3;
	v3 =	vxor.u32 v40, v55  }
0x4da: {  	v60 =	vshra.s32 v49, $0x1F;
	v59 =	vor.u32 $0x80000000, v58;
	[tilespmem:$0x180B0] =	vst v3;
	v3 =	vxor.u32 v43, v57  }
0x4db: {  	v62 =	vshra.s32 v52, $0x1F;
	v61 =	vor.u32 $0x80000000, v60;
	[tilespmem:$0x180C0] =	vst v3;
	v3 =	vxor.u32 v46, v59  }
0x4dc: {  	v63 =	vor.u32 $0x80000000, v62;
	[tilespmem:$0x180D0] =	vst v3;
	v3 =	vxor.u32 v49, v61  }
0x4dd: {  	[tilespmem:$0x180E0] =	vst v3;
	v3 =	vxor.u32 v52, v63  }
0x4de: {  	s29 =	simm.s32 $0x0;
	s0 =	simm.s32 $0x40;
	s28 =	simm.s32 $0x0;
	[tilespmem:$0x180F0] =	vst v3  }
.LBB2_95:
0x4df: {  	s1 =	simm.s32 $0x18020  }
0x4e0: {  	v5 =	vld [tilespmem:s1+$0xFFFFFFE0]  }
0x4e1: {  	v6 =	vld [tilespmem:s1+$0x10]  }
0x4e2: {  	v7 =	vld [tilespmem:s1+$0xFFFFFFF0]  }
0x4e3: {  	v8 =	vld [tilespmem:s1+$0x0]  }
0x4e4: {  	s30 =	sshra.s32 s20, s28;
	s2 =	sshrl.u32 s20, s28  }
0x4e5: {  	s31 =	simm.s32 $0x18060;
	s26 =	sor.u32 s2, s29;
	v4 =	vmov s30  }
0x4e6: {  	v9 =	vimm.s32 $0x0;
	v10 =	vld [tilespmem:s31+$0xFFFFFFE0];
	v3 =	vmov s26;
	v5 =	vand.u32 v4, v5  }
0x4e7: {  	v11 =	vand.u32 v4, v6;
	vm0 =	veq.s32 v5, v3;
	v5 =	vand.u32 v4, v7  }
0x4e8: {  	v7 =	vand.u32 v4, v8;
	v6 =	vsel vm0, $0x1, v0;
	vm13 =	veq.s32 v5, v3;
	v5 =	vld [tilespmem:s31+$0x10]  }
0x4e9: {  	vm14 =	veq.s32 v7, v3;
	v8 =	vadd.s32 v6, v9;
	v9 =	vsel vm13, $0x1, v0;
	v6 =	vld [tilespmem:s31+$0xFFFFFFF0]  }
0x4ea: {  	vm15 =	veq.s32 v11, v3;
	v7 =	vld [tilespmem:s31+$0x0];
	v12 =	vsel vm14, $0x1, v0;
	v9 =	vadd.s32 v9, v8  }
0x4eb: {  	s1 =	simm.s32 $0x4;
	s2 =	simm.s32 $0x180A0;
	v8 =	vand.u32 v4, v10;
	v10 =	vsel vm15, $0x1, v0;
	v9 =	vadd.s32 v12, v9  }
.LBB2_96:
0x4ec: {  	s1 =	sadd.s32 $0x4, s1  }
0x4ed: {  	v11 =	vld [tilespmem:s2+$0xFFFFFFE0];
	v12 =	vand.u32 v4, v5;
	v9 =	vadd.s32 v10, v9;
	p0 =	slt.u32 s1, $0xC  }
.Ltmp64:
0x4ee: {  	vm0 =	veq.s32 v8, v3;
	v5 =	vld [tilespmem:s2+$0x10];
	v8 =	vand.u32 v4, v6;
	(pc) =	sbr.rel @p0 .LBB2_96-.Ltmp64, $4  }
0x4ef: {  	v10 =	vsel vm0, $0x1, v0;
	v6 =	vld [tilespmem:s2+$0xFFFFFFF0];
	vm0 =	veq.s32 v8, v3;
	v8 =	vand.u32 v4, v7  }
0x4f0: {  	v9 =	vadd.s32 v10, v9;
	v7 =	vld [tilespmem:s2+$0x0];
	v10 =	vsel vm0, $0x1, v0;
	vm0 =	veq.s32 v8, v3  }
0x4f1: {  	v9 =	vadd.s32 v10, v9;
	v10 =	vsel vm0, $0x1, v0;
	vm0 =	veq.s32 v12, v3  }
0x4f2: {  	s2 =	sadd.s32 $0x40, s2;
	v8 =	vand.u32 v4, v11;
	v9 =	vadd.s32 v10, v9;
	v10 =	vsel vm0, $0x1, v0  }
0x4f3: {  	v5 =	vand.u32 v4, v5  }
0x4f4: {  	v9 =	vadd.s32 v10, v9;
	vm0 =	veq.s32 v8, v3;
	v6 =	vand.u32 v4, v6  }
0x4f5: {  	v8 =	vsel vm0, $0x1, v0;
	vm13 =	veq.s32 v6, v3;
	v58 =	vand.u32 v4, v7  }
0x4f6: {  	v59 =	vadd.s32 v8, v9;
	v60 =	vsel vm13, $0x1, v0;
	vm14 =	veq.s32 v58, v3  }
0x4f7: {  	vm15 =	veq.s32 v5, v3;
	v61 =	vadd.s32 v60, v59;
	v62 =	vsel vm14, $0x1, v0  }
0x4f8: {  	v63 =	vsel vm15, $0x1, v0;
	v3 =	vadd.s32 v62, v61  }
0x4f9: {  	v3 =	vadd.s32 v63, v3  }
0x4fa: {  	(xrf0) =	vadd.scan.msk.s32 $0xffff, v3;
	_ =	sdelay $0x5  }
0x4fb: {  	v3, _, _ =	vpop (xrf0)  }
0x4fc: {  	(v2sf) =	vpush v3, $0xF;
	_ =	sdelay $0xe  }
0x4fd: {  	s1 =	spop (v2sf)  }
0x4fe: {  	s28 =	sadd.s32 $0x1, s28;
	p0 =	slt.s32 s1, s0  }
0x4ff: {  	s26 =	smov.u32 @p0 s29;
	s1 =	simm.s32 @!p0 $0x0;
	p0 =	sne.s32 s28, $0x20  }
.Ltmp65:
0x500: {  	_ = 	snop;
	(pc) =	sbr.rel @p0 .LBB2_95-.Ltmp65, $2  }
0x501: {  	_ =	sdelay $0x2  }
0x502: {  	s0 =	ssub.s32 s0, s1;
	s29 =	smov.u32 s26  }
0x503: {  	_ =	swait.ge [sflag:s24], $0x8000  }
0x504: {  	[sflag:s24] =	ssyncset.done $0x0  }
0x505: {  	s0 =	simm.s32 $0x8040;
	[sflag:s24] =	ssyncadd.s32 $0xFFFF8000  }
0x506: {  	v11 =	vld [tilespmem:s0+$0xFFFFFFD0]  }
0x507: {  	v3 =	vmov s26;
	v13 =	vld [tilespmem:s0+$0xFFFFFFE0]  }
0x508: {  	vm0 =	vgt.s32 v3, $0xFFFFFFFF;
	v14 =	vld [tilespmem:s0+$0xFFFFFFF0]  }
0x509: {  	v3 =	vsel vm0, $0xFFFFFFFF, v1;
	v15 =	vld [tilespmem:s0+$0x0]  }
0x50a: {  	v6 =	vxor.u32 s26, v3;
	v21 =	vld [tilespmem:s0+$0x10]  }
0x50b: {  	v4 =	vld [tilespmem:s0+$0xFFFFFFC0];
	vm5 =	vge.f32 v11, v6  }
0x50c: {  	v5 =	vld [tilespmem:s0+$0x30];
	vm2 =	vge.f32 v13, v6;
	v7 =	vsel vm5, $0x1, v0  }
0x50d: {  	v3 =	vld [tilespmem:s0+$0x20];
	vm3 =	vge.f32 v14, v6;
	v8 =	vsel vm2, $0x1, v0;
	(xrf0) =	vadd.scan.msk.s32 $0xffff, v7  }
0x50e: {  	vm4 =	vge.f32 v15, v6;
	v7 =	vsel vm3, $0x1, v0;
	(xrf0) =	vadd.scan.msk.s32 $0xffff, v8  }
0x50f: {  	vm8 =	vge.f32 v21, v6;
	v8 =	vsel vm4, $0x1, v0;
	(xrf0) =	vadd.scan.msk.s32 $0xffff, v7  }
0x510: {  	v16 =	vimm.s32 $0xFFFFFFFF;
	vm0 =	vge.f32 v4, v6;
	v7 =	vsel vm8, $0x1, v0;
	(xrf0) =	vadd.scan.msk.s32 $0xffff, v8  }
0x511: {  	vm1 =	vge.f32 v5, v6;
	v9 =	vmpcnt.ones.xlane vm0;
	v8 =	vsel vm0, $0x1, v0;
	(xrf0) =	vadd.scan.msk.s32 $0xffff, v7  }
0x512: {  	vm6 =	vge.f32 v3, v6;
	v10 =	vsel vm1, $0x1, v0;
	v7 =	vmpcnt.ones.xlane vm5;
	(xrf0) =	vadd.scan.msk.s32 $0xffff, v8  }
0x513: {  	v9 =	vadd.s32 v16, v9;
	v8 =	vsel vm6, $0x1, v0;
	v17, _, _ =	vpop (xrf0);
	(xrf0) =	vadd.scan.msk.s32 $0xffff, v10  }
0x514: {  	v12 =	vmpcnt.ones.xlane vm2;
	v17 =	vadd.s32 v9, v17;
	v9 =	vadd.s32 v9, v7;
	v18, _, _ =	vpop (xrf0);
	(xrf0) =	vadd.scan.msk.s32 $0xffff, v8  }
0x515: {  	s26 =	simm.s32 $0x80C0;
	v10 =	vmpcnt.ones.xlane vm3;
	v18 =	vadd.s32 v9, v18;
	v19, _, _ =	vpop (xrf0)  }
0x516: {  	v7 =	vld [tilespmem:s26+$0x20];
	v9 =	vadd.s32 v9, v12;
	v12 =	vmpcnt.ones.xlane vm4;
	v22, _, _ =	vpop (xrf0)  }
0x517: {  	v20 =	vmpcnt.ones.xlane vm8;
	v8 =	vld [tilespmem:s26+$0xFFFFFFD0];
	v19 =	vadd.s32 v9, v19;
	v10 =	vadd.s32 v9, v10;
	v24, _, _ =	vpop (xrf0)  }
0x518: {  	v23 =	vmpcnt.ones.xlane vm6;
	v9 =	vld [tilespmem:s26+$0xFFFFFFE0];
	v22 =	vadd.s32 v10, v22;
	v12 =	vadd.s32 v10, v12;
	v26, _, _ =	vpop (xrf0)  }
0x519: {  	v10 =	vld [tilespmem:s26+$0xFFFFFFF0];
	v20 =	vadd.s32 v12, v20;
	[tilespmem:v17+s21+$0x0] =	vst.idx.msk vm5, v11;
	v17, _, _ =	vpop (xrf0)  }
0x51a: {  	v25 =	vmpcnt.ones.xlane vm1;
	v24 =	vadd.s32 v12, v24;
	v12 =	vld [tilespmem:s26+$0x0];
	v11 =	vadd.s32 v20, v23;
	[tilespmem:v18+s21+$0x0] =	vst.idx.msk vm2, v13;
	v13, _, _ =	vpop (xrf0)  }
0x51b: {  	v16 =	vadd.s32 v16, v26;
	v18 =	vadd.s32 v11, v17;
	v17 =	vadd.s32 v20, v13;
	v13 =	vld [tilespmem:s26+$0x10]  }
0x51c: {  	vm7 =	vmmov vm6;
	vm6 =	vge.f32 v7, v6;
	vm2 =	vge.f32 v8, v6;
	[tilespmem:v19+s21+$0x0] =	vst.idx.msk vm3, v14;
	v14 =	vld [tilespmem:s26+$0xFFFFFFC0]  }
0x51d: {  	v11 =	vadd.s32 v11, v25;
	v20 =	vsel vm2, $0x1, v0;
	vm3 =	vge.f32 v9, v6;
	[tilespmem:v22+s21+$0x0] =	vst.idx.msk vm4, v15;
	v15 =	vld [tilespmem:s26+$0x30]  }
0x51e: {  	v19 =	vsel vm6, $0x1, v0;
	v22 =	vsel vm3, $0x1, v0;
	vm4 =	vge.f32 v10, v6;
	(xrf0) =	vadd.scan.msk.s32 $0xffff, v20  }
0x51f: {  	s28 =	simm.s32 $0x8;
	v20 =	vsel vm4, $0x1, v0;
	vm5 =	vge.f32 v12, v6;
	(xrf0) =	vadd.scan.msk.s32 $0xffff, v22;
	[tilespmem:v24+s21+$0x0] =	vst.idx.msk vm8, v21  }
.LBB2_99:
0x520: {  	s28 =	sadd.s32 $0x8, s28;
	v22 =	vsel vm5, $0x1, v0;
	vm8 =	vge.f32 v13, v6;
	(xrf0) =	vadd.scan.msk.s32 $0xffff, v20;
	[tilespmem:v16+s21+$0x0] =	vst.idx.msk vm0, v4;
	v20 =	vmovc v12  }
0x521: {  	v21 =	vmovc v13;
	p0 =	slt.u32 s28, $0x7F8;
	vm0 =	vge.f32 v14, v6;
	v16 =	vsel vm8, $0x1, v0;
	(xrf0) =	vadd.scan.msk.s32 $0xffff, v22;
	[tilespmem:v18+s21+$0x0] =	vst.idx.msk vm1, v5  }
0x522: {  	v4 =	vmovc v14;
	v18 =	vsel vm0, $0x1, v0;
	v12 =	vmpcnt.ones.xlane vm0;
	vm1 =	vge.f32 v15, v6;
	(xrf0) =	vadd.scan.msk.s32 $0xffff, v16  }
0x523: {  	v13 =	vmpcnt.ones.xlane vm2;
	v14 =	vsel vm1, $0x1, v0;
	(xrf0) =	vadd.scan.msk.s32 $0xffff, v18;
	[tilespmem:v17+s21+$0x0] =	vst.idx.msk vm7, v3;
	v3 =	vmovc v7  }
0x524: {  	v5 =	vmov v15;
	v7 =	vadd.s32 v11, v12;
	v12 =	vmpcnt.ones.xlane vm3;
	v16, _, _ =	vpop (xrf0);
	(xrf0) =	vadd.scan.msk.s32 $0xffff, v14  }
0x525: {  	s26 =	sadd.s32 $0x80, s26;
	v15 =	vmpcnt.ones.xlane vm4;
	v14 =	vadd.s32 v7, v16;
	v13 =	vadd.s32 v7, v13;
	v16, _, _ =	vpop (xrf0);
	(xrf0) =	vadd.scan.msk.s32 $0xffff, v19  }
0x526: {  	v7 =	vld [tilespmem:s26+$0x20];
	v17 =	vadd.s32 v13, v16;
	v12 =	vadd.s32 v13, v12;
	v13 =	vmpcnt.ones.xlane vm5;
	v16, _, _ =	vpop (xrf0)  }
0x527: {  	v19 =	vld [tilespmem:s26+$0xFFFFFFD0];
	v22 =	vadd.s32 v12, v16;
	v12 =	vadd.s32 v12, v15;
	v15 =	vmpcnt.ones.xlane vm8;
	v16, _, _ =	vpop (xrf0)  }
0x528: {  	v23 =	vld [tilespmem:s26+$0xFFFFFFE0];
	v24 =	vadd.s32 v12, v16;
	v12 =	vadd.s32 v12, v13;
	v13 =	vmpcnt.ones.xlane vm6;
	v16, _, _ =	vpop (xrf0)  }
0x529: {  	v27 =	vmpcnt.ones.xlane vm1;
	v25 =	vld [tilespmem:s26+$0xFFFFFFF0];
	v26 =	vadd.s32 v12, v16;
	v15 =	vadd.s32 v12, v15;
	v16, _, _ =	vpop (xrf0)  }
0x52a: {  	vm7 =	vmmov vm6;
	v12 =	vld [tilespmem:s26+$0x0];
	v16 =	vadd.s32 v11, v16;
	[tilespmem:v14+s21+$0x0] =	vst.idx.msk vm2, v8;
	v14 =	vadd.s32 v15, v13;
	v11, _, _ =	vpop (xrf0)  }
.Ltmp66:
0x52b: {  	v13 =	vld [tilespmem:s26+$0x10];
	[tilespmem:v17+s21+$0x0] =	vst.idx.msk vm3, v9;
	v18 =	vadd.s32 v14, v11;
	v11 =	vadd.s32 v14, v27;
	v8, _, _ =	vpop (xrf0);
	(pc) =	sbr.rel @p0 .LBB2_99-.Ltmp66, $4  }
0x52c: {  	v14 =	vld [tilespmem:s26+$0xFFFFFFC0];
	vm2 =	vge.f32 v19, v6;
	[tilespmem:v22+s21+$0x0] =	vst.idx.msk vm4, v10;
	v17 =	vadd.s32 v15, v8;
	v8 =	vmov v19  }
0x52d: {  	vm6 =	vge.f32 v7, v6;
	v22 =	vsel vm2, $0x1, v0;
	vm3 =	vge.f32 v23, v6;
	v15 =	vld [tilespmem:s26+$0x30];
	[tilespmem:v24+s21+$0x0] =	vst.idx.msk vm5, v20  }
0x52e: {  	v19 =	vsel vm6, $0x1, v0;
	v9 =	vmovc v23;
	v24 =	vsel vm3, $0x1, v0;
	vm4 =	vge.f32 v25, v6;
	(xrf0) =	vadd.scan.msk.s32 $0xffff, v22  }
0x52f: {  	v10 =	vmovc v25;
	v20 =	vsel vm4, $0x1, v0;
	vm5 =	vge.f32 v12, v6;
	(xrf0) =	vadd.scan.msk.s32 $0xffff, v24;
	[tilespmem:v26+s21+$0x0] =	vst.idx.msk vm8, v21  }
0x530: {  	_ = 	snop  }
0x531: {  	vm8 =	vge.f32 v14, v6  }
0x532: {  	v21 =	vmpcnt.ones.xlane vm8  }
0x533: {  	v22 =	vmpcnt.ones.xlane vm2  }
0x534: {  	v23 =	vmpcnt.ones.xlane vm3;
	v21 =	vadd.s32 v11, v21  }
0x535: {  	v24 =	vmpcnt.ones.xlane vm4;
	v22 =	vadd.s32 v21, v22  }
0x536: {  	vm9 =	vge.f32 v13, v6;
	v25 =	vmpcnt.ones.xlane vm5;
	v23 =	vadd.s32 v22, v23  }
0x537: {  	v26 =	vmpcnt.ones.xlane vm9;
	v24 =	vadd.s32 v23, v24  }
0x538: {  	v46 =	vmpcnt.ones.xlane vm6;
	vm10 =	vge.f32 v15, v6;
	v45 =	vadd.s32 v24, v25  }
0x539: {  	v27 =	vmpcnt.ones.xlane vm10;
	v26 =	vadd.s32 v45, v26  }
0x53a: {  	v25 =	vadd.s32 v26, v46  }
0x53b: {  	v27 =	vadd.s32 v25, v27  }
0x53c: {  	(v2sf) =	vpush v27, $0x0;
	_ =	sdelay $0x5  }
0x53d: {  	v47 =	vsel vm5, $0x1, v0;
	(xrf0) =	vadd.scan.msk.s32 $0xffff, v20  }
0x53e: {  	v48 =	vsel vm9, $0x1, v0;
	(xrf0) =	vadd.scan.msk.s32 $0xffff, v47  }
0x53f: {  	v49 =	vsel vm8, $0x1, v0;
	(xrf0) =	vadd.scan.msk.s32 $0xffff, v48  }
0x540: {  	v50 =	vsel vm10, $0x1, v0;
	(xrf0) =	vadd.scan.msk.s32 $0xffff, v49  }
0x541: {  	v51, _, _ =	vpop (xrf0);
	(xrf0) =	vadd.scan.msk.s32 $0xffff, v50  }
0x542: {  	v52 =	vadd.s32 v21, v51;
	v53, _, _ =	vpop (xrf0);
	(xrf0) =	vadd.scan.msk.s32 $0xffff, v19  }
0x543: {  	v54 =	vadd.s32 v22, v53;
	v55, _, _ =	vpop (xrf0)  }
0x544: {  	[tilespmem:v16+s21+$0x0] =	vst.idx.msk vm0, v4;
	v56 =	vadd.s32 v23, v55;
	v57, _, _ =	vpop (xrf0)  }
0x545: {  	[tilespmem:v18+s21+$0x0] =	vst.idx.msk vm1, v5;
	v58 =	vadd.s32 v24, v57;
	v59, _, _ =	vpop (xrf0)  }
0x546: {  	[tilespmem:v17+s21+$0x0] =	vst.idx.msk vm7, v3;
	v3 =	vadd.s32 v45, v59;
	v60, _, _ =	vpop (xrf0);
	s1 =	spop (v2sf)  }
0x547: {  	v6 =	vadd.s32 v11, v60;
	[tilespmem:v52+s21+$0x0] =	vst.idx.msk vm2, v8;
	v61, _, _ =	vpop (xrf0);
	s0 =	sadd.s32 $0x10, s1  }
0x548: {  	[tilespmem:v54+s21+$0x0] =	vst.idx.msk vm3, v9;
	v8 =	vadd.s32 v25, v61;
	v62, _, _ =	vpop (xrf0);
	s0 =	sshra.s32 s0, $0x4  }
0x549: {  	[tilespmem:v56+s21+$0x0] =	vst.idx.msk vm4, v10;
	v63 =	vadd.s32 v26, v62;
	p0 =	slt.s32 s0, $0x1  }
.Ltmp67:
0x54a: {  	[tilespmem:v58+s21+$0x0] =	vst.idx.msk vm5, v12;
	(pc) =	sbr.rel @p0 .LBB2_112-.Ltmp67, $4  }
0x54b: {  	[tilespmem:v3+s21+$0x0] =	vst.idx.msk vm9, v13  }
0x54c: {  	[tilespmem:v6+s21+$0x0] =	vst.idx.msk vm8, v14  }
0x54d: {  	[tilespmem:v8+s21+$0x0] =	vst.idx.msk vm10, v15  }
0x54e: {  	vm15 =	vmmov vm6;
	[tilespmem:v63+s21+$0x0] =	vst.idx.msk vm6, v7  }
0x54f: {  	p1 =	seq.s32 s0, $0x1  }
.Ltmp68:
0x550: {  	_ = 	snop;
	(pc) =	sbr.rel @p1 .LBB2_102-.Ltmp68, $4  }
0x551: {  	_ = 	snop  }
0x552: {  	s1 =	sadd.s32 $0x1, s1  }
0x553: {  	v3 =	vmov s1;
	s1 =	simm.s32 $0x10000  }
0x554: {  	s2 =	simm.s32 $0x0;
	s3 =	sadd.s32 $0xFFFFFFFF, s0;
	p0 =	por $0x0, $0x0;
	v4 =	vld [tilespmem:s1+$0x0]  }
0x555: {  	_ =	sdelay $0x3  }
0x556: {  	p1 =	seq.s32 s3, $0x1;
	v5 =	vshra.s32 v4, $0x1F  }
.Ltmp69:
0x557: {  	v6 =	vor.u32 s2, v2;
	v5 =	vor.u32 $0x80000000, v5;
	(pc) =	sbr.rel @p1 .LBB2_109-.Ltmp69, $4  }
0x558: {  	vm0 =	vlt.s32 v6, v3;
	v4 =	vxor.u32 v4, v5  }
0x559: {  	v4 =	vnsel vm0, $0x0, v4  }
0x55a: {  	[tilespmem:s1+$0x0] =	vst v4;
	s1 =	simm.s32 $0x10010  }
0x55b: {  	s28 =	sadd.s32 $0xFFFFFFFF, s3;
	p0 =	por $0x1, $0x1;
	s26 =	simm.s32 $0x0;
	v4 =	vld [tilespmem:s1+$0x0]  }
.LBB2_110:
0x55c: {  	p1 =	seq.s32 s28, $0x1;
	_ =	sdelay $0x3  }
0x55d: {  	s26 =	sadd.s32 $0x10, s26;
	v5 =	vshra.s32 v4, $0x1F  }
.Ltmp70:
0x55e: {  	v6 =	vor.u32 s26, v2;
	v5 =	vor.u32 $0x80000000, v5;
	(pc) =	sbr.rel @!p1 .LBB2_110-.Ltmp70, $4  }
0x55f: {  	vm0 =	vlt.s32 v6, v3;
	v4 =	vxor.u32 v4, v5  }
0x560: {  	v4 =	vnsel vm0, $0x0, v4  }
0x561: {  	[tilespmem:s1+$0x0] =	vst v4;
	s1 =	sadd.s32 $0x10, s1  }
0x562: {  	s28 =	sadd.s32 $0xFFFFFFFF, s28;
	v4 =	vld [tilespmem:s1+$0x0]  }
.LBB2_111:
0x563: {  	_ =	sdelay $0x2  }
0x564: {  	s3 =	sadd.s32 @p0 $0x10, s26  }
0x565: {  	s2 =	smov.u32 @p0 s3;
	v5 =	vshra.s32 v4, $0x1F  }
0x566: {  	v6 =	vor.u32 s2, v2;
	v5 =	vor.u32 $0x80000000, v5  }
0x567: {  	vm0 =	vlt.s32 v6, v3;
	v63 =	vxor.u32 v4, v5  }
0x568: {  	v3 =	vnsel vm0, $0x0, v63  }
0x569: {  	[tilespmem:s1+$0x0] =	vst v3  }
.LBB2_112:
0x56a: {  	s1 =	sshrl.u32 s0, $0x1F  }
.Ltmp71:
0x56b: {  	s1 =	sadd.s32 s1, s0;
	(pc) =	sbr.rel .LBB2_113-.Ltmp71, $4  }
0x56c: {  	s26 =	sand.u32 $0xFFFFFFFE, s1  }
0x56d: {  	s31 =	simm.s32 $0x0;
	s1 =	sshll.u32 s1, $0x6;
	s28 =	ssub.s32 s0, s26  }
0x56e: {  	s29 =	simm.s32 $0x40;
	s1 =	sand.u32 $0xFFFFFF80, s1;
	p0 =	slt.s32 s28, $0x1  }
0x56f: {  	p1 =	slt.s32 s26, $0x1;
	s0 =	simm.s32 $0x0;
	s30 =	sshra.s32 @!p0 s1, $0x2  }
.LBB2_114:
0x570: {  	v3 =	vimm.s32 $0x0  }
.LBB2_115:
0x571: {  	v4 =	vld @!p0 [tilespmem:s30+$0x10000];
	_ =	sdelay $0x4  }
0x572: {  	v4 =	vand.u32 @!p0 s1, v4  }
0x573: {  	vm0 =	veq.s32 @!p0 v4, s28;
	v4 =	vimm.s32 @!p0 $0x0  }
0x574: {  	v4 =	vsel @!p0 vm0, $0x1, v4  }
0x575: {  	v4 =	vadd.s32 @!p0 v4, v3  }
0x576: {  	v3 =	vpsel p0, v3, v4  }
0x577: {  	(xrf0) =	vadd.scan.msk.s32 $0xffff, v3;
	_ =	sdelay $0x5  }
0x578: {  	v3, _, _ =	vpop (xrf0)  }
0x579: {  	(v2sf) =	vpush v3, $0xF;
	_ =	sdelay $0xe  }
0x57a: {  	s1 =	spop (v2sf)  }
0x57b: {  	s0 =	sadd.s32 $0x1, s0;
	p2 =	slt.s32 s1, s29  }
0x57c: {  	s28 =	smov.u32 @p2 s31;
	s1 =	simm.s32 @!p2 $0x0;
	p2 =	sne.s32 s0, $0x20  }
.Ltmp72:
0x57d: {  	_ = 	snop;
	(pc) =	sbr.rel @!p2 .LBB2_116-.Ltmp72, $2  }
0x57e: {  	_ =	sdelay $0x2  }
0x57f: {  	s29 =	ssub.s32 s29, s1;
	s31 =	smov.u32 s28  }
.LBB2_113:
.Ltmp73:
0x580: {  	(pc) =	sbr.rel @p1 .LBB2_114-.Ltmp73, $3  }
0x581: {  	_ =	sdelay $0x1  }
0x582: {  	s2 =	sshrl.u32 s20, s0  }
0x583: {  	s1 =	sshra.s32 s20, s0;
	s28 =	sor.u32 s2, s31  }
0x584: {  	p3 =	sgt.s32 s26, $0x2  }
.Ltmp74:
0x585: {  	_ = 	snop;
	(pc) =	sbr.rel @!p3 .LBB2_121-.Ltmp74, $4  }
0x586: {  	_ = 	snop  }
0x587: {  	s2 =	simm.s32 $0x10010  }
0x588: {  	v7 =	vld [tilespmem:s2+$0xFFFFFFF0]  }
0x589: {  	v5 =	vmov s1;
	v3 =	vmov s28;
	v4 =	vimm.s32 $0x0;
	p2 =	por $0x0, $0x0;
	v6 =	vld [tilespmem:s2+$0x0]  }
0x58a: {  	_ = 	snop  }
0x58b: {  	p3 =	sgt.s32 s26, $0x4  }
.Ltmp75:
0x58c: {  	_ = 	snop;
	(pc) =	sbr.rel @!p3 .LBB2_124-.Ltmp75, $4  }
0x58d: {  	v7 =	vand.u32 v5, v7  }
0x58e: {  	s2 =	simm.s32 $0x10030;
	vm0 =	veq.s32 v7, v3;
	v6 =	vand.u32 v5, v6  }
0x58f: {  	v7 =	vld [tilespmem:s2+$0xFFFFFFF0];
	v8 =	vsel vm0, $0x1, v0;
	vm15 =	veq.s32 v6, v3  }
0x590: {  	s3 =	simm.s32 $0x4;
	p2 =	por $0x1, $0x1;
	v6 =	vld [tilespmem:s2+$0x0];
	v8 =	vadd.s32 v8, v4;
	v9 =	vsel vm15, $0x1, v0  }
.LBB2_123:
0x591: {  	s3 =	sadd.s32 $0x2, s3  }
0x592: {  	v8 =	vadd.s32 v9, v8;
	p3 =	slt.s32 s3, s26  }
.Ltmp76:
0x593: {  	(pc) =	sbr.rel @p3 .LBB2_123-.Ltmp76, $4  }
0x594: {  	s2 =	sadd.s32 $0x20, s2;
	v9 =	vand.u32 v5, v7  }
0x595: {  	v7 =	vld [tilespmem:s2+$0xFFFFFFF0];
	vm0 =	veq.s32 v9, v3;
	v9 =	vand.u32 v5, v6  }
0x596: {  	v6 =	vld [tilespmem:s2+$0x0];
	v10 =	vsel vm0, $0x1, v0;
	vm0 =	veq.s32 v9, v3  }
0x597: {  	v8 =	vadd.s32 v10, v8;
	v9 =	vsel vm0, $0x1, v0  }
.LBB2_124:
0x598: {  	_ =	sdelay $0x2  }
.Ltmp77:
0x599: {  	v7 =	vand.u32 v5, v7;
	(pc) =	sbr.rel .LBB2_115-.Ltmp77, $4  }
0x59a: {  	v8 =	vadd.s32 @p2 v9, v8;
	vm0 =	veq.s32 v7, v3;
	v5 =	vand.u32 v5, v6  }
0x59b: {  	v63 =	vsel vm0, $0x1, v0;
	vm15 =	veq.s32 v5, v3;
	v3 =	vpsel p2, v8, v4  }
0x59c: {  	v3 =	vadd.s32 v63, v3;
	v4 =	vsel vm15, $0x1, v0  }
0x59d: {  	v3 =	vadd.s32 v4, v3  }
.LBB2_121:
.Ltmp78:
0x59e: {  	(pc) =	sbr.rel .LBB2_124-.Ltmp78, $2  }
0x59f: {  	_ =	sdelay $0x2  }
0x5a0: {  	_ = 	snop  }
.LBB2_116:
0x5a1: {  	s2 =	simm.s32 $0x8040  }
0x5a2: {  	v8 =	vld [tilespmem:s2+$0x30]  }
0x5a3: {  	v3 =	vmov s28;
	v10 =	vld [tilespmem:s2+$0xFFFFFFD0]  }
0x5a4: {  	vm0 =	vgt.s32 v3, $0xFFFFFFFF;
	v9 =	vld [tilespmem:s2+$0xFFFFFFE0]  }
0x5a5: {  	v7 =	vld [tilespmem:s2+$0xFFFFFFF0];
	v3 =	vsel vm0, $0xFFFFFFFF, v1  }
0x5a6: {  	v6 =	vld [tilespmem:s2+$0x0];
	v3 =	vxor.u32 s28, v3  }
0x5a7: {  	v4 =	vld [tilespmem:s2+$0x10];
	vm0 =	vge.f32 v8, v3  }
0x5a8: {  	s0 =	simm.s32 $0x10040;
	v5 =	vld [tilespmem:s2+$0x20];
	vm1 =	vge.f32 v10, v3;
	v11 =	vnsel vm0, $0xCE6E6B28, v8  }
0x5a9: {  	s1 =	simm.s32 $0x0;
	v8 =	vld [tilespmem:s2+$0xFFFFFFC0];
	v10 =	vnsel vm1, $0xCE6E6B28, v10;
	vm0 =	vge.f32 v9, v3;
	s2 =	simm.s32 $0x80C0;
	[tilespmem:s0+$0x30] =	vst v11  }
.LBB2_117:
0x5aa: {  	v11 =	vld [tilespmem:s2+$0x30];
	s1 =	sadd.s32 $0x8, s1;
	[tilespmem:s0+$0xFFFFFFD0] =	vst v10;
	v9 =	vnsel vm0, $0xCE6E6B28, v9;
	vm0 =	vge.f32 v7, v3  }
0x5ab: {  	v10 =	vld [tilespmem:s2+$0xFFFFFFD0];
	p0 =	slt.u32 s1, $0x7F8;
	[tilespmem:s0+$0xFFFFFFE0] =	vst v9;
	v7 =	vnsel vm0, $0xCE6E6B28, v7;
	vm0 =	vge.f32 v6, v3  }
0x5ac: {  	v9 =	vld [tilespmem:s2+$0xFFFFFFE0];
	[tilespmem:s0+$0xFFFFFFF0] =	vst v7;
	v6 =	vnsel vm0, $0xCE6E6B28, v6;
	vm0 =	vge.f32 v4, v3  }
.Ltmp79:
0x5ad: {  	v7 =	vld [tilespmem:s2+$0xFFFFFFF0];
	[tilespmem:s0+$0x0] =	vst v6;
	v4 =	vnsel vm0, $0xCE6E6B28, v4;
	vm0 =	vge.f32 v5, v3;
	(pc) =	sbr.rel @p0 .LBB2_117-.Ltmp79, $4  }
0x5ae: {  	v6 =	vld [tilespmem:s2+$0x0];
	vm1 =	vge.f32 v8, v3;
	[tilespmem:s0+$0x10] =	vst v4;
	v5 =	vnsel vm0, $0xCE6E6B28, v5  }
0x5af: {  	v4 =	vld [tilespmem:s2+$0x10];
	vm0 =	vge.f32 v11, v3;
	v8 =	vnsel vm1, $0xCE6E6B28, v8;
	[tilespmem:s0+$0x20] =	vst v5  }
0x5b0: {  	vm1 =	vge.f32 v10, v3;
	v5 =	vld [tilespmem:s2+$0x20];
	v11 =	vnsel vm0, $0xCE6E6B28, v11;
	[tilespmem:s0+$0xFFFFFFC0] =	vst v8;
	s0 =	sadd.s32 $0x80, s0  }
0x5b1: {  	v8 =	vld [tilespmem:s2+$0xFFFFFFC0];
	v10 =	vnsel vm1, $0xCE6E6B28, v10;
	vm0 =	vge.f32 v9, v3;
	[tilespmem:s0+$0x30] =	vst v11;
	s2 =	sadd.s32 $0x80, s2  }
0x5b2: {  	[tilespmem:s0+$0xFFFFFFD0] =	vst v10;
	v9 =	vnsel vm0, $0xCE6E6B28, v9;
	vm12 =	vge.f32 v7, v3  }
0x5b3: {  	[tilespmem:s0+$0xFFFFFFE0] =	vst v9;
	v7 =	vnsel vm12, $0xCE6E6B28, v7;
	vm13 =	vge.f32 v6, v3  }
0x5b4: {  	[tilespmem:s0+$0xFFFFFFF0] =	vst v7;
	v6 =	vnsel vm13, $0xCE6E6B28, v6;
	vm14 =	vge.f32 v4, v3  }
0x5b5: {  	[tilespmem:s0+$0x0] =	vst v6;
	v4 =	vnsel vm14, $0xCE6E6B28, v4;
	vm15 =	vge.f32 v5, v3  }
0x5b6: {  	vm1 =	vge.f32 v8, v3;
	[tilespmem:s0+$0x10] =	vst v4;
	v3 =	vnsel vm15, $0xCE6E6B28, v5  }
0x5b7: {  	s25 =	sadd.s32 $0x1, s25;
	v63 =	vnsel vm1, $0xCE6E6B28, v8;
	[tilespmem:s0+$0x20] =	vst v3  }
0x5b8: {  	p0 =	sne.s32 s25, s15;
	[tilespmem:s0+$0xFFFFFFC0] =	vst v63  }
0x5b9: {  	[hbm4b:s14+s16] =	stream.strided.scatter [tilespmem:s21], [sflag:$0x3], $0x8000, s17, s16, $0x38;
	[tilespmem:$0x18100] =	vst v63  }
.Ltmp80:
0x5ba: {  	_ = 	snop;
	(pc) =	sbr.rel @p0 .LBB2_1-.Ltmp80, $4  }
.Ltmp81:
0x5bb: {  	_ = 	snop;
	(pc) =	sbr.rel @!p0 .LBB2_119-.Ltmp81, $4  }
0x5bc: {  	_ =	swait.ge [sflag:s24], $0x8000  }
0x5bd: {  	[sflag:s24] =	ssyncset.done $0x0  }
0x5be: {  	[sflag:s24] =	ssyncadd.s32 $0xFFFF8000  }
0x5bf: {  	_ = 	snop  }
.LBB2_15:
.Ltmp82:
0x5c0: {  	(pc) =	sbr.rel .LBB2_19-.Ltmp82, $2  }
0x5c1: {  	_ =	sdelay $0x2  }
0x5c2: {  	s26 =	simm.s32 $0x0  }
.LBB2_46:
.Ltmp83:
0x5c3: {  	(pc) =	sbr.rel .LBB2_50-.Ltmp83, $2  }
0x5c4: {  	_ =	sdelay $0x2  }
0x5c5: {  	s26 =	simm.s32 $0x0  }
.LBB2_77:
.Ltmp84:
0x5c6: {  	(pc) =	sbr.rel .LBB2_81-.Ltmp84, $2  }
0x5c7: {  	_ =	sdelay $0x2  }
0x5c8: {  	s26 =	simm.s32 $0x0  }
.LBB2_102:
.Ltmp85:
0x5c9: {  	(pc) =	sbr.rel .LBB2_111-.Ltmp85, $2  }
0x5ca: {  	_ =	sdelay $0x2  }
0x5cb: {  	s26 =	simm.s32 $0x0  }
.LBB2_17:
.Ltmp86:
0x5cc: {  	(pc) =	sbr.rel .LBB2_19-.Ltmp86, $2  }
0x5cd: {  	_ =	sdelay $0x2  }
0x5ce: {  	s26 =	simm.s32 $0x0  }
.LBB2_48:
.Ltmp87:
0x5cf: {  	(pc) =	sbr.rel .LBB2_50-.Ltmp87, $2  }
0x5d0: {  	_ =	sdelay $0x2  }
0x5d1: {  	s26 =	simm.s32 $0x0  }
.LBB2_79:
.Ltmp88:
0x5d2: {  	(pc) =	sbr.rel .LBB2_81-.Ltmp88, $2  }
0x5d3: {  	_ =	sdelay $0x2  }
0x5d4: {  	s26 =	simm.s32 $0x0  }
.LBB2_109:
.Ltmp89:
0x5d5: {  	(pc) =	sbr.rel .LBB2_111-.Ltmp89, $2  }
0x5d6: {  	_ =	sdelay $0x2  }
0x5d7: {  	s26 =	simm.s32 $0x0  }
.LBB2_119:
0x5d8: {  	_ =	sfence.sel $0x180000  }
0x5d9: {  	[bflag:$0x0] =	sbarrier.arrive $0xFFFF  }
0x5da: {  	_ =	strace $0x90000047  }
0x5db: {  	s0 =	stileid.u32;
	[bflag:$0x2] =	sbarrier.arrive $0xFFFF  }
0x5dc: {  	p0 =	sne.s32 s0, $0x0;
	s0 =	rddreg [dreg:$0x3]  }
0x5dd: {  	s0 =	sadd.s32 @!p0 $0x100000, s0  }
0x5de: {  	[sflag:s0] =	ssyncadd.tile.s32 @!p0 $0x1;
	_ =	shalt  }
.Lfunc_end2:
_tile_overlayer_lowered:
.L_overlay_start_2:
0x5df: {  	(tag) =	ssettag $0x2  }
0x5e0: {  	s0 =	rddreg [dreg:$0x0];
	s2 =	stileid.u32  }
0x5e1: {  	s1 =	rddreg [dreg:$0x1];
	p0 =	sne.s32 s2, $0x0  }
0x5e2: {  	s3 =	rddreg [dreg:$0x2];
	[bflag:$0x3] =	sbarrier.arrive $0xFFFF;
	s2 =	simm.s32 @!p0 $0x1C04  }
0x5e3: {  	[timem:s3], [sflag:s2] =	dma.local @!p0 [hbm:s0], s1  }
0x5e4: {  	s0 =	simm.s32 @!p0 $0x4  }
0x5e5: {  	_ =	swait.ge @!p0 [sflag:s0], s1  }
0x5e6: {  	s1 =	ssub.s32 @!p0 $0x0, s1;
	[sflag:s0] =	ssyncset.done @!p0 $0x0  }
0x5e7: {  	[sflag:s0] =	ssyncadd.s32 @!p0 s1  }
0x5e8: {  	[bflag:$0x3] =	sbarrier.arrive $0xFFFF  }
0x5e9: {  	_ =	shalt  }

</sc_bundles>
